<compile_context>
chip_gen: v7x
topology: tpu7x:2x2x1
jax: 0.10.2.dev20260603
libtpu: 0.0.44.dev20260713+nightly
codegen_flags: <defaults>
</compile_context>

<pallas_src>
import jax
import jax.numpy as jnp
from jax import lax
from jax.experimental import pallas as pl
from jax.experimental.pallas import tpu as pltpu
from jax.experimental.pallas import tpu_sc as plsc

N_NODES = 100000
NUM_TYPES = 128
LANES = 16
CHUNK = 400
NBUF = 2
NCHUNKS = N_NODES // CHUNK
FLAT = CHUNK * NUM_TYPES
GROUPS = CHUNK // LANES

try:
    _info = plsc.get_sparse_core_info()
    _NC = _info.num_cores
    _NW = _NC * _info.num_subcores
except Exception:
    _NC = 2
    _NW = 32
_BASE_STEPS = NCHUNKS // _NW
_EXTRA = NCHUNKS - _BASE_STEPS * _NW

_mesh = plsc.VectorSubcoreMesh(core_axis_name="c", subcore_axis_name="s")


_MAX_STEPS = _BASE_STEPS + 1


def _scratch_types():
    return (
        [pltpu.VMEM((CHUNK, NUM_TYPES), jnp.float32) for _ in range(NBUF)]
        + [pltpu.VMEM((_MAX_STEPS * CHUNK,), jnp.int32)]
        + [pltpu.SemaphoreType.DMA for _ in range(NBUF + 1)]
    )


def _onehot_body(atoms_hbm, out_hbm, *scratch):
    bufs = scratch[:NBUF]
    idxall = scratch[NBUF]
    sems = scratch[NBUF + 1 : 2 * NBUF + 1]
    sem_i = scratch[2 * NBUF + 1]

    wid = lax.axis_index("s") * _NC + lax.axis_index("c")
    lane = lax.iota(jnp.int32, LANES)
    ones = jnp.full((LANES,), 1.0, jnp.float32)
    zeros = jnp.zeros((LANES,), jnp.float32)

    def scatter(buf, step, val, g0=0, g1=GROUPS):
        def _s(g, carry):
            iv = idxall[pl.ds(step * CHUNK + g * LANES, LANES)]
            rows = lane + g * LANES
            plsc.store_scatter(buf, [rows, iv], val)
            return carry

        lax.fori_loop(g0, g1, _s, 0, unroll=5)

    def zero(buf, r0=0, r1=CHUNK):
        def _zero(r, carry):
            for j in range(NUM_TYPES // LANES):
                buf[r, pl.ds(j * LANES, LANES)] = zeros
            return carry

        lax.fori_loop(r0, r1, _zero, 0, unroll=2)

    def emit(nsteps):
        idx_dmas = []
        for i in range(nsteps):
            c = wid + i * _NW
            idx_dmas.append(
                pltpu.async_copy(
                    atoms_hbm.at[pl.ds(c * CHUNK, CHUNK)],
                    idxall.at[pl.ds(i * CHUNK, CHUNK)],
                    sem_i,
                )
            )

        pending = [None] * NBUF

        def fill(i):
            b = i % NBUF
            c = wid + i * _NW
            idx_dmas[i].wait()
            if pending[b] is not None:
                pending[b].wait()
                scatter(bufs[b], i - NBUF, zeros)
            scatter(bufs[b], i, ones)
            pending[b] = pltpu.async_copy(
                bufs[b], out_hbm.at[pl.ds(c * CHUNK, CHUNK)], sems[b]
            )

        for i in range(nsteps):
            if i < NBUF:
                zero(bufs[i])
            fill(i)
        for b in range(NBUF):
            if pending[b] is not None:
                pending[b].wait()

    @pl.when(wid < _EXTRA)
    def _():
        emit(_BASE_STEPS + 1)

    @pl.when(wid >= _EXTRA)
    def _():
        emit(_BASE_STEPS)


_onehot = pl.kernel(
    _onehot_body,
    mesh=_mesh,
    compiler_params=pltpu.CompilerParams(
        needs_layout_passes=False,
        skip_device_barrier=True,
        disable_bounds_checks=True,
        disable_semaphore_checks=True,
    ),
    out_type=jax.ShapeDtypeStruct((N_NODES, NUM_TYPES), jnp.float32),
    scratch_types=_scratch_types(),
)


def kernel(atom_types):
    return _onehot(atom_types.astype(jnp.int32))

# --- scband reference (transcript-rebuilt; emitter-appended) ---
"""Pipeline reference for scband-one-hot-atom-encoding-44684839748261 (READ-ONLY COPY).

The authoritative reference and input builder live on the scoring server;
editing this copy changes nothing except your own understanding.
"""

import jax, jax.numpy as jnp
import numpy as np

NUM_TYPES = 128
N_NODES = 100000

def setup_inputs(seed: int = 0) -> dict:
    key = jax.random.key(seed)
    atom_types = jax.random.randint(key, (N_NODES,), 0, NUM_TYPES, dtype=jnp.int64)
    return {"atom_types": atom_types}

def reference(atom_types) -> jnp.ndarray:
    # Faithful translation of OneHotAtomEncoding.forward:
    # one_hot = F.one_hot(data['atom_types'], num_classes=num_types).float()
    # node_attrs and node_features are the same tensor; irreps entries are
    # non-tensor metadata (o3.Irreps) and carry no computation, so the
    # numeric output is the one-hot matrix.
    one_hot = jax.nn.one_hot(atom_types, NUM_TYPES, dtype=jnp.float32)
    return one_hot

if __name__ == "__main__":
    import jax
    _d = setup_inputs()
    print(jax.jit(kernel)(*tuple(_d.values())))

</pallas_src>

<mosaic_0001>
#map = affine_map<(d0, d1) -> (0)>
#map1 = affine_map<(d0, d1) -> (0, 0)>
module attributes {stable_mosaic.version = 14 : i64} {
  func.func @_onehot_body(%arg0: i32, %arg1: i32, %arg2: memref<100000xi32, #tpu.memory_space<hbm>>, %arg3: memref<100000x128xf32, #tpu.memory_space<hbm>>, %arg4: memref<400x128xf32, #tpu.memory_space<vmem>>, %arg5: memref<400x128xf32, #tpu.memory_space<vmem>>, %arg6: memref<3200xi32, #tpu.memory_space<vmem>>, %arg7: memref<!tpu.dma_semaphore, #tpu.memory_space<semaphore_mem>>, %arg8: memref<!tpu.dma_semaphore, #tpu.memory_space<semaphore_mem>>, %arg9: memref<!tpu.dma_semaphore, #tpu.memory_space<semaphore_mem>>) attributes {dimension_semantics = [#tpu.dimension_semantics<core_parallel>, #tpu.dimension_semantics<subcore_parallel>], iteration_bounds = array<i64: 2, 16>, scalar_prefetch = 0 : i64, scratch_operands = 6 : i64, tpu.core_type = #tpu.core_type<sc_vector_subcore>, window_params = [{transform_indices = #map}, {transform_indices = #map1}]} {
    %mul3A = arith.constant 2 : i32
    %mul3A_0 = arith.muli %arg1, %mul3A : i32
    %add3A = arith.addi %mul3A_0, %arg0 : i32
    %iota3A = tpu.iota {dimensions = array<i32: 0>} : vector<16xi32>
    %broadcast_in_dim3A = arith.constant 1.000000e+00 : f32
    %broadcast_in_dim3A_1 = vector.broadcast %broadcast_in_dim3A : f32 to vector<16xf32>
    %broadcast_in_dim3A_2 = arith.constant 0.000000e+00 : f32
    %broadcast_in_dim3A_3 = vector.broadcast %broadcast_in_dim3A_2 : f32 to vector<16xf32>
    %lt3A = arith.constant 26 : i32
    %lt3A_4 = arith.cmpi slt, %add3A, %lt3A : i32
    %convert_element_type3A = arith.extui %lt3A_4 : i1 to i32
    %cond3A = arith.constant 0 : i32
    %cond3A_5 = arith.cmpi ne, %convert_element_type3A, %cond3A : i32
    scf.if %cond3A_5 {
      %add3A_10 = arith.constant 0 : i32
      %add3A_11 = arith.addi %add3A, %add3A_10 : i32
      %mul3A_12 = arith.constant 400 : i32
      %mul3A_13 = arith.muli %add3A_11, %mul3A_12 : i32
      %dma_start3A = arith.constant 0 : i32
      %dma_start3A_14 = tpu.memref_slice %arg6[%dma_start3A] : memref<3200xi32, #tpu.memory_space<vmem>> -> memref<400xi32, #tpu.memory_space<vmem>>
      %dma_start3A_15 = tpu.memref_slice %arg2[%mul3A_13] : memref<100000xi32, #tpu.memory_space<hbm>> -> memref<400xi32, #tpu.memory_space<hbm>>
      %dma_start3A_16 = arith.constant 0 : i32
      %dma_start3A_17 = tpu.memref_slice %arg6[%dma_start3A_16] : memref<3200xi32, #tpu.memory_space<vmem>> -> memref<400xi32, #tpu.memory_space<vmem>>
      %dma_start3A_18 = tpu.memref_slice %arg2[%mul3A_13] : memref<100000xi32, #tpu.memory_space<hbm>> -> memref<400xi32, #tpu.memory_space<hbm>>
      tpu.enqueue_dma source(%dma_start3A_18 : memref<400xi32, #tpu.memory_space<hbm>>) target(%dma_start3A_17 : memref<400xi32, #tpu.memory_space<vmem>>) target_semaphore(%arg9 : memref<!tpu.dma_semaphore, #tpu.memory_space<semaphore_mem>>)
      %add3A_19 = arith.constant 32 : i32
      %add3A_20 = arith.addi %add3A, %add3A_19 : i32
      %mul3A_21 = arith.constant 400 : i32
      %mul3A_22 = arith.muli %add3A_20, %mul3A_21 : i32
      %dma_start3A_23 = arith.constant 400 : i32
      %dma_start3A_24 = tpu.memref_slice %arg6[%dma_start3A_23] : memref<3200xi32, #tpu.memory_space<vmem>> -> memref<400xi32, #tpu.memory_space<vmem>>
      %dma_start3A_25 = tpu.memref_slice %arg2[%mul3A_22] : memref<100000xi32, #tpu.memory_space<hbm>> -> memref<400xi32, #tpu.memory_space<hbm>>
      %dma_start3A_26 = arith.constant 400 : i32
      %dma_start3A_27 = tpu.memref_slice %arg6[%dma_start3A_26] : memref<3200xi32, #tpu.memory_space<vmem>> -> memref<400xi32, #tpu.memory_space<vmem>>
      %dma_start3A_28 = tpu.memref_slice %arg2[%mul3A_22] : memref<100000xi32, #tpu.memory_space<hbm>> -> memref<400xi32, #tpu.memory_space<hbm>>
      tpu.enqueue_dma source(%dma_start3A_28 : memref<400xi32, #tpu.memory_space<hbm>>) target(%dma_start3A_27 : memref<400xi32, #tpu.memory_space<vmem>>) target_semaphore(%arg9 : memref<!tpu.dma_semaphore, #tpu.memory_space<semaphore_mem>>)
      %add3A_29 = arith.constant 64 : i32
      %add3A_30 = arith.addi %add3A, %add3A_29 : i32
      %mul3A_31 = arith.constant 400 : i32
      %mul3A_32 = arith.muli %add3A_30, %mul3A_31 : i32
      %dma_start3A_33 = arith.constant 800 : i32
      %dma_start3A_34 = tpu.memref_slice %arg6[%dma_start3A_33] : memref<3200xi32, #tpu.memory_space<vmem>> -> memref<400xi32, #tpu.memory_space<vmem>>
      %dma_start3A_35 = tpu.memref_slice %arg2[%mul3A_32] : memref<100000xi32, #tpu.memory_space<hbm>> -> memref<400xi32, #tpu.memory_space<hbm>>
      %dma_start3A_36 = arith.constant 800 : i32
      %dma_start3A_37 = tpu.memref_slice %arg6[%dma_start3A_36] : memref<3200xi32, #tpu.memory_space<vmem>> -> memref<400xi32, #tpu.memory_space<vmem>>
      %dma_start3A_38 = tpu.memref_slice %arg2[%mul3A_32] : memref<100000xi32, #tpu.memory_space<hbm>> -> memref<400xi32, #tpu.memory_space<hbm>>
      tpu.enqueue_dma source(%dma_start3A_38 : memref<400xi32, #tpu.memory_space<hbm>>) target(%dma_start3A_37 : memref<400xi32, #tpu.memory_space<vmem>>) target_semaphore(%arg9 : memref<!tpu.dma_semaphore, #tpu.memory_space<semaphore_mem>>)
      %add3A_39 = arith.constant 96 : i32
      %add3A_40 = arith.addi %add3A, %add3A_39 : i32
      %mul3A_41 = arith.constant 400 : i32
      %mul3A_42 = arith.muli %add3A_40, %mul3A_41 : i32
      %dma_start3A_43 = arith.constant 1200 : i32
      %dma_start3A_44 = tpu.memref_slice %arg6[%dma_start3A_43] : memref<3200xi32, #tpu.memory_space<vmem>> -> memref<400xi32, #tpu.memory_space<vmem>>
      %dma_start3A_45 = tpu.memref_slice %arg2[%mul3A_42] : memref<100000xi32, #tpu.memory_space<hbm>> -> memref<400xi32, #tpu.memory_space<hbm>>
      %dma_start3A_46 = arith.constant 1200 : i32
      %dma_start3A_47 = tpu.memref_slice %arg6[%dma_start3A_46] : memref<3200xi32, #tpu.memory_space<vmem>> -> memref<400xi32, #tpu.memory_space<vmem>>
      %dma_start3A_48 = tpu.memref_slice %arg2[%mul3A_42] : memref<100000xi32, #tpu.memory_space<hbm>> -> memref<400xi32, #tpu.memory_space<hbm>>
      tpu.enqueue_dma source(%dma_start3A_48 : memref<400xi32, #tpu.memory_space<hbm>>) target(%dma_start3A_47 : memref<400xi32, #tpu.memory_space<vmem>>) target_semaphore(%arg9 : memref<!tpu.dma_semaphore, #tpu.memory_space<semaphore_mem>>)
      %add3A_49 = arith.constant 128 : i32
      %add3A_50 = arith.addi %add3A, %add3A_49 : i32
      %mul3A_51 = arith.constant 400 : i32
      %mul3A_52 = arith.muli %add3A_50, %mul3A_51 : i32
      %dma_start3A_53 = arith.constant 1600 : i32
      %dma_start3A_54 = tpu.memref_slice %arg6[%dma_start3A_53] : memref<3200xi32, #tpu.memory_space<vmem>> -> memref<400xi32, #tpu.memory_space<vmem>>
      %dma_start3A_55 = tpu.memref_slice %arg2[%mul3A_52] : memref<100000xi32, #tpu.memory_space<hbm>> -> memref<400xi32, #tpu.memory_space<hbm>>
      %dma_start3A_56 = arith.constant 1600 : i32
      %dma_start3A_57 = tpu.memref_slice %arg6[%dma_start3A_56] : memref<3200xi32, #tpu.memory_space<vmem>> -> memref<400xi32, #tpu.memory_space<vmem>>
      %dma_start3A_58 = tpu.memref_slice %arg2[%mul3A_52] : memref<100000xi32, #tpu.memory_space<hbm>> -> memref<400xi32, #tpu.memory_space<hbm>>
      tpu.enqueue_dma source(%dma_start3A_58 : memref<400xi32, #tpu.memory_space<hbm>>) target(%dma_start3A_57 : memref<400xi32, #tpu.memory_space<vmem>>) target_semaphore(%arg9 : memref<!tpu.dma_semaphore, #tpu.memory_space<semaphore_mem>>)
      %add3A_59 = arith.constant 160 : i32
      %add3A_60 = arith.addi %add3A, %add3A_59 : i32
      %mul3A_61 = arith.constant 400 : i32
      %mul3A_62 = arith.muli %add3A_60, %mul3A_61 : i32
      %dma_start3A_63 = arith.constant 2000 : i32
      %dma_start3A_64 = tpu.memref_slice %arg6[%dma_start3A_63] : memref<3200xi32, #tpu.memory_space<vmem>> -> memref<400xi32, #tpu.memory_space<vmem>>
      %dma_start3A_65 = tpu.memref_slice %arg2[%mul3A_62] : memref<100000xi32, #tpu.memory_space<hbm>> -> memref<400xi32, #tpu.memory_space<hbm>>
      %dma_start3A_66 = arith.constant 2000 : i32
      %dma_start3A_67 = tpu.memref_slice %arg6[%dma_start3A_66] : memref<3200xi32, #tpu.memory_space<vmem>> -> memref<400xi32, #tpu.memory_space<vmem>>
      %dma_start3A_68 = tpu.memref_slice %arg2[%mul3A_62] : memref<100000xi32, #tpu.memory_space<hbm>> -> memref<400xi32, #tpu.memory_space<hbm>>
      tpu.enqueue_dma source(%dma_start3A_68 : memref<400xi32, #tpu.memory_space<hbm>>) target(%dma_start3A_67 : memref<400xi32, #tpu.memory_space<vmem>>) target_semaphore(%arg9 : memref<!tpu.dma_semaphore, #tpu.memory_space<semaphore_mem>>)
      %add3A_69 = arith.constant 192 : i32
      %add3A_70 = arith.addi %add3A, %add3A_69 : i32
      %mul3A_71 = arith.constant 400 : i32
      %mul3A_72 = arith.muli %add3A_70, %mul3A_71 : i32
      %dma_start3A_73 = arith.constant 2400 : i32
      %dma_start3A_74 = tpu.memref_slice %arg6[%dma_start3A_73] : memref<3200xi32, #tpu.memory_space<vmem>> -> memref<400xi32, #tpu.memory_space<vmem>>
      %dma_start3A_75 = tpu.memref_slice %arg2[%mul3A_72] : memref<100000xi32, #tpu.memory_space<hbm>> -> memref<400xi32, #tpu.memory_space<hbm>>
      %dma_start3A_76 = arith.constant 2400 : i32
      %dma_start3A_77 = tpu.memref_slice %arg6[%dma_start3A_76] : memref<3200xi32, #tpu.memory_space<vmem>> -> memref<400xi32, #tpu.memory_space<vmem>>
      %dma_start3A_78 = tpu.memref_slice %arg2[%mul3A_72] : memref<100000xi32, #tpu.memory_space<hbm>> -> memref<400xi32, #tpu.memory_space<hbm>>
      tpu.enqueue_dma source(%dma_start3A_78 : memref<400xi32, #tpu.memory_space<hbm>>) target(%dma_start3A_77 : memref<400xi32, #tpu.memory_space<vmem>>) target_semaphore(%arg9 : memref<!tpu.dma_semaphore, #tpu.memory_space<semaphore_mem>>)
      %add3A_79 = arith.constant 224 : i32
      %add3A_80 = arith.addi %add3A, %add3A_79 : i32
      %mul3A_81 = arith.constant 400 : i32
      %mul3A_82 = arith.muli %add3A_80, %mul3A_81 : i32
      %dma_start3A_83 = arith.constant 2800 : i32
      %dma_start3A_84 = tpu.memref_slice %arg6[%dma_start3A_83] : memref<3200xi32, #tpu.memory_space<vmem>> -> memref<400xi32, #tpu.memory_space<vmem>>
      %dma_start3A_85 = tpu.memref_slice %arg2[%mul3A_82] : memref<100000xi32, #tpu.memory_space<hbm>> -> memref<400xi32, #tpu.memory_space<hbm>>
      %dma_start3A_86 = arith.constant 2800 : i32
      %dma_start3A_87 = tpu.memref_slice %arg6[%dma_start3A_86] : memref<3200xi32, #tpu.memory_space<vmem>> -> memref<400xi32, #tpu.memory_space<vmem>>
      %dma_start3A_88 = tpu.memref_slice %arg2[%mul3A_82] : memref<100000xi32, #tpu.memory_space<hbm>> -> memref<400xi32, #tpu.memory_space<hbm>>
      tpu.enqueue_dma source(%dma_start3A_88 : memref<400xi32, #tpu.memory_space<hbm>>) target(%dma_start3A_87 : memref<400xi32, #tpu.memory_space<vmem>>) target_semaphore(%arg9 : memref<!tpu.dma_semaphore, #tpu.memory_space<semaphore_mem>>)
      %scan3A = arith.constant 0 : i32
      %scan3A_89 = arith.constant 0 : i32
      %scan3A_90 = arith.constant 400 : i32
      %scan3A_91 = arith.addi %scan3A_89, %scan3A_90 : i32
      %scan3A_92 = arith.constant 2 : i32
      scf.for %scan3A_327 = %scan3A_89 to %scan3A_91 step %scan3A_92  : i32 {
        %swap3A = arith.index_cast %scan3A_327 : i32 to index
        %swap3A_328 = arith.constant 0 : index
        %swap3A_329 = tpu.vector_load %arg4[%swap3A, %swap3A_328] {strides = array<i32>} : memref<400x128xf32, #tpu.memory_space<vmem>>, vector<16xf32>,
        tpu.vector_store %arg4[%swap3A, %swap3A_328], %broadcast_in_dim3A_3 {strides = array<i32>} : memref<400x128xf32, #tpu.memory_space<vmem>>, vector<16xf32>,
        %swap3A_330 = arith.index_cast %scan3A_327 : i32 to index
        %swap3A_331 = arith.constant 16 : index
        %swap3A_332 = tpu.vector_load %arg4[%swap3A_330, %swap3A_331] {strides = array<i32>} : memref<400x128xf32, #tpu.memory_space<vmem>>, vector<16xf32>,
        tpu.vector_store %arg4[%swap3A_330, %swap3A_331], %broadcast_in_dim3A_3 {strides = array<i32>} : memref<400x128xf32, #tpu.memory_space<vmem>>, vector<16xf32>,
        %swap3A_333 = arith.index_cast %scan3A_327 : i32 to index
        %swap3A_334 = arith.constant 32 : index
        %swap3A_335 = tpu.vector_load %arg4[%swap3A_333, %swap3A_334] {strides = array<i32>} : memref<400x128xf32, #tpu.memory_space<vmem>>, vector<16xf32>,
        tpu.vector_store %arg4[%swap3A_333, %swap3A_334], %broadcast_in_dim3A_3 {strides = array<i32>} : memref<400x128xf32, #tpu.memory_space<vmem>>, vector<16xf32>,
        %swap3A_336 = arith.index_cast %scan3A_327 : i32 to index
        %swap3A_337 = arith.constant 48 : index
        %swap3A_338 = tpu.vector_load %arg4[%swap3A_336, %swap3A_337] {strides = array<i32>} : memref<400x128xf32, #tpu.memory_space<vmem>>, vector<16xf32>,
        tpu.vector_store %arg4[%swap3A_336, %swap3A_337], %broadcast_in_dim3A_3 {strides = array<i32>} : memref<400x128xf32, #tpu.memory_space<vmem>>, vector<16xf32>,
        %swap3A_339 = arith.index_cast %scan3A_327 : i32 to index
        %swap3A_340 = arith.constant 64 : index
        %swap3A_341 = tpu.vector_load %arg4[%swap3A_339, %swap3A_340] {strides = array<i32>} : memref<400x128xf32, #tpu.memory_space<vmem>>, vector<16xf32>,
        tpu.vector_store %arg4[%swap3A_339, %swap3A_340], %broadcast_in_dim3A_3 {strides = array<i32>} : memref<400x128xf32, #tpu.memory_space<vmem>>, vector<16xf32>,
        %swap3A_342 = arith.index_cast %scan3A_327 : i32 to index
        %swap3A_343 = arith.constant 80 : index
        %swap3A_344 = tpu.vector_load %arg4[%swap3A_342, %swap3A_343] {strides = array<i32>} : memref<400x128xf32, #tpu.memory_space<vmem>>, vector<16xf32>,
        tpu.vector_store %arg4[%swap3A_342, %swap3A_343], %broadcast_in_dim3A_3 {strides = array<i32>} : memref<400x128xf32, #tpu.memory_space<vmem>>, vector<16xf32>,
        %swap3A_345 = arith.index_cast %scan3A_327 : i32 to index
        %swap3A_346 = arith.constant 96 : index
        %swap3A_347 = tpu.vector_load %arg4[%swap3A_345, %swap3A_346] {strides = array<i32>} : memref<400x128xf32, #tpu.memory_space<vmem>>, vector<16xf32>,
        tpu.vector_store %arg4[%swap3A_345, %swap3A_346], %broadcast_in_dim3A_3 {strides = array<i32>} : memref<400x128xf32, #tpu.memory_space<vmem>>, vector<16xf32>,
        %swap3A_348 = arith.index_cast %scan3A_327 : i32 to index
        %swap3A_349 = arith.constant 112 : index
        %swap3A_350 = tpu.vector_load %arg4[%swap3A_348, %swap3A_349] {strides = array<i32>} : memref<400x128xf32, #tpu.memory_space<vmem>>, vector<16xf32>,
        tpu.vector_store %arg4[%swap3A_348, %swap3A_349], %broadcast_in_dim3A_3 {strides = array<i32>} : memref<400x128xf32, #tpu.memory_space<vmem>>, vector<16xf32>,
        %scan3A_351 = arith.constant 1 : i32
        %scan3A_352 = arith.addi %scan3A_327, %scan3A_351 : i32
        %swap3A_353 = arith.index_cast %scan3A_352 : i32 to index
        %swap3A_354 = arith.constant 0 : index
        %swap3A_355 = tpu.vector_load %arg4[%swap3A_353, %swap3A_354] {strides = array<i32>} : memref<400x128xf32, #tpu.memory_space<vmem>>, vector<16xf32>,
        tpu.vector_store %arg4[%swap3A_353, %swap3A_354], %broadcast_in_dim3A_3 {strides = array<i32>} : memref<400x128xf32, #tpu.memory_space<vmem>>, vector<16xf32>,
        %swap3A_356 = arith.index_cast %scan3A_352 : i32 to index
        %swap3A_357 = arith.constant 16 : index
        %swap3A_358 = tpu.vector_load %arg4[%swap3A_356, %swap3A_357] {strides = array<i32>} : memref<400x128xf32, #tpu.memory_space<vmem>>, vector<16xf32>,
        tpu.vector_store %arg4[%swap3A_356, %swap3A_357], %broadcast_in_dim3A_3 {strides = array<i32>} : memref<400x128xf32, #tpu.memory_space<vmem>>, vector<16xf32>,
        %swap3A_359 = arith.index_cast %scan3A_352 : i32 to index
        %swap3A_360 = arith.constant 32 : index
        %swap3A_361 = tpu.vector_load %arg4[%swap3A_359, %swap3A_360] {strides = array<i32>} : memref<400x128xf32, #tpu.memory_space<vmem>>, vector<16xf32>,
        tpu.vector_store %arg4[%swap3A_359, %swap3A_360], %broadcast_in_dim3A_3 {strides = array<i32>} : memref<400x128xf32, #tpu.memory_space<vmem>>, vector<16xf32>,
        %swap3A_362 = arith.index_cast %scan3A_352 : i32 to index
        %swap3A_363 = arith.constant 48 : index
        %swap3A_364 = tpu.vector_load %arg4[%swap3A_362, %swap3A_363] {strides = array<i32>} : memref<400x128xf32, #tpu.memory_space<vmem>>, vector<16xf32>,
        tpu.vector_store %arg4[%swap3A_362, %swap3A_363], %broadcast_in_dim3A_3 {strides = array<i32>} : memref<400x128xf32, #tpu.memory_space<vmem>>, vector<16xf32>,
        %swap3A_365 = arith.index_cast %scan3A_352 : i32 to index
        %swap3A_366 = arith.constant 64 : index
        %swap3A_367 = tpu.vector_load %arg4[%swap3A_365, %swap3A_366] {strides = array<i32>} : memref<400x128xf32, #tpu.memory_space<vmem>>, vector<16xf32>,
        tpu.vector_store %arg4[%swap3A_365, %swap3A_366], %broadcast_in_dim3A_3 {strides = array<i32>} : memref<400x128xf32, #tpu.memory_space<vmem>>, vector<16xf32>,
        %swap3A_368 = arith.index_cast %scan3A_352 : i32 to index
        %swap3A_369 = arith.constant 80 : index
        %swap3A_370 = tpu.vector_load %arg4[%swap3A_368, %swap3A_369] {strides = array<i32>} : memref<400x128xf32, #tpu.memory_space<vmem>>, vector<16xf32>,
        tpu.vector_store %arg4[%swap3A_368, %swap3A_369], %broadcast_in_dim3A_3 {strides = array<i32>} : memref<400x128xf32, #tpu.memory_space<vmem>>, vector<16xf32>,
        %swap3A_371 = arith.index_cast %scan3A_352 : i32 to index
        %swap3A_372 = arith.constant 96 : index
        %swap3A_373 = tpu.vector_load %arg4[%swap3A_371, %swap3A_372] {strides = array<i32>} : memref<400x128xf32, #tpu.memory_space<vmem>>, vector<16xf32>,
        tpu.vector_store %arg4[%swap3A_371, %swap3A_372], %broadcast_in_dim3A_3 {strides = array<i32>} : memref<400x128xf32, #tpu.memory_space<vmem>>, vector<16xf32>,
        %swap3A_374 = arith.index_cast %scan3A_352 : i32 to index
        %swap3A_375 = arith.constant 112 : index
        %swap3A_376 = tpu.vector_load %arg4[%swap3A_374, %swap3A_375] {strides = array<i32>} : memref<400x128xf32, #tpu.memory_space<vmem>>, vector<16xf32>,
        tpu.vector_store %arg4[%swap3A_374, %swap3A_375], %broadcast_in_dim3A_3 {strides = array<i32>} : memref<400x128xf32, #tpu.memory_space<vmem>>, vector<16xf32>,
      }
      %scan3A_93 = arith.constant 400 : i32
      %add3A_94 = arith.constant 0 : i32
      %add3A_95 = arith.addi %add3A, %add3A_94 : i32
      %dma_wait3A = arith.constant 0 : i32
      %dma_wait3A_96 = tpu.memref_slice %arg6[%dma_wait3A] : memref<3200xi32, #tpu.memory_space<vmem>> -> memref<400xi32, #tpu.memory_space<vmem>>
      %dma_wait3A_97 = tpu.memref_slice %arg2[%mul3A_13] : memref<100000xi32, #tpu.memory_space<hbm>> -> memref<400xi32, #tpu.memory_space<hbm>>
      %dma_wait3A_98 = arith.constant 0 : i32
      %dma_wait3A_99 = tpu.memref_slice %arg6[%dma_wait3A_98] : memref<3200xi32, #tpu.memory_space<vmem>> -> memref<400xi32, #tpu.memory_space<vmem>>
      %dma_wait3A_100 = tpu.memref_slice %arg2[%mul3A_13] : memref<100000xi32, #tpu.memory_space<hbm>> -> memref<400xi32, #tpu.memory_space<hbm>>
      tpu.wait_dma2 semaphore(%arg9 : memref<!tpu.dma_semaphore, #tpu.memory_space<semaphore_mem>>) src(%dma_wait3A_100 : memref<400xi32, #tpu.memory_space<hbm>>) dst(%dma_wait3A_99 : memref<400xi32, #tpu.memory_space<vmem>>)
      %scan3A_101 = arith.constant 0 : i32
      %scan3A_102 = arith.constant 0 : i32
      %scan3A_103 = arith.constant 25 : i32
      %scan3A_104 = arith.addi %scan3A_102, %scan3A_103 : i32
      %scan3A_105 = arith.constant 5 : i32
      scf.for %scan3A_327 = %scan3A_102 to %scan3A_104 step %scan3A_105  : i32 {
        %mul3A_328 = arith.constant 16 : i32
        %mul3A_329 = arith.muli %scan3A_327, %mul3A_328 : i32
        %add3A_330 = arith.constant 0 : i32
        %add3A_331 = arith.addi %add3A_330, %mul3A_329 : i32
        %get3A = arith.index_cast %add3A_331 : i32 to index
        %get3A_332 = tpu.vector_load %arg6[%get3A] {strides = array<i32>} : memref<3200xi32, #tpu.memory_space<vmem>>, vector<16xi32>,
        %mul3A_333 = arith.constant 16 : i32
        %mul3A_334 = arith.muli %scan3A_327, %mul3A_333 : i32
        %add3A_335 = vector.broadcast %mul3A_334 : i32 to vector<16xi32>
        %add3A_336 = arith.addi %iota3A, %add3A_335 : vector<16xi32>
        tpu.vector_store_idx %arg4[%add3A_336, %get3A_332], %broadcast_in_dim3A_1 : memref<400x128xf32, #tpu.memory_space<vmem>>[vector<16xi32>, vector<16xi32>], vector<16xf32>,
        %scan3A_337 = arith.constant 1 : i32
        %scan3A_338 = arith.addi %scan3A_327, %scan3A_337 : i32
        %mul3A_339 = arith.constant 16 : i32
        %mul3A_340 = arith.muli %scan3A_338, %mul3A_339 : i32
        %add3A_341 = arith.constant 0 : i32
        %add3A_342 = arith.addi %add3A_341, %mul3A_340 : i32
        %get3A_343 = arith.index_cast %add3A_342 : i32 to index
        %get3A_344 = tpu.vector_load %arg6[%get3A_343] {strides = array<i32>} : memref<3200xi32, #tpu.memory_space<vmem>>, vector<16xi32>,
        %mul3A_345 = arith.constant 16 : i32
        %mul3A_346 = arith.muli %scan3A_338, %mul3A_345 : i32
        %add3A_347 = vector.broadcast %mul3A_346 : i32 to vector<16xi32>
        %add3A_348 = arith.addi %iota3A, %add3A_347 : vector<16xi32>
        tpu.vector_store_idx %arg4[%add3A_348, %get3A_344], %broadcast_in_dim3A_1 : memref<400x128xf32, #tpu.memory_space<vmem>>[vector<16xi32>, vector<16xi32>], vector<16xf32>,
        %scan3A_349 = arith.constant 2 : i32
        %scan3A_350 = arith.addi %scan3A_327, %scan3A_349 : i32
        %mul3A_351 = arith.constant 16 : i32
        %mul3A_352 = arith.muli %scan3A_350, %mul3A_351 : i32
        %add3A_353 = arith.constant 0 : i32
        %add3A_354 = arith.addi %add3A_353, %mul3A_352 : i32
        %get3A_355 = arith.index_cast %add3A_354 : i32 to index
        %get3A_356 = tpu.vector_load %arg6[%get3A_355] {strides = array<i32>} : memref<3200xi32, #tpu.memory_space<vmem>>, vector<16xi32>,
        %mul3A_357 = arith.constant 16 : i32
        %mul3A_358 = arith.muli %scan3A_350, %mul3A_357 : i32
        %add3A_359 = vector.broadcast %mul3A_358 : i32 to vector<16xi32>
        %add3A_360 = arith.addi %iota3A, %add3A_359 : vector<16xi32>
        tpu.vector_store_idx %arg4[%add3A_360, %get3A_356], %broadcast_in_dim3A_1 : memref<400x128xf32, #tpu.memory_space<vmem>>[vector<16xi32>, vector<16xi32>], vector<16xf32>,
        %scan3A_361 = arith.constant 3 : i32
        %scan3A_362 = arith.addi %scan3A_327, %scan3A_361 : i32
        %mul3A_363 = arith.constant 16 : i32
        %mul3A_364 = arith.muli %scan3A_362, %mul3A_363 : i32
        %add3A_365 = arith.constant 0 : i32
        %add3A_366 = arith.addi %add3A_365, %mul3A_364 : i32
        %get3A_367 = arith.index_cast %add3A_366 : i32 to index
        %get3A_368 = tpu.vector_load %arg6[%get3A_367] {strides = array<i32>} : memref<3200xi32, #tpu.memory_space<vmem>>, vector<16xi32>,
        %mul3A_369 = arith.constant 16 : i32
        %mul3A_370 = arith.muli %scan3A_362, %mul3A_369 : i32
        %add3A_371 = vector.broadcast %mul3A_370 : i32 to vector<16xi32>
        %add3A_372 = arith.addi %iota3A, %add3A_371 : vector<16xi32>
        tpu.vector_store_idx %arg4[%add3A_372, %get3A_368], %broadcast_in_dim3A_1 : memref<400x128xf32, #tpu.memory_space<vmem>>[vector<16xi32>, vector<16xi32>], vector<16xf32>,
        %scan3A_373 = arith.constant 4 : i32
        %scan3A_374 = arith.addi %scan3A_327, %scan3A_373 : i32
        %mul3A_375 = arith.constant 16 : i32
        %mul3A_376 = arith.muli %scan3A_374, %mul3A_375 : i32
        %add3A_377 = arith.constant 0 : i32
        %add3A_378 = arith.addi %add3A_377, %mul3A_376 : i32
        %get3A_379 = arith.index_cast %add3A_378 : i32 to index
        %get3A_380 = tpu.vector_load %arg6[%get3A_379] {strides = array<i32>} : memref<3200xi32, #tpu.memory_space<vmem>>, vector<16xi32>,
        %mul3A_381 = arith.constant 16 : i32
        %mul3A_382 = arith.muli %scan3A_374, %mul3A_381 : i32
        %add3A_383 = vector.broadcast %mul3A_382 : i32 to vector<16xi32>
        %add3A_384 = arith.addi %iota3A, %add3A_383 : vector<16xi32>
        tpu.vector_store_idx %arg4[%add3A_384, %get3A_380], %broadcast_in_dim3A_1 : memref<400x128xf32, #tpu.memory_space<vmem>>[vector<16xi32>, vector<16xi32>], vector<16xf32>,
      }
      %scan3A_106 = arith.constant 25 : i32
      %mul3A_107 = arith.constant 400 : i32
      %mul3A_108 = arith.muli %add3A_95, %mul3A_107 : i32
      %dma_start3A_109 = arith.constant 0 : i32
      %dma_start3A_110 = tpu.memref_slice %arg3[%mul3A_108, %dma_start3A_109] : memref<100000x128xf32, #tpu.memory_space<hbm>> -> memref<400x128xf32, #tpu.memory_space<hbm>>
      %dma_start3A_111 = arith.constant 0 : i32
      %dma_start3A_112 = tpu.memref_slice %arg3[%mul3A_108, %dma_start3A_111] : memref<100000x128xf32, #tpu.memory_space<hbm>> -> memref<400x128xf32, #tpu.memory_space<hbm>>
      tpu.enqueue_dma source(%arg4 : memref<400x128xf32, #tpu.memory_space<vmem>>) target(%dma_start3A_112 : memref<400x128xf32, #tpu.memory_space<hbm>>) target_semaphore(%arg7 : memref<!tpu.dma_semaphore, #tpu.memory_space<semaphore_mem>>)
      %scan3A_113 = arith.constant 0 : i32
      %scan3A_114 = arith.constant 0 : i32
      %scan3A_115 = arith.constant 400 : i32
      %scan3A_116 = arith.addi %scan3A_114, %scan3A_115 : i32
      %scan3A_117 = arith.constant 2 : i32
      scf.for %scan3A_327 = %scan3A_114 to %scan3A_116 step %scan3A_117  : i32 {
        %swap3A = arith.index_cast %scan3A_327 : i32 to index
        %swap3A_328 = arith.constant 0 : index
        %swap3A_329 = tpu.vector_load %arg5[%swap3A, %swap3A_328] {strides = array<i32>} : memref<400x128xf32, #tpu.memory_space<vmem>>, vector<16xf32>,
        tpu.vector_store %arg5[%swap3A, %swap3A_328], %broadcast_in_dim3A_3 {strides = array<i32>} : memref<400x128xf32, #tpu.memory_space<vmem>>, vector<16xf32>,
        %swap3A_330 = arith.index_cast %scan3A_327 : i32 to index
        %swap3A_331 = arith.constant 16 : index
        %swap3A_332 = tpu.vector_load %arg5[%swap3A_330, %swap3A_331] {strides = array<i32>} : memref<400x128xf32, #tpu.memory_space<vmem>>, vector<16xf32>,
        tpu.vector_store %arg5[%swap3A_330, %swap3A_331], %broadcast_in_dim3A_3 {strides = array<i32>} : memref<400x128xf32, #tpu.memory_space<vmem>>, vector<16xf32>,
        %swap3A_333 = arith.index_cast %scan3A_327 : i32 to index
        %swap3A_334 = arith.constant 32 : index
        %swap3A_335 = tpu.vector_load %arg5[%swap3A_333, %swap3A_334] {strides = array<i32>} : memref<400x128xf32, #tpu.memory_space<vmem>>, vector<16xf32>,
        tpu.vector_store %arg5[%swap3A_333, %swap3A_334], %broadcast_in_dim3A_3 {strides = array<i32>} : memref<400x128xf32, #tpu.memory_space<vmem>>, vector<16xf32>,
        %swap3A_336 = arith.index_cast %scan3A_327 : i32 to index
        %swap3A_337 = arith.constant 48 : index
        %swap3A_338 = tpu.vector_load %arg5[%swap3A_336, %swap3A_337] {strides = array<i32>} : memref<400x128xf32, #tpu.memory_space<vmem>>, vector<16xf32>,
        tpu.vector_store %arg5[%swap3A_336, %swap3A_337], %broadcast_in_dim3A_3 {strides = array<i32>} : memref<400x128xf32, #tpu.memory_space<vmem>>, vector<16xf32>,
        %swap3A_339 = arith.index_cast %scan3A_327 : i32 to index
        %swap3A_340 = arith.constant 64 : index
        %swap3A_341 = tpu.vector_load %arg5[%swap3A_339, %swap3A_340] {strides = array<i32>} : memref<400x128xf32, #tpu.memory_space<vmem>>, vector<16xf32>,
        tpu.vector_store %arg5[%swap3A_339, %swap3A_340], %broadcast_in_dim3A_3 {strides = array<i32>} : memref<400x128xf32, #tpu.memory_space<vmem>>, vector<16xf32>,
        %swap3A_342 = arith.index_cast %scan3A_327 : i32 to index
        %swap3A_343 = arith.constant 80 : index
        %swap3A_344 = tpu.vector_load %arg5[%swap3A_342, %swap3A_343] {strides = array<i32>} : memref<400x128xf32, #tpu.memory_space<vmem>>, vector<16xf32>,
        tpu.vector_store %arg5[%swap3A_342, %swap3A_343], %broadcast_in_dim3A_3 {strides = array<i32>} : memref<400x128xf32, #tpu.memory_space<vmem>>, vector<16xf32>,
        %swap3A_345 = arith.index_cast %scan3A_327 : i32 to index
        %swap3A_346 = arith.constant 96 : index
        %swap3A_347 = tpu.vector_load %arg5[%swap3A_345, %swap3A_346] {strides = array<i32>} : memref<400x128xf32, #tpu.memory_space<vmem>>, vector<16xf32>,
        tpu.vector_store %arg5[%swap3A_345, %swap3A_346], %broadcast_in_dim3A_3 {strides = array<i32>} : memref<400x128xf32, #tpu.memory_space<vmem>>, vector<16xf32>,
        %swap3A_348 = arith.index_cast %scan3A_327 : i32 to index
        %swap3A_349 = arith.constant 112 : index
        %swap3A_350 = tpu.vector_load %arg5[%swap3A_348, %swap3A_349] {strides = array<i32>} : memref<400x128xf32, #tpu.memory_space<vmem>>, vector<16xf32>,
        tpu.vector_store %arg5[%swap3A_348, %swap3A_349], %broadcast_in_dim3A_3 {strides = array<i32>} : memref<400x128xf32, #tpu.memory_space<vmem>>, vector<16xf32>,
        %scan3A_351 = arith.constant 1 : i32
        %scan3A_352 = arith.addi %scan3A_327, %scan3A_351 : i32
        %swap3A_353 = arith.index_cast %scan3A_352 : i32 to index
        %swap3A_354 = arith.constant 0 : index
        %swap3A_355 = tpu.vector_load %arg5[%swap3A_353, %swap3A_354] {strides = array<i32>} : memref<400x128xf32, #tpu.memory_space<vmem>>, vector<16xf32>,
        tpu.vector_store %arg5[%swap3A_353, %swap3A_354], %broadcast_in_dim3A_3 {strides = array<i32>} : memref<400x128xf32, #tpu.memory_space<vmem>>, vector<16xf32>,
        %swap3A_356 = arith.index_cast %scan3A_352 : i32 to index
        %swap3A_357 = arith.constant 16 : index
        %swap3A_358 = tpu.vector_load %arg5[%swap3A_356, %swap3A_357] {strides = array<i32>} : memref<400x128xf32, #tpu.memory_space<vmem>>, vector<16xf32>,
        tpu.vector_store %arg5[%swap3A_356, %swap3A_357], %broadcast_in_dim3A_3 {strides = array<i32>} : memref<400x128xf32, #tpu.memory_space<vmem>>, vector<16xf32>,
        %swap3A_359 = arith.index_cast %scan3A_352 : i32 to index
        %swap3A_360 = arith.constant 32 : index
        %swap3A_361 = tpu.vector_load %arg5[%swap3A_359, %swap3A_360] {strides = array<i32>} : memref<400x128xf32, #tpu.memory_space<vmem>>, vector<16xf32>,
        tpu.vector_store %arg5[%swap3A_359, %swap3A_360], %broadcast_in_dim3A_3 {strides = array<i32>} : memref<400x128xf32, #tpu.memory_space<vmem>>, vector<16xf32>,
        %swap3A_362 = arith.index_cast %scan3A_352 : i32 to index
        %swap3A_363 = arith.constant 48 : index
        %swap3A_364 = tpu.vector_load %arg5[%swap3A_362, %swap3A_363] {strides = array<i32>} : memref<400x128xf32, #tpu.memory_space<vmem>>, vector<16xf32>,
        tpu.vector_store %arg5[%swap3A_362, %swap3A_363], %broadcast_in_dim3A_3 {strides = array<i32>} : memref<400x128xf32, #tpu.memory_space<vmem>>, vector<16xf32>,
        %swap3A_365 = arith.index_cast %scan3A_352 : i32 to index
        %swap3A_366 = arith.constant 64 : index
        %swap3A_367 = tpu.vector_load %arg5[%swap3A_365, %swap3A_366] {strides = array<i32>} : memref<400x128xf32, #tpu.memory_space<vmem>>, vector<16xf32>,
        tpu.vector_store %arg5[%swap3A_365, %swap3A_366], %broadcast_in_dim3A_3 {strides = array<i32>} : memref<400x128xf32, #tpu.memory_space<vmem>>, vector<16xf32>,
        %swap3A_368 = arith.index_cast %scan3A_352 : i32 to index
        %swap3A_369 = arith.constant 80 : index
        %swap3A_370 = tpu.vector_load %arg5[%swap3A_368, %swap3A_369] {strides = array<i32>} : memref<400x128xf32, #tpu.memory_space<vmem>>, vector<16xf32>,
        tpu.vector_store %arg5[%swap3A_368, %swap3A_369], %broadcast_in_dim3A_3 {strides = array<i32>} : memref<400x128xf32, #tpu.memory_space<vmem>>, vector<16xf32>,
        %swap3A_371 = arith.index_cast %scan3A_352 : i32 to index
        %swap3A_372 = arith.constant 96 : index
        %swap3A_373 = tpu.vector_load %arg5[%swap3A_371, %swap3A_372] {strides = array<i32>} : memref<400x128xf32, #tpu.memory_space<vmem>>, vector<16xf32>,
        tpu.vector_store %arg5[%swap3A_371, %swap3A_372], %broadcast_in_dim3A_3 {strides = array<i32>} : memref<400x128xf32, #tpu.memory_space<vmem>>, vector<16xf32>,
        %swap3A_374 = arith.index_cast %scan3A_352 : i32 to index
        %swap3A_375 = arith.constant 112 : index
        %swap3A_376 = tpu.vector_load %arg5[%swap3A_374, %swap3A_375] {strides = array<i32>} : memref<400x128xf32, #tpu.memory_space<vmem>>, vector<16xf32>,
        tpu.vector_store %arg5[%swap3A_374, %swap3A_375], %broadcast_in_dim3A_3 {strides = array<i32>} : memref<400x128xf32, #tpu.memory_space<vmem>>, vector<16xf32>,
      }
      %scan3A_118 = arith.constant 400 : i32
      %add3A_119 = arith.constant 32 : i32
      %add3A_120 = arith.addi %add3A, %add3A_119 : i32
      %dma_wait3A_121 = arith.constant 400 : i32
      %dma_wait3A_122 = tpu.memref_slice %arg6[%dma_wait3A_121] : memref<3200xi32, #tpu.memory_space<vmem>> -> memref<400xi32, #tpu.memory_space<vmem>>
      %dma_wait3A_123 = tpu.memref_slice %arg2[%mul3A_22] : memref<100000xi32, #tpu.memory_space<hbm>> -> memref<400xi32, #tpu.memory_space<hbm>>
      %dma_wait3A_124 = arith.constant 400 : i32
      %dma_wait3A_125 = tpu.memref_slice %arg6[%dma_wait3A_124] : memref<3200xi32, #tpu.memory_space<vmem>> -> memref<400xi32, #tpu.memory_space<vmem>>
      %dma_wait3A_126 = tpu.memref_slice %arg2[%mul3A_22] : memref<100000xi32, #tpu.memory_space<hbm>> -> memref<400xi32, #tpu.memory_space<hbm>>
      tpu.wait_dma2 semaphore(%arg9 : memref<!tpu.dma_semaphore, #tpu.memory_space<semaphore_mem>>) src(%dma_wait3A_126 : memref<400xi32, #tpu.memory_space<hbm>>) dst(%dma_wait3A_125 : memref<400xi32, #tpu.memory_space<vmem>>)
      %scan3A_127 = arith.constant 0 : i32
      %scan3A_128 = arith.constant 0 : i32
      %scan3A_129 = arith.constant 25 : i32
      %scan3A_130 = arith.addi %scan3A_128, %scan3A_129 : i32
      %scan3A_131 = arith.constant 5 : i32
      scf.for %scan3A_327 = %scan3A_128 to %scan3A_130 step %scan3A_131  : i32 {
        %mul3A_328 = arith.constant 16 : i32
        %mul3A_329 = arith.muli %scan3A_327, %mul3A_328 : i32
        %add3A_330 = arith.constant 400 : i32
        %add3A_331 = arith.addi %add3A_330, %mul3A_329 : i32
        %get3A = arith.index_cast %add3A_331 : i32 to index
        %get3A_332 = tpu.vector_load %arg6[%get3A] {strides = array<i32>} : memref<3200xi32, #tpu.memory_space<vmem>>, vector<16xi32>,
        %mul3A_333 = arith.constant 16 : i32
        %mul3A_334 = arith.muli %scan3A_327, %mul3A_333 : i32
        %add3A_335 = vector.broadcast %mul3A_334 : i32 to vector<16xi32>
        %add3A_336 = arith.addi %iota3A, %add3A_335 : vector<16xi32>
        tpu.vector_store_idx %arg5[%add3A_336, %get3A_332], %broadcast_in_dim3A_1 : memref<400x128xf32, #tpu.memory_space<vmem>>[vector<16xi32>, vector<16xi32>], vector<16xf32>,
        %scan3A_337 = arith.constant 1 : i32
        %scan3A_338 = arith.addi %scan3A_327, %scan3A_337 : i32
        %mul3A_339 = arith.constant 16 : i32
        %mul3A_340 = arith.muli %scan3A_338, %mul3A_339 : i32
        %add3A_341 = arith.constant 400 : i32
        %add3A_342 = arith.addi %add3A_341, %mul3A_340 : i32
        %get3A_343 = arith.index_cast %add3A_342 : i32 to index
        %get3A_344 = tpu.vector_load %arg6[%get3A_343] {strides = array<i32>} : memref<3200xi32, #tpu.memory_space<vmem>>, vector<16xi32>,
        %mul3A_345 = arith.constant 16 : i32
        %mul3A_346 = arith.muli %scan3A_338, %mul3A_345 : i32
        %add3A_347 = vector.broadcast %mul3A_346 : i32 to vector<16xi32>
        %add3A_348 = arith.addi %iota3A, %add3A_347 : vector<16xi32>
        tpu.vector_store_idx %arg5[%add3A_348, %get3A_344], %broadcast_in_dim3A_1 : memref<400x128xf32, #tpu.memory_space<vmem>>[vector<16xi32>, vector<16xi32>], vector<16xf32>,
        %scan3A_349 = arith.constant 2 : i32
        %scan3A_350 = arith.addi %scan3A_327, %scan3A_349 : i32
        %mul3A_351 = arith.constant 16 : i32
        %mul3A_352 = arith.muli %scan3A_350, %mul3A_351 : i32
        %add3A_353 = arith.constant 400 : i32
        %add3A_354 = arith.addi %add3A_353, %mul3A_352 : i32
        %get3A_355 = arith.index_cast %add3A_354 : i32 to index
        %get3A_356 = tpu.vector_load %arg6[%get3A_355] {strides = array<i32>} : memref<3200xi32, #tpu.memory_space<vmem>>, vector<16xi32>,
        %mul3A_357 = arith.constant 16 : i32
        %mul3A_358 = arith.muli %scan3A_350, %mul3A_357 : i32
        %add3A_359 = vector.broadcast %mul3A_358 : i32 to vector<16xi32>
        %add3A_360 = arith.addi %iota3A, %add3A_359 : vector<16xi32>
        tpu.vector_store_idx %arg5[%add3A_360, %get3A_356], %broadcast_in_dim3A_1 : memref<400x128xf32, #tpu.memory_space<vmem>>[vector<16xi32>, vector<16xi32>], vector<16xf32>,
        %scan3A_361 = arith.constant 3 : i32
        %scan3A_362 = arith.addi %scan3A_327, %scan3A_361 : i32
        %mul3A_363 = arith.constant 16 : i32
        %mul3A_364 = arith.muli %scan3A_362, %mul3A_363 : i32
        %add3A_365 = arith.constant 400 : i32
        %add3A_366 = arith.addi %add3A_365, %mul3A_364 : i32
        %get3A_367 = arith.index_cast %add3A_366 : i32 to index
        %get3A_368 = tpu.vector_load %arg6[%get3A_367] {strides = array<i32>} : memref<3200xi32, #tpu.memory_space<vmem>>, vector<16xi32>,
        %mul3A_369 = arith.constant 16 : i32
        %mul3A_370 = arith.muli %scan3A_362, %mul3A_369 : i32
        %add3A_371 = vector.broadcast %mul3A_370 : i32 to vector<16xi32>
        %add3A_372 = arith.addi %iota3A, %add3A_371 : vector<16xi32>
        tpu.vector_store_idx %arg5[%add3A_372, %get3A_368], %broadcast_in_dim3A_1 : memref<400x128xf32, #tpu.memory_space<vmem>>[vector<16xi32>, vector<16xi32>], vector<16xf32>,
        %scan3A_373 = arith.constant 4 : i32
        %scan3A_374 = arith.addi %scan3A_327, %scan3A_373 : i32
        %mul3A_375 = arith.constant 16 : i32
        %mul3A_376 = arith.muli %scan3A_374, %mul3A_375 : i32
        %add3A_377 = arith.constant 400 : i32
        %add3A_378 = arith.addi %add3A_377, %mul3A_376 : i32
        %get3A_379 = arith.index_cast %add3A_378 : i32 to index
        %get3A_380 = tpu.vector_load %arg6[%get3A_379] {strides = array<i32>} : memref<3200xi32, #tpu.memory_space<vmem>>, vector<16xi32>,
        %mul3A_381 = arith.constant 16 : i32
        %mul3A_382 = arith.muli %scan3A_374, %mul3A_381 : i32
        %add3A_383 = vector.broadcast %mul3A_382 : i32 to vector<16xi32>
        %add3A_384 = arith.addi %iota3A, %add3A_383 : vector<16xi32>
        tpu.vector_store_idx %arg5[%add3A_384, %get3A_380], %broadcast_in_dim3A_1 : memref<400x128xf32, #tpu.memory_space<vmem>>[vector<16xi32>, vector<16xi32>], vector<16xf32>,
      }
      %scan3A_132 = arith.constant 25 : i32
      %mul3A_133 = arith.constant 400 : i32
      %mul3A_134 = arith.muli %add3A_120, %mul3A_133 : i32
      %dma_start3A_135 = arith.constant 0 : i32
      %dma_start3A_136 = tpu.memref_slice %arg3[%mul3A_134, %dma_start3A_135] : memref<100000x128xf32, #tpu.memory_space<hbm>> -> memref<400x128xf32, #tpu.memory_space<hbm>>
      %dma_start3A_137 = arith.constant 0 : i32
      %dma_start3A_138 = tpu.memref_slice %arg3[%mul3A_134, %dma_start3A_137] : memref<100000x128xf32, #tpu.memory_space<hbm>> -> memref<400x128xf32, #tpu.memory_space<hbm>>
      tpu.enqueue_dma source(%arg5 : memref<400x128xf32, #tpu.memory_space<vmem>>) target(%dma_start3A_138 : memref<400x128xf32, #tpu.memory_space<hbm>>) target_semaphore(%arg8 : memref<!tpu.dma_semaphore, #tpu.memory_space<semaphore_mem>>)
      %add3A_139 = arith.constant 64 : i32
      %add3A_140 = arith.addi %add3A, %add3A_139 : i32
      %dma_wait3A_141 = arith.constant 800 : i32
      %dma_wait3A_142 = tpu.memref_slice %arg6[%dma_wait3A_141] : memref<3200xi32, #tpu.memory_space<vmem>> -> memref<400xi32, #tpu.memory_space<vmem>>
      %dma_wait3A_143 = tpu.memref_slice %arg2[%mul3A_32] : memref<100000xi32, #tpu.memory_space<hbm>> -> memref<400xi32, #tpu.memory_space<hbm>>
      %dma_wait3A_144 = arith.constant 800 : i32
      %dma_wait3A_145 = tpu.memref_slice %arg6[%dma_wait3A_144] : memref<3200xi32, #tpu.memory_space<vmem>> -> memref<400xi32, #tpu.memory_space<vmem>>
      %dma_wait3A_146 = tpu.memref_slice %arg2[%mul3A_32] : memref<100000xi32, #tpu.memory_space<hbm>> -> memref<400xi32, #tpu.memory_space<hbm>>
      tpu.wait_dma2 semaphore(%arg9 : memref<!tpu.dma_semaphore, #tpu.memory_space<semaphore_mem>>) src(%dma_wait3A_146 : memref<400xi32, #tpu.memory_space<hbm>>) dst(%dma_wait3A_145 : memref<400xi32, #tpu.memory_space<vmem>>)
      %dma_wait3A_147 = arith.constant 0 : i32
      %dma_wait3A_148 = tpu.memref_slice %arg3[%mul3A_108, %dma_wait3A_147] : memref<100000x128xf32, #tpu.memory_space<hbm>> -> memref<400x128xf32, #tpu.memory_space<hbm>>
      %dma_wait3A_149 = arith.constant 0 : i32
      %dma_wait3A_150 = tpu.memref_slice %arg3[%mul3A_108, %dma_wait3A_149] : memref<100000x128xf32, #tpu.memory_space<hbm>> -> memref<400x128xf32, #tpu.memory_space<hbm>>
      tpu.wait_dma2 semaphore(%arg7 : memref<!tpu.dma_semaphore, #tpu.memory_space<semaphore_mem>>) src(%arg4 : memref<400x128xf32, #tpu.memory_space<vmem>>) dst(%dma_wait3A_150 : memref<400x128xf32, #tpu.memory_space<hbm>>)
      %scan3A_151 = arith.constant 0 : i32
      %scan3A_152 = arith.constant 0 : i32
      %scan3A_153 = arith.constant 25 : i32
      %scan3A_154 = arith.addi %scan3A_152, %scan3A_153 : i32
      %scan3A_155 = arith.constant 5 : i32
      scf.for %scan3A_327 = %scan3A_152 to %scan3A_154 step %scan3A_155  : i32 {
        %mul3A_328 = arith.constant 16 : i32
        %mul3A_329 = arith.muli %scan3A_327, %mul3A_328 : i32
        %add3A_330 = arith.constant 0 : i32
        %add3A_331 = arith.addi %add3A_330, %mul3A_329 : i32
        %get3A = arith.index_cast %add3A_331 : i32 to index
        %get3A_332 = tpu.vector_load %arg6[%get3A] {strides = array<i32>} : memref<3200xi32, #tpu.memory_space<vmem>>, vector<16xi32>,
        %mul3A_333 = arith.constant 16 : i32
        %mul3A_334 = arith.muli %scan3A_327, %mul3A_333 : i32
        %add3A_335 = vector.broadcast %mul3A_334 : i32 to vector<16xi32>
        %add3A_336 = arith.addi %iota3A, %add3A_335 : vector<16xi32>
        tpu.vector_store_idx %arg4[%add3A_336, %get3A_332], %broadcast_in_dim3A_3 : memref<400x128xf32, #tpu.memory_space<vmem>>[vector<16xi32>, vector<16xi32>], vector<16xf32>,
        %scan3A_337 = arith.constant 1 : i32
        %scan3A_338 = arith.addi %scan3A_327, %scan3A_337 : i32
        %mul3A_339 = arith.constant 16 : i32
        %mul3A_340 = arith.muli %scan3A_338, %mul3A_339 : i32
        %add3A_341 = arith.constant 0 : i32
        %add3A_342 = arith.addi %add3A_341, %mul3A_340 : i32
        %get3A_343 = arith.index_cast %add3A_342 : i32 to index
        %get3A_344 = tpu.vector_load %arg6[%get3A_343] {strides = array<i32>} : memref<3200xi32, #tpu.memory_space<vmem>>, vector<16xi32>,
        %mul3A_345 = arith.constant 16 : i32
        %mul3A_346 = arith.muli %scan3A_338, %mul3A_345 : i32
        %add3A_347 = vector.broadcast %mul3A_346 : i32 to vector<16xi32>
        %add3A_348 = arith.addi %iota3A, %add3A_347 : vector<16xi32>
        tpu.vector_store_idx %arg4[%add3A_348, %get3A_344], %broadcast_in_dim3A_3 : memref<400x128xf32, #tpu.memory_space<vmem>>[vector<16xi32>, vector<16xi32>], vector<16xf32>,
        %scan3A_349 = arith.constant 2 : i32
        %scan3A_350 = arith.addi %scan3A_327, %scan3A_349 : i32
        %mul3A_351 = arith.constant 16 : i32
        %mul3A_352 = arith.muli %scan3A_350, %mul3A_351 : i32
        %add3A_353 = arith.constant 0 : i32
        %add3A_354 = arith.addi %add3A_353, %mul3A_352 : i32
        %get3A_355 = arith.index_cast %add3A_354 : i32 to index
        %get3A_356 = tpu.vector_load %arg6[%get3A_355] {strides = array<i32>} : memref<3200xi32, #tpu.memory_space<vmem>>, vector<16xi32>,
        %mul3A_357 = arith.constant 16 : i32
        %mul3A_358 = arith.muli %scan3A_350, %mul3A_357 : i32
        %add3A_359 = vector.broadcast %mul3A_358 : i32 to vector<16xi32>
        %add3A_360 = arith.addi %iota3A, %add3A_359 : vector<16xi32>
        tpu.vector_store_idx %arg4[%add3A_360, %get3A_356], %broadcast_in_dim3A_3 : memref<400x128xf32, #tpu.memory_space<vmem>>[vector<16xi32>, vector<16xi32>], vector<16xf32>,
        %scan3A_361 = arith.constant 3 : i32
        %scan3A_362 = arith.addi %scan3A_327, %scan3A_361 : i32
        %mul3A_363 = arith.constant 16 : i32
        %mul3A_364 = arith.muli %scan3A_362, %mul3A_363 : i32
        %add3A_365 = arith.constant 0 : i32
        %add3A_366 = arith.addi %add3A_365, %mul3A_364 : i32
        %get3A_367 = arith.index_cast %add3A_366 : i32 to index
        %get3A_368 = tpu.vector_load %arg6[%get3A_367] {strides = array<i32>} : memref<3200xi32, #tpu.memory_space<vmem>>, vector<16xi32>,
        %mul3A_369 = arith.constant 16 : i32
        %mul3A_370 = arith.muli %scan3A_362, %mul3A_369 : i32
        %add3A_371 = vector.broadcast %mul3A_370 : i32 to vector<16xi32>
        %add3A_372 = arith.addi %iota3A, %add3A_371 : vector<16xi32>
        tpu.vector_store_idx %arg4[%add3A_372, %get3A_368], %broadcast_in_dim3A_3 : memref<400x128xf32, #tpu.memory_space<vmem>>[vector<16xi32>, vector<16xi32>], vector<16xf32>,
        %scan3A_373 = arith.constant 4 : i32
        %scan3A_374 = arith.addi %scan3A_327, %scan3A_373 : i32
        %mul3A_375 = arith.constant 16 : i32
        %mul3A_376 = arith.muli %scan3A_374, %mul3A_375 : i32
        %add3A_377 = arith.constant 0 : i32
        %add3A_378 = arith.addi %add3A_377, %mul3A_376 : i32
        %get3A_379 = arith.index_cast %add3A_378 : i32 to index
        %get3A_380 = tpu.vector_load %arg6[%get3A_379] {strides = array<i32>} : memref<3200xi32, #tpu.memory_space<vmem>>, vector<16xi32>,
        %mul3A_381 = arith.constant 16 : i32
        %mul3A_382 = arith.muli %scan3A_374, %mul3A_381 : i32
        %add3A_383 = vector.broadcast %mul3A_382 : i32 to vector<16xi32>
        %add3A_384 = arith.addi %iota3A, %add3A_383 : vector<16xi32>
        tpu.vector_store_idx %arg4[%add3A_384, %get3A_380], %broadcast_in_dim3A_3 : memref<400x128xf32, #tpu.memory_space<vmem>>[vector<16xi32>, vector<16xi32>], vector<16xf32>,
      }
      %scan3A_156 = arith.constant 25 : i32
      %scan3A_157 = arith.constant 0 : i32
      %scan3A_158 = arith.constant 0 : i32
      %scan3A_159 = arith.constant 25 : i32
      %scan3A_160 = arith.addi %scan3A_158, %scan3A_159 : i32
      %scan3A_161 = arith.constant 5 : i32
      scf.for %scan3A_327 = %scan3A_158 to %scan3A_160 step %scan3A_161  : i32 {
        %mul3A_328 = arith.constant 16 : i32
        %mul3A_329 = arith.muli %scan3A_327, %mul3A_328 : i32
        %add3A_330 = arith.constant 800 : i32
        %add3A_331 = arith.addi %add3A_330, %mul3A_329 : i32
        %get3A = arith.index_cast %add3A_331 : i32 to index
        %get3A_332 = tpu.vector_load %arg6[%get3A] {strides = array<i32>} : memref<3200xi32, #tpu.memory_space<vmem>>, vector<16xi32>,
        %mul3A_333 = arith.constant 16 : i32
        %mul3A_334 = arith.muli %scan3A_327, %mul3A_333 : i32
        %add3A_335 = vector.broadcast %mul3A_334 : i32 to vector<16xi32>
        %add3A_336 = arith.addi %iota3A, %add3A_335 : vector<16xi32>
        tpu.vector_store_idx %arg4[%add3A_336, %get3A_332], %broadcast_in_dim3A_1 : memref<400x128xf32, #tpu.memory_space<vmem>>[vector<16xi32>, vector<16xi32>], vector<16xf32>,
        %scan3A_337 = arith.constant 1 : i32
        %scan3A_338 = arith.addi %scan3A_327, %scan3A_337 : i32
        %mul3A_339 = arith.constant 16 : i32
        %mul3A_340 = arith.muli %scan3A_338, %mul3A_339 : i32
        %add3A_341 = arith.constant 800 : i32
        %add3A_342 = arith.addi %add3A_341, %mul3A_340 : i32
        %get3A_343 = arith.index_cast %add3A_342 : i32 to index
        %get3A_344 = tpu.vector_load %arg6[%get3A_343] {strides = array<i32>} : memref<3200xi32, #tpu.memory_space<vmem>>, vector<16xi32>,
        %mul3A_345 = arith.constant 16 : i32
        %mul3A_346 = arith.muli %scan3A_338, %mul3A_345 : i32
        %add3A_347 = vector.broadcast %mul3A_346 : i32 to vector<16xi32>
        %add3A_348 = arith.addi %iota3A, %add3A_347 : vector<16xi32>
        tpu.vector_store_idx %arg4[%add3A_348, %get3A_344], %broadcast_in_dim3A_1 : memref<400x128xf32, #tpu.memory_space<vmem>>[vector<16xi32>, vector<16xi32>], vector<16xf32>,
        %scan3A_349 = arith.constant 2 : i32
        %scan3A_350 = arith.addi %scan3A_327, %scan3A_349 : i32
        %mul3A_351 = arith.constant 16 : i32
        %mul3A_352 = arith.muli %scan3A_350, %mul3A_351 : i32
        %add3A_353 = arith.constant 800 : i32
        %add3A_354 = arith.addi %add3A_353, %mul3A_352 : i32
        %get3A_355 = arith.index_cast %add3A_354 : i32 to index
        %get3A_356 = tpu.vector_load %arg6[%get3A_355] {strides = array<i32>} : memref<3200xi32, #tpu.memory_space<vmem>>, vector<16xi32>,
        %mul3A_357 = arith.constant 16 : i32
        %mul3A_358 = arith.muli %scan3A_350, %mul3A_357 : i32
        %add3A_359 = vector.broadcast %mul3A_358 : i32 to vector<16xi32>
        %add3A_360 = arith.addi %iota3A, %add3A_359 : vector<16xi32>
        tpu.vector_store_idx %arg4[%add3A_360, %get3A_356], %broadcast_in_dim3A_1 : memref<400x128xf32, #tpu.memory_space<vmem>>[vector<16xi32>, vector<16xi32>], vector<16xf32>,
        %scan3A_361 = arith.constant 3 : i32
        %scan3A_362 = arith.addi %scan3A_327, %scan3A_361 : i32
        %mul3A_363 = arith.constant 16 : i32
        %mul3A_364 = arith.muli %scan3A_362, %mul3A_363 : i32
        %add3A_365 = arith.constant 800 : i32
        %add3A_366 = arith.addi %add3A_365, %mul3A_364 : i32
        %get3A_367 = arith.index_cast %add3A_366 : i32 to index
        %get3A_368 = tpu.vector_load %arg6[%get3A_367] {strides = array<i32>} : memref<3200xi32, #tpu.memory_space<vmem>>, vector<16xi32>,
        %mul3A_369 = arith.constant 16 : i32
        %mul3A_370 = arith.muli %scan3A_362, %mul3A_369 : i32
        %add3A_371 = vector.broadcast %mul3A_370 : i32 to vector<16xi32>
        %add3A_372 = arith.addi %iota3A, %add3A_371 : vector<16xi32>
        tpu.vector_store_idx %arg4[%add3A_372, %get3A_368], %broadcast_in_dim3A_1 : memref<400x128xf32, #tpu.memory_space<vmem>>[vector<16xi32>, vector<16xi32>], vector<16xf32>,
        %scan3A_373 = arith.constant 4 : i32
        %scan3A_374 = arith.addi %scan3A_327, %scan3A_373 : i32
        %mul3A_375 = arith.constant 16 : i32
        %mul3A_376 = arith.muli %scan3A_374, %mul3A_375 : i32
        %add3A_377 = arith.constant 800 : i32
        %add3A_378 = arith.addi %add3A_377, %mul3A_376 : i32
        %get3A_379 = arith.index_cast %add3A_378 : i32 to index
        %get3A_380 = tpu.vector_load %arg6[%get3A_379] {strides = array<i32>} : memref<3200xi32, #tpu.memory_space<vmem>>, vector<16xi32>,
        %mul3A_381 = arith.constant 16 : i32
        %mul3A_382 = arith.muli %scan3A_374, %mul3A_381 : i32
        %add3A_383 = vector.broadcast %mul3A_382 : i32 to vector<16xi32>
        %add3A_384 = arith.addi %iota3A, %add3A_383 : vector<16xi32>
        tpu.vector_store_idx %arg4[%add3A_384, %get3A_380], %broadcast_in_dim3A_1 : memref<400x128xf32, #tpu.memory_space<vmem>>[vector<16xi32>, vector<16xi32>], vector<16xf32>,
      }
      %scan3A_162 = arith.constant 25 : i32
      %mul3A_163 = arith.constant 400 : i32
      %mul3A_164 = arith.muli %add3A_140, %mul3A_163 : i32
      %dma_start3A_165 = arith.constant 0 : i32
      %dma_start3A_166 = tpu.memref_slice %arg3[%mul3A_164, %dma_start3A_165] : memref<100000x128xf32, #tpu.memory_space<hbm>> -> memref<400x128xf32, #tpu.memory_space<hbm>>
      %dma_start3A_167 = arith.constant 0 : i32
      %dma_start3A_168 = tpu.memref_slice %arg3[%mul3A_164, %dma_start3A_167] : memref<100000x128xf32, #tpu.memory_space<hbm>> -> memref<400x128xf32, #tpu.memory_space<hbm>>
      tpu.enqueue_dma source(%arg4 : memref<400x128xf32, #tpu.memory_space<vmem>>) target(%dma_start3A_168 : memref<400x128xf32, #tpu.memory_space<hbm>>) target_semaphore(%arg7 : memref<!tpu.dma_semaphore, #tpu.memory_space<semaphore_mem>>)
      %add3A_169 = arith.constant 96 : i32
      %add3A_170 = arith.addi %add3A, %add3A_169 : i32
      %dma_wait3A_171 = arith.constant 1200 : i32
      %dma_wait3A_172 = tpu.memref_slice %arg6[%dma_wait3A_171] : memref<3200xi32, #tpu.memory_space<vmem>> -> memref<400xi32, #tpu.memory_space<vmem>>
      %dma_wait3A_173 = tpu.memref_slice %arg2[%mul3A_42] : memref<100000xi32, #tpu.memory_space<hbm>> -> memref<400xi32, #tpu.memory_space<hbm>>
      %dma_wait3A_174 = arith.constant 1200 : i32
      %dma_wait3A_175 = tpu.memref_slice %arg6[%dma_wait3A_174] : memref<3200xi32, #tpu.memory_space<vmem>> -> memref<400xi32, #tpu.memory_space<vmem>>
      %dma_wait3A_176 = tpu.memref_slice %arg2[%mul3A_42] : memref<100000xi32, #tpu.memory_space<hbm>> -> memref<400xi32, #tpu.memory_space<hbm>>
      tpu.wait_dma2 semaphore(%arg9 : memref<!tpu.dma_semaphore, #tpu.memory_space<semaphore_mem>>) src(%dma_wait3A_176 : memref<400xi32, #tpu.memory_space<hbm>>) dst(%dma_wait3A_175 : memref<400xi32, #tpu.memory_space<vmem>>)
      %dma_wait3A_177 = arith.constant 0 : i32
      %dma_wait3A_178 = tpu.memref_slice %arg3[%mul3A_134, %dma_wait3A_177] : memref<100000x128xf32, #tpu.memory_space<hbm>> -> memref<400x128xf32, #tpu.memory_space<hbm>>
      %dma_wait3A_179 = arith.constant 0 : i32
      %dma_wait3A_180 = tpu.memref_slice %arg3[%mul3A_134, %dma_wait3A_179] : memref<100000x128xf32, #tpu.memory_space<hbm>> -> memref<400x128xf32, #tpu.memory_space<hbm>>
      tpu.wait_dma2 semaphore(%arg8 : memref<!tpu.dma_semaphore, #tpu.memory_space<semaphore_mem>>) src(%arg5 : memref<400x128xf32, #tpu.memory_space<vmem>>) dst(%dma_wait3A_180 : memref<400x128xf32, #tpu.memory_space<hbm>>)
      %scan3A_181 = arith.constant 0 : i32
      %scan3A_182 = arith.constant 0 : i32
      %scan3A_183 = arith.constant 25 : i32
      %scan3A_184 = arith.addi %scan3A_182, %scan3A_183 : i32
      %scan3A_185 = arith.constant 5 : i32
      scf.for %scan3A_327 = %scan3A_182 to %scan3A_184 step %scan3A_185  : i32 {
        %mul3A_328 = arith.constant 16 : i32
        %mul3A_329 = arith.muli %scan3A_327, %mul3A_328 : i32
        %add3A_330 = arith.constant 400 : i32
        %add3A_331 = arith.addi %add3A_330, %mul3A_329 : i32
        %get3A = arith.index_cast %add3A_331 : i32 to index
        %get3A_332 = tpu.vector_load %arg6[%get3A] {strides = array<i32>} : memref<3200xi32, #tpu.memory_space<vmem>>, vector<16xi32>,
        %mul3A_333 = arith.constant 16 : i32
        %mul3A_334 = arith.muli %scan3A_327, %mul3A_333 : i32
        %add3A_335 = vector.broadcast %mul3A_334 : i32 to vector<16xi32>
        %add3A_336 = arith.addi %iota3A, %add3A_335 : vector<16xi32>
        tpu.vector_store_idx %arg5[%add3A_336, %get3A_332], %broadcast_in_dim3A_3 : memref<400x128xf32, #tpu.memory_space<vmem>>[vector<16xi32>, vector<16xi32>], vector<16xf32>,
        %scan3A_337 = arith.constant 1 : i32
        %scan3A_338 = arith.addi %scan3A_327, %scan3A_337 : i32
        %mul3A_339 = arith.constant 16 : i32
        %mul3A_340 = arith.muli %scan3A_338, %mul3A_339 : i32
        %add3A_341 = arith.constant 400 : i32
        %add3A_342 = arith.addi %add3A_341, %mul3A_340 : i32
        %get3A_343 = arith.index_cast %add3A_342 : i32 to index
        %get3A_344 = tpu.vector_load %arg6[%get3A_343] {strides = array<i32>} : memref<3200xi32, #tpu.memory_space<vmem>>, vector<16xi32>,
        %mul3A_345 = arith.constant 16 : i32
        %mul3A_346 = arith.muli %scan3A_338, %mul3A_345 : i32
        %add3A_347 = vector.broadcast %mul3A_346 : i32 to vector<16xi32>
        %add3A_348 = arith.addi %iota3A, %add3A_347 : vector<16xi32>
        tpu.vector_store_idx %arg5[%add3A_348, %get3A_344], %broadcast_in_dim3A_3 : memref<400x128xf32, #tpu.memory_space<vmem>>[vector<16xi32>, vector<16xi32>], vector<16xf32>,
        %scan3A_349 = arith.constant 2 : i32
        %scan3A_350 = arith.addi %scan3A_327, %scan3A_349 : i32
        %mul3A_351 = arith.constant 16 : i32
        %mul3A_352 = arith.muli %scan3A_350, %mul3A_351 : i32
        %add3A_353 = arith.constant 400 : i32
        %add3A_354 = arith.addi %add3A_353, %mul3A_352 : i32
        %get3A_355 = arith.index_cast %add3A_354 : i32 to index
        %get3A_356 = tpu.vector_load %arg6[%get3A_355] {strides = array<i32>} : memref<3200xi32, #tpu.memory_space<vmem>>, vector<16xi32>,
        %mul3A_357 = arith.constant 16 : i32
        %mul3A_358 = arith.muli %scan3A_350, %mul3A_357 : i32
        %add3A_359 = vector.broadcast %mul3A_358 : i32 to vector<16xi32>
        %add3A_360 = arith.addi %iota3A, %add3A_359 : vector<16xi32>
        tpu.vector_store_idx %arg5[%add3A_360, %get3A_356], %broadcast_in_dim3A_3 : memref<400x128xf32, #tpu.memory_space<vmem>>[vector<16xi32>, vector<16xi32>], vector<16xf32>,
        %scan3A_361 = arith.constant 3 : i32
        %scan3A_362 = arith.addi %scan3A_327, %scan3A_361 : i32
        %mul3A_363 = arith.constant 16 : i32
        %mul3A_364 = arith.muli %scan3A_362, %mul3A_363 : i32
        %add3A_365 = arith.constant 400 : i32
        %add3A_366 = arith.addi %add3A_365, %mul3A_364 : i32
        %get3A_367 = arith.index_cast %add3A_366 : i32 to index
        %get3A_368 = tpu.vector_load %arg6[%get3A_367] {strides = array<i32>} : memref<3200xi32, #tpu.memory_space<vmem>>, vector<16xi32>,
        %mul3A_369 = arith.constant 16 : i32
        %mul3A_370 = arith.muli %scan3A_362, %mul3A_369 : i32
        %add3A_371 = vector.broadcast %mul3A_370 : i32 to vector<16xi32>
        %add3A_372 = arith.addi %iota3A, %add3A_371 : vector<16xi32>
        tpu.vector_store_idx %arg5[%add3A_372, %get3A_368], %broadcast_in_dim3A_3 : memref<400x128xf32, #tpu.memory_space<vmem>>[vector<16xi32>, vector<16xi32>], vector<16xf32>,
        %scan3A_373 = arith.constant 4 : i32
        %scan3A_374 = arith.addi %scan3A_327, %scan3A_373 : i32
        %mul3A_375 = arith.constant 16 : i32
        %mul3A_376 = arith.muli %scan3A_374, %mul3A_375 : i32
        %add3A_377 = arith.constant 400 : i32
        %add3A_378 = arith.addi %add3A_377, %mul3A_376 : i32
        %get3A_379 = arith.index_cast %add3A_378 : i32 to index
        %get3A_380 = tpu.vector_load %arg6[%get3A_379] {strides = array<i32>} : memref<3200xi32, #tpu.memory_space<vmem>>, vector<16xi32>,
        %mul3A_381 = arith.constant 16 : i32
        %mul3A_382 = arith.muli %scan3A_374, %mul3A_381 : i32
        %add3A_383 = vector.broadcast %mul3A_382 : i32 to vector<16xi32>
        %add3A_384 = arith.addi %iota3A, %add3A_383 : vector<16xi32>
        tpu.vector_store_idx %arg5[%add3A_384, %get3A_380], %broadcast_in_dim3A_3 : memref<400x128xf32, #tpu.memory_space<vmem>>[vector<16xi32>, vector<16xi32>], vector<16xf32>,
      }
      %scan3A_186 = arith.constant 25 : i32
      %scan3A_187 = arith.constant 0 : i32
      %scan3A_188 = arith.constant 0 : i32
      %scan3A_189 = arith.constant 25 : i32
      %scan3A_190 = arith.addi %scan3A_188, %scan3A_189 : i32
      %scan3A_191 = arith.constant 5 : i32
      scf.for %scan3A_327 = %scan3A_188 to %scan3A_190 step %scan3A_191  : i32 {
        %mul3A_328 = arith.constant 16 : i32
        %mul3A_329 = arith.muli %scan3A_327, %mul3A_328 : i32
        %add3A_330 = arith.constant 1200 : i32
        %add3A_331 = arith.addi %add3A_330, %mul3A_329 : i32
        %get3A = arith.index_cast %add3A_331 : i32 to index
        %get3A_332 = tpu.vector_load %arg6[%get3A] {strides = array<i32>} : memref<3200xi32, #tpu.memory_space<vmem>>, vector<16xi32>,
        %mul3A_333 = arith.constant 16 : i32
        %mul3A_334 = arith.muli %scan3A_327, %mul3A_333 : i32
        %add3A_335 = vector.broadcast %mul3A_334 : i32 to vector<16xi32>
        %add3A_336 = arith.addi %iota3A, %add3A_335 : vector<16xi32>
        tpu.vector_store_idx %arg5[%add3A_336, %get3A_332], %broadcast_in_dim3A_1 : memref<400x128xf32, #tpu.memory_space<vmem>>[vector<16xi32>, vector<16xi32>], vector<16xf32>,
        %scan3A_337 = arith.constant 1 : i32
        %scan3A_338 = arith.addi %scan3A_327, %scan3A_337 : i32
        %mul3A_339 = arith.constant 16 : i32
        %mul3A_340 = arith.muli %scan3A_338, %mul3A_339 : i32
        %add3A_341 = arith.constant 1200 : i32
        %add3A_342 = arith.addi %add3A_341, %mul3A_340 : i32
        %get3A_343 = arith.index_cast %add3A_342 : i32 to index
        %get3A_344 = tpu.vector_load %arg6[%get3A_343] {strides = array<i32>} : memref<3200xi32, #tpu.memory_space<vmem>>, vector<16xi32>,
        %mul3A_345 = arith.constant 16 : i32
        %mul3A_346 = arith.muli %scan3A_338, %mul3A_345 : i32
        %add3A_347 = vector.broadcast %mul3A_346 : i32 to vector<16xi32>
        %add3A_348 = arith.addi %iota3A, %add3A_347 : vector<16xi32>
        tpu.vector_store_idx %arg5[%add3A_348, %get3A_344], %broadcast_in_dim3A_1 : memref<400x128xf32, #tpu.memory_space<vmem>>[vector<16xi32>, vector<16xi32>], vector<16xf32>,
        %scan3A_349 = arith.constant 2 : i32
        %scan3A_350 = arith.addi %scan3A_327, %scan3A_349 : i32
        %mul3A_351 = arith.constant 16 : i32
        %mul3A_352 = arith.muli %scan3A_350, %mul3A_351 : i32
        %add3A_353 = arith.constant 1200 : i32
        %add3A_354 = arith.addi %add3A_353, %mul3A_352 : i32
        %get3A_355 = arith.index_cast %add3A_354 : i32 to index
        %get3A_356 = tpu.vector_load %arg6[%get3A_355] {strides = array<i32>} : memref<3200xi32, #tpu.memory_space<vmem>>, vector<16xi32>,
        %mul3A_357 = arith.constant 16 : i32
        %mul3A_358 = arith.muli %scan3A_350, %mul3A_357 : i32
        %add3A_359 = vector.broadcast %mul3A_358 : i32 to vector<16xi32>
        %add3A_360 = arith.addi %iota3A, %add3A_359 : vector<16xi32>
        tpu.vector_store_idx %arg5[%add3A_360, %get3A_356], %broadcast_in_dim3A_1 : memref<400x128xf32, #tpu.memory_space<vmem>>[vector<16xi32>, vector<16xi32>], vector<16xf32>,
        %scan3A_361 = arith.constant 3 : i32
        %scan3A_362 = arith.addi %scan3A_327, %scan3A_361 : i32
        %mul3A_363 = arith.constant 16 : i32
        %mul3A_364 = arith.muli %scan3A_362, %mul3A_363 : i32
        %add3A_365 = arith.constant 1200 : i32
        %add3A_366 = arith.addi %add3A_365, %mul3A_364 : i32
        %get3A_367 = arith.index_cast %add3A_366 : i32 to index
        %get3A_368 = tpu.vector_load %arg6[%get3A_367] {strides = array<i32>} : memref<3200xi32, #tpu.memory_space<vmem>>, vector<16xi32>,
        %mul3A_369 = arith.constant 16 : i32
        %mul3A_370 = arith.muli %scan3A_362, %mul3A_369 : i32
        %add3A_371 = vector.broadcast %mul3A_370 : i32 to vector<16xi32>
        %add3A_372 = arith.addi %iota3A, %add3A_371 : vector<16xi32>
        tpu.vector_store_idx %arg5[%add3A_372, %get3A_368], %broadcast_in_dim3A_1 : memref<400x128xf32, #tpu.memory_space<vmem>>[vector<16xi32>, vector<16xi32>], vector<16xf32>,
        %scan3A_373 = arith.constant 4 : i32
        %scan3A_374 = arith.addi %scan3A_327, %scan3A_373 : i32
        %mul3A_375 = arith.constant 16 : i32
        %mul3A_376 = arith.muli %scan3A_374, %mul3A_375 : i32
        %add3A_377 = arith.constant 1200 : i32
        %add3A_378 = arith.addi %add3A_377, %mul3A_376 : i32
        %get3A_379 = arith.index_cast %add3A_378 : i32 to index
        %get3A_380 = tpu.vector_load %arg6[%get3A_379] {strides = array<i32>} : memref<3200xi32, #tpu.memory_space<vmem>>, vector<16xi32>,
        %mul3A_381 = arith.constant 16 : i32
        %mul3A_382 = arith.muli %scan3A_374, %mul3A_381 : i32
        %add3A_383 = vector.broadcast %mul3A_382 : i32 to vector<16xi32>
        %add3A_384 = arith.addi %iota3A, %add3A_383 : vector<16xi32>
        tpu.vector_store_idx %arg5[%add3A_384, %get3A_380], %broadcast_in_dim3A_1 : memref<400x128xf32, #tpu.memory_space<vmem>>[vector<16xi32>, vector<16xi32>], vector<16xf32>,
      }
      %scan3A_192 = arith.constant 25 : i32
      %mul3A_193 = arith.constant 400 : i32
      %mul3A_194 = arith.muli %add3A_170, %mul3A_193 : i32
      %dma_start3A_195 = arith.constant 0 : i32
      %dma_start3A_196 = tpu.memref_slice %arg3[%mul3A_194, %dma_start3A_195] : memref<100000x128xf32, #tpu.memory_space<hbm>> -> memref<400x128xf32, #tpu.memory_space<hbm>>
      %dma_start3A_197 = arith.constant 0 : i32
      %dma_start3A_198 = tpu.memref_slice %arg3[%mul3A_194, %dma_start3A_197] : memref<100000x128xf32, #tpu.memory_space<hbm>> -> memref<400x128xf32, #tpu.memory_space<hbm>>
      tpu.enqueue_dma source(%arg5 : memref<400x128xf32, #tpu.memory_space<vmem>>) target(%dma_start3A_198 : memref<400x128xf32, #tpu.memory_space<hbm>>) target_semaphore(%arg8 : memref<!tpu.dma_semaphore, #tpu.memory_space<semaphore_mem>>)
      %add3A_199 = arith.constant 128 : i32
      %add3A_200 = arith.addi %add3A, %add3A_199 : i32
      %dma_wait3A_201 = arith.constant 1600 : i32
      %dma_wait3A_202 = tpu.memref_slice %arg6[%dma_wait3A_201] : memref<3200xi32, #tpu.memory_space<vmem>> -> memref<400xi32, #tpu.memory_space<vmem>>
      %dma_wait3A_203 = tpu.memref_slice %arg2[%mul3A_52] : memref<100000xi32, #tpu.memory_space<hbm>> -> memref<400xi32, #tpu.memory_space<hbm>>
      %dma_wait3A_204 = arith.constant 1600 : i32
      %dma_wait3A_205 = tpu.memref_slice %arg6[%dma_wait3A_204] : memref<3200xi32, #tpu.memory_space<vmem>> -> memref<400xi32, #tpu.memory_space<vmem>>
      %dma_wait3A_206 = tpu.memref_slice %arg2[%mul3A_52] : memref<100000xi32, #tpu.memory_space<hbm>> -> memref<400xi32, #tpu.memory_space<hbm>>
      tpu.wait_dma2 semaphore(%arg9 : memref<!tpu.dma_semaphore, #tpu.memory_space<semaphore_mem>>) src(%dma_wait3A_206 : memref<400xi32, #tpu.memory_space<hbm>>) dst(%dma_wait3A_205 : memref<400xi32, #tpu.memory_space<vmem>>)
      %dma_wait3A_207 = arith.constant 0 : i32
      %dma_wait3A_208 = tpu.memref_slice %arg3[%mul3A_164, %dma_wait3A_207] : memref<100000x128xf32, #tpu.memory_space<hbm>> -> memref<400x128xf32, #tpu.memory_space<hbm>>
      %dma_wait3A_209 = arith.constant 0 : i32
      %dma_wait3A_210 = tpu.memref_slice %arg3[%mul3A_164, %dma_wait3A_209] : memref<100000x128xf32, #tpu.memory_space<hbm>> -> memref<400x128xf32, #tpu.memory_space<hbm>>
      tpu.wait_dma2 semaphore(%arg7 : memref<!tpu.dma_semaphore, #tpu.memory_space<semaphore_mem>>) src(%arg4 : memref<400x128xf32, #tpu.memory_space<vmem>>) dst(%dma_wait3A_210 : memref<400x128xf32, #tpu.memory_space<hbm>>)
      %scan3A_211 = arith.constant 0 : i32
      %scan3A_212 = arith.constant 0 : i32
      %scan3A_213 = arith.constant 25 : i32
      %scan3A_214 = arith.addi %scan3A_212, %scan3A_213 : i32
      %scan3A_215 = arith.constant 5 : i32
      scf.for %scan3A_327 = %scan3A_212 to %scan3A_214 step %scan3A_215  : i32 {
        %mul3A_328 = arith.constant 16 : i32
        %mul3A_329 = arith.muli %scan3A_327, %mul3A_328 : i32
        %add3A_330 = arith.constant 800 : i32
        %add3A_331 = arith.addi %add3A_330, %mul3A_329 : i32
        %get3A = arith.index_cast %add3A_331 : i32 to index
        %get3A_332 = tpu.vector_load %arg6[%get3A] {strides = array<i32>} : memref<3200xi32, #tpu.memory_space<vmem>>, vector<16xi32>,
        %mul3A_333 = arith.constant 16 : i32
        %mul3A_334 = arith.muli %scan3A_327, %mul3A_333 : i32
        %add3A_335 = vector.broadcast %mul3A_334 : i32 to vector<16xi32>
        %add3A_336 = arith.addi %iota3A, %add3A_335 : vector<16xi32>
        tpu.vector_store_idx %arg4[%add3A_336, %get3A_332], %broadcast_in_dim3A_3 : memref<400x128xf32, #tpu.memory_space<vmem>>[vector<16xi32>, vector<16xi32>], vector<16xf32>,
        %scan3A_337 = arith.constant 1 : i32
        %scan3A_338 = arith.addi %scan3A_327, %scan3A_337 : i32
        %mul3A_339 = arith.constant 16 : i32
        %mul3A_340 = arith.muli %scan3A_338, %mul3A_339 : i32
        %add3A_341 = arith.constant 800 : i32
        %add3A_342 = arith.addi %add3A_341, %mul3A_340 : i32
        %get3A_343 = arith.index_cast %add3A_342 : i32 to index
        %get3A_344 = tpu.vector_load %arg6[%get3A_343] {strides = array<i32>} : memref<3200xi32, #tpu.memory_space<vmem>>, vector<16xi32>,
        %mul3A_345 = arith.constant 16 : i32
        %mul3A_346 = arith.muli %scan3A_338, %mul3A_345 : i32
        %add3A_347 = vector.broadcast %mul3A_346 : i32 to vector<16xi32>
        %add3A_348 = arith.addi %iota3A, %add3A_347 : vector<16xi32>
        tpu.vector_store_idx %arg4[%add3A_348, %get3A_344], %broadcast_in_dim3A_3 : memref<400x128xf32, #tpu.memory_space<vmem>>[vector<16xi32>, vector<16xi32>], vector<16xf32>,
        %scan3A_349 = arith.constant 2 : i32
        %scan3A_350 = arith.addi %scan3A_327, %scan3A_349 : i32
        %mul3A_351 = arith.constant 16 : i32
        %mul3A_352 = arith.muli %scan3A_350, %mul3A_351 : i32
        %add3A_353 = arith.constant 800 : i32
        %add3A_354 = arith.addi %add3A_353, %mul3A_352 : i32
        %get3A_355 = arith.index_cast %add3A_354 : i32 to index
        %get3A_356 = tpu.vector_load %arg6[%get3A_355] {strides = array<i32>} : memref<3200xi32, #tpu.memory_space<vmem>>, vector<16xi32>,
        %mul3A_357 = arith.constant 16 : i32
        %mul3A_358 = arith.muli %scan3A_350, %mul3A_357 : i32
        %add3A_359 = vector.broadcast %mul3A_358 : i32 to vector<16xi32>
        %add3A_360 = arith.addi %iota3A, %add3A_359 : vector<16xi32>
        tpu.vector_store_idx %arg4[%add3A_360, %get3A_356], %broadcast_in_dim3A_3 : memref<400x128xf32, #tpu.memory_space<vmem>>[vector<16xi32>, vector<16xi32>], vector<16xf32>,
        %scan3A_361 = arith.constant 3 : i32
        %scan3A_362 = arith.addi %scan3A_327, %scan3A_361 : i32
        %mul3A_363 = arith.constant 16 : i32
        %mul3A_364 = arith.muli %scan3A_362, %mul3A_363 : i32
        %add3A_365 = arith.constant 800 : i32
        %add3A_366 = arith.addi %add3A_365, %mul3A_364 : i32
        %get3A_367 = arith.index_cast %add3A_366 : i32 to index
        %get3A_368 = tpu.vector_load %arg6[%get3A_367] {strides = array<i32>} : memref<3200xi32, #tpu.memory_space<vmem>>, vector<16xi32>,
        %mul3A_369 = arith.constant 16 : i32
        %mul3A_370 = arith.muli %scan3A_362, %mul3A_369 : i32
        %add3A_371 = vector.broadcast %mul3A_370 : i32 to vector<16xi32>
        %add3A_372 = arith.addi %iota3A, %add3A_371 : vector<16xi32>
        tpu.vector_store_idx %arg4[%add3A_372, %get3A_368], %broadcast_in_dim3A_3 : memref<400x128xf32, #tpu.memory_space<vmem>>[vector<16xi32>, vector<16xi32>], vector<16xf32>,
        %scan3A_373 = arith.constant 4 : i32
        %scan3A_374 = arith.addi %scan3A_327, %scan3A_373 : i32
        %mul3A_375 = arith.constant 16 : i32
        %mul3A_376 = arith.muli %scan3A_374, %mul3A_375 : i32
        %add3A_377 = arith.constant 800 : i32
        %add3A_378 = arith.addi %add3A_377, %mul3A_376 : i32
        %get3A_379 = arith.index_cast %add3A_378 : i32 to index
        %get3A_380 = tpu.vector_load %arg6[%get3A_379] {strides = array<i32>} : memref<3200xi32, #tpu.memory_space<vmem>>, vector<16xi32>,
        %mul3A_381 = arith.constant 16 : i32
        %mul3A_382 = arith.muli %scan3A_374, %mul3A_381 : i32
        %add3A_383 = vector.broadcast %mul3A_382 : i32 to vector<16xi32>
        %add3A_384 = arith.addi %iota3A, %add3A_383 : vector<16xi32>
        tpu.vector_store_idx %arg4[%add3A_384, %get3A_380], %broadcast_in_dim3A_3 : memref<400x128xf32, #tpu.memory_space<vmem>>[vector<16xi32>, vector<16xi32>], vector<16xf32>,
      }
      %scan3A_216 = arith.constant 25 : i32
      %scan3A_217 = arith.constant 0 : i32
      %scan3A_218 = arith.constant 0 : i32
      %scan3A_219 = arith.constant 25 : i32
      %scan3A_220 = arith.addi %scan3A_218, %scan3A_219 : i32
      %scan3A_221 = arith.constant 5 : i32
      scf.for %scan3A_327 = %scan3A_218 to %scan3A_220 step %scan3A_221  : i32 {
        %mul3A_328 = arith.constant 16 : i32
        %mul3A_329 = arith.muli %scan3A_327, %mul3A_328 : i32
        %add3A_330 = arith.constant 1600 : i32
        %add3A_331 = arith.addi %add3A_330, %mul3A_329 : i32
        %get3A = arith.index_cast %add3A_331 : i32 to index
        %get3A_332 = tpu.vector_load %arg6[%get3A] {strides = array<i32>} : memref<3200xi32, #tpu.memory_space<vmem>>, vector<16xi32>,
        %mul3A_333 = arith.constant 16 : i32
        %mul3A_334 = arith.muli %scan3A_327, %mul3A_333 : i32
        %add3A_335 = vector.broadcast %mul3A_334 : i32 to vector<16xi32>
        %add3A_336 = arith.addi %iota3A, %add3A_335 : vector<16xi32>
        tpu.vector_store_idx %arg4[%add3A_336, %get3A_332], %broadcast_in_dim3A_1 : memref<400x128xf32, #tpu.memory_space<vmem>>[vector<16xi32>, vector<16xi32>], vector<16xf32>,
        %scan3A_337 = arith.constant 1 : i32
        %scan3A_338 = arith.addi %scan3A_327, %scan3A_337 : i32
        %mul3A_339 = arith.constant 16 : i32
        %mul3A_340 = arith.muli %scan3A_338, %mul3A_339 : i32
        %add3A_341 = arith.constant 1600 : i32
        %add3A_342 = arith.addi %add3A_341, %mul3A_340 : i32
        %get3A_343 = arith.index_cast %add3A_342 : i32 to index
        %get3A_344 = tpu.vector_load %arg6[%get3A_343] {strides = array<i32>} : memref<3200xi32, #tpu.memory_space<vmem>>, vector<16xi32>,
        %mul3A_345 = arith.constant 16 : i32
        %mul3A_346 = arith.muli %scan3A_338, %mul3A_345 : i32
        %add3A_347 = vector.broadcast %mul3A_346 : i32 to vector<16xi32>
        %add3A_348 = arith.addi %iota3A, %add3A_347 : vector<16xi32>
        tpu.vector_store_idx %arg4[%add3A_348, %get3A_344], %broadcast_in_dim3A_1 : memref<400x128xf32, #tpu.memory_space<vmem>>[vector<16xi32>, vector<16xi32>], vector<16xf32>,
        %scan3A_349 = arith.constant 2 : i32
        %scan3A_350 = arith.addi %scan3A_327, %scan3A_349 : i32
        %mul3A_351 = arith.constant 16 : i32
        %mul3A_352 = arith.muli %scan3A_350, %mul3A_351 : i32
        %add3A_353 = arith.constant 1600 : i32
        %add3A_354 = arith.addi %add3A_353, %mul3A_352 : i32
        %get3A_355 = arith.index_cast %add3A_354 : i32 to index
        %get3A_356 = tpu.vector_load %arg6[%get3A_355] {strides = array<i32>} : memref<3200xi32, #tpu.memory_space<vmem>>, vector<16xi32>,
        %mul3A_357 = arith.constant 16 : i32
        %mul3A_358 = arith.muli %scan3A_350, %mul3A_357 : i32
        %add3A_359 = vector.broadcast %mul3A_358 : i32 to vector<16xi32>
        %add3A_360 = arith.addi %iota3A, %add3A_359 : vector<16xi32>
        tpu.vector_store_idx %arg4[%add3A_360, %get3A_356], %broadcast_in_dim3A_1 : memref<400x128xf32, #tpu.memory_space<vmem>>[vector<16xi32>, vector<16xi32>], vector<16xf32>,
        %scan3A_361 = arith.constant 3 : i32
        %scan3A_362 = arith.addi %scan3A_327, %scan3A_361 : i32
        %mul3A_363 = arith.constant 16 : i32
        %mul3A_364 = arith.muli %scan3A_362, %mul3A_363 : i32
        %add3A_365 = arith.constant 1600 : i32
        %add3A_366 = arith.addi %add3A_365, %mul3A_364 : i32
        %get3A_367 = arith.index_cast %add3A_366 : i32 to index
        %get3A_368 = tpu.vector_load %arg6[%get3A_367] {strides = array<i32>} : memref<3200xi32, #tpu.memory_space<vmem>>, vector<16xi32>,
        %mul3A_369 = arith.constant 16 : i32
        %mul3A_370 = arith.muli %scan3A_362, %mul3A_369 : i32
        %add3A_371 = vector.broadcast %mul3A_370 : i32 to vector<16xi32>
        %add3A_372 = arith.addi %iota3A, %add3A_371 : vector<16xi32>
        tpu.vector_store_idx %arg4[%add3A_372, %get3A_368], %broadcast_in_dim3A_1 : memref<400x128xf32, #tpu.memory_space<vmem>>[vector<16xi32>, vector<16xi32>], vector<16xf32>,
        %scan3A_373 = arith.constant 4 : i32
        %scan3A_374 = arith.addi %scan3A_327, %scan3A_373 : i32
        %mul3A_375 = arith.constant 16 : i32
        %mul3A_376 = arith.muli %scan3A_374, %mul3A_375 : i32
        %add3A_377 = arith.constant 1600 : i32
        %add3A_378 = arith.addi %add3A_377, %mul3A_376 : i32
        %get3A_379 = arith.index_cast %add3A_378 : i32 to index
        %get3A_380 = tpu.vector_load %arg6[%get3A_379] {strides = array<i32>} : memref<3200xi32, #tpu.memory_space<vmem>>, vector<16xi32>,
        %mul3A_381 = arith.constant 16 : i32
        %mul3A_382 = arith.muli %scan3A_374, %mul3A_381 : i32
        %add3A_383 = vector.broadcast %mul3A_382 : i32 to vector<16xi32>
        %add3A_384 = arith.addi %iota3A, %add3A_383 : vector<16xi32>
        tpu.vector_store_idx %arg4[%add3A_384, %get3A_380], %broadcast_in_dim3A_1 : memref<400x128xf32, #tpu.memory_space<vmem>>[vector<16xi32>, vector<16xi32>], vector<16xf32>,
      }
      %scan3A_222 = arith.constant 25 : i32
      %mul3A_223 = arith.constant 400 : i32
      %mul3A_224 = arith.muli %add3A_200, %mul3A_223 : i32
      %dma_start3A_225 = arith.constant 0 : i32
      %dma_start3A_226 = tpu.memref_slice %arg3[%mul3A_224, %dma_start3A_225] : memref<100000x128xf32, #tpu.memory_space<hbm>> -> memref<400x128xf32, #tpu.memory_space<hbm>>
      %dma_start3A_227 = arith.constant 0 : i32
      %dma_start3A_228 = tpu.memref_slice %arg3[%mul3A_224, %dma_start3A_227] : memref<100000x128xf32, #tpu.memory_space<hbm>> -> memref<400x128xf32, #tpu.memory_space<hbm>>
      tpu.enqueue_dma source(%arg4 : memref<400x128xf32, #tpu.memory_space<vmem>>) target(%dma_start3A_228 : memref<400x128xf32, #tpu.memory_space<hbm>>) target_semaphore(%arg7 : memref<!tpu.dma_semaphore, #tpu.memory_space<semaphore_mem>>)
      %add3A_229 = arith.constant 160 : i32
      %add3A_230 = arith.addi %add3A, %add3A_229 : i32
      %dma_wait3A_231 = arith.constant 2000 : i32
      %dma_wait3A_232 = tpu.memref_slice %arg6[%dma_wait3A_231] : memref<3200xi32, #tpu.memory_space<vmem>> -> memref<400xi32, #tpu.memory_space<vmem>>
      %dma_wait3A_233 = tpu.memref_slice %arg2[%mul3A_62] : memref<100000xi32, #tpu.memory_space<hbm>> -> memref<400xi32, #tpu.memory_space<hbm>>
      %dma_wait3A_234 = arith.constant 2000 : i32
      %dma_wait3A_235 = tpu.memref_slice %arg6[%dma_wait3A_234] : memref<3200xi32, #tpu.memory_space<vmem>> -> memref<400xi32, #tpu.memory_space<vmem>>
      %dma_wait3A_236 = tpu.memref_slice %arg2[%mul3A_62] : memref<100000xi32, #tpu.memory_space<hbm>> -> memref<400xi32, #tpu.memory_space<hbm>>
      tpu.wait_dma2 semaphore(%arg9 : memref<!tpu.dma_semaphore, #tpu.memory_space<semaphore_mem>>) src(%dma_wait3A_236 : memref<400xi32, #tpu.memory_space<hbm>>) dst(%dma_wait3A_235 : memref<400xi32, #tpu.memory_space<vmem>>)
      %dma_wait3A_237 = arith.constant 0 : i32
      %dma_wait3A_238 = tpu.memref_slice %arg3[%mul3A_194, %dma_wait3A_237] : memref<100000x128xf32, #tpu.memory_space<hbm>> -> memref<400x128xf32, #tpu.memory_space<hbm>>
      %dma_wait3A_239 = arith.constant 0 : i32
      %dma_wait3A_240 = tpu.memref_slice %arg3[%mul3A_194, %dma_wait3A_239] : memref<100000x128xf32, #tpu.memory_space<hbm>> -> memref<400x128xf32, #tpu.memory_space<hbm>>
      tpu.wait_dma2 semaphore(%arg8 : memref<!tpu.dma_semaphore, #tpu.memory_space<semaphore_mem>>) src(%arg5 : memref<400x128xf32, #tpu.memory_space<vmem>>) dst(%dma_wait3A_240 : memref<400x128xf32, #tpu.memory_space<hbm>>)
      %scan3A_241 = arith.constant 0 : i32
      %scan3A_242 = arith.constant 0 : i32
      %scan3A_243 = arith.constant 25 : i32
      %scan3A_244 = arith.addi %scan3A_242, %scan3A_243 : i32
      %scan3A_245 = arith.constant 5 : i32
      scf.for %scan3A_327 = %scan3A_242 to %scan3A_244 step %scan3A_245  : i32 {
        %mul3A_328 = arith.constant 16 : i32
        %mul3A_329 = arith.muli %scan3A_327, %mul3A_328 : i32
        %add3A_330 = arith.constant 1200 : i32
        %add3A_331 = arith.addi %add3A_330, %mul3A_329 : i32
        %get3A = arith.index_cast %add3A_331 : i32 to index
        %get3A_332 = tpu.vector_load %arg6[%get3A] {strides = array<i32>} : memref<3200xi32, #tpu.memory_space<vmem>>, vector<16xi32>,
        %mul3A_333 = arith.constant 16 : i32
        %mul3A_334 = arith.muli %scan3A_327, %mul3A_333 : i32
        %add3A_335 = vector.broadcast %mul3A_334 : i32 to vector<16xi32>
        %add3A_336 = arith.addi %iota3A, %add3A_335 : vector<16xi32>
        tpu.vector_store_idx %arg5[%add3A_336, %get3A_332], %broadcast_in_dim3A_3 : memref<400x128xf32, #tpu.memory_space<vmem>>[vector<16xi32>, vector<16xi32>], vector<16xf32>,
        %scan3A_337 = arith.constant 1 : i32
        %scan3A_338 = arith.addi %scan3A_327, %scan3A_337 : i32
        %mul3A_339 = arith.constant 16 : i32
        %mul3A_340 = arith.muli %scan3A_338, %mul3A_339 : i32
        %add3A_341 = arith.constant 1200 : i32
        %add3A_342 = arith.addi %add3A_341, %mul3A_340 : i32
        %get3A_343 = arith.index_cast %add3A_342 : i32 to index
        %get3A_344 = tpu.vector_load %arg6[%get3A_343] {strides = array<i32>} : memref<3200xi32, #tpu.memory_space<vmem>>, vector<16xi32>,
        %mul3A_345 = arith.constant 16 : i32
        %mul3A_346 = arith.muli %scan3A_338, %mul3A_345 : i32
        %add3A_347 = vector.broadcast %mul3A_346 : i32 to vector<16xi32>
        %add3A_348 = arith.addi %iota3A, %add3A_347 : vector<16xi32>
        tpu.vector_store_idx %arg5[%add3A_348, %get3A_344], %broadcast_in_dim3A_3 : memref<400x128xf32, #tpu.memory_space<vmem>>[vector<16xi32>, vector<16xi32>], vector<16xf32>,
        %scan3A_349 = arith.constant 2 : i32
        %scan3A_350 = arith.addi %scan3A_327, %scan3A_349 : i32
        %mul3A_351 = arith.constant 16 : i32
        %mul3A_352 = arith.muli %scan3A_350, %mul3A_351 : i32
        %add3A_353 = arith.constant 1200 : i32
        %add3A_354 = arith.addi %add3A_353, %mul3A_352 : i32
        %get3A_355 = arith.index_cast %add3A_354 : i32 to index
        %get3A_356 = tpu.vector_load %arg6[%get3A_355] {strides = array<i32>} : memref<3200xi32, #tpu.memory_space<vmem>>, vector<16xi32>,
        %mul3A_357 = arith.constant 16 : i32
        %mul3A_358 = arith.muli %scan3A_350, %mul3A_357 : i32
        %add3A_359 = vector.broadcast %mul3A_358 : i32 to vector<16xi32>
        %add3A_360 = arith.addi %iota3A, %add3A_359 : vector<16xi32>
        tpu.vector_store_idx %arg5[%add3A_360, %get3A_356], %broadcast_in_dim3A_3 : memref<400x128xf32, #tpu.memory_space<vmem>>[vector<16xi32>, vector<16xi32>], vector<16xf32>,
        %scan3A_361 = arith.constant 3 : i32
        %scan3A_362 = arith.addi %scan3A_327, %scan3A_361 : i32
        %mul3A_363 = arith.constant 16 : i32
        %mul3A_364 = arith.muli %scan3A_362, %mul3A_363 : i32
        %add3A_365 = arith.constant 1200 : i32
        %add3A_366 = arith.addi %add3A_365, %mul3A_364 : i32
        %get3A_367 = arith.index_cast %add3A_366 : i32 to index
        %get3A_368 = tpu.vector_load %arg6[%get3A_367] {strides = array<i32>} : memref<3200xi32, #tpu.memory_space<vmem>>, vector<16xi32>,
        %mul3A_369 = arith.constant 16 : i32
        %mul3A_370 = arith.muli %scan3A_362, %mul3A_369 : i32
        %add3A_371 = vector.broadcast %mul3A_370 : i32 to vector<16xi32>
        %add3A_372 = arith.addi %iota3A, %add3A_371 : vector<16xi32>
        tpu.vector_store_idx %arg5[%add3A_372, %get3A_368], %broadcast_in_dim3A_3 : memref<400x128xf32, #tpu.memory_space<vmem>>[vector<16xi32>, vector<16xi32>], vector<16xf32>,
        %scan3A_373 = arith.constant 4 : i32
        %scan3A_374 = arith.addi %scan3A_327, %scan3A_373 : i32
        %mul3A_375 = arith.constant 16 : i32
        %mul3A_376 = arith.muli %scan3A_374, %mul3A_375 : i32
        %add3A_377 = arith.constant 1200 : i32
        %add3A_378 = arith.addi %add3A_377, %mul3A_376 : i32
        %get3A_379 = arith.index_cast %add3A_378 : i32 to index
        %get3A_380 = tpu.vector_load %arg6[%get3A_379] {strides = array<i32>} : memref<3200xi32, #tpu.memory_space<vmem>>, vector<16xi32>,
        %mul3A_381 = arith.constant 16 : i32
        %mul3A_382 = arith.muli %scan3A_374, %mul3A_381 : i32
        %add3A_383 = vector.broadcast %mul3A_382 : i32 to vector<16xi32>
        %add3A_384 = arith.addi %iota3A, %add3A_383 : vector<16xi32>
        tpu.vector_store_idx %arg5[%add3A_384, %get3A_380], %broadcast_in_dim3A_3 : memref<400x128xf32, #tpu.memory_space<vmem>>[vector<16xi32>, vector<16xi32>], vector<16xf32>,
      }
      %scan3A_246 = arith.constant 25 : i32
      %scan3A_247 = arith.constant 0 : i32
      %scan3A_248 = arith.constant 0 : i32
      %scan3A_249 = arith.constant 25 : i32
      %scan3A_250 = arith.addi %scan3A_248, %scan3A_249 : i32
      %scan3A_251 = arith.constant 5 : i32
      scf.for %scan3A_327 = %scan3A_248 to %scan3A_250 step %scan3A_251  : i32 {
        %mul3A_328 = arith.constant 16 : i32
        %mul3A_329 = arith.muli %scan3A_327, %mul3A_328 : i32
        %add3A_330 = arith.constant 2000 : i32
        %add3A_331 = arith.addi %add3A_330, %mul3A_329 : i32
        %get3A = arith.index_cast %add3A_331 : i32 to index
        %get3A_332 = tpu.vector_load %arg6[%get3A] {strides = array<i32>} : memref<3200xi32, #tpu.memory_space<vmem>>, vector<16xi32>,
        %mul3A_333 = arith.constant 16 : i32
        %mul3A_334 = arith.muli %scan3A_327, %mul3A_333 : i32
        %add3A_335 = vector.broadcast %mul3A_334 : i32 to vector<16xi32>
        %add3A_336 = arith.addi %iota3A, %add3A_335 : vector<16xi32>
        tpu.vector_store_idx %arg5[%add3A_336, %get3A_332], %broadcast_in_dim3A_1 : memref<400x128xf32, #tpu.memory_space<vmem>>[vector<16xi32>, vector<16xi32>], vector<16xf32>,
        %scan3A_337 = arith.constant 1 : i32
        %scan3A_338 = arith.addi %scan3A_327, %scan3A_337 : i32
        %mul3A_339 = arith.constant 16 : i32
        %mul3A_340 = arith.muli %scan3A_338, %mul3A_339 : i32
        %add3A_341 = arith.constant 2000 : i32
        %add3A_342 = arith.addi %add3A_341, %mul3A_340 : i32
        %get3A_343 = arith.index_cast %add3A_342 : i32 to index
        %get3A_344 = tpu.vector_load %arg6[%get3A_343] {strides = array<i32>} : memref<3200xi32, #tpu.memory_space<vmem>>, vector<16xi32>,
        %mul3A_345 = arith.constant 16 : i32
        %mul3A_346 = arith.muli %scan3A_338, %mul3A_345 : i32
        %add3A_347 = vector.broadcast %mul3A_346 : i32 to vector<16xi32>
        %add3A_348 = arith.addi %iota3A, %add3A_347 : vector<16xi32>
        tpu.vector_store_idx %arg5[%add3A_348, %get3A_344], %broadcast_in_dim3A_1 : memref<400x128xf32, #tpu.memory_space<vmem>>[vector<16xi32>, vector<16xi32>], vector<16xf32>,
        %scan3A_349 = arith.constant 2 : i32
        %scan3A_350 = arith.addi %scan3A_327, %scan3A_349 : i32
        %mul3A_351 = arith.constant 16 : i32
        %mul3A_352 = arith.muli %scan3A_350, %mul3A_351 : i32
        %add3A_353 = arith.constant 2000 : i32
        %add3A_354 = arith.addi %add3A_353, %mul3A_352 : i32
        %get3A_355 = arith.index_cast %add3A_354 : i32 to index
        %get3A_356 = tpu.vector_load %arg6[%get3A_355] {strides = array<i32>} : memref<3200xi32, #tpu.memory_space<vmem>>, vector<16xi32>,
        %mul3A_357 = arith.constant 16 : i32
        %mul3A_358 = arith.muli %scan3A_350, %mul3A_357 : i32
        %add3A_359 = vector.broadcast %mul3A_358 : i32 to vector<16xi32>
        %add3A_360 = arith.addi %iota3A, %add3A_359 : vector<16xi32>
        tpu.vector_store_idx %arg5[%add3A_360, %get3A_356], %broadcast_in_dim3A_1 : memref<400x128xf32, #tpu.memory_space<vmem>>[vector<16xi32>, vector<16xi32>], vector<16xf32>,
        %scan3A_361 = arith.constant 3 : i32
        %scan3A_362 = arith.addi %scan3A_327, %scan3A_361 : i32
        %mul3A_363 = arith.constant 16 : i32
        %mul3A_364 = arith.muli %scan3A_362, %mul3A_363 : i32
        %add3A_365 = arith.constant 2000 : i32
        %add3A_366 = arith.addi %add3A_365, %mul3A_364 : i32
        %get3A_367 = arith.index_cast %add3A_366 : i32 to index
        %get3A_368 = tpu.vector_load %arg6[%get3A_367] {strides = array<i32>} : memref<3200xi32, #tpu.memory_space<vmem>>, vector<16xi32>,
        %mul3A_369 = arith.constant 16 : i32
        %mul3A_370 = arith.muli %scan3A_362, %mul3A_369 : i32
        %add3A_371 = vector.broadcast %mul3A_370 : i32 to vector<16xi32>
        %add3A_372 = arith.addi %iota3A, %add3A_371 : vector<16xi32>
        tpu.vector_store_idx %arg5[%add3A_372, %get3A_368], %broadcast_in_dim3A_1 : memref<400x128xf32, #tpu.memory_space<vmem>>[vector<16xi32>, vector<16xi32>], vector<16xf32>,
        %scan3A_373 = arith.constant 4 : i32
        %scan3A_374 = arith.addi %scan3A_327, %scan3A_373 : i32
        %mul3A_375 = arith.constant 16 : i32
        %mul3A_376 = arith.muli %scan3A_374, %mul3A_375 : i32
        %add3A_377 = arith.constant 2000 : i32
        %add3A_378 = arith.addi %add3A_377, %mul3A_376 : i32
        %get3A_379 = arith.index_cast %add3A_378 : i32 to index
        %get3A_380 = tpu.vector_load %arg6[%get3A_379] {strides = array<i32>} : memref<3200xi32, #tpu.memory_space<vmem>>, vector<16xi32>,
        %mul3A_381 = arith.constant 16 : i32
        %mul3A_382 = arith.muli %scan3A_374, %mul3A_381 : i32
        %add3A_383 = vector.broadcast %mul3A_382 : i32 to vector<16xi32>
        %add3A_384 = arith.addi %iota3A, %add3A_383 : vector<16xi32>
        tpu.vector_store_idx %arg5[%add3A_384, %get3A_380], %broadcast_in_dim3A_1 : memref<400x128xf32, #tpu.memory_space<vmem>>[vector<16xi32>, vector<16xi32>], vector<16xf32>,
      }
      %scan3A_252 = arith.constant 25 : i32
      %mul3A_253 = arith.constant 400 : i32
      %mul3A_254 = arith.muli %add3A_230, %mul3A_253 : i32
      %dma_start3A_255 = arith.constant 0 : i32
      %dma_start3A_256 = tpu.memref_slice %arg3[%mul3A_254, %dma_start3A_255] : memref<100000x128xf32, #tpu.memory_space<hbm>> -> memref<400x128xf32, #tpu.memory_space<hbm>>
      %dma_start3A_257 = arith.constant 0 : i32
      %dma_start3A_258 = tpu.memref_slice %arg3[%mul3A_254, %dma_start3A_257] : memref<100000x128xf32, #tpu.memory_space<hbm>> -> memref<400x128xf32, #tpu.memory_space<hbm>>
      tpu.enqueue_dma source(%arg5 : memref<400x128xf32, #tpu.memory_space<vmem>>) target(%dma_start3A_258 : memref<400x128xf32, #tpu.memory_space<hbm>>) target_semaphore(%arg8 : memref<!tpu.dma_semaphore, #tpu.memory_space<semaphore_mem>>)
      %add3A_259 = arith.constant 192 : i32
      %add3A_260 = arith.addi %add3A, %add3A_259 : i32
      %dma_wait3A_261 = arith.constant 2400 : i32
      %dma_wait3A_262 = tpu.memref_slice %arg6[%dma_wait3A_261] : memref<3200xi32, #tpu.memory_space<vmem>> -> memref<400xi32, #tpu.memory_space<vmem>>
      %dma_wait3A_263 = tpu.memref_slice %arg2[%mul3A_72] : memref<100000xi32, #tpu.memory_space<hbm>> -> memref<400xi32, #tpu.memory_space<hbm>>
      %dma_wait3A_264 = arith.constant 2400 : i32
      %dma_wait3A_265 = tpu.memref_slice %arg6[%dma_wait3A_264] : memref<3200xi32, #tpu.memory_space<vmem>> -> memref<400xi32, #tpu.memory_space<vmem>>
      %dma_wait3A_266 = tpu.memref_slice %arg2[%mul3A_72] : memref<100000xi32, #tpu.memory_space<hbm>> -> memref<400xi32, #tpu.memory_space<hbm>>
      tpu.wait_dma2 semaphore(%arg9 : memref<!tpu.dma_semaphore, #tpu.memory_space<semaphore_mem>>) src(%dma_wait3A_266 : memref<400xi32, #tpu.memory_space<hbm>>) dst(%dma_wait3A_265 : memref<400xi32, #tpu.memory_space<vmem>>)
      %dma_wait3A_267 = arith.constant 0 : i32
      %dma_wait3A_268 = tpu.memref_slice %arg3[%mul3A_224, %dma_wait3A_267] : memref<100000x128xf32, #tpu.memory_space<hbm>> -> memref<400x128xf32, #tpu.memory_space<hbm>>
      %dma_wait3A_269 = arith.constant 0 : i32
      %dma_wait3A_270 = tpu.memref_slice %arg3[%mul3A_224, %dma_wait3A_269] : memref<100000x128xf32, #tpu.memory_space<hbm>> -> memref<400x128xf32, #tpu.memory_space<hbm>>
      tpu.wait_dma2 semaphore(%arg7 : memref<!tpu.dma_semaphore, #tpu.memory_space<semaphore_mem>>) src(%arg4 : memref<400x128xf32, #tpu.memory_space<vmem>>) dst(%dma_wait3A_270 : memref<400x128xf32, #tpu.memory_space<hbm>>)
      %scan3A_271 = arith.constant 0 : i32
      %scan3A_272 = arith.constant 0 : i32
      %scan3A_273 = arith.constant 25 : i32
      %scan3A_274 = arith.addi %scan3A_272, %scan3A_273 : i32
      %scan3A_275 = arith.constant 5 : i32
      scf.for %scan3A_327 = %scan3A_272 to %scan3A_274 step %scan3A_275  : i32 {
        %mul3A_328 = arith.constant 16 : i32
        %mul3A_329 = arith.muli %scan3A_327, %mul3A_328 : i32
        %add3A_330 = arith.constant 1600 : i32
        %add3A_331 = arith.addi %add3A_330, %mul3A_329 : i32
        %get3A = arith.index_cast %add3A_331 : i32 to index
        %get3A_332 = tpu.vector_load %arg6[%get3A] {strides = array<i32>} : memref<3200xi32, #tpu.memory_space<vmem>>, vector<16xi32>,
        %mul3A_333 = arith.constant 16 : i32
        %mul3A_334 = arith.muli %scan3A_327, %mul3A_333 : i32
        %add3A_335 = vector.broadcast %mul3A_334 : i32 to vector<16xi32>
        %add3A_336 = arith.addi %iota3A, %add3A_335 : vector<16xi32>
        tpu.vector_store_idx %arg4[%add3A_336, %get3A_332], %broadcast_in_dim3A_3 : memref<400x128xf32, #tpu.memory_space<vmem>>[vector<16xi32>, vector<16xi32>], vector<16xf32>,
        %scan3A_337 = arith.constant 1 : i32
        %scan3A_338 = arith.addi %scan3A_327, %scan3A_337 : i32
        %mul3A_339 = arith.constant 16 : i32
        %mul3A_340 = arith.muli %scan3A_338, %mul3A_339 : i32
        %add3A_341 = arith.constant 1600 : i32
        %add3A_342 = arith.addi %add3A_341, %mul3A_340 : i32
        %get3A_343 = arith.index_cast %add3A_342 : i32 to index
        %get3A_344 = tpu.vector_load %arg6[%get3A_343] {strides = array<i32>} : memref<3200xi32, #tpu.memory_space<vmem>>, vector<16xi32>,
        %mul3A_345 = arith.constant 16 : i32
        %mul3A_346 = arith.muli %scan3A_338, %mul3A_345 : i32
        %add3A_347 = vector.broadcast %mul3A_346 : i32 to vector<16xi32>
        %add3A_348 = arith.addi %iota3A, %add3A_347 : vector<16xi32>
        tpu.vector_store_idx %arg4[%add3A_348, %get3A_344], %broadcast_in_dim3A_3 : memref<400x128xf32, #tpu.memory_space<vmem>>[vector<16xi32>, vector<16xi32>], vector<16xf32>,
        %scan3A_349 = arith.constant 2 : i32
        %scan3A_350 = arith.addi %scan3A_327, %scan3A_349 : i32
        %mul3A_351 = arith.constant 16 : i32
        %mul3A_352 = arith.muli %scan3A_350, %mul3A_351 : i32
        %add3A_353 = arith.constant 1600 : i32
        %add3A_354 = arith.addi %add3A_353, %mul3A_352 : i32
        %get3A_355 = arith.index_cast %add3A_354 : i32 to index
        %get3A_356 = tpu.vector_load %arg6[%get3A_355] {strides = array<i32>} : memref<3200xi32, #tpu.memory_space<vmem>>, vector<16xi32>,
        %mul3A_357 = arith.constant 16 : i32
        %mul3A_358 = arith.muli %scan3A_350, %mul3A_357 : i32
        %add3A_359 = vector.broadcast %mul3A_358 : i32 to vector<16xi32>
        %add3A_360 = arith.addi %iota3A, %add3A_359 : vector<16xi32>
        tpu.vector_store_idx %arg4[%add3A_360, %get3A_356], %broadcast_in_dim3A_3 : memref<400x128xf32, #tpu.memory_space<vmem>>[vector<16xi32>, vector<16xi32>], vector<16xf32>,
        %scan3A_361 = arith.constant 3 : i32
        %scan3A_362 = arith.addi %scan3A_327, %scan3A_361 : i32
        %mul3A_363 = arith.constant 16 : i32
        %mul3A_364 = arith.muli %scan3A_362, %mul3A_363 : i32
        %add3A_365 = arith.constant 1600 : i32
        %add3A_366 = arith.addi %add3A_365, %mul3A_364 : i32
        %get3A_367 = arith.index_cast %add3A_366 : i32 to index
        %get3A_368 = tpu.vector_load %arg6[%get3A_367] {strides = array<i32>} : memref<3200xi32, #tpu.memory_space<vmem>>, vector<16xi32>,
        %mul3A_369 = arith.constant 16 : i32
        %mul3A_370 = arith.muli %scan3A_362, %mul3A_369 : i32
        %add3A_371 = vector.broadcast %mul3A_370 : i32 to vector<16xi32>
        %add3A_372 = arith.addi %iota3A, %add3A_371 : vector<16xi32>
        tpu.vector_store_idx %arg4[%add3A_372, %get3A_368], %broadcast_in_dim3A_3 : memref<400x128xf32, #tpu.memory_space<vmem>>[vector<16xi32>, vector<16xi32>], vector<16xf32>,
        %scan3A_373 = arith.constant 4 : i32
        %scan3A_374 = arith.addi %scan3A_327, %scan3A_373 : i32
        %mul3A_375 = arith.constant 16 : i32
        %mul3A_376 = arith.muli %scan3A_374, %mul3A_375 : i32
        %add3A_377 = arith.constant 1600 : i32
        %add3A_378 = arith.addi %add3A_377, %mul3A_376 : i32
        %get3A_379 = arith.index_cast %add3A_378 : i32 to index
        %get3A_380 = tpu.vector_load %arg6[%get3A_379] {strides = array<i32>} : memref<3200xi32, #tpu.memory_space<vmem>>, vector<16xi32>,
        %mul3A_381 = arith.constant 16 : i32
        %mul3A_382 = arith.muli %scan3A_374, %mul3A_381 : i32
        %add3A_383 = vector.broadcast %mul3A_382 : i32 to vector<16xi32>
        %add3A_384 = arith.addi %iota3A, %add3A_383 : vector<16xi32>
        tpu.vector_store_idx %arg4[%add3A_384, %get3A_380], %broadcast_in_dim3A_3 : memref<400x128xf32, #tpu.memory_space<vmem>>[vector<16xi32>, vector<16xi32>], vector<16xf32>,
      }
      %scan3A_276 = arith.constant 25 : i32
      %scan3A_277 = arith.constant 0 : i32
      %scan3A_278 = arith.constant 0 : i32
      %scan3A_279 = arith.constant 25 : i32
      %scan3A_280 = arith.addi %scan3A_278, %scan3A_279 : i32
      %scan3A_281 = arith.constant 5 : i32
      scf.for %scan3A_327 = %scan3A_278 to %scan3A_280 step %scan3A_281  : i32 {
        %mul3A_328 = arith.constant 16 : i32
        %mul3A_329 = arith.muli %scan3A_327, %mul3A_328 : i32
        %add3A_330 = arith.constant 2400 : i32
        %add3A_331 = arith.addi %add3A_330, %mul3A_329 : i32
        %get3A = arith.index_cast %add3A_331 : i32 to index
        %get3A_332 = tpu.vector_load %arg6[%get3A] {strides = array<i32>} : memref<3200xi32, #tpu.memory_space<vmem>>, vector<16xi32>,
        %mul3A_333 = arith.constant 16 : i32
        %mul3A_334 = arith.muli %scan3A_327, %mul3A_333 : i32
        %add3A_335 = vector.broadcast %mul3A_334 : i32 to vector<16xi32>
        %add3A_336 = arith.addi %iota3A, %add3A_335 : vector<16xi32>
        tpu.vector_store_idx %arg4[%add3A_336, %get3A_332], %broadcast_in_dim3A_1 : memref<400x128xf32, #tpu.memory_space<vmem>>[vector<16xi32>, vector<16xi32>], vector<16xf32>,
        %scan3A_337 = arith.constant 1 : i32
        %scan3A_338 = arith.addi %scan3A_327, %scan3A_337 : i32
        %mul3A_339 = arith.constant 16 : i32
        %mul3A_340 = arith.muli %scan3A_338, %mul3A_339 : i32
        %add3A_341 = arith.constant 2400 : i32
        %add3A_342 = arith.addi %add3A_341, %mul3A_340 : i32
        %get3A_343 = arith.index_cast %add3A_342 : i32 to index
        %get3A_344 = tpu.vector_load %arg6[%get3A_343] {strides = array<i32>} : memref<3200xi32, #tpu.memory_space<vmem>>, vector<16xi32>,
        %mul3A_345 = arith.constant 16 : i32
        %mul3A_346 = arith.muli %scan3A_338, %mul3A_345 : i32
        %add3A_347 = vector.broadcast %mul3A_346 : i32 to vector<16xi32>
        %add3A_348 = arith.addi %iota3A, %add3A_347 : vector<16xi32>
        tpu.vector_store_idx %arg4[%add3A_348, %get3A_344], %broadcast_in_dim3A_1 : memref<400x128xf32, #tpu.memory_space<vmem>>[vector<16xi32>, vector<16xi32>], vector<16xf32>,
        %scan3A_349 = arith.constant 2 : i32
        %scan3A_350 = arith.addi %scan3A_327, %scan3A_349 : i32
        %mul3A_351 = arith.constant 16 : i32
        %mul3A_352 = arith.muli %scan3A_350, %mul3A_351 : i32
        %add3A_353 = arith.constant 2400 : i32
        %add3A_354 = arith.addi %add3A_353, %mul3A_352 : i32
        %get3A_355 = arith.index_cast %add3A_354 : i32 to index
        %get3A_356 = tpu.vector_load %arg6[%get3A_355] {strides = array<i32>} : memref<3200xi32, #tpu.memory_space<vmem>>, vector<16xi32>,
        %mul3A_357 = arith.constant 16 : i32
        %mul3A_358 = arith.muli %scan3A_350, %mul3A_357 : i32
        %add3A_359 = vector.broadcast %mul3A_358 : i32 to vector<16xi32>
        %add3A_360 = arith.addi %iota3A, %add3A_359 : vector<16xi32>
        tpu.vector_store_idx %arg4[%add3A_360, %get3A_356], %broadcast_in_dim3A_1 : memref<400x128xf32, #tpu.memory_space<vmem>>[vector<16xi32>, vector<16xi32>], vector<16xf32>,
        %scan3A_361 = arith.constant 3 : i32
        %scan3A_362 = arith.addi %scan3A_327, %scan3A_361 : i32
        %mul3A_363 = arith.constant 16 : i32
        %mul3A_364 = arith.muli %scan3A_362, %mul3A_363 : i32
        %add3A_365 = arith.constant 2400 : i32
        %add3A_366 = arith.addi %add3A_365, %mul3A_364 : i32
        %get3A_367 = arith.index_cast %add3A_366 : i32 to index
        %get3A_368 = tpu.vector_load %arg6[%get3A_367] {strides = array<i32>} : memref<3200xi32, #tpu.memory_space<vmem>>, vector<16xi32>,
        %mul3A_369 = arith.constant 16 : i32
        %mul3A_370 = arith.muli %scan3A_362, %mul3A_369 : i32
        %add3A_371 = vector.broadcast %mul3A_370 : i32 to vector<16xi32>
        %add3A_372 = arith.addi %iota3A, %add3A_371 : vector<16xi32>
        tpu.vector_store_idx %arg4[%add3A_372, %get3A_368], %broadcast_in_dim3A_1 : memref<400x128xf32, #tpu.memory_space<vmem>>[vector<16xi32>, vector<16xi32>], vector<16xf32>,
        %scan3A_373 = arith.constant 4 : i32
        %scan3A_374 = arith.addi %scan3A_327, %scan3A_373 : i32
        %mul3A_375 = arith.constant 16 : i32
        %mul3A_376 = arith.muli %scan3A_374, %mul3A_375 : i32
        %add3A_377 = arith.constant 2400 : i32
        %add3A_378 = arith.addi %add3A_377, %mul3A_376 : i32
        %get3A_379 = arith.index_cast %add3A_378 : i32 to index
        %get3A_380 = tpu.vector_load %arg6[%get3A_379] {strides = array<i32>} : memref<3200xi32, #tpu.memory_space<vmem>>, vector<16xi32>,
        %mul3A_381 = arith.constant 16 : i32
        %mul3A_382 = arith.muli %scan3A_374, %mul3A_381 : i32
        %add3A_383 = vector.broadcast %mul3A_382 : i32 to vector<16xi32>
        %add3A_384 = arith.addi %iota3A, %add3A_383 : vector<16xi32>
        tpu.vector_store_idx %arg4[%add3A_384, %get3A_380], %broadcast_in_dim3A_1 : memref<400x128xf32, #tpu.memory_space<vmem>>[vector<16xi32>, vector<16xi32>], vector<16xf32>,
      }
      %scan3A_282 = arith.constant 25 : i32
      %mul3A_283 = arith.constant 400 : i32
      %mul3A_284 = arith.muli %add3A_260, %mul3A_283 : i32
      %dma_start3A_285 = arith.constant 0 : i32
      %dma_start3A_286 = tpu.memref_slice %arg3[%mul3A_284, %dma_start3A_285] : memref<100000x128xf32, #tpu.memory_space<hbm>> -> memref<400x128xf32, #tpu.memory_space<hbm>>
      %dma_start3A_287 = arith.constant 0 : i32
      %dma_start3A_288 = tpu.memref_slice %arg3[%mul3A_284, %dma_start3A_287] : memref<100000x128xf32, #tpu.memory_space<hbm>> -> memref<400x128xf32, #tpu.memory_space<hbm>>
      tpu.enqueue_dma source(%arg4 : memref<400x128xf32, #tpu.memory_space<vmem>>) target(%dma_start3A_288 : memref<400x128xf32, #tpu.memory_space<hbm>>) target_semaphore(%arg7 : memref<!tpu.dma_semaphore, #tpu.memory_space<semaphore_mem>>)
      %add3A_289 = arith.constant 224 : i32
      %add3A_290 = arith.addi %add3A, %add3A_289 : i32
      %dma_wait3A_291 = arith.constant 2800 : i32
      %dma_wait3A_292 = tpu.memref_slice %arg6[%dma_wait3A_291] : memref<3200xi32, #tpu.memory_space<vmem>> -> memref<400xi32, #tpu.memory_space<vmem>>
      %dma_wait3A_293 = tpu.memref_slice %arg2[%mul3A_82] : memref<100000xi32, #tpu.memory_space<hbm>> -> memref<400xi32, #tpu.memory_space<hbm>>
      %dma_wait3A_294 = arith.constant 2800 : i32
      %dma_wait3A_295 = tpu.memref_slice %arg6[%dma_wait3A_294] : memref<3200xi32, #tpu.memory_space<vmem>> -> memref<400xi32, #tpu.memory_space<vmem>>
      %dma_wait3A_296 = tpu.memref_slice %arg2[%mul3A_82] : memref<100000xi32, #tpu.memory_space<hbm>> -> memref<400xi32, #tpu.memory_space<hbm>>
      tpu.wait_dma2 semaphore(%arg9 : memref<!tpu.dma_semaphore, #tpu.memory_space<semaphore_mem>>) src(%dma_wait3A_296 : memref<400xi32, #tpu.memory_space<hbm>>) dst(%dma_wait3A_295 : memref<400xi32, #tpu.memory_space<vmem>>)
      %dma_wait3A_297 = arith.constant 0 : i32
      %dma_wait3A_298 = tpu.memref_slice %arg3[%mul3A_254, %dma_wait3A_297] : memref<100000x128xf32, #tpu.memory_space<hbm>> -> memref<400x128xf32, #tpu.memory_space<hbm>>
      %dma_wait3A_299 = arith.constant 0 : i32
      %dma_wait3A_300 = tpu.memref_slice %arg3[%mul3A_254, %dma_wait3A_299] : memref<100000x128xf32, #tpu.memory_space<hbm>> -> memref<400x128xf32, #tpu.memory_space<hbm>>
      tpu.wait_dma2 semaphore(%arg8 : memref<!tpu.dma_semaphore, #tpu.memory_space<semaphore_mem>>) src(%arg5 : memref<400x128xf32, #tpu.memory_space<vmem>>) dst(%dma_wait3A_300 : memref<400x128xf32, #tpu.memory_space<hbm>>)
      %scan3A_301 = arith.constant 0 : i32
      %scan3A_302 = arith.constant 0 : i32
      %scan3A_303 = arith.constant 25 : i32
      %scan3A_304 = arith.addi %scan3A_302, %scan3A_303 : i32
      %scan3A_305 = arith.constant 5 : i32
      scf.for %scan3A_327 = %scan3A_302 to %scan3A_304 step %scan3A_305  : i32 {
        %mul3A_328 = arith.constant 16 : i32
        %mul3A_329 = arith.muli %scan3A_327, %mul3A_328 : i32
        %add3A_330 = arith.constant 2000 : i32
        %add3A_331 = arith.addi %add3A_330, %mul3A_329 : i32
        %get3A = arith.index_cast %add3A_331 : i32 to index
        %get3A_332 = tpu.vector_load %arg6[%get3A] {strides = array<i32>} : memref<3200xi32, #tpu.memory_space<vmem>>, vector<16xi32>,
        %mul3A_333 = arith.constant 16 : i32
        %mul3A_334 = arith.muli %scan3A_327, %mul3A_333 : i32
        %add3A_335 = vector.broadcast %mul3A_334 : i32 to vector<16xi32>
        %add3A_336 = arith.addi %iota3A, %add3A_335 : vector<16xi32>
        tpu.vector_store_idx %arg5[%add3A_336, %get3A_332], %broadcast_in_dim3A_3 : memref<400x128xf32, #tpu.memory_space<vmem>>[vector<16xi32>, vector<16xi32>], vector<16xf32>,
        %scan3A_337 = arith.constant 1 : i32
        %scan3A_338 = arith.addi %scan3A_327, %scan3A_337 : i32
        %mul3A_339 = arith.constant 16 : i32
        %mul3A_340 = arith.muli %scan3A_338, %mul3A_339 : i32
        %add3A_341 = arith.constant 2000 : i32
        %add3A_342 = arith.addi %add3A_341, %mul3A_340 : i32
        %get3A_343 = arith.index_cast %add3A_342 : i32 to index
        %get3A_344 = tpu.vector_load %arg6[%get3A_343] {strides = array<i32>} : memref<3200xi32, #tpu.memory_space<vmem>>, vector<16xi32>,
        %mul3A_345 = arith.constant 16 : i32
        %mul3A_346 = arith.muli %scan3A_338, %mul3A_345 : i32
        %add3A_347 = vector.broadcast %mul3A_346 : i32 to vector<16xi32>
        %add3A_348 = arith.addi %iota3A, %add3A_347 : vector<16xi32>
        tpu.vector_store_idx %arg5[%add3A_348, %get3A_344], %broadcast_in_dim3A_3 : memref<400x128xf32, #tpu.memory_space<vmem>>[vector<16xi32>, vector<16xi32>], vector<16xf32>,
        %scan3A_349 = arith.constant 2 : i32
        %scan3A_350 = arith.addi %scan3A_327, %scan3A_349 : i32
        %mul3A_351 = arith.constant 16 : i32
        %mul3A_352 = arith.muli %scan3A_350, %mul3A_351 : i32
        %add3A_353 = arith.constant 2000 : i32
        %add3A_354 = arith.addi %add3A_353, %mul3A_352 : i32
        %get3A_355 = arith.index_cast %add3A_354 : i32 to index
        %get3A_356 = tpu.vector_load %arg6[%get3A_355] {strides = array<i32>} : memref<3200xi32, #tpu.memory_space<vmem>>, vector<16xi32>,
        %mul3A_357 = arith.constant 16 : i32
        %mul3A_358 = arith.muli %scan3A_350, %mul3A_357 : i32
        %add3A_359 = vector.broadcast %mul3A_358 : i32 to vector<16xi32>
        %add3A_360 = arith.addi %iota3A, %add3A_359 : vector<16xi32>
        tpu.vector_store_idx %arg5[%add3A_360, %get3A_356], %broadcast_in_dim3A_3 : memref<400x128xf32, #tpu.memory_space<vmem>>[vector<16xi32>, vector<16xi32>], vector<16xf32>,
        %scan3A_361 = arith.constant 3 : i32
        %scan3A_362 = arith.addi %scan3A_327, %scan3A_361 : i32
        %mul3A_363 = arith.constant 16 : i32
        %mul3A_364 = arith.muli %scan3A_362, %mul3A_363 : i32
        %add3A_365 = arith.constant 2000 : i32
        %add3A_366 = arith.addi %add3A_365, %mul3A_364 : i32
        %get3A_367 = arith.index_cast %add3A_366 : i32 to index
        %get3A_368 = tpu.vector_load %arg6[%get3A_367] {strides = array<i32>} : memref<3200xi32, #tpu.memory_space<vmem>>, vector<16xi32>,
        %mul3A_369 = arith.constant 16 : i32
        %mul3A_370 = arith.muli %scan3A_362, %mul3A_369 : i32
        %add3A_371 = vector.broadcast %mul3A_370 : i32 to vector<16xi32>
        %add3A_372 = arith.addi %iota3A, %add3A_371 : vector<16xi32>
        tpu.vector_store_idx %arg5[%add3A_372, %get3A_368], %broadcast_in_dim3A_3 : memref<400x128xf32, #tpu.memory_space<vmem>>[vector<16xi32>, vector<16xi32>], vector<16xf32>,
        %scan3A_373 = arith.constant 4 : i32
        %scan3A_374 = arith.addi %scan3A_327, %scan3A_373 : i32
        %mul3A_375 = arith.constant 16 : i32
        %mul3A_376 = arith.muli %scan3A_374, %mul3A_375 : i32
        %add3A_377 = arith.constant 2000 : i32
        %add3A_378 = arith.addi %add3A_377, %mul3A_376 : i32
        %get3A_379 = arith.index_cast %add3A_378 : i32 to index
        %get3A_380 = tpu.vector_load %arg6[%get3A_379] {strides = array<i32>} : memref<3200xi32, #tpu.memory_space<vmem>>, vector<16xi32>,
        %mul3A_381 = arith.constant 16 : i32
        %mul3A_382 = arith.muli %scan3A_374, %mul3A_381 : i32
        %add3A_383 = vector.broadcast %mul3A_382 : i32 to vector<16xi32>
        %add3A_384 = arith.addi %iota3A, %add3A_383 : vector<16xi32>
        tpu.vector_store_idx %arg5[%add3A_384, %get3A_380], %broadcast_in_dim3A_3 : memref<400x128xf32, #tpu.memory_space<vmem>>[vector<16xi32>, vector<16xi32>], vector<16xf32>,
      }
      %scan3A_306 = arith.constant 25 : i32
      %scan3A_307 = arith.constant 0 : i32
      %scan3A_308 = arith.constant 0 : i32
      %scan3A_309 = arith.constant 25 : i32
      %scan3A_310 = arith.addi %scan3A_308, %scan3A_309 : i32
      %scan3A_311 = arith.constant 5 : i32
      scf.for %scan3A_327 = %scan3A_308 to %scan3A_310 step %scan3A_311  : i32 {
        %mul3A_328 = arith.constant 16 : i32
        %mul3A_329 = arith.muli %scan3A_327, %mul3A_328 : i32
        %add3A_330 = arith.constant 2800 : i32
        %add3A_331 = arith.addi %add3A_330, %mul3A_329 : i32
        %get3A = arith.index_cast %add3A_331 : i32 to index
        %get3A_332 = tpu.vector_load %arg6[%get3A] {strides = array<i32>} : memref<3200xi32, #tpu.memory_space<vmem>>, vector<16xi32>,
        %mul3A_333 = arith.constant 16 : i32
        %mul3A_334 = arith.muli %scan3A_327, %mul3A_333 : i32
        %add3A_335 = vector.broadcast %mul3A_334 : i32 to vector<16xi32>
        %add3A_336 = arith.addi %iota3A, %add3A_335 : vector<16xi32>
        tpu.vector_store_idx %arg5[%add3A_336, %get3A_332], %broadcast_in_dim3A_1 : memref<400x128xf32, #tpu.memory_space<vmem>>[vector<16xi32>, vector<16xi32>], vector<16xf32>,
        %scan3A_337 = arith.constant 1 : i32
        %scan3A_338 = arith.addi %scan3A_327, %scan3A_337 : i32
        %mul3A_339 = arith.constant 16 : i32
        %mul3A_340 = arith.muli %scan3A_338, %mul3A_339 : i32
        %add3A_341 = arith.constant 2800 : i32
        %add3A_342 = arith.addi %add3A_341, %mul3A_340 : i32
        %get3A_343 = arith.index_cast %add3A_342 : i32 to index
        %get3A_344 = tpu.vector_load %arg6[%get3A_343] {strides = array<i32>} : memref<3200xi32, #tpu.memory_space<vmem>>, vector<16xi32>,
        %mul3A_345 = arith.constant 16 : i32
        %mul3A_346 = arith.muli %scan3A_338, %mul3A_345 : i32
        %add3A_347 = vector.broadcast %mul3A_346 : i32 to vector<16xi32>
        %add3A_348 = arith.addi %iota3A, %add3A_347 : vector<16xi32>
        tpu.vector_store_idx %arg5[%add3A_348, %get3A_344], %broadcast_in_dim3A_1 : memref<400x128xf32, #tpu.memory_space<vmem>>[vector<16xi32>, vector<16xi32>], vector<16xf32>,
        %scan3A_349 = arith.constant 2 : i32
        %scan3A_350 = arith.addi %scan3A_327, %scan3A_349 : i32
        %mul3A_351 = arith.constant 16 : i32
        %mul3A_352 = arith.muli %scan3A_350, %mul3A_351 : i32
        %add3A_353 = arith.constant 2800 : i32
        %add3A_354 = arith.addi %add3A_353, %mul3A_352 : i32
        %get3A_355 = arith.index_cast %add3A_354 : i32 to index
        %get3A_356 = tpu.vector_load %arg6[%get3A_355] {strides = array<i32>} : memref<3200xi32, #tpu.memory_space<vmem>>, vector<16xi32>,
        %mul3A_357 = arith.constant 16 : i32
        %mul3A_358 = arith.muli %scan3A_350, %mul3A_357 : i32
        %add3A_359 = vector.broadcast %mul3A_358 : i32 to vector<16xi32>
        %add3A_360 = arith.addi %iota3A, %add3A_359 : vector<16xi32>
        tpu.vector_store_idx %arg5[%add3A_360, %get3A_356], %broadcast_in_dim3A_1 : memref<400x128xf32, #tpu.memory_space<vmem>>[vector<16xi32>, vector<16xi32>], vector<16xf32>,
        %scan3A_361 = arith.constant 3 : i32
        %scan3A_362 = arith.addi %scan3A_327, %scan3A_361 : i32
        %mul3A_363 = arith.constant 16 : i32
        %mul3A_364 = arith.muli %scan3A_362, %mul3A_363 : i32
        %add3A_365 = arith.constant 2800 : i32
        %add3A_366 = arith.addi %add3A_365, %mul3A_364 : i32
        %get3A_367 = arith.index_cast %add3A_366 : i32 to index
        %get3A_368 = tpu.vector_load %arg6[%get3A_367] {strides = array<i32>} : memref<3200xi32, #tpu.memory_space<vmem>>, vector<16xi32>,
        %mul3A_369 = arith.constant 16 : i32
        %mul3A_370 = arith.muli %scan3A_362, %mul3A_369 : i32
        %add3A_371 = vector.broadcast %mul3A_370 : i32 to vector<16xi32>
        %add3A_372 = arith.addi %iota3A, %add3A_371 : vector<16xi32>
        tpu.vector_store_idx %arg5[%add3A_372, %get3A_368], %broadcast_in_dim3A_1 : memref<400x128xf32, #tpu.memory_space<vmem>>[vector<16xi32>, vector<16xi32>], vector<16xf32>,
        %scan3A_373 = arith.constant 4 : i32
        %scan3A_374 = arith.addi %scan3A_327, %scan3A_373 : i32
        %mul3A_375 = arith.constant 16 : i32
        %mul3A_376 = arith.muli %scan3A_374, %mul3A_375 : i32
        %add3A_377 = arith.constant 2800 : i32
        %add3A_378 = arith.addi %add3A_377, %mul3A_376 : i32
        %get3A_379 = arith.index_cast %add3A_378 : i32 to index
        %get3A_380 = tpu.vector_load %arg6[%get3A_379] {strides = array<i32>} : memref<3200xi32, #tpu.memory_space<vmem>>, vector<16xi32>,
        %mul3A_381 = arith.constant 16 : i32
        %mul3A_382 = arith.muli %scan3A_374, %mul3A_381 : i32
        %add3A_383 = vector.broadcast %mul3A_382 : i32 to vector<16xi32>
        %add3A_384 = arith.addi %iota3A, %add3A_383 : vector<16xi32>
        tpu.vector_store_idx %arg5[%add3A_384, %get3A_380], %broadcast_in_dim3A_1 : memref<400x128xf32, #tpu.memory_space<vmem>>[vector<16xi32>, vector<16xi32>], vector<16xf32>,
      }
      %scan3A_312 = arith.constant 25 : i32
      %mul3A_313 = arith.constant 400 : i32
      %mul3A_314 = arith.muli %add3A_290, %mul3A_313 : i32
      %dma_start3A_315 = arith.constant 0 : i32
      %dma_start3A_316 = tpu.memref_slice %arg3[%mul3A_314, %dma_start3A_315] : memref<100000x128xf32, #tpu.memory_space<hbm>> -> memref<400x128xf32, #tpu.memory_space<hbm>>
      %dma_start3A_317 = arith.constant 0 : i32
      %dma_start3A_318 = tpu.memref_slice %arg3[%mul3A_314, %dma_start3A_317] : memref<100000x128xf32, #tpu.memory_space<hbm>> -> memref<400x128xf32, #tpu.memory_space<hbm>>
      tpu.enqueue_dma source(%arg5 : memref<400x128xf32, #tpu.memory_space<vmem>>) target(%dma_start3A_318 : memref<400x128xf32, #tpu.memory_space<hbm>>) target_semaphore(%arg8 : memref<!tpu.dma_semaphore, #tpu.memory_space<semaphore_mem>>)
      %dma_wait3A_319 = arith.constant 0 : i32
      %dma_wait3A_320 = tpu.memref_slice %arg3[%mul3A_284, %dma_wait3A_319] : memref<100000x128xf32, #tpu.memory_space<hbm>> -> memref<400x128xf32, #tpu.memory_space<hbm>>
      %dma_wait3A_321 = arith.constant 0 : i32
      %dma_wait3A_322 = tpu.memref_slice %arg3[%mul3A_284, %dma_wait3A_321] : memref<100000x128xf32, #tpu.memory_space<hbm>> -> memref<400x128xf32, #tpu.memory_space<hbm>>
      tpu.wait_dma2 semaphore(%arg7 : memref<!tpu.dma_semaphore, #tpu.memory_space<semaphore_mem>>) src(%arg4 : memref<400x128xf32, #tpu.memory_space<vmem>>) dst(%dma_wait3A_322 : memref<400x128xf32, #tpu.memory_space<hbm>>)
      %dma_wait3A_323 = arith.constant 0 : i32
      %dma_wait3A_324 = tpu.memref_slice %arg3[%mul3A_314, %dma_wait3A_323] : memref<100000x128xf32, #tpu.memory_space<hbm>> -> memref<400x128xf32, #tpu.memory_space<hbm>>
      %dma_wait3A_325 = arith.constant 0 : i32
      %dma_wait3A_326 = tpu.memref_slice %arg3[%mul3A_314, %dma_wait3A_325] : memref<100000x128xf32, #tpu.memory_space<hbm>> -> memref<400x128xf32, #tpu.memory_space<hbm>>
      tpu.wait_dma2 semaphore(%arg8 : memref<!tpu.dma_semaphore, #tpu.memory_space<semaphore_mem>>) src(%arg5 : memref<400x128xf32, #tpu.memory_space<vmem>>) dst(%dma_wait3A_326 : memref<400x128xf32, #tpu.memory_space<hbm>>)
    } else {
    }
    %ge3A = arith.constant 26 : i32
    %ge3A_6 = arith.cmpi sge, %add3A, %ge3A : i32
    %convert_element_type3A_7 = arith.extui %ge3A_6 : i1 to i32
    %cond3A_8 = arith.constant 0 : i32
    %cond3A_9 = arith.cmpi ne, %convert_element_type3A_7, %cond3A_8 : i32
    scf.if %cond3A_9 {
      %add3A_10 = arith.constant 0 : i32
      %add3A_11 = arith.addi %add3A, %add3A_10 : i32
      %mul3A_12 = arith.constant 400 : i32
      %mul3A_13 = arith.muli %add3A_11, %mul3A_12 : i32
      %dma_start3A = arith.constant 0 : i32
      %dma_start3A_14 = tpu.memref_slice %arg6[%dma_start3A] : memref<3200xi32, #tpu.memory_space<vmem>> -> memref<400xi32, #tpu.memory_space<vmem>>
      %dma_start3A_15 = tpu.memref_slice %arg2[%mul3A_13] : memref<100000xi32, #tpu.memory_space<hbm>> -> memref<400xi32, #tpu.memory_space<hbm>>
      %dma_start3A_16 = arith.constant 0 : i32
      %dma_start3A_17 = tpu.memref_slice %arg6[%dma_start3A_16] : memref<3200xi32, #tpu.memory_space<vmem>> -> memref<400xi32, #tpu.memory_space<vmem>>
      %dma_start3A_18 = tpu.memref_slice %arg2[%mul3A_13] : memref<100000xi32, #tpu.memory_space<hbm>> -> memref<400xi32, #tpu.memory_space<hbm>>
      tpu.enqueue_dma source(%dma_start3A_18 : memref<400xi32, #tpu.memory_space<hbm>>) target(%dma_start3A_17 : memref<400xi32, #tpu.memory_space<vmem>>) target_semaphore(%arg9 : memref<!tpu.dma_semaphore, #tpu.memory_space<semaphore_mem>>)
      %add3A_19 = arith.constant 32 : i32
      %add3A_20 = arith.addi %add3A, %add3A_19 : i32
      %mul3A_21 = arith.constant 400 : i32
      %mul3A_22 = arith.muli %add3A_20, %mul3A_21 : i32
      %dma_start3A_23 = arith.constant 400 : i32
      %dma_start3A_24 = tpu.memref_slice %arg6[%dma_start3A_23] : memref<3200xi32, #tpu.memory_space<vmem>> -> memref<400xi32, #tpu.memory_space<vmem>>
      %dma_start3A_25 = tpu.memref_slice %arg2[%mul3A_22] : memref<100000xi32, #tpu.memory_space<hbm>> -> memref<400xi32, #tpu.memory_space<hbm>>
      %dma_start3A_26 = arith.constant 400 : i32
      %dma_start3A_27 = tpu.memref_slice %arg6[%dma_start3A_26] : memref<3200xi32, #tpu.memory_space<vmem>> -> memref<400xi32, #tpu.memory_space<vmem>>
      %dma_start3A_28 = tpu.memref_slice %arg2[%mul3A_22] : memref<100000xi32, #tpu.memory_space<hbm>> -> memref<400xi32, #tpu.memory_space<hbm>>
      tpu.enqueue_dma source(%dma_start3A_28 : memref<400xi32, #tpu.memory_space<hbm>>) target(%dma_start3A_27 : memref<400xi32, #tpu.memory_space<vmem>>) target_semaphore(%arg9 : memref<!tpu.dma_semaphore, #tpu.memory_space<semaphore_mem>>)
      %add3A_29 = arith.constant 64 : i32
      %add3A_30 = arith.addi %add3A, %add3A_29 : i32
      %mul3A_31 = arith.constant 400 : i32
      %mul3A_32 = arith.muli %add3A_30, %mul3A_31 : i32
      %dma_start3A_33 = arith.constant 800 : i32
      %dma_start3A_34 = tpu.memref_slice %arg6[%dma_start3A_33] : memref<3200xi32, #tpu.memory_space<vmem>> -> memref<400xi32, #tpu.memory_space<vmem>>
      %dma_start3A_35 = tpu.memref_slice %arg2[%mul3A_32] : memref<100000xi32, #tpu.memory_space<hbm>> -> memref<400xi32, #tpu.memory_space<hbm>>
      %dma_start3A_36 = arith.constant 800 : i32
      %dma_start3A_37 = tpu.memref_slice %arg6[%dma_start3A_36] : memref<3200xi32, #tpu.memory_space<vmem>> -> memref<400xi32, #tpu.memory_space<vmem>>
      %dma_start3A_38 = tpu.memref_slice %arg2[%mul3A_32] : memref<100000xi32, #tpu.memory_space<hbm>> -> memref<400xi32, #tpu.memory_space<hbm>>
      tpu.enqueue_dma source(%dma_start3A_38 : memref<400xi32, #tpu.memory_space<hbm>>) target(%dma_start3A_37 : memref<400xi32, #tpu.memory_space<vmem>>) target_semaphore(%arg9 : memref<!tpu.dma_semaphore, #tpu.memory_space<semaphore_mem>>)
      %add3A_39 = arith.constant 96 : i32
      %add3A_40 = arith.addi %add3A, %add3A_39 : i32
      %mul3A_41 = arith.constant 400 : i32
      %mul3A_42 = arith.muli %add3A_40, %mul3A_41 : i32
      %dma_start3A_43 = arith.constant 1200 : i32
      %dma_start3A_44 = tpu.memref_slice %arg6[%dma_start3A_43] : memref<3200xi32, #tpu.memory_space<vmem>> -> memref<400xi32, #tpu.memory_space<vmem>>
      %dma_start3A_45 = tpu.memref_slice %arg2[%mul3A_42] : memref<100000xi32, #tpu.memory_space<hbm>> -> memref<400xi32, #tpu.memory_space<hbm>>
      %dma_start3A_46 = arith.constant 1200 : i32
      %dma_start3A_47 = tpu.memref_slice %arg6[%dma_start3A_46] : memref<3200xi32, #tpu.memory_space<vmem>> -> memref<400xi32, #tpu.memory_space<vmem>>
      %dma_start3A_48 = tpu.memref_slice %arg2[%mul3A_42] : memref<100000xi32, #tpu.memory_space<hbm>> -> memref<400xi32, #tpu.memory_space<hbm>>
      tpu.enqueue_dma source(%dma_start3A_48 : memref<400xi32, #tpu.memory_space<hbm>>) target(%dma_start3A_47 : memref<400xi32, #tpu.memory_space<vmem>>) target_semaphore(%arg9 : memref<!tpu.dma_semaphore, #tpu.memory_space<semaphore_mem>>)
      %add3A_49 = arith.constant 128 : i32
      %add3A_50 = arith.addi %add3A, %add3A_49 : i32
      %mul3A_51 = arith.constant 400 : i32
      %mul3A_52 = arith.muli %add3A_50, %mul3A_51 : i32
      %dma_start3A_53 = arith.constant 1600 : i32
      %dma_start3A_54 = tpu.memref_slice %arg6[%dma_start3A_53] : memref<3200xi32, #tpu.memory_space<vmem>> -> memref<400xi32, #tpu.memory_space<vmem>>
      %dma_start3A_55 = tpu.memref_slice %arg2[%mul3A_52] : memref<100000xi32, #tpu.memory_space<hbm>> -> memref<400xi32, #tpu.memory_space<hbm>>
      %dma_start3A_56 = arith.constant 1600 : i32
      %dma_start3A_57 = tpu.memref_slice %arg6[%dma_start3A_56] : memref<3200xi32, #tpu.memory_space<vmem>> -> memref<400xi32, #tpu.memory_space<vmem>>
      %dma_start3A_58 = tpu.memref_slice %arg2[%mul3A_52] : memref<100000xi32, #tpu.memory_space<hbm>> -> memref<400xi32, #tpu.memory_space<hbm>>
      tpu.enqueue_dma source(%dma_start3A_58 : memref<400xi32, #tpu.memory_space<hbm>>) target(%dma_start3A_57 : memref<400xi32, #tpu.memory_space<vmem>>) target_semaphore(%arg9 : memref<!tpu.dma_semaphore, #tpu.memory_space<semaphore_mem>>)
      %add3A_59 = arith.constant 160 : i32
      %add3A_60 = arith.addi %add3A, %add3A_59 : i32
      %mul3A_61 = arith.constant 400 : i32
      %mul3A_62 = arith.muli %add3A_60, %mul3A_61 : i32
      %dma_start3A_63 = arith.constant 2000 : i32
      %dma_start3A_64 = tpu.memref_slice %arg6[%dma_start3A_63] : memref<3200xi32, #tpu.memory_space<vmem>> -> memref<400xi32, #tpu.memory_space<vmem>>
      %dma_start3A_65 = tpu.memref_slice %arg2[%mul3A_62] : memref<100000xi32, #tpu.memory_space<hbm>> -> memref<400xi32, #tpu.memory_space<hbm>>
      %dma_start3A_66 = arith.constant 2000 : i32
      %dma_start3A_67 = tpu.memref_slice %arg6[%dma_start3A_66] : memref<3200xi32, #tpu.memory_space<vmem>> -> memref<400xi32, #tpu.memory_space<vmem>>
      %dma_start3A_68 = tpu.memref_slice %arg2[%mul3A_62] : memref<100000xi32, #tpu.memory_space<hbm>> -> memref<400xi32, #tpu.memory_space<hbm>>
      tpu.enqueue_dma source(%dma_start3A_68 : memref<400xi32, #tpu.memory_space<hbm>>) target(%dma_start3A_67 : memref<400xi32, #tpu.memory_space<vmem>>) target_semaphore(%arg9 : memref<!tpu.dma_semaphore, #tpu.memory_space<semaphore_mem>>)
      %add3A_69 = arith.constant 192 : i32
      %add3A_70 = arith.addi %add3A, %add3A_69 : i32
      %mul3A_71 = arith.constant 400 : i32
      %mul3A_72 = arith.muli %add3A_70, %mul3A_71 : i32
      %dma_start3A_73 = arith.constant 2400 : i32
      %dma_start3A_74 = tpu.memref_slice %arg6[%dma_start3A_73] : memref<3200xi32, #tpu.memory_space<vmem>> -> memref<400xi32, #tpu.memory_space<vmem>>
      %dma_start3A_75 = tpu.memref_slice %arg2[%mul3A_72] : memref<100000xi32, #tpu.memory_space<hbm>> -> memref<400xi32, #tpu.memory_space<hbm>>
      %dma_start3A_76 = arith.constant 2400 : i32
      %dma_start3A_77 = tpu.memref_slice %arg6[%dma_start3A_76] : memref<3200xi32, #tpu.memory_space<vmem>> -> memref<400xi32, #tpu.memory_space<vmem>>
      %dma_start3A_78 = tpu.memref_slice %arg2[%mul3A_72] : memref<100000xi32, #tpu.memory_space<hbm>> -> memref<400xi32, #tpu.memory_space<hbm>>
      tpu.enqueue_dma source(%dma_start3A_78 : memref<400xi32, #tpu.memory_space<hbm>>) target(%dma_start3A_77 : memref<400xi32, #tpu.memory_space<vmem>>) target_semaphore(%arg9 : memref<!tpu.dma_semaphore, #tpu.memory_space<semaphore_mem>>)
      %scan3A = arith.constant 0 : i32
      %scan3A_79 = arith.constant 0 : i32
      %scan3A_80 = arith.constant 400 : i32
      %scan3A_81 = arith.addi %scan3A_79, %scan3A_80 : i32
      %scan3A_82 = arith.constant 2 : i32
      scf.for %scan3A_287 = %scan3A_79 to %scan3A_81 step %scan3A_82  : i32 {
        %swap3A = arith.index_cast %scan3A_287 : i32 to index
        %swap3A_288 = arith.constant 0 : index
        %swap3A_289 = tpu.vector_load %arg4[%swap3A, %swap3A_288] {strides = array<i32>} : memref<400x128xf32, #tpu.memory_space<vmem>>, vector<16xf32>,
        tpu.vector_store %arg4[%swap3A, %swap3A_288], %broadcast_in_dim3A_3 {strides = array<i32>} : memref<400x128xf32, #tpu.memory_space<vmem>>, vector<16xf32>,
        %swap3A_290 = arith.index_cast %scan3A_287 : i32 to index
        %swap3A_291 = arith.constant 16 : index
        %swap3A_292 = tpu.vector_load %arg4[%swap3A_290, %swap3A_291] {strides = array<i32>} : memref<400x128xf32, #tpu.memory_space<vmem>>, vector<16xf32>,
        tpu.vector_store %arg4[%swap3A_290, %swap3A_291], %broadcast_in_dim3A_3 {strides = array<i32>} : memref<400x128xf32, #tpu.memory_space<vmem>>, vector<16xf32>,
        %swap3A_293 = arith.index_cast %scan3A_287 : i32 to index
        %swap3A_294 = arith.constant 32 : index
        %swap3A_295 = tpu.vector_load %arg4[%swap3A_293, %swap3A_294] {strides = array<i32>} : memref<400x128xf32, #tpu.memory_space<vmem>>, vector<16xf32>,
        tpu.vector_store %arg4[%swap3A_293, %swap3A_294], %broadcast_in_dim3A_3 {strides = array<i32>} : memref<400x128xf32, #tpu.memory_space<vmem>>, vector<16xf32>,
        %swap3A_296 = arith.index_cast %scan3A_287 : i32 to index
        %swap3A_297 = arith.constant 48 : index
        %swap3A_298 = tpu.vector_load %arg4[%swap3A_296, %swap3A_297] {strides = array<i32>} : memref<400x128xf32, #tpu.memory_space<vmem>>, vector<16xf32>,
        tpu.vector_store %arg4[%swap3A_296, %swap3A_297], %broadcast_in_dim3A_3 {strides = array<i32>} : memref<400x128xf32, #tpu.memory_space<vmem>>, vector<16xf32>,
        %swap3A_299 = arith.index_cast %scan3A_287 : i32 to index
        %swap3A_300 = arith.constant 64 : index
        %swap3A_301 = tpu.vector_load %arg4[%swap3A_299, %swap3A_300] {strides = array<i32>} : memref<400x128xf32, #tpu.memory_space<vmem>>, vector<16xf32>,
        tpu.vector_store %arg4[%swap3A_299, %swap3A_300], %broadcast_in_dim3A_3 {strides = array<i32>} : memref<400x128xf32, #tpu.memory_space<vmem>>, vector<16xf32>,
        %swap3A_302 = arith.index_cast %scan3A_287 : i32 to index
        %swap3A_303 = arith.constant 80 : index
        %swap3A_304 = tpu.vector_load %arg4[%swap3A_302, %swap3A_303] {strides = array<i32>} : memref<400x128xf32, #tpu.memory_space<vmem>>, vector<16xf32>,
        tpu.vector_store %arg4[%swap3A_302, %swap3A_303], %broadcast_in_dim3A_3 {strides = array<i32>} : memref<400x128xf32, #tpu.memory_space<vmem>>, vector<16xf32>,
        %swap3A_305 = arith.index_cast %scan3A_287 : i32 to index
        %swap3A_306 = arith.constant 96 : index
        %swap3A_307 = tpu.vector_load %arg4[%swap3A_305, %swap3A_306] {strides = array<i32>} : memref<400x128xf32, #tpu.memory_space<vmem>>, vector<16xf32>,
        tpu.vector_store %arg4[%swap3A_305, %swap3A_306], %broadcast_in_dim3A_3 {strides = array<i32>} : memref<400x128xf32, #tpu.memory_space<vmem>>, vector<16xf32>,
        %swap3A_308 = arith.index_cast %scan3A_287 : i32 to index
        %swap3A_309 = arith.constant 112 : index
        %swap3A_310 = tpu.vector_load %arg4[%swap3A_308, %swap3A_309] {strides = array<i32>} : memref<400x128xf32, #tpu.memory_space<vmem>>, vector<16xf32>,
        tpu.vector_store %arg4[%swap3A_308, %swap3A_309], %broadcast_in_dim3A_3 {strides = array<i32>} : memref<400x128xf32, #tpu.memory_space<vmem>>, vector<16xf32>,
        %scan3A_311 = arith.constant 1 : i32
        %scan3A_312 = arith.addi %scan3A_287, %scan3A_311 : i32
        %swap3A_313 = arith.index_cast %scan3A_312 : i32 to index
        %swap3A_314 = arith.constant 0 : index
        %swap3A_315 = tpu.vector_load %arg4[%swap3A_313, %swap3A_314] {strides = array<i32>} : memref<400x128xf32, #tpu.memory_space<vmem>>, vector<16xf32>,
        tpu.vector_store %arg4[%swap3A_313, %swap3A_314], %broadcast_in_dim3A_3 {strides = array<i32>} : memref<400x128xf32, #tpu.memory_space<vmem>>, vector<16xf32>,
        %swap3A_316 = arith.index_cast %scan3A_312 : i32 to index
        %swap3A_317 = arith.constant 16 : index
        %swap3A_318 = tpu.vector_load %arg4[%swap3A_316, %swap3A_317] {strides = array<i32>} : memref<400x128xf32, #tpu.memory_space<vmem>>, vector<16xf32>,
        tpu.vector_store %arg4[%swap3A_316, %swap3A_317], %broadcast_in_dim3A_3 {strides = array<i32>} : memref<400x128xf32, #tpu.memory_space<vmem>>, vector<16xf32>,
        %swap3A_319 = arith.index_cast %scan3A_312 : i32 to index
        %swap3A_320 = arith.constant 32 : index
        %swap3A_321 = tpu.vector_load %arg4[%swap3A_319, %swap3A_320] {strides = array<i32>} : memref<400x128xf32, #tpu.memory_space<vmem>>, vector<16xf32>,
        tpu.vector_store %arg4[%swap3A_319, %swap3A_320], %broadcast_in_dim3A_3 {strides = array<i32>} : memref<400x128xf32, #tpu.memory_space<vmem>>, vector<16xf32>,
        %swap3A_322 = arith.index_cast %scan3A_312 : i32 to index
        %swap3A_323 = arith.constant 48 : index
        %swap3A_324 = tpu.vector_load %arg4[%swap3A_322, %swap3A_323] {strides = array<i32>} : memref<400x128xf32, #tpu.memory_space<vmem>>, vector<16xf32>,
        tpu.vector_store %arg4[%swap3A_322, %swap3A_323], %broadcast_in_dim3A_3 {strides = array<i32>} : memref<400x128xf32, #tpu.memory_space<vmem>>, vector<16xf32>,
        %swap3A_325 = arith.index_cast %scan3A_312 : i32 to index
        %swap3A_326 = arith.constant 64 : index
        %swap3A_327 = tpu.vector_load %arg4[%swap3A_325, %swap3A_326] {strides = array<i32>} : memref<400x128xf32, #tpu.memory_space<vmem>>, vector<16xf32>,
        tpu.vector_store %arg4[%swap3A_325, %swap3A_326], %broadcast_in_dim3A_3 {strides = array<i32>} : memref<400x128xf32, #tpu.memory_space<vmem>>, vector<16xf32>,
        %swap3A_328 = arith.index_cast %scan3A_312 : i32 to index
        %swap3A_329 = arith.constant 80 : index
        %swap3A_330 = tpu.vector_load %arg4[%swap3A_328, %swap3A_329] {strides = array<i32>} : memref<400x128xf32, #tpu.memory_space<vmem>>, vector<16xf32>,
        tpu.vector_store %arg4[%swap3A_328, %swap3A_329], %broadcast_in_dim3A_3 {strides = array<i32>} : memref<400x128xf32, #tpu.memory_space<vmem>>, vector<16xf32>,
        %swap3A_331 = arith.index_cast %scan3A_312 : i32 to index
        %swap3A_332 = arith.constant 96 : index
        %swap3A_333 = tpu.vector_load %arg4[%swap3A_331, %swap3A_332] {strides = array<i32>} : memref<400x128xf32, #tpu.memory_space<vmem>>, vector<16xf32>,
        tpu.vector_store %arg4[%swap3A_331, %swap3A_332], %broadcast_in_dim3A_3 {strides = array<i32>} : memref<400x128xf32, #tpu.memory_space<vmem>>, vector<16xf32>,
        %swap3A_334 = arith.index_cast %scan3A_312 : i32 to index
        %swap3A_335 = arith.constant 112 : index
        %swap3A_336 = tpu.vector_load %arg4[%swap3A_334, %swap3A_335] {strides = array<i32>} : memref<400x128xf32, #tpu.memory_space<vmem>>, vector<16xf32>,
        tpu.vector_store %arg4[%swap3A_334, %swap3A_335], %broadcast_in_dim3A_3 {strides = array<i32>} : memref<400x128xf32, #tpu.memory_space<vmem>>, vector<16xf32>,
      }
      %scan3A_83 = arith.constant 400 : i32
      %add3A_84 = arith.constant 0 : i32
      %add3A_85 = arith.addi %add3A, %add3A_84 : i32
      %dma_wait3A = arith.constant 0 : i32
      %dma_wait3A_86 = tpu.memref_slice %arg6[%dma_wait3A] : memref<3200xi32, #tpu.memory_space<vmem>> -> memref<400xi32, #tpu.memory_space<vmem>>
      %dma_wait3A_87 = tpu.memref_slice %arg2[%mul3A_13] : memref<100000xi32, #tpu.memory_space<hbm>> -> memref<400xi32, #tpu.memory_space<hbm>>
      %dma_wait3A_88 = arith.constant 0 : i32
      %dma_wait3A_89 = tpu.memref_slice %arg6[%dma_wait3A_88] : memref<3200xi32, #tpu.memory_space<vmem>> -> memref<400xi32, #tpu.memory_space<vmem>>
      %dma_wait3A_90 = tpu.memref_slice %arg2[%mul3A_13] : memref<100000xi32, #tpu.memory_space<hbm>> -> memref<400xi32, #tpu.memory_space<hbm>>
      tpu.wait_dma2 semaphore(%arg9 : memref<!tpu.dma_semaphore, #tpu.memory_space<semaphore_mem>>) src(%dma_wait3A_90 : memref<400xi32, #tpu.memory_space<hbm>>) dst(%dma_wait3A_89 : memref<400xi32, #tpu.memory_space<vmem>>)
      %scan3A_91 = arith.constant 0 : i32
      %scan3A_92 = arith.constant 0 : i32
      %scan3A_93 = arith.constant 25 : i32
      %scan3A_94 = arith.addi %scan3A_92, %scan3A_93 : i32
      %scan3A_95 = arith.constant 5 : i32
      scf.for %scan3A_287 = %scan3A_92 to %scan3A_94 step %scan3A_95  : i32 {
        %mul3A_288 = arith.constant 16 : i32
        %mul3A_289 = arith.muli %scan3A_287, %mul3A_288 : i32
        %add3A_290 = arith.constant 0 : i32
        %add3A_291 = arith.addi %add3A_290, %mul3A_289 : i32
        %get3A = arith.index_cast %add3A_291 : i32 to index
        %get3A_292 = tpu.vector_load %arg6[%get3A] {strides = array<i32>} : memref<3200xi32, #tpu.memory_space<vmem>>, vector<16xi32>,
        %mul3A_293 = arith.constant 16 : i32
        %mul3A_294 = arith.muli %scan3A_287, %mul3A_293 : i32
        %add3A_295 = vector.broadcast %mul3A_294 : i32 to vector<16xi32>
        %add3A_296 = arith.addi %iota3A, %add3A_295 : vector<16xi32>
        tpu.vector_store_idx %arg4[%add3A_296, %get3A_292], %broadcast_in_dim3A_1 : memref<400x128xf32, #tpu.memory_space<vmem>>[vector<16xi32>, vector<16xi32>], vector<16xf32>,
        %scan3A_297 = arith.constant 1 : i32
        %scan3A_298 = arith.addi %scan3A_287, %scan3A_297 : i32
        %mul3A_299 = arith.constant 16 : i32
        %mul3A_300 = arith.muli %scan3A_298, %mul3A_299 : i32
        %add3A_301 = arith.constant 0 : i32
        %add3A_302 = arith.addi %add3A_301, %mul3A_300 : i32
        %get3A_303 = arith.index_cast %add3A_302 : i32 to index
        %get3A_304 = tpu.vector_load %arg6[%get3A_303] {strides = array<i32>} : memref<3200xi32, #tpu.memory_space<vmem>>, vector<16xi32>,
        %mul3A_305 = arith.constant 16 : i32
        %mul3A_306 = arith.muli %scan3A_298, %mul3A_305 : i32
        %add3A_307 = vector.broadcast %mul3A_306 : i32 to vector<16xi32>
        %add3A_308 = arith.addi %iota3A, %add3A_307 : vector<16xi32>
        tpu.vector_store_idx %arg4[%add3A_308, %get3A_304], %broadcast_in_dim3A_1 : memref<400x128xf32, #tpu.memory_space<vmem>>[vector<16xi32>, vector<16xi32>], vector<16xf32>,
        %scan3A_309 = arith.constant 2 : i32
        %scan3A_310 = arith.addi %scan3A_287, %scan3A_309 : i32
        %mul3A_311 = arith.constant 16 : i32
        %mul3A_312 = arith.muli %scan3A_310, %mul3A_311 : i32
        %add3A_313 = arith.constant 0 : i32
        %add3A_314 = arith.addi %add3A_313, %mul3A_312 : i32
        %get3A_315 = arith.index_cast %add3A_314 : i32 to index
        %get3A_316 = tpu.vector_load %arg6[%get3A_315] {strides = array<i32>} : memref<3200xi32, #tpu.memory_space<vmem>>, vector<16xi32>,
        %mul3A_317 = arith.constant 16 : i32
        %mul3A_318 = arith.muli %scan3A_310, %mul3A_317 : i32
        %add3A_319 = vector.broadcast %mul3A_318 : i32 to vector<16xi32>
        %add3A_320 = arith.addi %iota3A, %add3A_319 : vector<16xi32>
        tpu.vector_store_idx %arg4[%add3A_320, %get3A_316], %broadcast_in_dim3A_1 : memref<400x128xf32, #tpu.memory_space<vmem>>[vector<16xi32>, vector<16xi32>], vector<16xf32>,
        %scan3A_321 = arith.constant 3 : i32
        %scan3A_322 = arith.addi %scan3A_287, %scan3A_321 : i32
        %mul3A_323 = arith.constant 16 : i32
        %mul3A_324 = arith.muli %scan3A_322, %mul3A_323 : i32
        %add3A_325 = arith.constant 0 : i32
        %add3A_326 = arith.addi %add3A_325, %mul3A_324 : i32
        %get3A_327 = arith.index_cast %add3A_326 : i32 to index
        %get3A_328 = tpu.vector_load %arg6[%get3A_327] {strides = array<i32>} : memref<3200xi32, #tpu.memory_space<vmem>>, vector<16xi32>,
        %mul3A_329 = arith.constant 16 : i32
        %mul3A_330 = arith.muli %scan3A_322, %mul3A_329 : i32
        %add3A_331 = vector.broadcast %mul3A_330 : i32 to vector<16xi32>
        %add3A_332 = arith.addi %iota3A, %add3A_331 : vector<16xi32>
        tpu.vector_store_idx %arg4[%add3A_332, %get3A_328], %broadcast_in_dim3A_1 : memref<400x128xf32, #tpu.memory_space<vmem>>[vector<16xi32>, vector<16xi32>], vector<16xf32>,
        %scan3A_333 = arith.constant 4 : i32
        %scan3A_334 = arith.addi %scan3A_287, %scan3A_333 : i32
        %mul3A_335 = arith.constant 16 : i32
        %mul3A_336 = arith.muli %scan3A_334, %mul3A_335 : i32
        %add3A_337 = arith.constant 0 : i32
        %add3A_338 = arith.addi %add3A_337, %mul3A_336 : i32
        %get3A_339 = arith.index_cast %add3A_338 : i32 to index
        %get3A_340 = tpu.vector_load %arg6[%get3A_339] {strides = array<i32>} : memref<3200xi32, #tpu.memory_space<vmem>>, vector<16xi32>,
        %mul3A_341 = arith.constant 16 : i32
        %mul3A_342 = arith.muli %scan3A_334, %mul3A_341 : i32
        %add3A_343 = vector.broadcast %mul3A_342 : i32 to vector<16xi32>
        %add3A_344 = arith.addi %iota3A, %add3A_343 : vector<16xi32>
        tpu.vector_store_idx %arg4[%add3A_344, %get3A_340], %broadcast_in_dim3A_1 : memref<400x128xf32, #tpu.memory_space<vmem>>[vector<16xi32>, vector<16xi32>], vector<16xf32>,
      }
      %scan3A_96 = arith.constant 25 : i32
      %mul3A_97 = arith.constant 400 : i32
      %mul3A_98 = arith.muli %add3A_85, %mul3A_97 : i32
      %dma_start3A_99 = arith.constant 0 : i32
      %dma_start3A_100 = tpu.memref_slice %arg3[%mul3A_98, %dma_start3A_99] : memref<100000x128xf32, #tpu.memory_space<hbm>> -> memref<400x128xf32, #tpu.memory_space<hbm>>
      %dma_start3A_101 = arith.constant 0 : i32
      %dma_start3A_102 = tpu.memref_slice %arg3[%mul3A_98, %dma_start3A_101] : memref<100000x128xf32, #tpu.memory_space<hbm>> -> memref<400x128xf32, #tpu.memory_space<hbm>>
      tpu.enqueue_dma source(%arg4 : memref<400x128xf32, #tpu.memory_space<vmem>>) target(%dma_start3A_102 : memref<400x128xf32, #tpu.memory_space<hbm>>) target_semaphore(%arg7 : memref<!tpu.dma_semaphore, #tpu.memory_space<semaphore_mem>>)
      %scan3A_103 = arith.constant 0 : i32
      %scan3A_104 = arith.constant 0 : i32
      %scan3A_105 = arith.constant 400 : i32
      %scan3A_106 = arith.addi %scan3A_104, %scan3A_105 : i32
      %scan3A_107 = arith.constant 2 : i32
      scf.for %scan3A_287 = %scan3A_104 to %scan3A_106 step %scan3A_107  : i32 {
        %swap3A = arith.index_cast %scan3A_287 : i32 to index
        %swap3A_288 = arith.constant 0 : index
        %swap3A_289 = tpu.vector_load %arg5[%swap3A, %swap3A_288] {strides = array<i32>} : memref<400x128xf32, #tpu.memory_space<vmem>>, vector<16xf32>,
        tpu.vector_store %arg5[%swap3A, %swap3A_288], %broadcast_in_dim3A_3 {strides = array<i32>} : memref<400x128xf32, #tpu.memory_space<vmem>>, vector<16xf32>,
        %swap3A_290 = arith.index_cast %scan3A_287 : i32 to index
        %swap3A_291 = arith.constant 16 : index
        %swap3A_292 = tpu.vector_load %arg5[%swap3A_290, %swap3A_291] {strides = array<i32>} : memref<400x128xf32, #tpu.memory_space<vmem>>, vector<16xf32>,
        tpu.vector_store %arg5[%swap3A_290, %swap3A_291], %broadcast_in_dim3A_3 {strides = array<i32>} : memref<400x128xf32, #tpu.memory_space<vmem>>, vector<16xf32>,
        %swap3A_293 = arith.index_cast %scan3A_287 : i32 to index
        %swap3A_294 = arith.constant 32 : index
        %swap3A_295 = tpu.vector_load %arg5[%swap3A_293, %swap3A_294] {strides = array<i32>} : memref<400x128xf32, #tpu.memory_space<vmem>>, vector<16xf32>,
        tpu.vector_store %arg5[%swap3A_293, %swap3A_294], %broadcast_in_dim3A_3 {strides = array<i32>} : memref<400x128xf32, #tpu.memory_space<vmem>>, vector<16xf32>,
        %swap3A_296 = arith.index_cast %scan3A_287 : i32 to index
        %swap3A_297 = arith.constant 48 : index
        %swap3A_298 = tpu.vector_load %arg5[%swap3A_296, %swap3A_297] {strides = array<i32>} : memref<400x128xf32, #tpu.memory_space<vmem>>, vector<16xf32>,
        tpu.vector_store %arg5[%swap3A_296, %swap3A_297], %broadcast_in_dim3A_3 {strides = array<i32>} : memref<400x128xf32, #tpu.memory_space<vmem>>, vector<16xf32>,
        %swap3A_299 = arith.index_cast %scan3A_287 : i32 to index
        %swap3A_300 = arith.constant 64 : index
        %swap3A_301 = tpu.vector_load %arg5[%swap3A_299, %swap3A_300] {strides = array<i32>} : memref<400x128xf32, #tpu.memory_space<vmem>>, vector<16xf32>,
        tpu.vector_store %arg5[%swap3A_299, %swap3A_300], %broadcast_in_dim3A_3 {strides = array<i32>} : memref<400x128xf32, #tpu.memory_space<vmem>>, vector<16xf32>,
        %swap3A_302 = arith.index_cast %scan3A_287 : i32 to index
        %swap3A_303 = arith.constant 80 : index
        %swap3A_304 = tpu.vector_load %arg5[%swap3A_302, %swap3A_303] {strides = array<i32>} : memref<400x128xf32, #tpu.memory_space<vmem>>, vector<16xf32>,
        tpu.vector_store %arg5[%swap3A_302, %swap3A_303], %broadcast_in_dim3A_3 {strides = array<i32>} : memref<400x128xf32, #tpu.memory_space<vmem>>, vector<16xf32>,
        %swap3A_305 = arith.index_cast %scan3A_287 : i32 to index
        %swap3A_306 = arith.constant 96 : index
        %swap3A_307 = tpu.vector_load %arg5[%swap3A_305, %swap3A_306] {strides = array<i32>} : memref<400x128xf32, #tpu.memory_space<vmem>>, vector<16xf32>,
        tpu.vector_store %arg5[%swap3A_305, %swap3A_306], %broadcast_in_dim3A_3 {strides = array<i32>} : memref<400x128xf32, #tpu.memory_space<vmem>>, vector<16xf32>,
        %swap3A_308 = arith.index_cast %scan3A_287 : i32 to index
        %swap3A_309 = arith.constant 112 : index
        %swap3A_310 = tpu.vector_load %arg5[%swap3A_308, %swap3A_309] {strides = array<i32>} : memref<400x128xf32, #tpu.memory_space<vmem>>, vector<16xf32>,
        tpu.vector_store %arg5[%swap3A_308, %swap3A_309], %broadcast_in_dim3A_3 {strides = array<i32>} : memref<400x128xf32, #tpu.memory_space<vmem>>, vector<16xf32>,
        %scan3A_311 = arith.constant 1 : i32
        %scan3A_312 = arith.addi %scan3A_287, %scan3A_311 : i32
        %swap3A_313 = arith.index_cast %scan3A_312 : i32 to index
        %swap3A_314 = arith.constant 0 : index
        %swap3A_315 = tpu.vector_load %arg5[%swap3A_313, %swap3A_314] {strides = array<i32>} : memref<400x128xf32, #tpu.memory_space<vmem>>, vector<16xf32>,
        tpu.vector_store %arg5[%swap3A_313, %swap3A_314], %broadcast_in_dim3A_3 {strides = array<i32>} : memref<400x128xf32, #tpu.memory_space<vmem>>, vector<16xf32>,
        %swap3A_316 = arith.index_cast %scan3A_312 : i32 to index
        %swap3A_317 = arith.constant 16 : index
        %swap3A_318 = tpu.vector_load %arg5[%swap3A_316, %swap3A_317] {strides = array<i32>} : memref<400x128xf32, #tpu.memory_space<vmem>>, vector<16xf32>,
        tpu.vector_store %arg5[%swap3A_316, %swap3A_317], %broadcast_in_dim3A_3 {strides = array<i32>} : memref<400x128xf32, #tpu.memory_space<vmem>>, vector<16xf32>,
        %swap3A_319 = arith.index_cast %scan3A_312 : i32 to index
        %swap3A_320 = arith.constant 32 : index
        %swap3A_321 = tpu.vector_load %arg5[%swap3A_319, %swap3A_320] {strides = array<i32>} : memref<400x128xf32, #tpu.memory_space<vmem>>, vector<16xf32>,
        tpu.vector_store %arg5[%swap3A_319, %swap3A_320], %broadcast_in_dim3A_3 {strides = array<i32>} : memref<400x128xf32, #tpu.memory_space<vmem>>, vector<16xf32>,
        %swap3A_322 = arith.index_cast %scan3A_312 : i32 to index
        %swap3A_323 = arith.constant 48 : index
        %swap3A_324 = tpu.vector_load %arg5[%swap3A_322, %swap3A_323] {strides = array<i32>} : memref<400x128xf32, #tpu.memory_space<vmem>>, vector<16xf32>,
        tpu.vector_store %arg5[%swap3A_322, %swap3A_323], %broadcast_in_dim3A_3 {strides = array<i32>} : memref<400x128xf32, #tpu.memory_space<vmem>>, vector<16xf32>,
        %swap3A_325 = arith.index_cast %scan3A_312 : i32 to index
        %swap3A_326 = arith.constant 64 : index
        %swap3A_327 = tpu.vector_load %arg5[%swap3A_325, %swap3A_326] {strides = array<i32>} : memref<400x128xf32, #tpu.memory_space<vmem>>, vector<16xf32>,
        tpu.vector_store %arg5[%swap3A_325, %swap3A_326], %broadcast_in_dim3A_3 {strides = array<i32>} : memref<400x128xf32, #tpu.memory_space<vmem>>, vector<16xf32>,
        %swap3A_328 = arith.index_cast %scan3A_312 : i32 to index
        %swap3A_329 = arith.constant 80 : index
        %swap3A_330 = tpu.vector_load %arg5[%swap3A_328, %swap3A_329] {strides = array<i32>} : memref<400x128xf32, #tpu.memory_space<vmem>>, vector<16xf32>,
        tpu.vector_store %arg5[%swap3A_328, %swap3A_329], %broadcast_in_dim3A_3 {strides = array<i32>} : memref<400x128xf32, #tpu.memory_space<vmem>>, vector<16xf32>,
        %swap3A_331 = arith.index_cast %scan3A_312 : i32 to index
        %swap3A_332 = arith.constant 96 : index
        %swap3A_333 = tpu.vector_load %arg5[%swap3A_331, %swap3A_332] {strides = array<i32>} : memref<400x128xf32, #tpu.memory_space<vmem>>, vector<16xf32>,
        tpu.vector_store %arg5[%swap3A_331, %swap3A_332], %broadcast_in_dim3A_3 {strides = array<i32>} : memref<400x128xf32, #tpu.memory_space<vmem>>, vector<16xf32>,
        %swap3A_334 = arith.index_cast %scan3A_312 : i32 to index
        %swap3A_335 = arith.constant 112 : index
        %swap3A_336 = tpu.vector_load %arg5[%swap3A_334, %swap3A_335] {strides = array<i32>} : memref<400x128xf32, #tpu.memory_space<vmem>>, vector<16xf32>,
        tpu.vector_store %arg5[%swap3A_334, %swap3A_335], %broadcast_in_dim3A_3 {strides = array<i32>} : memref<400x128xf32, #tpu.memory_space<vmem>>, vector<16xf32>,
      }
      %scan3A_108 = arith.constant 400 : i32
      %add3A_109 = arith.constant 32 : i32
      %add3A_110 = arith.addi %add3A, %add3A_109 : i32
      %dma_wait3A_111 = arith.constant 400 : i32
      %dma_wait3A_112 = tpu.memref_slice %arg6[%dma_wait3A_111] : memref<3200xi32, #tpu.memory_space<vmem>> -> memref<400xi32, #tpu.memory_space<vmem>>
      %dma_wait3A_113 = tpu.memref_slice %arg2[%mul3A_22] : memref<100000xi32, #tpu.memory_space<hbm>> -> memref<400xi32, #tpu.memory_space<hbm>>
      %dma_wait3A_114 = arith.constant 400 : i32
      %dma_wait3A_115 = tpu.memref_slice %arg6[%dma_wait3A_114] : memref<3200xi32, #tpu.memory_space<vmem>> -> memref<400xi32, #tpu.memory_space<vmem>>
      %dma_wait3A_116 = tpu.memref_slice %arg2[%mul3A_22] : memref<100000xi32, #tpu.memory_space<hbm>> -> memref<400xi32, #tpu.memory_space<hbm>>
      tpu.wait_dma2 semaphore(%arg9 : memref<!tpu.dma_semaphore, #tpu.memory_space<semaphore_mem>>) src(%dma_wait3A_116 : memref<400xi32, #tpu.memory_space<hbm>>) dst(%dma_wait3A_115 : memref<400xi32, #tpu.memory_space<vmem>>)
      %scan3A_117 = arith.constant 0 : i32
      %scan3A_118 = arith.constant 0 : i32
      %scan3A_119 = arith.constant 25 : i32
      %scan3A_120 = arith.addi %scan3A_118, %scan3A_119 : i32
      %scan3A_121 = arith.constant 5 : i32
      scf.for %scan3A_287 = %scan3A_118 to %scan3A_120 step %scan3A_121  : i32 {
        %mul3A_288 = arith.constant 16 : i32
        %mul3A_289 = arith.muli %scan3A_287, %mul3A_288 : i32
        %add3A_290 = arith.constant 400 : i32
        %add3A_291 = arith.addi %add3A_290, %mul3A_289 : i32
        %get3A = arith.index_cast %add3A_291 : i32 to index
        %get3A_292 = tpu.vector_load %arg6[%get3A] {strides = array<i32>} : memref<3200xi32, #tpu.memory_space<vmem>>, vector<16xi32>,
        %mul3A_293 = arith.constant 16 : i32
        %mul3A_294 = arith.muli %scan3A_287, %mul3A_293 : i32
        %add3A_295 = vector.broadcast %mul3A_294 : i32 to vector<16xi32>
        %add3A_296 = arith.addi %iota3A, %add3A_295 : vector<16xi32>
        tpu.vector_store_idx %arg5[%add3A_296, %get3A_292], %broadcast_in_dim3A_1 : memref<400x128xf32, #tpu.memory_space<vmem>>[vector<16xi32>, vector<16xi32>], vector<16xf32>,
        %scan3A_297 = arith.constant 1 : i32
        %scan3A_298 = arith.addi %scan3A_287, %scan3A_297 : i32
        %mul3A_299 = arith.constant 16 : i32
        %mul3A_300 = arith.muli %scan3A_298, %mul3A_299 : i32
        %add3A_301 = arith.constant 400 : i32
        %add3A_302 = arith.addi %add3A_301, %mul3A_300 : i32
        %get3A_303 = arith.index_cast %add3A_302 : i32 to index
        %get3A_304 = tpu.vector_load %arg6[%get3A_303] {strides = array<i32>} : memref<3200xi32, #tpu.memory_space<vmem>>, vector<16xi32>,
        %mul3A_305 = arith.constant 16 : i32
        %mul3A_306 = arith.muli %scan3A_298, %mul3A_305 : i32
        %add3A_307 = vector.broadcast %mul3A_306 : i32 to vector<16xi32>
        %add3A_308 = arith.addi %iota3A, %add3A_307 : vector<16xi32>
        tpu.vector_store_idx %arg5[%add3A_308, %get3A_304], %broadcast_in_dim3A_1 : memref<400x128xf32, #tpu.memory_space<vmem>>[vector<16xi32>, vector<16xi32>], vector<16xf32>,
        %scan3A_309 = arith.constant 2 : i32
        %scan3A_310 = arith.addi %scan3A_287, %scan3A_309 : i32
        %mul3A_311 = arith.constant 16 : i32
        %mul3A_312 = arith.muli %scan3A_310, %mul3A_311 : i32
        %add3A_313 = arith.constant 400 : i32
        %add3A_314 = arith.addi %add3A_313, %mul3A_312 : i32
        %get3A_315 = arith.index_cast %add3A_314 : i32 to index
        %get3A_316 = tpu.vector_load %arg6[%get3A_315] {strides = array<i32>} : memref<3200xi32, #tpu.memory_space<vmem>>, vector<16xi32>,
        %mul3A_317 = arith.constant 16 : i32
        %mul3A_318 = arith.muli %scan3A_310, %mul3A_317 : i32
        %add3A_319 = vector.broadcast %mul3A_318 : i32 to vector<16xi32>
        %add3A_320 = arith.addi %iota3A, %add3A_319 : vector<16xi32>
        tpu.vector_store_idx %arg5[%add3A_320, %get3A_316], %broadcast_in_dim3A_1 : memref<400x128xf32, #tpu.memory_space<vmem>>[vector<16xi32>, vector<16xi32>], vector<16xf32>,
        %scan3A_321 = arith.constant 3 : i32
        %scan3A_322 = arith.addi %scan3A_287, %scan3A_321 : i32
        %mul3A_323 = arith.constant 16 : i32
        %mul3A_324 = arith.muli %scan3A_322, %mul3A_323 : i32
        %add3A_325 = arith.constant 400 : i32
        %add3A_326 = arith.addi %add3A_325, %mul3A_324 : i32
        %get3A_327 = arith.index_cast %add3A_326 : i32 to index
        %get3A_328 = tpu.vector_load %arg6[%get3A_327] {strides = array<i32>} : memref<3200xi32, #tpu.memory_space<vmem>>, vector<16xi32>,
        %mul3A_329 = arith.constant 16 : i32
        %mul3A_330 = arith.muli %scan3A_322, %mul3A_329 : i32
        %add3A_331 = vector.broadcast %mul3A_330 : i32 to vector<16xi32>
        %add3A_332 = arith.addi %iota3A, %add3A_331 : vector<16xi32>
        tpu.vector_store_idx %arg5[%add3A_332, %get3A_328], %broadcast_in_dim3A_1 : memref<400x128xf32, #tpu.memory_space<vmem>>[vector<16xi32>, vector<16xi32>], vector<16xf32>,
        %scan3A_333 = arith.constant 4 : i32
        %scan3A_334 = arith.addi %scan3A_287, %scan3A_333 : i32
        %mul3A_335 = arith.constant 16 : i32
        %mul3A_336 = arith.muli %scan3A_334, %mul3A_335 : i32
        %add3A_337 = arith.constant 400 : i32
        %add3A_338 = arith.addi %add3A_337, %mul3A_336 : i32
        %get3A_339 = arith.index_cast %add3A_338 : i32 to index
        %get3A_340 = tpu.vector_load %arg6[%get3A_339] {strides = array<i32>} : memref<3200xi32, #tpu.memory_space<vmem>>, vector<16xi32>,
        %mul3A_341 = arith.constant 16 : i32
        %mul3A_342 = arith.muli %scan3A_334, %mul3A_341 : i32
        %add3A_343 = vector.broadcast %mul3A_342 : i32 to vector<16xi32>
        %add3A_344 = arith.addi %iota3A, %add3A_343 : vector<16xi32>
        tpu.vector_store_idx %arg5[%add3A_344, %get3A_340], %broadcast_in_dim3A_1 : memref<400x128xf32, #tpu.memory_space<vmem>>[vector<16xi32>, vector<16xi32>], vector<16xf32>,
      }
      %scan3A_122 = arith.constant 25 : i32
      %mul3A_123 = arith.constant 400 : i32
      %mul3A_124 = arith.muli %add3A_110, %mul3A_123 : i32
      %dma_start3A_125 = arith.constant 0 : i32
      %dma_start3A_126 = tpu.memref_slice %arg3[%mul3A_124, %dma_start3A_125] : memref<100000x128xf32, #tpu.memory_space<hbm>> -> memref<400x128xf32, #tpu.memory_space<hbm>>
      %dma_start3A_127 = arith.constant 0 : i32
      %dma_start3A_128 = tpu.memref_slice %arg3[%mul3A_124, %dma_start3A_127] : memref<100000x128xf32, #tpu.memory_space<hbm>> -> memref<400x128xf32, #tpu.memory_space<hbm>>
      tpu.enqueue_dma source(%arg5 : memref<400x128xf32, #tpu.memory_space<vmem>>) target(%dma_start3A_128 : memref<400x128xf32, #tpu.memory_space<hbm>>) target_semaphore(%arg8 : memref<!tpu.dma_semaphore, #tpu.memory_space<semaphore_mem>>)
      %add3A_129 = arith.constant 64 : i32
      %add3A_130 = arith.addi %add3A, %add3A_129 : i32
      %dma_wait3A_131 = arith.constant 800 : i32
      %dma_wait3A_132 = tpu.memref_slice %arg6[%dma_wait3A_131] : memref<3200xi32, #tpu.memory_space<vmem>> -> memref<400xi32, #tpu.memory_space<vmem>>
      %dma_wait3A_133 = tpu.memref_slice %arg2[%mul3A_32] : memref<100000xi32, #tpu.memory_space<hbm>> -> memref<400xi32, #tpu.memory_space<hbm>>
      %dma_wait3A_134 = arith.constant 800 : i32
      %dma_wait3A_135 = tpu.memref_slice %arg6[%dma_wait3A_134] : memref<3200xi32, #tpu.memory_space<vmem>> -> memref<400xi32, #tpu.memory_space<vmem>>
      %dma_wait3A_136 = tpu.memref_slice %arg2[%mul3A_32] : memref<100000xi32, #tpu.memory_space<hbm>> -> memref<400xi32, #tpu.memory_space<hbm>>
      tpu.wait_dma2 semaphore(%arg9 : memref<!tpu.dma_semaphore, #tpu.memory_space<semaphore_mem>>) src(%dma_wait3A_136 : memref<400xi32, #tpu.memory_space<hbm>>) dst(%dma_wait3A_135 : memref<400xi32, #tpu.memory_space<vmem>>)
      %dma_wait3A_137 = arith.constant 0 : i32
      %dma_wait3A_138 = tpu.memref_slice %arg3[%mul3A_98, %dma_wait3A_137] : memref<100000x128xf32, #tpu.memory_space<hbm>> -> memref<400x128xf32, #tpu.memory_space<hbm>>
      %dma_wait3A_139 = arith.constant 0 : i32
      %dma_wait3A_140 = tpu.memref_slice %arg3[%mul3A_98, %dma_wait3A_139] : memref<100000x128xf32, #tpu.memory_space<hbm>> -> memref<400x128xf32, #tpu.memory_space<hbm>>
      tpu.wait_dma2 semaphore(%arg7 : memref<!tpu.dma_semaphore, #tpu.memory_space<semaphore_mem>>) src(%arg4 : memref<400x128xf32, #tpu.memory_space<vmem>>) dst(%dma_wait3A_140 : memref<400x128xf32, #tpu.memory_space<hbm>>)
      %scan3A_141 = arith.constant 0 : i32
      %scan3A_142 = arith.constant 0 : i32
      %scan3A_143 = arith.constant 25 : i32
      %scan3A_144 = arith.addi %scan3A_142, %scan3A_143 : i32
      %scan3A_145 = arith.constant 5 : i32
      scf.for %scan3A_287 = %scan3A_142 to %scan3A_144 step %scan3A_145  : i32 {
        %mul3A_288 = arith.constant 16 : i32
        %mul3A_289 = arith.muli %scan3A_287, %mul3A_288 : i32
        %add3A_290 = arith.constant 0 : i32
        %add3A_291 = arith.addi %add3A_290, %mul3A_289 : i32
        %get3A = arith.index_cast %add3A_291 : i32 to index
        %get3A_292 = tpu.vector_load %arg6[%get3A] {strides = array<i32>} : memref<3200xi32, #tpu.memory_space<vmem>>, vector<16xi32>,
        %mul3A_293 = arith.constant 16 : i32
        %mul3A_294 = arith.muli %scan3A_287, %mul3A_293 : i32
        %add3A_295 = vector.broadcast %mul3A_294 : i32 to vector<16xi32>
        %add3A_296 = arith.addi %iota3A, %add3A_295 : vector<16xi32>
        tpu.vector_store_idx %arg4[%add3A_296, %get3A_292], %broadcast_in_dim3A_3 : memref<400x128xf32, #tpu.memory_space<vmem>>[vector<16xi32>, vector<16xi32>], vector<16xf32>,
        %scan3A_297 = arith.constant 1 : i32
        %scan3A_298 = arith.addi %scan3A_287, %scan3A_297 : i32
        %mul3A_299 = arith.constant 16 : i32
        %mul3A_300 = arith.muli %scan3A_298, %mul3A_299 : i32
        %add3A_301 = arith.constant 0 : i32
        %add3A_302 = arith.addi %add3A_301, %mul3A_300 : i32
        %get3A_303 = arith.index_cast %add3A_302 : i32 to index
        %get3A_304 = tpu.vector_load %arg6[%get3A_303] {strides = array<i32>} : memref<3200xi32, #tpu.memory_space<vmem>>, vector<16xi32>,
        %mul3A_305 = arith.constant 16 : i32
        %mul3A_306 = arith.muli %scan3A_298, %mul3A_305 : i32
        %add3A_307 = vector.broadcast %mul3A_306 : i32 to vector<16xi32>
        %add3A_308 = arith.addi %iota3A, %add3A_307 : vector<16xi32>
        tpu.vector_store_idx %arg4[%add3A_308, %get3A_304], %broadcast_in_dim3A_3 : memref<400x128xf32, #tpu.memory_space<vmem>>[vector<16xi32>, vector<16xi32>], vector<16xf32>,
        %scan3A_309 = arith.constant 2 : i32
        %scan3A_310 = arith.addi %scan3A_287, %scan3A_309 : i32
        %mul3A_311 = arith.constant 16 : i32
        %mul3A_312 = arith.muli %scan3A_310, %mul3A_311 : i32
        %add3A_313 = arith.constant 0 : i32
        %add3A_314 = arith.addi %add3A_313, %mul3A_312 : i32
        %get3A_315 = arith.index_cast %add3A_314 : i32 to index
        %get3A_316 = tpu.vector_load %arg6[%get3A_315] {strides = array<i32>} : memref<3200xi32, #tpu.memory_space<vmem>>, vector<16xi32>,
        %mul3A_317 = arith.constant 16 : i32
        %mul3A_318 = arith.muli %scan3A_310, %mul3A_317 : i32
        %add3A_319 = vector.broadcast %mul3A_318 : i32 to vector<16xi32>
        %add3A_320 = arith.addi %iota3A, %add3A_319 : vector<16xi32>
        tpu.vector_store_idx %arg4[%add3A_320, %get3A_316], %broadcast_in_dim3A_3 : memref<400x128xf32, #tpu.memory_space<vmem>>[vector<16xi32>, vector<16xi32>], vector<16xf32>,
        %scan3A_321 = arith.constant 3 : i32
        %scan3A_322 = arith.addi %scan3A_287, %scan3A_321 : i32
        %mul3A_323 = arith.constant 16 : i32
        %mul3A_324 = arith.muli %scan3A_322, %mul3A_323 : i32
        %add3A_325 = arith.constant 0 : i32
        %add3A_326 = arith.addi %add3A_325, %mul3A_324 : i32
        %get3A_327 = arith.index_cast %add3A_326 : i32 to index
        %get3A_328 = tpu.vector_load %arg6[%get3A_327] {strides = array<i32>} : memref<3200xi32, #tpu.memory_space<vmem>>, vector<16xi32>,
        %mul3A_329 = arith.constant 16 : i32
        %mul3A_330 = arith.muli %scan3A_322, %mul3A_329 : i32
        %add3A_331 = vector.broadcast %mul3A_330 : i32 to vector<16xi32>
        %add3A_332 = arith.addi %iota3A, %add3A_331 : vector<16xi32>
        tpu.vector_store_idx %arg4[%add3A_332, %get3A_328], %broadcast_in_dim3A_3 : memref<400x128xf32, #tpu.memory_space<vmem>>[vector<16xi32>, vector<16xi32>], vector<16xf32>,
        %scan3A_333 = arith.constant 4 : i32
        %scan3A_334 = arith.addi %scan3A_287, %scan3A_333 : i32
        %mul3A_335 = arith.constant 16 : i32
        %mul3A_336 = arith.muli %scan3A_334, %mul3A_335 : i32
        %add3A_337 = arith.constant 0 : i32
        %add3A_338 = arith.addi %add3A_337, %mul3A_336 : i32
        %get3A_339 = arith.index_cast %add3A_338 : i32 to index
        %get3A_340 = tpu.vector_load %arg6[%get3A_339] {strides = array<i32>} : memref<3200xi32, #tpu.memory_space<vmem>>, vector<16xi32>,
        %mul3A_341 = arith.constant 16 : i32
        %mul3A_342 = arith.muli %scan3A_334, %mul3A_341 : i32
        %add3A_343 = vector.broadcast %mul3A_342 : i32 to vector<16xi32>
        %add3A_344 = arith.addi %iota3A, %add3A_343 : vector<16xi32>
        tpu.vector_store_idx %arg4[%add3A_344, %get3A_340], %broadcast_in_dim3A_3 : memref<400x128xf32, #tpu.memory_space<vmem>>[vector<16xi32>, vector<16xi32>], vector<16xf32>,
      }
      %scan3A_146 = arith.constant 25 : i32
      %scan3A_147 = arith.constant 0 : i32
      %scan3A_148 = arith.constant 0 : i32
      %scan3A_149 = arith.constant 25 : i32
      %scan3A_150 = arith.addi %scan3A_148, %scan3A_149 : i32
      %scan3A_151 = arith.constant 5 : i32
      scf.for %scan3A_287 = %scan3A_148 to %scan3A_150 step %scan3A_151  : i32 {
        %mul3A_288 = arith.constant 16 : i32
        %mul3A_289 = arith.muli %scan3A_287, %mul3A_288 : i32
        %add3A_290 = arith.constant 800 : i32
        %add3A_291 = arith.addi %add3A_290, %mul3A_289 : i32
        %get3A = arith.index_cast %add3A_291 : i32 to index
        %get3A_292 = tpu.vector_load %arg6[%get3A] {strides = array<i32>} : memref<3200xi32, #tpu.memory_space<vmem>>, vector<16xi32>,
        %mul3A_293 = arith.constant 16 : i32
        %mul3A_294 = arith.muli %scan3A_287, %mul3A_293 : i32
        %add3A_295 = vector.broadcast %mul3A_294 : i32 to vector<16xi32>
        %add3A_296 = arith.addi %iota3A, %add3A_295 : vector<16xi32>
        tpu.vector_store_idx %arg4[%add3A_296, %get3A_292], %broadcast_in_dim3A_1 : memref<400x128xf32, #tpu.memory_space<vmem>>[vector<16xi32>, vector<16xi32>], vector<16xf32>,
        %scan3A_297 = arith.constant 1 : i32
        %scan3A_298 = arith.addi %scan3A_287, %scan3A_297 : i32
        %mul3A_299 = arith.constant 16 : i32
        %mul3A_300 = arith.muli %scan3A_298, %mul3A_299 : i32
        %add3A_301 = arith.constant 800 : i32
        %add3A_302 = arith.addi %add3A_301, %mul3A_300 : i32
        %get3A_303 = arith.index_cast %add3A_302 : i32 to index
        %get3A_304 = tpu.vector_load %arg6[%get3A_303] {strides = array<i32>} : memref<3200xi32, #tpu.memory_space<vmem>>, vector<16xi32>,
        %mul3A_305 = arith.constant 16 : i32
        %mul3A_306 = arith.muli %scan3A_298, %mul3A_305 : i32
        %add3A_307 = vector.broadcast %mul3A_306 : i32 to vector<16xi32>
        %add3A_308 = arith.addi %iota3A, %add3A_307 : vector<16xi32>
        tpu.vector_store_idx %arg4[%add3A_308, %get3A_304], %broadcast_in_dim3A_1 : memref<400x128xf32, #tpu.memory_space<vmem>>[vector<16xi32>, vector<16xi32>], vector<16xf32>,
        %scan3A_309 = arith.constant 2 : i32
        %scan3A_310 = arith.addi %scan3A_287, %scan3A_309 : i32
        %mul3A_311 = arith.constant 16 : i32
        %mul3A_312 = arith.muli %scan3A_310, %mul3A_311 : i32
        %add3A_313 = arith.constant 800 : i32
        %add3A_314 = arith.addi %add3A_313, %mul3A_312 : i32
        %get3A_315 = arith.index_cast %add3A_314 : i32 to index
        %get3A_316 = tpu.vector_load %arg6[%get3A_315] {strides = array<i32>} : memref<3200xi32, #tpu.memory_space<vmem>>, vector<16xi32>,
        %mul3A_317 = arith.constant 16 : i32
        %mul3A_318 = arith.muli %scan3A_310, %mul3A_317 : i32
        %add3A_319 = vector.broadcast %mul3A_318 : i32 to vector<16xi32>
        %add3A_320 = arith.addi %iota3A, %add3A_319 : vector<16xi32>
        tpu.vector_store_idx %arg4[%add3A_320, %get3A_316], %broadcast_in_dim3A_1 : memref<400x128xf32, #tpu.memory_space<vmem>>[vector<16xi32>, vector<16xi32>], vector<16xf32>,
        %scan3A_321 = arith.constant 3 : i32
        %scan3A_322 = arith.addi %scan3A_287, %scan3A_321 : i32
        %mul3A_323 = arith.constant 16 : i32
        %mul3A_324 = arith.muli %scan3A_322, %mul3A_323 : i32
        %add3A_325 = arith.constant 800 : i32
        %add3A_326 = arith.addi %add3A_325, %mul3A_324 : i32
        %get3A_327 = arith.index_cast %add3A_326 : i32 to index
        %get3A_328 = tpu.vector_load %arg6[%get3A_327] {strides = array<i32>} : memref<3200xi32, #tpu.memory_space<vmem>>, vector<16xi32>,
        %mul3A_329 = arith.constant 16 : i32
        %mul3A_330 = arith.muli %scan3A_322, %mul3A_329 : i32
        %add3A_331 = vector.broadcast %mul3A_330 : i32 to vector<16xi32>
        %add3A_332 = arith.addi %iota3A, %add3A_331 : vector<16xi32>
        tpu.vector_store_idx %arg4[%add3A_332, %get3A_328], %broadcast_in_dim3A_1 : memref<400x128xf32, #tpu.memory_space<vmem>>[vector<16xi32>, vector<16xi32>], vector<16xf32>,
        %scan3A_333 = arith.constant 4 : i32
        %scan3A_334 = arith.addi %scan3A_287, %scan3A_333 : i32
        %mul3A_335 = arith.constant 16 : i32
        %mul3A_336 = arith.muli %scan3A_334, %mul3A_335 : i32
        %add3A_337 = arith.constant 800 : i32
        %add3A_338 = arith.addi %add3A_337, %mul3A_336 : i32
        %get3A_339 = arith.index_cast %add3A_338 : i32 to index
        %get3A_340 = tpu.vector_load %arg6[%get3A_339] {strides = array<i32>} : memref<3200xi32, #tpu.memory_space<vmem>>, vector<16xi32>,
        %mul3A_341 = arith.constant 16 : i32
        %mul3A_342 = arith.muli %scan3A_334, %mul3A_341 : i32
        %add3A_343 = vector.broadcast %mul3A_342 : i32 to vector<16xi32>
        %add3A_344 = arith.addi %iota3A, %add3A_343 : vector<16xi32>
        tpu.vector_store_idx %arg4[%add3A_344, %get3A_340], %broadcast_in_dim3A_1 : memref<400x128xf32, #tpu.memory_space<vmem>>[vector<16xi32>, vector<16xi32>], vector<16xf32>,
      }
      %scan3A_152 = arith.constant 25 : i32
      %mul3A_153 = arith.constant 400 : i32
      %mul3A_154 = arith.muli %add3A_130, %mul3A_153 : i32
      %dma_start3A_155 = arith.constant 0 : i32
      %dma_start3A_156 = tpu.memref_slice %arg3[%mul3A_154, %dma_start3A_155] : memref<100000x128xf32, #tpu.memory_space<hbm>> -> memref<400x128xf32, #tpu.memory_space<hbm>>
      %dma_start3A_157 = arith.constant 0 : i32
      %dma_start3A_158 = tpu.memref_slice %arg3[%mul3A_154, %dma_start3A_157] : memref<100000x128xf32, #tpu.memory_space<hbm>> -> memref<400x128xf32, #tpu.memory_space<hbm>>
      tpu.enqueue_dma source(%arg4 : memref<400x128xf32, #tpu.memory_space<vmem>>) target(%dma_start3A_158 : memref<400x128xf32, #tpu.memory_space<hbm>>) target_semaphore(%arg7 : memref<!tpu.dma_semaphore, #tpu.memory_space<semaphore_mem>>)
      %add3A_159 = arith.constant 96 : i32
      %add3A_160 = arith.addi %add3A, %add3A_159 : i32
      %dma_wait3A_161 = arith.constant 1200 : i32
      %dma_wait3A_162 = tpu.memref_slice %arg6[%dma_wait3A_161] : memref<3200xi32, #tpu.memory_space<vmem>> -> memref<400xi32, #tpu.memory_space<vmem>>
      %dma_wait3A_163 = tpu.memref_slice %arg2[%mul3A_42] : memref<100000xi32, #tpu.memory_space<hbm>> -> memref<400xi32, #tpu.memory_space<hbm>>
      %dma_wait3A_164 = arith.constant 1200 : i32
      %dma_wait3A_165 = tpu.memref_slice %arg6[%dma_wait3A_164] : memref<3200xi32, #tpu.memory_space<vmem>> -> memref<400xi32, #tpu.memory_space<vmem>>
      %dma_wait3A_166 = tpu.memref_slice %arg2[%mul3A_42] : memref<100000xi32, #tpu.memory_space<hbm>> -> memref<400xi32, #tpu.memory_space<hbm>>
      tpu.wait_dma2 semaphore(%arg9 : memref<!tpu.dma_semaphore, #tpu.memory_space<semaphore_mem>>) src(%dma_wait3A_166 : memref<400xi32, #tpu.memory_space<hbm>>) dst(%dma_wait3A_165 : memref<400xi32, #tpu.memory_space<vmem>>)
      %dma_wait3A_167 = arith.constant 0 : i32
      %dma_wait3A_168 = tpu.memref_slice %arg3[%mul3A_124, %dma_wait3A_167] : memref<100000x128xf32, #tpu.memory_space<hbm>> -> memref<400x128xf32, #tpu.memory_space<hbm>>
      %dma_wait3A_169 = arith.constant 0 : i32
      %dma_wait3A_170 = tpu.memref_slice %arg3[%mul3A_124, %dma_wait3A_169] : memref<100000x128xf32, #tpu.memory_space<hbm>> -> memref<400x128xf32, #tpu.memory_space<hbm>>
      tpu.wait_dma2 semaphore(%arg8 : memref<!tpu.dma_semaphore, #tpu.memory_space<semaphore_mem>>) src(%arg5 : memref<400x128xf32, #tpu.memory_space<vmem>>) dst(%dma_wait3A_170 : memref<400x128xf32, #tpu.memory_space<hbm>>)
      %scan3A_171 = arith.constant 0 : i32
      %scan3A_172 = arith.constant 0 : i32
      %scan3A_173 = arith.constant 25 : i32
      %scan3A_174 = arith.addi %scan3A_172, %scan3A_173 : i32
      %scan3A_175 = arith.constant 5 : i32
      scf.for %scan3A_287 = %scan3A_172 to %scan3A_174 step %scan3A_175  : i32 {
        %mul3A_288 = arith.constant 16 : i32
        %mul3A_289 = arith.muli %scan3A_287, %mul3A_288 : i32
        %add3A_290 = arith.constant 400 : i32
        %add3A_291 = arith.addi %add3A_290, %mul3A_289 : i32
        %get3A = arith.index_cast %add3A_291 : i32 to index
        %get3A_292 = tpu.vector_load %arg6[%get3A] {strides = array<i32>} : memref<3200xi32, #tpu.memory_space<vmem>>, vector<16xi32>,
        %mul3A_293 = arith.constant 16 : i32
        %mul3A_294 = arith.muli %scan3A_287, %mul3A_293 : i32
        %add3A_295 = vector.broadcast %mul3A_294 : i32 to vector<16xi32>
        %add3A_296 = arith.addi %iota3A, %add3A_295 : vector<16xi32>
        tpu.vector_store_idx %arg5[%add3A_296, %get3A_292], %broadcast_in_dim3A_3 : memref<400x128xf32, #tpu.memory_space<vmem>>[vector<16xi32>, vector<16xi32>], vector<16xf32>,
        %scan3A_297 = arith.constant 1 : i32
        %scan3A_298 = arith.addi %scan3A_287, %scan3A_297 : i32
        %mul3A_299 = arith.constant 16 : i32
        %mul3A_300 = arith.muli %scan3A_298, %mul3A_299 : i32
        %add3A_301 = arith.constant 400 : i32
        %add3A_302 = arith.addi %add3A_301, %mul3A_300 : i32
        %get3A_303 = arith.index_cast %add3A_302 : i32 to index
        %get3A_304 = tpu.vector_load %arg6[%get3A_303] {strides = array<i32>} : memref<3200xi32, #tpu.memory_space<vmem>>, vector<16xi32>,
        %mul3A_305 = arith.constant 16 : i32
        %mul3A_306 = arith.muli %scan3A_298, %mul3A_305 : i32
        %add3A_307 = vector.broadcast %mul3A_306 : i32 to vector<16xi32>
        %add3A_308 = arith.addi %iota3A, %add3A_307 : vector<16xi32>
        tpu.vector_store_idx %arg5[%add3A_308, %get3A_304], %broadcast_in_dim3A_3 : memref<400x128xf32, #tpu.memory_space<vmem>>[vector<16xi32>, vector<16xi32>], vector<16xf32>,
        %scan3A_309 = arith.constant 2 : i32
        %scan3A_310 = arith.addi %scan3A_287, %scan3A_309 : i32
        %mul3A_311 = arith.constant 16 : i32
        %mul3A_312 = arith.muli %scan3A_310, %mul3A_311 : i32
        %add3A_313 = arith.constant 400 : i32
        %add3A_314 = arith.addi %add3A_313, %mul3A_312 : i32
        %get3A_315 = arith.index_cast %add3A_314 : i32 to index
        %get3A_316 = tpu.vector_load %arg6[%get3A_315] {strides = array<i32>} : memref<3200xi32, #tpu.memory_space<vmem>>, vector<16xi32>,
        %mul3A_317 = arith.constant 16 : i32
        %mul3A_318 = arith.muli %scan3A_310, %mul3A_317 : i32
        %add3A_319 = vector.broadcast %mul3A_318 : i32 to vector<16xi32>
        %add3A_320 = arith.addi %iota3A, %add3A_319 : vector<16xi32>
        tpu.vector_store_idx %arg5[%add3A_320, %get3A_316], %broadcast_in_dim3A_3 : memref<400x128xf32, #tpu.memory_space<vmem>>[vector<16xi32>, vector<16xi32>], vector<16xf32>,
        %scan3A_321 = arith.constant 3 : i32
        %scan3A_322 = arith.addi %scan3A_287, %scan3A_321 : i32
        %mul3A_323 = arith.constant 16 : i32
        %mul3A_324 = arith.muli %scan3A_322, %mul3A_323 : i32
        %add3A_325 = arith.constant 400 : i32
        %add3A_326 = arith.addi %add3A_325, %mul3A_324 : i32
        %get3A_327 = arith.index_cast %add3A_326 : i32 to index
        %get3A_328 = tpu.vector_load %arg6[%get3A_327] {strides = array<i32>} : memref<3200xi32, #tpu.memory_space<vmem>>, vector<16xi32>,
        %mul3A_329 = arith.constant 16 : i32
        %mul3A_330 = arith.muli %scan3A_322, %mul3A_329 : i32
        %add3A_331 = vector.broadcast %mul3A_330 : i32 to vector<16xi32>
        %add3A_332 = arith.addi %iota3A, %add3A_331 : vector<16xi32>
        tpu.vector_store_idx %arg5[%add3A_332, %get3A_328], %broadcast_in_dim3A_3 : memref<400x128xf32, #tpu.memory_space<vmem>>[vector<16xi32>, vector<16xi32>], vector<16xf32>,
        %scan3A_333 = arith.constant 4 : i32
        %scan3A_334 = arith.addi %scan3A_287, %scan3A_333 : i32
        %mul3A_335 = arith.constant 16 : i32
        %mul3A_336 = arith.muli %scan3A_334, %mul3A_335 : i32
        %add3A_337 = arith.constant 400 : i32
        %add3A_338 = arith.addi %add3A_337, %mul3A_336 : i32
        %get3A_339 = arith.index_cast %add3A_338 : i32 to index
        %get3A_340 = tpu.vector_load %arg6[%get3A_339] {strides = array<i32>} : memref<3200xi32, #tpu.memory_space<vmem>>, vector<16xi32>,
        %mul3A_341 = arith.constant 16 : i32
        %mul3A_342 = arith.muli %scan3A_334, %mul3A_341 : i32
        %add3A_343 = vector.broadcast %mul3A_342 : i32 to vector<16xi32>
        %add3A_344 = arith.addi %iota3A, %add3A_343 : vector<16xi32>
        tpu.vector_store_idx %arg5[%add3A_344, %get3A_340], %broadcast_in_dim3A_3 : memref<400x128xf32, #tpu.memory_space<vmem>>[vector<16xi32>, vector<16xi32>], vector<16xf32>,
      }
      %scan3A_176 = arith.constant 25 : i32
      %scan3A_177 = arith.constant 0 : i32
      %scan3A_178 = arith.constant 0 : i32
      %scan3A_179 = arith.constant 25 : i32
      %scan3A_180 = arith.addi %scan3A_178, %scan3A_179 : i32
      %scan3A_181 = arith.constant 5 : i32
      scf.for %scan3A_287 = %scan3A_178 to %scan3A_180 step %scan3A_181  : i32 {
        %mul3A_288 = arith.constant 16 : i32
        %mul3A_289 = arith.muli %scan3A_287, %mul3A_288 : i32
        %add3A_290 = arith.constant 1200 : i32
        %add3A_291 = arith.addi %add3A_290, %mul3A_289 : i32
        %get3A = arith.index_cast %add3A_291 : i32 to index
        %get3A_292 = tpu.vector_load %arg6[%get3A] {strides = array<i32>} : memref<3200xi32, #tpu.memory_space<vmem>>, vector<16xi32>,
        %mul3A_293 = arith.constant 16 : i32
        %mul3A_294 = arith.muli %scan3A_287, %mul3A_293 : i32
        %add3A_295 = vector.broadcast %mul3A_294 : i32 to vector<16xi32>
        %add3A_296 = arith.addi %iota3A, %add3A_295 : vector<16xi32>
        tpu.vector_store_idx %arg5[%add3A_296, %get3A_292], %broadcast_in_dim3A_1 : memref<400x128xf32, #tpu.memory_space<vmem>>[vector<16xi32>, vector<16xi32>], vector<16xf32>,
        %scan3A_297 = arith.constant 1 : i32
        %scan3A_298 = arith.addi %scan3A_287, %scan3A_297 : i32
        %mul3A_299 = arith.constant 16 : i32
        %mul3A_300 = arith.muli %scan3A_298, %mul3A_299 : i32
        %add3A_301 = arith.constant 1200 : i32
        %add3A_302 = arith.addi %add3A_301, %mul3A_300 : i32
        %get3A_303 = arith.index_cast %add3A_302 : i32 to index
        %get3A_304 = tpu.vector_load %arg6[%get3A_303] {strides = array<i32>} : memref<3200xi32, #tpu.memory_space<vmem>>, vector<16xi32>,
        %mul3A_305 = arith.constant 16 : i32
        %mul3A_306 = arith.muli %scan3A_298, %mul3A_305 : i32
        %add3A_307 = vector.broadcast %mul3A_306 : i32 to vector<16xi32>
        %add3A_308 = arith.addi %iota3A, %add3A_307 : vector<16xi32>
        tpu.vector_store_idx %arg5[%add3A_308, %get3A_304], %broadcast_in_dim3A_1 : memref<400x128xf32, #tpu.memory_space<vmem>>[vector<16xi32>, vector<16xi32>], vector<16xf32>,
        %scan3A_309 = arith.constant 2 : i32
        %scan3A_310 = arith.addi %scan3A_287, %scan3A_309 : i32
        %mul3A_311 = arith.constant 16 : i32
        %mul3A_312 = arith.muli %scan3A_310, %mul3A_311 : i32
        %add3A_313 = arith.constant 1200 : i32
        %add3A_314 = arith.addi %add3A_313, %mul3A_312 : i32
        %get3A_315 = arith.index_cast %add3A_314 : i32 to index
        %get3A_316 = tpu.vector_load %arg6[%get3A_315] {strides = array<i32>} : memref<3200xi32, #tpu.memory_space<vmem>>, vector<16xi32>,
        %mul3A_317 = arith.constant 16 : i32
        %mul3A_318 = arith.muli %scan3A_310, %mul3A_317 : i32
        %add3A_319 = vector.broadcast %mul3A_318 : i32 to vector<16xi32>
        %add3A_320 = arith.addi %iota3A, %add3A_319 : vector<16xi32>
        tpu.vector_store_idx %arg5[%add3A_320, %get3A_316], %broadcast_in_dim3A_1 : memref<400x128xf32, #tpu.memory_space<vmem>>[vector<16xi32>, vector<16xi32>], vector<16xf32>,
        %scan3A_321 = arith.constant 3 : i32
        %scan3A_322 = arith.addi %scan3A_287, %scan3A_321 : i32
        %mul3A_323 = arith.constant 16 : i32
        %mul3A_324 = arith.muli %scan3A_322, %mul3A_323 : i32
        %add3A_325 = arith.constant 1200 : i32
        %add3A_326 = arith.addi %add3A_325, %mul3A_324 : i32
        %get3A_327 = arith.index_cast %add3A_326 : i32 to index
        %get3A_328 = tpu.vector_load %arg6[%get3A_327] {strides = array<i32>} : memref<3200xi32, #tpu.memory_space<vmem>>, vector<16xi32>,
        %mul3A_329 = arith.constant 16 : i32
        %mul3A_330 = arith.muli %scan3A_322, %mul3A_329 : i32
        %add3A_331 = vector.broadcast %mul3A_330 : i32 to vector<16xi32>
        %add3A_332 = arith.addi %iota3A, %add3A_331 : vector<16xi32>
        tpu.vector_store_idx %arg5[%add3A_332, %get3A_328], %broadcast_in_dim3A_1 : memref<400x128xf32, #tpu.memory_space<vmem>>[vector<16xi32>, vector<16xi32>], vector<16xf32>,
        %scan3A_333 = arith.constant 4 : i32
        %scan3A_334 = arith.addi %scan3A_287, %scan3A_333 : i32
        %mul3A_335 = arith.constant 16 : i32
        %mul3A_336 = arith.muli %scan3A_334, %mul3A_335 : i32
        %add3A_337 = arith.constant 1200 : i32
        %add3A_338 = arith.addi %add3A_337, %mul3A_336 : i32
        %get3A_339 = arith.index_cast %add3A_338 : i32 to index
        %get3A_340 = tpu.vector_load %arg6[%get3A_339] {strides = array<i32>} : memref<3200xi32, #tpu.memory_space<vmem>>, vector<16xi32>,
        %mul3A_341 = arith.constant 16 : i32
        %mul3A_342 = arith.muli %scan3A_334, %mul3A_341 : i32
        %add3A_343 = vector.broadcast %mul3A_342 : i32 to vector<16xi32>
        %add3A_344 = arith.addi %iota3A, %add3A_343 : vector<16xi32>
        tpu.vector_store_idx %arg5[%add3A_344, %get3A_340], %broadcast_in_dim3A_1 : memref<400x128xf32, #tpu.memory_space<vmem>>[vector<16xi32>, vector<16xi32>], vector<16xf32>,
      }
      %scan3A_182 = arith.constant 25 : i32
      %mul3A_183 = arith.constant 400 : i32
      %mul3A_184 = arith.muli %add3A_160, %mul3A_183 : i32
      %dma_start3A_185 = arith.constant 0 : i32
      %dma_start3A_186 = tpu.memref_slice %arg3[%mul3A_184, %dma_start3A_185] : memref<100000x128xf32, #tpu.memory_space<hbm>> -> memref<400x128xf32, #tpu.memory_space<hbm>>
      %dma_start3A_187 = arith.constant 0 : i32
      %dma_start3A_188 = tpu.memref_slice %arg3[%mul3A_184, %dma_start3A_187] : memref<100000x128xf32, #tpu.memory_space<hbm>> -> memref<400x128xf32, #tpu.memory_space<hbm>>
      tpu.enqueue_dma source(%arg5 : memref<400x128xf32, #tpu.memory_space<vmem>>) target(%dma_start3A_188 : memref<400x128xf32, #tpu.memory_space<hbm>>) target_semaphore(%arg8 : memref<!tpu.dma_semaphore, #tpu.memory_space<semaphore_mem>>)
      %add3A_189 = arith.constant 128 : i32
      %add3A_190 = arith.addi %add3A, %add3A_189 : i32
      %dma_wait3A_191 = arith.constant 1600 : i32
      %dma_wait3A_192 = tpu.memref_slice %arg6[%dma_wait3A_191] : memref<3200xi32, #tpu.memory_space<vmem>> -> memref<400xi32, #tpu.memory_space<vmem>>
      %dma_wait3A_193 = tpu.memref_slice %arg2[%mul3A_52] : memref<100000xi32, #tpu.memory_space<hbm>> -> memref<400xi32, #tpu.memory_space<hbm>>
      %dma_wait3A_194 = arith.constant 1600 : i32
      %dma_wait3A_195 = tpu.memref_slice %arg6[%dma_wait3A_194] : memref<3200xi32, #tpu.memory_space<vmem>> -> memref<400xi32, #tpu.memory_space<vmem>>
      %dma_wait3A_196 = tpu.memref_slice %arg2[%mul3A_52] : memref<100000xi32, #tpu.memory_space<hbm>> -> memref<400xi32, #tpu.memory_space<hbm>>
      tpu.wait_dma2 semaphore(%arg9 : memref<!tpu.dma_semaphore, #tpu.memory_space<semaphore_mem>>) src(%dma_wait3A_196 : memref<400xi32, #tpu.memory_space<hbm>>) dst(%dma_wait3A_195 : memref<400xi32, #tpu.memory_space<vmem>>)
      %dma_wait3A_197 = arith.constant 0 : i32
      %dma_wait3A_198 = tpu.memref_slice %arg3[%mul3A_154, %dma_wait3A_197] : memref<100000x128xf32, #tpu.memory_space<hbm>> -> memref<400x128xf32, #tpu.memory_space<hbm>>
      %dma_wait3A_199 = arith.constant 0 : i32
      %dma_wait3A_200 = tpu.memref_slice %arg3[%mul3A_154, %dma_wait3A_199] : memref<100000x128xf32, #tpu.memory_space<hbm>> -> memref<400x128xf32, #tpu.memory_space<hbm>>
      tpu.wait_dma2 semaphore(%arg7 : memref<!tpu.dma_semaphore, #tpu.memory_space<semaphore_mem>>) src(%arg4 : memref<400x128xf32, #tpu.memory_space<vmem>>) dst(%dma_wait3A_200 : memref<400x128xf32, #tpu.memory_space<hbm>>)
      %scan3A_201 = arith.constant 0 : i32
      %scan3A_202 = arith.constant 0 : i32
      %scan3A_203 = arith.constant 25 : i32
      %scan3A_204 = arith.addi %scan3A_202, %scan3A_203 : i32
      %scan3A_205 = arith.constant 5 : i32
      scf.for %scan3A_287 = %scan3A_202 to %scan3A_204 step %scan3A_205  : i32 {
        %mul3A_288 = arith.constant 16 : i32
        %mul3A_289 = arith.muli %scan3A_287, %mul3A_288 : i32
        %add3A_290 = arith.constant 800 : i32
        %add3A_291 = arith.addi %add3A_290, %mul3A_289 : i32
        %get3A = arith.index_cast %add3A_291 : i32 to index
        %get3A_292 = tpu.vector_load %arg6[%get3A] {strides = array<i32>} : memref<3200xi32, #tpu.memory_space<vmem>>, vector<16xi32>,
        %mul3A_293 = arith.constant 16 : i32
        %mul3A_294 = arith.muli %scan3A_287, %mul3A_293 : i32
        %add3A_295 = vector.broadcast %mul3A_294 : i32 to vector<16xi32>
        %add3A_296 = arith.addi %iota3A, %add3A_295 : vector<16xi32>
        tpu.vector_store_idx %arg4[%add3A_296, %get3A_292], %broadcast_in_dim3A_3 : memref<400x128xf32, #tpu.memory_space<vmem>>[vector<16xi32>, vector<16xi32>], vector<16xf32>,
        %scan3A_297 = arith.constant 1 : i32
        %scan3A_298 = arith.addi %scan3A_287, %scan3A_297 : i32
        %mul3A_299 = arith.constant 16 : i32
        %mul3A_300 = arith.muli %scan3A_298, %mul3A_299 : i32
        %add3A_301 = arith.constant 800 : i32
        %add3A_302 = arith.addi %add3A_301, %mul3A_300 : i32
        %get3A_303 = arith.index_cast %add3A_302 : i32 to index
        %get3A_304 = tpu.vector_load %arg6[%get3A_303] {strides = array<i32>} : memref<3200xi32, #tpu.memory_space<vmem>>, vector<16xi32>,
        %mul3A_305 = arith.constant 16 : i32
        %mul3A_306 = arith.muli %scan3A_298, %mul3A_305 : i32
        %add3A_307 = vector.broadcast %mul3A_306 : i32 to vector<16xi32>
        %add3A_308 = arith.addi %iota3A, %add3A_307 : vector<16xi32>
        tpu.vector_store_idx %arg4[%add3A_308, %get3A_304], %broadcast_in_dim3A_3 : memref<400x128xf32, #tpu.memory_space<vmem>>[vector<16xi32>, vector<16xi32>], vector<16xf32>,
        %scan3A_309 = arith.constant 2 : i32
        %scan3A_310 = arith.addi %scan3A_287, %scan3A_309 : i32
        %mul3A_311 = arith.constant 16 : i32
        %mul3A_312 = arith.muli %scan3A_310, %mul3A_311 : i32
        %add3A_313 = arith.constant 800 : i32
        %add3A_314 = arith.addi %add3A_313, %mul3A_312 : i32
        %get3A_315 = arith.index_cast %add3A_314 : i32 to index
        %get3A_316 = tpu.vector_load %arg6[%get3A_315] {strides = array<i32>} : memref<3200xi32, #tpu.memory_space<vmem>>, vector<16xi32>,
        %mul3A_317 = arith.constant 16 : i32
        %mul3A_318 = arith.muli %scan3A_310, %mul3A_317 : i32
        %add3A_319 = vector.broadcast %mul3A_318 : i32 to vector<16xi32>
        %add3A_320 = arith.addi %iota3A, %add3A_319 : vector<16xi32>
        tpu.vector_store_idx %arg4[%add3A_320, %get3A_316], %broadcast_in_dim3A_3 : memref<400x128xf32, #tpu.memory_space<vmem>>[vector<16xi32>, vector<16xi32>], vector<16xf32>,
        %scan3A_321 = arith.constant 3 : i32
        %scan3A_322 = arith.addi %scan3A_287, %scan3A_321 : i32
        %mul3A_323 = arith.constant 16 : i32
        %mul3A_324 = arith.muli %scan3A_322, %mul3A_323 : i32
        %add3A_325 = arith.constant 800 : i32
        %add3A_326 = arith.addi %add3A_325, %mul3A_324 : i32
        %get3A_327 = arith.index_cast %add3A_326 : i32 to index
        %get3A_328 = tpu.vector_load %arg6[%get3A_327] {strides = array<i32>} : memref<3200xi32, #tpu.memory_space<vmem>>, vector<16xi32>,
        %mul3A_329 = arith.constant 16 : i32
        %mul3A_330 = arith.muli %scan3A_322, %mul3A_329 : i32
        %add3A_331 = vector.broadcast %mul3A_330 : i32 to vector<16xi32>
        %add3A_332 = arith.addi %iota3A, %add3A_331 : vector<16xi32>
        tpu.vector_store_idx %arg4[%add3A_332, %get3A_328], %broadcast_in_dim3A_3 : memref<400x128xf32, #tpu.memory_space<vmem>>[vector<16xi32>, vector<16xi32>], vector<16xf32>,
        %scan3A_333 = arith.constant 4 : i32
        %scan3A_334 = arith.addi %scan3A_287, %scan3A_333 : i32
        %mul3A_335 = arith.constant 16 : i32
        %mul3A_336 = arith.muli %scan3A_334, %mul3A_335 : i32
        %add3A_337 = arith.constant 800 : i32
        %add3A_338 = arith.addi %add3A_337, %mul3A_336 : i32
        %get3A_339 = arith.index_cast %add3A_338 : i32 to index
        %get3A_340 = tpu.vector_load %arg6[%get3A_339] {strides = array<i32>} : memref<3200xi32, #tpu.memory_space<vmem>>, vector<16xi32>,
        %mul3A_341 = arith.constant 16 : i32
        %mul3A_342 = arith.muli %scan3A_334, %mul3A_341 : i32
        %add3A_343 = vector.broadcast %mul3A_342 : i32 to vector<16xi32>
        %add3A_344 = arith.addi %iota3A, %add3A_343 : vector<16xi32>
        tpu.vector_store_idx %arg4[%add3A_344, %get3A_340], %broadcast_in_dim3A_3 : memref<400x128xf32, #tpu.memory_space<vmem>>[vector<16xi32>, vector<16xi32>], vector<16xf32>,
      }
      %scan3A_206 = arith.constant 25 : i32
      %scan3A_207 = arith.constant 0 : i32
      %scan3A_208 = arith.constant 0 : i32
      %scan3A_209 = arith.constant 25 : i32
      %scan3A_210 = arith.addi %scan3A_208, %scan3A_209 : i32
      %scan3A_211 = arith.constant 5 : i32
      scf.for %scan3A_287 = %scan3A_208 to %scan3A_210 step %scan3A_211  : i32 {
        %mul3A_288 = arith.constant 16 : i32
        %mul3A_289 = arith.muli %scan3A_287, %mul3A_288 : i32
        %add3A_290 = arith.constant 1600 : i32
        %add3A_291 = arith.addi %add3A_290, %mul3A_289 : i32
        %get3A = arith.index_cast %add3A_291 : i32 to index
        %get3A_292 = tpu.vector_load %arg6[%get3A] {strides = array<i32>} : memref<3200xi32, #tpu.memory_space<vmem>>, vector<16xi32>,
        %mul3A_293 = arith.constant 16 : i32
        %mul3A_294 = arith.muli %scan3A_287, %mul3A_293 : i32
        %add3A_295 = vector.broadcast %mul3A_294 : i32 to vector<16xi32>
        %add3A_296 = arith.addi %iota3A, %add3A_295 : vector<16xi32>
        tpu.vector_store_idx %arg4[%add3A_296, %get3A_292], %broadcast_in_dim3A_1 : memref<400x128xf32, #tpu.memory_space<vmem>>[vector<16xi32>, vector<16xi32>], vector<16xf32>,
        %scan3A_297 = arith.constant 1 : i32
        %scan3A_298 = arith.addi %scan3A_287, %scan3A_297 : i32
        %mul3A_299 = arith.constant 16 : i32
        %mul3A_300 = arith.muli %scan3A_298, %mul3A_299 : i32
        %add3A_301 = arith.constant 1600 : i32
        %add3A_302 = arith.addi %add3A_301, %mul3A_300 : i32
        %get3A_303 = arith.index_cast %add3A_302 : i32 to index
        %get3A_304 = tpu.vector_load %arg6[%get3A_303] {strides = array<i32>} : memref<3200xi32, #tpu.memory_space<vmem>>, vector<16xi32>,
        %mul3A_305 = arith.constant 16 : i32
        %mul3A_306 = arith.muli %scan3A_298, %mul3A_305 : i32
        %add3A_307 = vector.broadcast %mul3A_306 : i32 to vector<16xi32>
        %add3A_308 = arith.addi %iota3A, %add3A_307 : vector<16xi32>
        tpu.vector_store_idx %arg4[%add3A_308, %get3A_304], %broadcast_in_dim3A_1 : memref<400x128xf32, #tpu.memory_space<vmem>>[vector<16xi32>, vector<16xi32>], vector<16xf32>,
        %scan3A_309 = arith.constant 2 : i32
        %scan3A_310 = arith.addi %scan3A_287, %scan3A_309 : i32
        %mul3A_311 = arith.constant 16 : i32
        %mul3A_312 = arith.muli %scan3A_310, %mul3A_311 : i32
        %add3A_313 = arith.constant 1600 : i32
        %add3A_314 = arith.addi %add3A_313, %mul3A_312 : i32
        %get3A_315 = arith.index_cast %add3A_314 : i32 to index
        %get3A_316 = tpu.vector_load %arg6[%get3A_315] {strides = array<i32>} : memref<3200xi32, #tpu.memory_space<vmem>>, vector<16xi32>,
        %mul3A_317 = arith.constant 16 : i32
        %mul3A_318 = arith.muli %scan3A_310, %mul3A_317 : i32
        %add3A_319 = vector.broadcast %mul3A_318 : i32 to vector<16xi32>
        %add3A_320 = arith.addi %iota3A, %add3A_319 : vector<16xi32>
        tpu.vector_store_idx %arg4[%add3A_320, %get3A_316], %broadcast_in_dim3A_1 : memref<400x128xf32, #tpu.memory_space<vmem>>[vector<16xi32>, vector<16xi32>], vector<16xf32>,
        %scan3A_321 = arith.constant 3 : i32
        %scan3A_322 = arith.addi %scan3A_287, %scan3A_321 : i32
        %mul3A_323 = arith.constant 16 : i32
        %mul3A_324 = arith.muli %scan3A_322, %mul3A_323 : i32
        %add3A_325 = arith.constant 1600 : i32
        %add3A_326 = arith.addi %add3A_325, %mul3A_324 : i32
        %get3A_327 = arith.index_cast %add3A_326 : i32 to index
        %get3A_328 = tpu.vector_load %arg6[%get3A_327] {strides = array<i32>} : memref<3200xi32, #tpu.memory_space<vmem>>, vector<16xi32>,
        %mul3A_329 = arith.constant 16 : i32
        %mul3A_330 = arith.muli %scan3A_322, %mul3A_329 : i32
        %add3A_331 = vector.broadcast %mul3A_330 : i32 to vector<16xi32>
        %add3A_332 = arith.addi %iota3A, %add3A_331 : vector<16xi32>
        tpu.vector_store_idx %arg4[%add3A_332, %get3A_328], %broadcast_in_dim3A_1 : memref<400x128xf32, #tpu.memory_space<vmem>>[vector<16xi32>, vector<16xi32>], vector<16xf32>,
        %scan3A_333 = arith.constant 4 : i32
        %scan3A_334 = arith.addi %scan3A_287, %scan3A_333 : i32
        %mul3A_335 = arith.constant 16 : i32
        %mul3A_336 = arith.muli %scan3A_334, %mul3A_335 : i32
        %add3A_337 = arith.constant 1600 : i32
        %add3A_338 = arith.addi %add3A_337, %mul3A_336 : i32
        %get3A_339 = arith.index_cast %add3A_338 : i32 to index
        %get3A_340 = tpu.vector_load %arg6[%get3A_339] {strides = array<i32>} : memref<3200xi32, #tpu.memory_space<vmem>>, vector<16xi32>,
        %mul3A_341 = arith.constant 16 : i32
        %mul3A_342 = arith.muli %scan3A_334, %mul3A_341 : i32
        %add3A_343 = vector.broadcast %mul3A_342 : i32 to vector<16xi32>
        %add3A_344 = arith.addi %iota3A, %add3A_343 : vector<16xi32>
        tpu.vector_store_idx %arg4[%add3A_344, %get3A_340], %broadcast_in_dim3A_1 : memref<400x128xf32, #tpu.memory_space<vmem>>[vector<16xi32>, vector<16xi32>], vector<16xf32>,
      }
      %scan3A_212 = arith.constant 25 : i32
      %mul3A_213 = arith.constant 400 : i32
      %mul3A_214 = arith.muli %add3A_190, %mul3A_213 : i32
      %dma_start3A_215 = arith.constant 0 : i32
      %dma_start3A_216 = tpu.memref_slice %arg3[%mul3A_214, %dma_start3A_215] : memref<100000x128xf32, #tpu.memory_space<hbm>> -> memref<400x128xf32, #tpu.memory_space<hbm>>
      %dma_start3A_217 = arith.constant 0 : i32
      %dma_start3A_218 = tpu.memref_slice %arg3[%mul3A_214, %dma_start3A_217] : memref<100000x128xf32, #tpu.memory_space<hbm>> -> memref<400x128xf32, #tpu.memory_space<hbm>>
      tpu.enqueue_dma source(%arg4 : memref<400x128xf32, #tpu.memory_space<vmem>>) target(%dma_start3A_218 : memref<400x128xf32, #tpu.memory_space<hbm>>) target_semaphore(%arg7 : memref<!tpu.dma_semaphore, #tpu.memory_space<semaphore_mem>>)
      %add3A_219 = arith.constant 160 : i32
      %add3A_220 = arith.addi %add3A, %add3A_219 : i32
      %dma_wait3A_221 = arith.constant 2000 : i32
      %dma_wait3A_222 = tpu.memref_slice %arg6[%dma_wait3A_221] : memref<3200xi32, #tpu.memory_space<vmem>> -> memref<400xi32, #tpu.memory_space<vmem>>
      %dma_wait3A_223 = tpu.memref_slice %arg2[%mul3A_62] : memref<100000xi32, #tpu.memory_space<hbm>> -> memref<400xi32, #tpu.memory_space<hbm>>
      %dma_wait3A_224 = arith.constant 2000 : i32
      %dma_wait3A_225 = tpu.memref_slice %arg6[%dma_wait3A_224] : memref<3200xi32, #tpu.memory_space<vmem>> -> memref<400xi32, #tpu.memory_space<vmem>>
      %dma_wait3A_226 = tpu.memref_slice %arg2[%mul3A_62] : memref<100000xi32, #tpu.memory_space<hbm>> -> memref<400xi32, #tpu.memory_space<hbm>>
      tpu.wait_dma2 semaphore(%arg9 : memref<!tpu.dma_semaphore, #tpu.memory_space<semaphore_mem>>) src(%dma_wait3A_226 : memref<400xi32, #tpu.memory_space<hbm>>) dst(%dma_wait3A_225 : memref<400xi32, #tpu.memory_space<vmem>>)
      %dma_wait3A_227 = arith.constant 0 : i32
      %dma_wait3A_228 = tpu.memref_slice %arg3[%mul3A_184, %dma_wait3A_227] : memref<100000x128xf32, #tpu.memory_space<hbm>> -> memref<400x128xf32, #tpu.memory_space<hbm>>
      %dma_wait3A_229 = arith.constant 0 : i32
      %dma_wait3A_230 = tpu.memref_slice %arg3[%mul3A_184, %dma_wait3A_229] : memref<100000x128xf32, #tpu.memory_space<hbm>> -> memref<400x128xf32, #tpu.memory_space<hbm>>
      tpu.wait_dma2 semaphore(%arg8 : memref<!tpu.dma_semaphore, #tpu.memory_space<semaphore_mem>>) src(%arg5 : memref<400x128xf32, #tpu.memory_space<vmem>>) dst(%dma_wait3A_230 : memref<400x128xf32, #tpu.memory_space<hbm>>)
      %scan3A_231 = arith.constant 0 : i32
      %scan3A_232 = arith.constant 0 : i32
      %scan3A_233 = arith.constant 25 : i32
      %scan3A_234 = arith.addi %scan3A_232, %scan3A_233 : i32
      %scan3A_235 = arith.constant 5 : i32
      scf.for %scan3A_287 = %scan3A_232 to %scan3A_234 step %scan3A_235  : i32 {
        %mul3A_288 = arith.constant 16 : i32
        %mul3A_289 = arith.muli %scan3A_287, %mul3A_288 : i32
        %add3A_290 = arith.constant 1200 : i32
        %add3A_291 = arith.addi %add3A_290, %mul3A_289 : i32
        %get3A = arith.index_cast %add3A_291 : i32 to index
        %get3A_292 = tpu.vector_load %arg6[%get3A] {strides = array<i32>} : memref<3200xi32, #tpu.memory_space<vmem>>, vector<16xi32>,
        %mul3A_293 = arith.constant 16 : i32
        %mul3A_294 = arith.muli %scan3A_287, %mul3A_293 : i32
        %add3A_295 = vector.broadcast %mul3A_294 : i32 to vector<16xi32>
        %add3A_296 = arith.addi %iota3A, %add3A_295 : vector<16xi32>
        tpu.vector_store_idx %arg5[%add3A_296, %get3A_292], %broadcast_in_dim3A_3 : memref<400x128xf32, #tpu.memory_space<vmem>>[vector<16xi32>, vector<16xi32>], vector<16xf32>,
        %scan3A_297 = arith.constant 1 : i32
        %scan3A_298 = arith.addi %scan3A_287, %scan3A_297 : i32
        %mul3A_299 = arith.constant 16 : i32
        %mul3A_300 = arith.muli %scan3A_298, %mul3A_299 : i32
        %add3A_301 = arith.constant 1200 : i32
        %add3A_302 = arith.addi %add3A_301, %mul3A_300 : i32
        %get3A_303 = arith.index_cast %add3A_302 : i32 to index
        %get3A_304 = tpu.vector_load %arg6[%get3A_303] {strides = array<i32>} : memref<3200xi32, #tpu.memory_space<vmem>>, vector<16xi32>,
        %mul3A_305 = arith.constant 16 : i32
        %mul3A_306 = arith.muli %scan3A_298, %mul3A_305 : i32
        %add3A_307 = vector.broadcast %mul3A_306 : i32 to vector<16xi32>
        %add3A_308 = arith.addi %iota3A, %add3A_307 : vector<16xi32>
        tpu.vector_store_idx %arg5[%add3A_308, %get3A_304], %broadcast_in_dim3A_3 : memref<400x128xf32, #tpu.memory_space<vmem>>[vector<16xi32>, vector<16xi32>], vector<16xf32>,
        %scan3A_309 = arith.constant 2 : i32
        %scan3A_310 = arith.addi %scan3A_287, %scan3A_309 : i32
        %mul3A_311 = arith.constant 16 : i32
        %mul3A_312 = arith.muli %scan3A_310, %mul3A_311 : i32
        %add3A_313 = arith.constant 1200 : i32
        %add3A_314 = arith.addi %add3A_313, %mul3A_312 : i32
        %get3A_315 = arith.index_cast %add3A_314 : i32 to index
        %get3A_316 = tpu.vector_load %arg6[%get3A_315] {strides = array<i32>} : memref<3200xi32, #tpu.memory_space<vmem>>, vector<16xi32>,
        %mul3A_317 = arith.constant 16 : i32
        %mul3A_318 = arith.muli %scan3A_310, %mul3A_317 : i32
        %add3A_319 = vector.broadcast %mul3A_318 : i32 to vector<16xi32>
        %add3A_320 = arith.addi %iota3A, %add3A_319 : vector<16xi32>
        tpu.vector_store_idx %arg5[%add3A_320, %get3A_316], %broadcast_in_dim3A_3 : memref<400x128xf32, #tpu.memory_space<vmem>>[vector<16xi32>, vector<16xi32>], vector<16xf32>,
        %scan3A_321 = arith.constant 3 : i32
        %scan3A_322 = arith.addi %scan3A_287, %scan3A_321 : i32
        %mul3A_323 = arith.constant 16 : i32
        %mul3A_324 = arith.muli %scan3A_322, %mul3A_323 : i32
        %add3A_325 = arith.constant 1200 : i32
        %add3A_326 = arith.addi %add3A_325, %mul3A_324 : i32
        %get3A_327 = arith.index_cast %add3A_326 : i32 to index
        %get3A_328 = tpu.vector_load %arg6[%get3A_327] {strides = array<i32>} : memref<3200xi32, #tpu.memory_space<vmem>>, vector<16xi32>,
        %mul3A_329 = arith.constant 16 : i32
        %mul3A_330 = arith.muli %scan3A_322, %mul3A_329 : i32
        %add3A_331 = vector.broadcast %mul3A_330 : i32 to vector<16xi32>
        %add3A_332 = arith.addi %iota3A, %add3A_331 : vector<16xi32>
        tpu.vector_store_idx %arg5[%add3A_332, %get3A_328], %broadcast_in_dim3A_3 : memref<400x128xf32, #tpu.memory_space<vmem>>[vector<16xi32>, vector<16xi32>], vector<16xf32>,
        %scan3A_333 = arith.constant 4 : i32
        %scan3A_334 = arith.addi %scan3A_287, %scan3A_333 : i32
        %mul3A_335 = arith.constant 16 : i32
        %mul3A_336 = arith.muli %scan3A_334, %mul3A_335 : i32
        %add3A_337 = arith.constant 1200 : i32
        %add3A_338 = arith.addi %add3A_337, %mul3A_336 : i32
        %get3A_339 = arith.index_cast %add3A_338 : i32 to index
        %get3A_340 = tpu.vector_load %arg6[%get3A_339] {strides = array<i32>} : memref<3200xi32, #tpu.memory_space<vmem>>, vector<16xi32>,
        %mul3A_341 = arith.constant 16 : i32
        %mul3A_342 = arith.muli %scan3A_334, %mul3A_341 : i32
        %add3A_343 = vector.broadcast %mul3A_342 : i32 to vector<16xi32>
        %add3A_344 = arith.addi %iota3A, %add3A_343 : vector<16xi32>
        tpu.vector_store_idx %arg5[%add3A_344, %get3A_340], %broadcast_in_dim3A_3 : memref<400x128xf32, #tpu.memory_space<vmem>>[vector<16xi32>, vector<16xi32>], vector<16xf32>,
      }
      %scan3A_236 = arith.constant 25 : i32
      %scan3A_237 = arith.constant 0 : i32
      %scan3A_238 = arith.constant 0 : i32
      %scan3A_239 = arith.constant 25 : i32
      %scan3A_240 = arith.addi %scan3A_238, %scan3A_239 : i32
      %scan3A_241 = arith.constant 5 : i32
      scf.for %scan3A_287 = %scan3A_238 to %scan3A_240 step %scan3A_241  : i32 {
        %mul3A_288 = arith.constant 16 : i32
        %mul3A_289 = arith.muli %scan3A_287, %mul3A_288 : i32
        %add3A_290 = arith.constant 2000 : i32
        %add3A_291 = arith.addi %add3A_290, %mul3A_289 : i32
        %get3A = arith.index_cast %add3A_291 : i32 to index
        %get3A_292 = tpu.vector_load %arg6[%get3A] {strides = array<i32>} : memref<3200xi32, #tpu.memory_space<vmem>>, vector<16xi32>,
        %mul3A_293 = arith.constant 16 : i32
        %mul3A_294 = arith.muli %scan3A_287, %mul3A_293 : i32
        %add3A_295 = vector.broadcast %mul3A_294 : i32 to vector<16xi32>
        %add3A_296 = arith.addi %iota3A, %add3A_295 : vector<16xi32>
        tpu.vector_store_idx %arg5[%add3A_296, %get3A_292], %broadcast_in_dim3A_1 : memref<400x128xf32, #tpu.memory_space<vmem>>[vector<16xi32>, vector<16xi32>], vector<16xf32>,
        %scan3A_297 = arith.constant 1 : i32
        %scan3A_298 = arith.addi %scan3A_287, %scan3A_297 : i32
        %mul3A_299 = arith.constant 16 : i32
        %mul3A_300 = arith.muli %scan3A_298, %mul3A_299 : i32
        %add3A_301 = arith.constant 2000 : i32
        %add3A_302 = arith.addi %add3A_301, %mul3A_300 : i32
        %get3A_303 = arith.index_cast %add3A_302 : i32 to index
        %get3A_304 = tpu.vector_load %arg6[%get3A_303] {strides = array<i32>} : memref<3200xi32, #tpu.memory_space<vmem>>, vector<16xi32>,
        %mul3A_305 = arith.constant 16 : i32
        %mul3A_306 = arith.muli %scan3A_298, %mul3A_305 : i32
        %add3A_307 = vector.broadcast %mul3A_306 : i32 to vector<16xi32>
        %add3A_308 = arith.addi %iota3A, %add3A_307 : vector<16xi32>
        tpu.vector_store_idx %arg5[%add3A_308, %get3A_304], %broadcast_in_dim3A_1 : memref<400x128xf32, #tpu.memory_space<vmem>>[vector<16xi32>, vector<16xi32>], vector<16xf32>,
        %scan3A_309 = arith.constant 2 : i32
        %scan3A_310 = arith.addi %scan3A_287, %scan3A_309 : i32
        %mul3A_311 = arith.constant 16 : i32
        %mul3A_312 = arith.muli %scan3A_310, %mul3A_311 : i32
        %add3A_313 = arith.constant 2000 : i32
        %add3A_314 = arith.addi %add3A_313, %mul3A_312 : i32
        %get3A_315 = arith.index_cast %add3A_314 : i32 to index
        %get3A_316 = tpu.vector_load %arg6[%get3A_315] {strides = array<i32>} : memref<3200xi32, #tpu.memory_space<vmem>>, vector<16xi32>,
        %mul3A_317 = arith.constant 16 : i32
        %mul3A_318 = arith.muli %scan3A_310, %mul3A_317 : i32
        %add3A_319 = vector.broadcast %mul3A_318 : i32 to vector<16xi32>
        %add3A_320 = arith.addi %iota3A, %add3A_319 : vector<16xi32>
        tpu.vector_store_idx %arg5[%add3A_320, %get3A_316], %broadcast_in_dim3A_1 : memref<400x128xf32, #tpu.memory_space<vmem>>[vector<16xi32>, vector<16xi32>], vector<16xf32>,
        %scan3A_321 = arith.constant 3 : i32
        %scan3A_322 = arith.addi %scan3A_287, %scan3A_321 : i32
        %mul3A_323 = arith.constant 16 : i32
        %mul3A_324 = arith.muli %scan3A_322, %mul3A_323 : i32
        %add3A_325 = arith.constant 2000 : i32
        %add3A_326 = arith.addi %add3A_325, %mul3A_324 : i32
        %get3A_327 = arith.index_cast %add3A_326 : i32 to index
        %get3A_328 = tpu.vector_load %arg6[%get3A_327] {strides = array<i32>} : memref<3200xi32, #tpu.memory_space<vmem>>, vector<16xi32>,
        %mul3A_329 = arith.constant 16 : i32
        %mul3A_330 = arith.muli %scan3A_322, %mul3A_329 : i32
        %add3A_331 = vector.broadcast %mul3A_330 : i32 to vector<16xi32>
        %add3A_332 = arith.addi %iota3A, %add3A_331 : vector<16xi32>
        tpu.vector_store_idx %arg5[%add3A_332, %get3A_328], %broadcast_in_dim3A_1 : memref<400x128xf32, #tpu.memory_space<vmem>>[vector<16xi32>, vector<16xi32>], vector<16xf32>,
        %scan3A_333 = arith.constant 4 : i32
        %scan3A_334 = arith.addi %scan3A_287, %scan3A_333 : i32
        %mul3A_335 = arith.constant 16 : i32
        %mul3A_336 = arith.muli %scan3A_334, %mul3A_335 : i32
        %add3A_337 = arith.constant 2000 : i32
        %add3A_338 = arith.addi %add3A_337, %mul3A_336 : i32
        %get3A_339 = arith.index_cast %add3A_338 : i32 to index
        %get3A_340 = tpu.vector_load %arg6[%get3A_339] {strides = array<i32>} : memref<3200xi32, #tpu.memory_space<vmem>>, vector<16xi32>,
        %mul3A_341 = arith.constant 16 : i32
        %mul3A_342 = arith.muli %scan3A_334, %mul3A_341 : i32
        %add3A_343 = vector.broadcast %mul3A_342 : i32 to vector<16xi32>
        %add3A_344 = arith.addi %iota3A, %add3A_343 : vector<16xi32>
        tpu.vector_store_idx %arg5[%add3A_344, %get3A_340], %broadcast_in_dim3A_1 : memref<400x128xf32, #tpu.memory_space<vmem>>[vector<16xi32>, vector<16xi32>], vector<16xf32>,
      }
      %scan3A_242 = arith.constant 25 : i32
      %mul3A_243 = arith.constant 400 : i32
      %mul3A_244 = arith.muli %add3A_220, %mul3A_243 : i32
      %dma_start3A_245 = arith.constant 0 : i32
      %dma_start3A_246 = tpu.memref_slice %arg3[%mul3A_244, %dma_start3A_245] : memref<100000x128xf32, #tpu.memory_space<hbm>> -> memref<400x128xf32, #tpu.memory_space<hbm>>
      %dma_start3A_247 = arith.constant 0 : i32
      %dma_start3A_248 = tpu.memref_slice %arg3[%mul3A_244, %dma_start3A_247] : memref<100000x128xf32, #tpu.memory_space<hbm>> -> memref<400x128xf32, #tpu.memory_space<hbm>>
      tpu.enqueue_dma source(%arg5 : memref<400x128xf32, #tpu.memory_space<vmem>>) target(%dma_start3A_248 : memref<400x128xf32, #tpu.memory_space<hbm>>) target_semaphore(%arg8 : memref<!tpu.dma_semaphore, #tpu.memory_space<semaphore_mem>>)
      %add3A_249 = arith.constant 192 : i32
      %add3A_250 = arith.addi %add3A, %add3A_249 : i32
      %dma_wait3A_251 = arith.constant 2400 : i32
      %dma_wait3A_252 = tpu.memref_slice %arg6[%dma_wait3A_251] : memref<3200xi32, #tpu.memory_space<vmem>> -> memref<400xi32, #tpu.memory_space<vmem>>
      %dma_wait3A_253 = tpu.memref_slice %arg2[%mul3A_72] : memref<100000xi32, #tpu.memory_space<hbm>> -> memref<400xi32, #tpu.memory_space<hbm>>
      %dma_wait3A_254 = arith.constant 2400 : i32
      %dma_wait3A_255 = tpu.memref_slice %arg6[%dma_wait3A_254] : memref<3200xi32, #tpu.memory_space<vmem>> -> memref<400xi32, #tpu.memory_space<vmem>>
      %dma_wait3A_256 = tpu.memref_slice %arg2[%mul3A_72] : memref<100000xi32, #tpu.memory_space<hbm>> -> memref<400xi32, #tpu.memory_space<hbm>>
      tpu.wait_dma2 semaphore(%arg9 : memref<!tpu.dma_semaphore, #tpu.memory_space<semaphore_mem>>) src(%dma_wait3A_256 : memref<400xi32, #tpu.memory_space<hbm>>) dst(%dma_wait3A_255 : memref<400xi32, #tpu.memory_space<vmem>>)
      %dma_wait3A_257 = arith.constant 0 : i32
      %dma_wait3A_258 = tpu.memref_slice %arg3[%mul3A_214, %dma_wait3A_257] : memref<100000x128xf32, #tpu.memory_space<hbm>> -> memref<400x128xf32, #tpu.memory_space<hbm>>
      %dma_wait3A_259 = arith.constant 0 : i32
      %dma_wait3A_260 = tpu.memref_slice %arg3[%mul3A_214, %dma_wait3A_259] : memref<100000x128xf32, #tpu.memory_space<hbm>> -> memref<400x128xf32, #tpu.memory_space<hbm>>
      tpu.wait_dma2 semaphore(%arg7 : memref<!tpu.dma_semaphore, #tpu.memory_space<semaphore_mem>>) src(%arg4 : memref<400x128xf32, #tpu.memory_space<vmem>>) dst(%dma_wait3A_260 : memref<400x128xf32, #tpu.memory_space<hbm>>)
      %scan3A_261 = arith.constant 0 : i32
      %scan3A_262 = arith.constant 0 : i32
      %scan3A_263 = arith.constant 25 : i32
      %scan3A_264 = arith.addi %scan3A_262, %scan3A_263 : i32
      %scan3A_265 = arith.constant 5 : i32
      scf.for %scan3A_287 = %scan3A_262 to %scan3A_264 step %scan3A_265  : i32 {
        %mul3A_288 = arith.constant 16 : i32
        %mul3A_289 = arith.muli %scan3A_287, %mul3A_288 : i32
        %add3A_290 = arith.constant 1600 : i32
        %add3A_291 = arith.addi %add3A_290, %mul3A_289 : i32
        %get3A = arith.index_cast %add3A_291 : i32 to index
        %get3A_292 = tpu.vector_load %arg6[%get3A] {strides = array<i32>} : memref<3200xi32, #tpu.memory_space<vmem>>, vector<16xi32>,
        %mul3A_293 = arith.constant 16 : i32
        %mul3A_294 = arith.muli %scan3A_287, %mul3A_293 : i32
        %add3A_295 = vector.broadcast %mul3A_294 : i32 to vector<16xi32>
        %add3A_296 = arith.addi %iota3A, %add3A_295 : vector<16xi32>
        tpu.vector_store_idx %arg4[%add3A_296, %get3A_292], %broadcast_in_dim3A_3 : memref<400x128xf32, #tpu.memory_space<vmem>>[vector<16xi32>, vector<16xi32>], vector<16xf32>,
        %scan3A_297 = arith.constant 1 : i32
        %scan3A_298 = arith.addi %scan3A_287, %scan3A_297 : i32
        %mul3A_299 = arith.constant 16 : i32
        %mul3A_300 = arith.muli %scan3A_298, %mul3A_299 : i32
        %add3A_301 = arith.constant 1600 : i32
        %add3A_302 = arith.addi %add3A_301, %mul3A_300 : i32
        %get3A_303 = arith.index_cast %add3A_302 : i32 to index
        %get3A_304 = tpu.vector_load %arg6[%get3A_303] {strides = array<i32>} : memref<3200xi32, #tpu.memory_space<vmem>>, vector<16xi32>,
        %mul3A_305 = arith.constant 16 : i32
        %mul3A_306 = arith.muli %scan3A_298, %mul3A_305 : i32
        %add3A_307 = vector.broadcast %mul3A_306 : i32 to vector<16xi32>
        %add3A_308 = arith.addi %iota3A, %add3A_307 : vector<16xi32>
        tpu.vector_store_idx %arg4[%add3A_308, %get3A_304], %broadcast_in_dim3A_3 : memref<400x128xf32, #tpu.memory_space<vmem>>[vector<16xi32>, vector<16xi32>], vector<16xf32>,
        %scan3A_309 = arith.constant 2 : i32
        %scan3A_310 = arith.addi %scan3A_287, %scan3A_309 : i32
        %mul3A_311 = arith.constant 16 : i32
        %mul3A_312 = arith.muli %scan3A_310, %mul3A_311 : i32
        %add3A_313 = arith.constant 1600 : i32
        %add3A_314 = arith.addi %add3A_313, %mul3A_312 : i32
        %get3A_315 = arith.index_cast %add3A_314 : i32 to index
        %get3A_316 = tpu.vector_load %arg6[%get3A_315] {strides = array<i32>} : memref<3200xi32, #tpu.memory_space<vmem>>, vector<16xi32>,
        %mul3A_317 = arith.constant 16 : i32
        %mul3A_318 = arith.muli %scan3A_310, %mul3A_317 : i32
        %add3A_319 = vector.broadcast %mul3A_318 : i32 to vector<16xi32>
        %add3A_320 = arith.addi %iota3A, %add3A_319 : vector<16xi32>
        tpu.vector_store_idx %arg4[%add3A_320, %get3A_316], %broadcast_in_dim3A_3 : memref<400x128xf32, #tpu.memory_space<vmem>>[vector<16xi32>, vector<16xi32>], vector<16xf32>,
        %scan3A_321 = arith.constant 3 : i32
        %scan3A_322 = arith.addi %scan3A_287, %scan3A_321 : i32
        %mul3A_323 = arith.constant 16 : i32
        %mul3A_324 = arith.muli %scan3A_322, %mul3A_323 : i32
        %add3A_325 = arith.constant 1600 : i32
        %add3A_326 = arith.addi %add3A_325, %mul3A_324 : i32
        %get3A_327 = arith.index_cast %add3A_326 : i32 to index
        %get3A_328 = tpu.vector_load %arg6[%get3A_327] {strides = array<i32>} : memref<3200xi32, #tpu.memory_space<vmem>>, vector<16xi32>,
        %mul3A_329 = arith.constant 16 : i32
        %mul3A_330 = arith.muli %scan3A_322, %mul3A_329 : i32
        %add3A_331 = vector.broadcast %mul3A_330 : i32 to vector<16xi32>
        %add3A_332 = arith.addi %iota3A, %add3A_331 : vector<16xi32>
        tpu.vector_store_idx %arg4[%add3A_332, %get3A_328], %broadcast_in_dim3A_3 : memref<400x128xf32, #tpu.memory_space<vmem>>[vector<16xi32>, vector<16xi32>], vector<16xf32>,
        %scan3A_333 = arith.constant 4 : i32
        %scan3A_334 = arith.addi %scan3A_287, %scan3A_333 : i32
        %mul3A_335 = arith.constant 16 : i32
        %mul3A_336 = arith.muli %scan3A_334, %mul3A_335 : i32
        %add3A_337 = arith.constant 1600 : i32
        %add3A_338 = arith.addi %add3A_337, %mul3A_336 : i32
        %get3A_339 = arith.index_cast %add3A_338 : i32 to index
        %get3A_340 = tpu.vector_load %arg6[%get3A_339] {strides = array<i32>} : memref<3200xi32, #tpu.memory_space<vmem>>, vector<16xi32>,
        %mul3A_341 = arith.constant 16 : i32
        %mul3A_342 = arith.muli %scan3A_334, %mul3A_341 : i32
        %add3A_343 = vector.broadcast %mul3A_342 : i32 to vector<16xi32>
        %add3A_344 = arith.addi %iota3A, %add3A_343 : vector<16xi32>
        tpu.vector_store_idx %arg4[%add3A_344, %get3A_340], %broadcast_in_dim3A_3 : memref<400x128xf32, #tpu.memory_space<vmem>>[vector<16xi32>, vector<16xi32>], vector<16xf32>,
      }
      %scan3A_266 = arith.constant 25 : i32
      %scan3A_267 = arith.constant 0 : i32
      %scan3A_268 = arith.constant 0 : i32
      %scan3A_269 = arith.constant 25 : i32
      %scan3A_270 = arith.addi %scan3A_268, %scan3A_269 : i32
      %scan3A_271 = arith.constant 5 : i32
      scf.for %scan3A_287 = %scan3A_268 to %scan3A_270 step %scan3A_271  : i32 {
        %mul3A_288 = arith.constant 16 : i32
        %mul3A_289 = arith.muli %scan3A_287, %mul3A_288 : i32
        %add3A_290 = arith.constant 2400 : i32
        %add3A_291 = arith.addi %add3A_290, %mul3A_289 : i32
        %get3A = arith.index_cast %add3A_291 : i32 to index
        %get3A_292 = tpu.vector_load %arg6[%get3A] {strides = array<i32>} : memref<3200xi32, #tpu.memory_space<vmem>>, vector<16xi32>,
        %mul3A_293 = arith.constant 16 : i32
        %mul3A_294 = arith.muli %scan3A_287, %mul3A_293 : i32
        %add3A_295 = vector.broadcast %mul3A_294 : i32 to vector<16xi32>
        %add3A_296 = arith.addi %iota3A, %add3A_295 : vector<16xi32>
        tpu.vector_store_idx %arg4[%add3A_296, %get3A_292], %broadcast_in_dim3A_1 : memref<400x128xf32, #tpu.memory_space<vmem>>[vector<16xi32>, vector<16xi32>], vector<16xf32>,
        %scan3A_297 = arith.constant 1 : i32
        %scan3A_298 = arith.addi %scan3A_287, %scan3A_297 : i32
        %mul3A_299 = arith.constant 16 : i32
        %mul3A_300 = arith.muli %scan3A_298, %mul3A_299 : i32
        %add3A_301 = arith.constant 2400 : i32
        %add3A_302 = arith.addi %add3A_301, %mul3A_300 : i32
        %get3A_303 = arith.index_cast %add3A_302 : i32 to index
        %get3A_304 = tpu.vector_load %arg6[%get3A_303] {strides = array<i32>} : memref<3200xi32, #tpu.memory_space<vmem>>, vector<16xi32>,
        %mul3A_305 = arith.constant 16 : i32
        %mul3A_306 = arith.muli %scan3A_298, %mul3A_305 : i32
        %add3A_307 = vector.broadcast %mul3A_306 : i32 to vector<16xi32>
        %add3A_308 = arith.addi %iota3A, %add3A_307 : vector<16xi32>
        tpu.vector_store_idx %arg4[%add3A_308, %get3A_304], %broadcast_in_dim3A_1 : memref<400x128xf32, #tpu.memory_space<vmem>>[vector<16xi32>, vector<16xi32>], vector<16xf32>,
        %scan3A_309 = arith.constant 2 : i32
        %scan3A_310 = arith.addi %scan3A_287, %scan3A_309 : i32
        %mul3A_311 = arith.constant 16 : i32
        %mul3A_312 = arith.muli %scan3A_310, %mul3A_311 : i32
        %add3A_313 = arith.constant 2400 : i32
        %add3A_314 = arith.addi %add3A_313, %mul3A_312 : i32
        %get3A_315 = arith.index_cast %add3A_314 : i32 to index
        %get3A_316 = tpu.vector_load %arg6[%get3A_315] {strides = array<i32>} : memref<3200xi32, #tpu.memory_space<vmem>>, vector<16xi32>,
        %mul3A_317 = arith.constant 16 : i32
        %mul3A_318 = arith.muli %scan3A_310, %mul3A_317 : i32
        %add3A_319 = vector.broadcast %mul3A_318 : i32 to vector<16xi32>
        %add3A_320 = arith.addi %iota3A, %add3A_319 : vector<16xi32>
        tpu.vector_store_idx %arg4[%add3A_320, %get3A_316], %broadcast_in_dim3A_1 : memref<400x128xf32, #tpu.memory_space<vmem>>[vector<16xi32>, vector<16xi32>], vector<16xf32>,
        %scan3A_321 = arith.constant 3 : i32
        %scan3A_322 = arith.addi %scan3A_287, %scan3A_321 : i32
        %mul3A_323 = arith.constant 16 : i32
        %mul3A_324 = arith.muli %scan3A_322, %mul3A_323 : i32
        %add3A_325 = arith.constant 2400 : i32
        %add3A_326 = arith.addi %add3A_325, %mul3A_324 : i32
        %get3A_327 = arith.index_cast %add3A_326 : i32 to index
        %get3A_328 = tpu.vector_load %arg6[%get3A_327] {strides = array<i32>} : memref<3200xi32, #tpu.memory_space<vmem>>, vector<16xi32>,
        %mul3A_329 = arith.constant 16 : i32
        %mul3A_330 = arith.muli %scan3A_322, %mul3A_329 : i32
        %add3A_331 = vector.broadcast %mul3A_330 : i32 to vector<16xi32>
        %add3A_332 = arith.addi %iota3A, %add3A_331 : vector<16xi32>
        tpu.vector_store_idx %arg4[%add3A_332, %get3A_328], %broadcast_in_dim3A_1 : memref<400x128xf32, #tpu.memory_space<vmem>>[vector<16xi32>, vector<16xi32>], vector<16xf32>,
        %scan3A_333 = arith.constant 4 : i32
        %scan3A_334 = arith.addi %scan3A_287, %scan3A_333 : i32
        %mul3A_335 = arith.constant 16 : i32
        %mul3A_336 = arith.muli %scan3A_334, %mul3A_335 : i32
        %add3A_337 = arith.constant 2400 : i32
        %add3A_338 = arith.addi %add3A_337, %mul3A_336 : i32
        %get3A_339 = arith.index_cast %add3A_338 : i32 to index
        %get3A_340 = tpu.vector_load %arg6[%get3A_339] {strides = array<i32>} : memref<3200xi32, #tpu.memory_space<vmem>>, vector<16xi32>,
        %mul3A_341 = arith.constant 16 : i32
        %mul3A_342 = arith.muli %scan3A_334, %mul3A_341 : i32
        %add3A_343 = vector.broadcast %mul3A_342 : i32 to vector<16xi32>
        %add3A_344 = arith.addi %iota3A, %add3A_343 : vector<16xi32>
        tpu.vector_store_idx %arg4[%add3A_344, %get3A_340], %broadcast_in_dim3A_1 : memref<400x128xf32, #tpu.memory_space<vmem>>[vector<16xi32>, vector<16xi32>], vector<16xf32>,
      }
      %scan3A_272 = arith.constant 25 : i32
      %mul3A_273 = arith.constant 400 : i32
      %mul3A_274 = arith.muli %add3A_250, %mul3A_273 : i32
      %dma_start3A_275 = arith.constant 0 : i32
      %dma_start3A_276 = tpu.memref_slice %arg3[%mul3A_274, %dma_start3A_275] : memref<100000x128xf32, #tpu.memory_space<hbm>> -> memref<400x128xf32, #tpu.memory_space<hbm>>
      %dma_start3A_277 = arith.constant 0 : i32
      %dma_start3A_278 = tpu.memref_slice %arg3[%mul3A_274, %dma_start3A_277] : memref<100000x128xf32, #tpu.memory_space<hbm>> -> memref<400x128xf32, #tpu.memory_space<hbm>>
      tpu.enqueue_dma source(%arg4 : memref<400x128xf32, #tpu.memory_space<vmem>>) target(%dma_start3A_278 : memref<400x128xf32, #tpu.memory_space<hbm>>) target_semaphore(%arg7 : memref<!tpu.dma_semaphore, #tpu.memory_space<semaphore_mem>>)
      %dma_wait3A_279 = arith.constant 0 : i32
      %dma_wait3A_280 = tpu.memref_slice %arg3[%mul3A_274, %dma_wait3A_279] : memref<100000x128xf32, #tpu.memory_space<hbm>> -> memref<400x128xf32, #tpu.memory_space<hbm>>
      %dma_wait3A_281 = arith.constant 0 : i32
      %dma_wait3A_282 = tpu.memref_slice %arg3[%mul3A_274, %dma_wait3A_281] : memref<100000x128xf32, #tpu.memory_space<hbm>> -> memref<400x128xf32, #tpu.memory_space<hbm>>
      tpu.wait_dma2 semaphore(%arg7 : memref<!tpu.dma_semaphore, #tpu.memory_space<semaphore_mem>>) src(%arg4 : memref<400x128xf32, #tpu.memory_space<vmem>>) dst(%dma_wait3A_282 : memref<400x128xf32, #tpu.memory_space<hbm>>)
      %dma_wait3A_283 = arith.constant 0 : i32
      %dma_wait3A_284 = tpu.memref_slice %arg3[%mul3A_244, %dma_wait3A_283] : memref<100000x128xf32, #tpu.memory_space<hbm>> -> memref<400x128xf32, #tpu.memory_space<hbm>>
      %dma_wait3A_285 = arith.constant 0 : i32
      %dma_wait3A_286 = tpu.memref_slice %arg3[%mul3A_244, %dma_wait3A_285] : memref<100000x128xf32, #tpu.memory_space<hbm>> -> memref<400x128xf32, #tpu.memory_space<hbm>>
      tpu.wait_dma2 semaphore(%arg8 : memref<!tpu.dma_semaphore, #tpu.memory_space<semaphore_mem>>) src(%arg5 : memref<400x128xf32, #tpu.memory_space<vmem>>) dst(%dma_wait3A_286 : memref<400x128xf32, #tpu.memory_space<hbm>>)
    } else {
    }
    return
  }
}

</mosaic_0001>

<sc_bundles>
// kernel: kernel.3.cloned.1.call-start
scs
__scs_entry_jumppad:
0x0: {  	(pc) =	sbr.rel $0x88, $3  }
0x1: {  	(tag) =	ssettag $0x0;
	lr =	simm.s32 $0x1  }
0x2: {  	[smem:$0x3FA0] =	sst lr;
	_ =	strace $0xD0000000  }
0x3: {  	_ = 	snop  }
0x4: {  	_ = 	snop  }
0x5: {  	_ = 	snop  }
0x6: {  	_ = 	snop  }
0x7: {  	_ = 	snop  }
__scs_overlays_trampoline_lowered:
0x8: {  	[smem:$0x3FAF] =	sst s0  }
0x9: {  	[smem:$0x3FB0] =	sst s1  }
0xa: {  	[smem:$0x3FB1] =	sst s2  }
0xb: {  	[smem:$0x3FB2] =	sst s3  }
0xc: {  	[smem:$0x3FB3] =	sst s4  }
0xd: {  	[smem:$0x3FB4] =	sst s5  }
0xe: {  	[smem:$0x3FB5] =	sst s6  }
0xf: {  	[smem:$0x3FB6] =	sst s7  }
0x10: {  	[smem:$0x3FB7] =	sst s8  }
0x11: {  	[smem:$0x3FB8] =	sst s9;
	s0 =	simm.s32 @!p0 $0x0  }
0x12: {  	s1 =	sld [smem:$0x3F9E];
	s0 =	simm.s32 @p0 $0x1  }
0x13: {  	[smem:$0x3FB9] =	sst s0;
	s0 =	simm.s32 @!p1 $0x0  }
0x14: {  	s2 =	sld [smem:$0x3F9D];
	s0 =	simm.s32 @p1 $0x1  }
0x15: {  	[smem:$0x3FBA] =	sst s0;
	s0 =	simm.s32 @!p2 $0x0  }
0x16: {  	s3 =	sld [smem:$0x3FDB];
	s0 =	simm.s32 @p2 $0x1  }
0x17: {  	s4 =	simm.s32 $0x1BF5;
	[smem:$0x3FBC] =	sst s0  }
0x18: {  	s0 =	sld [smem:$0x3F9F];
	_ =	swait.ge [sflag:s4], $0x0  }
0x19: {  	s7 =	sld [smem:$0x3FA0]  }
0x1a: {  	s8 =	sadd.s32 $0xFFFFE003, lr  }
0x1b: {  	s9 =	sadd.s32 $0xFFFFFEF7, lr;
	s5 =	simm.s32 $0xFFFFFFFF;
	p2 =	slt.u32 s8, $0xFFFFF086  }
0x1c: {  	p1 =	slt.u32 s9, $0xF7A;
	s5 =	simm.s32 @!p2 $0x0  }
0x1d: {  	s5 =	simm.s32 @p1 $0x1;
	p0 =	seq.s32 s7, s2  }
0x1e: {  	s7 =	smul.u32 @!p0 $0xF7A, s2;
	p2 =	seq.s32 @!p0 s5, $0x0  }
0x1f: {  	s9 =	smul.u32 $0xF7A, s1;
	s8 =	simm.s32 @!p0 $0x1BF5;
	p2 =	por !p2, p0  }
0x20: {  	[sflag:s8] =	ssyncset.s32 @!p0 $0xFFFFF086;
	s6 =	sadd.s32 @!p0 s3, s7;
	s7 =	simm.s32 @!p0 $0x108  }
0x21: {  	s3 =	sadd.s32 s3, s9;
	s6 =	sadd.s32 @!p0 $0x88, s6;
	s7 =	simm.s32 @p2 $0x1082  }
0x22: {  	[simem:s7], [sflag:s8] =	dma.local @!p0 [hbm:s6], $0xF7A  }
0x23: {  	s9 =	sor.u32 $0xD0000000, s2;
	s6 =	simm.s32 $0x108;
	_ =	swait.ge @!p0 [sflag:s8], $0x0  }
0x24: {  	s3 =	sadd.s32 $0x88, s3;
	s6 =	simm.s32 @!p1 $0x1082;
	[sflag:s4] =	ssyncset.s32 $0xFFFFF086  }
0x25: {  	[simem:s6], [sflag:s4] =	dma.local [hbm:s3], $0xF7A  }
0x26: {  	[smem:$0x3FA0] =	sst s1;
	(tag) =	ssettag s2;
	_ =	strace s9  }
0x27: {  	s1 =	sld [smem:$0x3FB0]  }
0x28: {  	s2 =	sld [smem:$0x3FB1]  }
0x29: {  	s4 =	sld [smem:$0x3FB3]  }
0x2a: {  	p0 =	seq.s32 s5, $0x0;
	s5 =	sld [smem:$0x3FB4]  }
0x2b: {  	s6 =	sld [smem:$0x3FB5]  }
0x2c: {  	s7 =	sld [smem:$0x3FB6]  }
0x2d: {  	s3 =	simm.s32 $0x108;
	s8 =	sld [smem:$0x3FB7]  }
0x2e: {  	s3 =	simm.s32 @!p0 $0x1082;
	s9 =	sld [smem:$0x3FB8]  }
0x2f: {  	lr =	sadd.s32 s0, s3;
	s0 =	sld [smem:$0x3FAF]  }
0x30: {  	s3 =	sld [smem:$0x3FB2]  }
0x31: {  	[smem:$0x3FBB] =	sst s10  }
0x32: {  	s10 =	sld [smem:$0x3FB9];
	_ =	sdelay $0x3  }
0x33: {  	p0 =	seq.s32 s10, $0x1;
	s10 =	sld [smem:$0x3FBB];
	_ =	sdelay $0x3  }
0x34: {  	[smem:$0x3FBB] =	sst s10  }
0x35: {  	s10 =	sld [smem:$0x3FBA];
	_ =	sdelay $0x3  }
0x36: {  	p1 =	seq.s32 s10, $0x1;
	s10 =	sld [smem:$0x3FBB];
	_ =	sdelay $0x3  }
0x37: {  	[smem:$0x3FBB] =	sst s10  }
0x38: {  	s10 =	sld [smem:$0x3FBC]  }
0x39: {  	_ = 	snop;
	(pc) =	sbr.ind lr, $3  }
0x3a: {  	_ = 	snop  }
0x3b: {  	_ = 	snop  }
0x3c: {  	p2 =	seq.s32 s10, $0x1;
	s10 =	sld [smem:$0x3FBB]  }
0x3d: {  	_ =	shalt  }
0x3e: {  	_ =	shalt  }
0x3f: {  	_ =	shalt  }
0x40: {  	_ =	shalt  }
0x41: {  	_ =	shalt  }
0x42: {  	_ =	shalt  }
0x43: {  	_ =	shalt  }
0x44: {  	_ =	shalt  }
0x45: {  	_ =	shalt  }
0x46: {  	_ =	shalt  }
0x47: {  	_ =	shalt  }
0x48: {  	_ =	shalt  }
0x49: {  	_ =	shalt  }
0x4a: {  	_ =	shalt  }
0x4b: {  	_ =	shalt  }
0x4c: {  	_ =	shalt  }
0x4d: {  	_ =	shalt  }
0x4e: {  	_ =	shalt  }
0x4f: {  	_ =	shalt  }
0x50: {  	_ =	shalt  }
0x51: {  	_ =	shalt  }
0x52: {  	_ =	shalt  }
0x53: {  	_ =	shalt  }
0x54: {  	_ =	shalt  }
0x55: {  	_ =	shalt  }
0x56: {  	_ =	shalt  }
0x57: {  	_ =	shalt  }
0x58: {  	_ =	shalt  }
0x59: {  	_ =	shalt  }
0x5a: {  	_ =	shalt  }
0x5b: {  	_ =	shalt  }
0x5c: {  	_ =	shalt  }
0x5d: {  	_ =	shalt  }
0x5e: {  	_ =	shalt  }
0x5f: {  	_ =	shalt  }
0x60: {  	_ =	shalt  }
0x61: {  	_ =	shalt  }
0x62: {  	_ =	shalt  }
0x63: {  	_ =	shalt  }
0x64: {  	_ =	shalt  }
0x65: {  	_ =	shalt  }
0x66: {  	_ =	shalt  }
0x67: {  	_ =	shalt  }
0x68: {  	_ =	shalt  }
0x69: {  	_ =	shalt  }
0x6a: {  	_ =	shalt  }
0x6b: {  	_ =	shalt  }
0x6c: {  	_ =	shalt  }
0x6d: {  	_ =	shalt  }
0x6e: {  	_ =	shalt  }
0x6f: {  	_ =	shalt  }
0x70: {  	_ =	shalt  }
0x71: {  	_ =	shalt  }
0x72: {  	_ =	shalt  }
0x73: {  	_ =	shalt  }
0x74: {  	_ =	shalt  }
0x75: {  	_ =	shalt  }
0x76: {  	_ =	shalt  }
0x77: {  	_ =	shalt  }
0x78: {  	_ =	shalt  }
0x79: {  	_ =	shalt  }
0x7a: {  	_ =	shalt  }
0x7b: {  	_ =	shalt  }
0x7c: {  	_ =	shalt  }
0x7d: {  	_ =	shalt  }
0x7e: {  	_ =	shalt  }
0x7f: {  	_ =	shalt  }
0x80: {  	_ =	shalt  }
0x81: {  	_ =	shalt  }
0x82: {  	_ =	shalt  }
0x83: {  	_ =	shalt  }
0x84: {  	_ =	shalt  }
0x85: {  	_ =	shalt  }
0x86: {  	_ =	shalt  }
0x87: {  	_ =	shalt  }
.Lfunc_end0:
.L_simem_size_0:
called_computation_lowered:
.L_overlay_start_0:
0x88: {  	s2 =	sld [smem:$0x3FD9]  }
0x89: {  	s3 =	sld [smem:$0x3FFE];
	_ =	sdelay $0x1  }
0x8a: {  	s1 =	srdreg.scid  }
0x8b: {  	s0 =	sand.u32 $0x1, s1  }
0x8c: {  	s18 =	sshll.u32 s0, $0xA;
	s2 =	sadd.s32 s3, s2  }
0x8d: {  	s2 =	sadd.s32 s2, s18  }
0x8e: {  	[smem:$0x3FC7] =	sst s2  }
0x8f: {  	_ = 	snop  }
0x90: {  	s2 =	sld [smem:$0x3FC9]  }
0x91: {  	s19 =	sld [smem:$0x3FD0];
	(tm) =	ssettm $0x1  }
0x92: {  	s4 =	sld [smem:$0x3FFB];
	_ =	sdelay $0x3  }
0x93: {  	_ =	strace s4  }
0x94: {  	s4 =	sld [smem:$0x3FFC];
	_ =	sdelay $0x3  }
0x95: {  	_ =	strace s4  }
0x96: {  	s4 =	sld [smem:$0x3FFD];
	_ =	sdelay $0x3  }
0x97: {  	_ =	strace s4  }
0x98: {  	_ =	strace $0x8FFFFFFF  }
0x99: {  	s20 =	sld [smem:$0x3FDB];
	_ =	sdelay $0x1  }
0x9a: {  	s5 =	simm.s32 $_scs_section_size  }
0x9b: {  	s6 =	simm.s32 $_size__tile_overlayer_lowered;
	s7 =	simm.s32 $_tile_overlayer_lowered  }
0x9c: {  	s23 =	simm.s32 $0x1BFF;
	s22 =	sshll.u32 s7, $0x1;
	s4 =	sadd.s32 s5, s20  }
0x9d: {  	s8 =	simm.s32 $0x0;
	s21 =	sshll.u32 s6, $0x1;
	s6 =	sadd.s32 s22, s4  }
0x9e: {  	[timem:s8], [sflag:s23] =	dma.local [hbm:s6], s21  }
0x9f: {  	_ =	swait.ge [sflag:s23], s21  }
0xa0: {  	s5 =	ssub.s32 $0x0, s21;
	[sflag:s23] =	ssyncset.done $0x0  }
0xa1: {  	[sflag:s23] =	ssyncadd.s32 s5;
	_ =	sdelay $0x1  }
0xa2: {  	s24 =	simm.s32 $0x1B8B  }
0xa3: {  	_ =	swait.ge [sflag:s24], $0x1  }
0xa4: {  	[sflag:s24] =	ssyncset.done $0x0  }
0xa5: {  	s25 =	simm.s32 $0x1B8E;
	[sflag:s24] =	ssyncadd.s32 $0xFFFFFFFF  }
0xa6: {  	s26 =	simm.s32 $execute0_lowered;
	[smem:$0x3FD2] =	sst s25  }
0xa7: {  	s5 =	sshll.u32 s26, $0x1;
	_ =	strace $0x80000046;
	[dreg:$0x1] =	wrdreg $0xFFFFFFFF  }
0xa8: {  	s28 =	simm.s32 $_size_execute0_lowered;
	s4 =	sadd.s32 s4, s5;
	[dreg:$0x0] =	wrdreg $0x0  }
0xa9: {  	s5 =	sshll.u32 s28, $0x1;
	[dreg:$0x2] =	wrdreg s4  }
0xaa: {  	[dreg:$0x3] =	wrdreg s5  }
0xab: {  	[dreg:$0x4] =	wrdreg $0xC0  }
0xac: {  	_ =	task [dreg:s8], $0x5FFFF  }
0xad: {  	[dreg:$0x1] =	wrdreg $0xFFFFFFFF  }
0xae: {  	[dreg:$0x0] =	wrdreg $0x60  }
0xaf: {  	[dreg:$0x2] =	wrdreg s2  }
0xb0: {  	[dreg:$0x3] =	wrdreg s19  }
0xb1: {  	[dreg:$0x4] =	wrdreg $0x9  }
0xb2: {  	_ =	task.clear_ibuf [dreg:s8], $0x5FFFF;
	_ =	strace $0x90000046  }
0xb3: {  	s29 =	simm.s32 $0x9;
	_ =	strace $0x80000048  }
0xb4: {  	_ =	swait.ge [sflag:s29], $0x1  }
0xb5: {  	[sflag:s29] =	ssyncadd.s32 $0xFFFFFFFF  }
0xb6: {  	_ =	strace $0x90000048  }
0xb7: {  	_ =	sfence  }
0xb8: {  	s30 =	sld [smem:$0x0];
	_ =	sdelay $0x2  }
0xb9: {  	s31 =	sshll.u32 s1, $0xD;
	s1 =	sshrl.u32 s1, $0x2  }
0xba: {  	s3 =	sand.u32 $0x4000, s31;
	s1 =	sadd.s32 s1, s30  }
0xbb: {  	s0 =	sor.u32 s3, s0;
	s1 =	sshll.u32 s1, $0x11  }
0xbc: {  	s0 =	sor.u32 s1, s0  }
0xbd: {  	s0 =	sadd.s32 $0x8F2B, s0  }
0xbe: {  	[sflag:s0] =	ssyncadd.remote.s32 $0x1  }
0xbf: {  	_ =	sfence.sel $0xFFFF  }
0xc0: {  	[dreg:$0x0] =	wrdreg $0xFFFFFFFF;
	(pc) =	sbr.abs _section_cstart, $3  }
0xc1: {  	[dreg:$0x1] =	wrdreg $0xFFFFFFFF  }
0xc2: {  	_ =	task.clear_ibuf [dreg:s8], $0x2FFFF;
	_ =	strace $0x9FFFFFFF  }
0xc3: {  	(tm) =	ssettm $0x7FFFFFFF  }
tec
execute0_lowered:
.L_overlay_start_1:
0x0: {  	(tag) =	ssettag $0x1  }
0x1: {  	s0 =	srdreg.scid;
	s1 =	rddreg [dreg:$0x0]  }
0x2: {  	s21 =	stileid.u32;
	s18 =	rddreg [dreg:$0x1];
	s29 =	simm.s32 $0x3  }
0x3: {  	s30 =	simm.s32 $0xC800;
	s0 =	sand.u32 $0x1, s0;
	s2 =	sshll.u32 s21, $0x1  }
0x4: {  	s31 =	simm.s32 $0x1;
	p0 =	sgt.u32 s21, $0xC;
	s7 =	sor.u32 s0, s2  }
0x5: {  	s2 =	simm.s32 $0x0;
	s0 =	ssub.s32 $0x2, s0;
	s3 =	smul.u32 $0x32, s7  }
0x6: {  	[smem:$0x7FF] =	sst s2;
	s16 =	smul.u32 $0x190, s7;
	s4 =	sshrl.u32 s0, $0x1  }
0x7: {  	s19 =	smul.u32 $0x1900, s7;
	_ =	strace $0x80000047;
	s0 =	ssub.s32 s0, s4  }
0x8: {  	s3 =	sadd.s32 s1, s3;
	s11 =	sadd.s32 $0x3200, s16;
	s12 =	sadd.s32 $0x6400, s16  }
0x9: {  	s13 =	sadd.s32 $0x9600, s16;
	s14 =	sadd.s32 $0xC800, s16;
	s15 =	sadd.s32 $0xFA00, s16  }
0xa: {  	s17 =	sadd.s32 $0x12C00, s16;
	s16 =	sadd.s32 $0x15E00, s16;
	s26 =	sshrl.u32 s11, $0x3  }
0xb: {  	s5 =	sshrl.u32 s12, $0x3;
	s6 =	sshrl.u32 s13, $0x3;
	s8 =	sshrl.u32 s14, $0x3  }
0xc: {  	s9 =	sshrl.u32 s15, $0x3;
	s10 =	sshrl.u32 s17, $0x3;
	s11 =	sshll.u32 s11, $0x4  }
0xd: {  	s12 =	sshll.u32 s12, $0x4;
	s13 =	sshll.u32 s13, $0x4;
	s14 =	sshll.u32 s14, $0x4  }
0xe: {  	s15 =	sshll.u32 s15, $0x4;
	s17 =	sshll.u32 s17, $0x4;
	s28 =	sshrl.u32 s16, $0x3  }
0xf: {  	s20 =	sshll.u32 s16, $0x4;
	s4 =	sadd.s32 s1, s26;
	s5 =	sadd.s32 s1, s5  }
0x10: {  	s6 =	sadd.s32 s1, s6;
	s7 =	sadd.s32 s1, s8;
	s8 =	sadd.s32 s1, s9  }
.Ltmp0:
0x11: {  	s9 =	sadd.s32 s1, s10;
	s10 =	sadd.s32 s18, s19;
	(pc) =	sbr.rel .LBB2_1-.Ltmp0, $4  }
0x12: {  	s11 =	sadd.s32 s18, s11;
	s12 =	sadd.s32 s18, s12;
	s13 =	sadd.s32 s18, s13  }
0x13: {  	s14 =	sadd.s32 s18, s14;
	s15 =	sadd.s32 s18, s15;
	s16 =	sadd.s32 s18, s17  }
0x14: {  	v1 =	vlaneseq.u32;
	s17 =	sadd.s32 s1, s28;
	s18 =	sadd.s32 s18, s20;
	s19 =	smax.u32 s0, $0x1  }
0x15: {  	v0 =	vimm.f32 $0.0e+00;
	v2 =	vimm.f32 $1.000000000e+00;
	v1 =	vmul.u32 $0x80, v1;
	s26 =	simm.s32 $0x19960;
	s1 =	simm.s32 $0x2;
	s0 =	simm.s32 $0x0  }
.LBB2_53:
0x16: {  	s0 =	sadd.s32 $0x1, s0  }
0x17: {  	_ =	swait.ge [sflag:s31], $0xC800;
	p1 =	sne.s32 s0, s19  }
.Ltmp1:
0x18: {  	[sflag:s31] =	ssyncset.done $0x0;
	(pc) =	sbr.rel @!p1 .LBB2_54-.Ltmp1, $4  }
0x19: {  	[sflag:s31] =	ssyncadd.s32 $0xFFFF3800  }
0x1a: {  	_ =	swait.ge [sflag:s1], $0xC800  }
0x1b: {  	[sflag:s1] =	ssyncset.done $0x0  }
0x1c: {  	[sflag:s1] =	ssyncadd.s32 $0xFFFF3800  }
.LBB2_1:
0x1d: {  	s20 =	simm.s32 $0x19000  }
0x1e: {  	[tilespmem:s20], [sflag:$0x3] =	stream.linear.gather [hbm4b:s3+s2], $0x190, $0x38;
	[tilespmem:$0x19C80] =	vst v63  }
0x1f: {  	s22 =	simm.s32 $0x19190  }
0x20: {  	[tilespmem:s22], [sflag:$0x3] =	stream.linear.gather [hbm4b:s4+s2], $0x190, $0x38;
	[tilespmem:$0x19C80] =	vst v63  }
0x21: {  	s23 =	simm.s32 $0x19320  }
0x22: {  	[tilespmem:s23], [sflag:$0x3] =	stream.linear.gather [hbm4b:s5+s2], $0x190, $0x38;
	[tilespmem:$0x19C80] =	vst v63  }
0x23: {  	s24 =	simm.s32 $0x194B0  }
0x24: {  	[tilespmem:s24], [sflag:$0x3] =	stream.linear.gather [hbm4b:s6+s2], $0x190, $0x38;
	[tilespmem:$0x19C80] =	vst v63  }
0x25: {  	s25 =	simm.s32 $0x19640  }
0x26: {  	[tilespmem:s25], [sflag:$0x3] =	stream.linear.gather [hbm4b:s7+s2], $0x190, $0x38;
	[tilespmem:$0x19C80] =	vst v63  }
.Ltmp2:
0x27: {  	_ = 	snop;
	(pc) =	sbr.rel @p0 .LBB2_2-.Ltmp2, $4  }
0x28: {  	s28 =	simm.s32 $0x197D0  }
0x29: {  	[tilespmem:s28], [sflag:$0x3] =	stream.linear.gather [hbm4b:s8+s2], $0x190, $0x38;
	[tilespmem:$0x19C80] =	vst v63  }
0x2a: {  	_ = 	snop  }
0x2b: {  	[tilespmem:s26], [sflag:$0x3] =	stream.linear.gather [hbm4b:s9+s2], $0x190, $0x38;
	[tilespmem:$0x19C80] =	vst v63  }
0x2c: {  	s20 =	simm.s32 $0x19AF0  }
0x2d: {  	[tilespmem:s20], [sflag:$0x3] =	stream.linear.gather [hbm4b:s17+s2], $0x190, $0x38;
	[tilespmem:$0x19C80] =	vst v63  }
0x2e: {  	s20 =	simm.s32 $0x80  }
0x2f: {  	[tilespmem:s20+$0xFFFFFF80] =	vst v0  }
0x30: {  	[tilespmem:s20+$0x70] =	vst v0  }
0x31: {  	[tilespmem:s20+$0x60] =	vst v0  }
0x32: {  	[tilespmem:s20+$0x50] =	vst v0  }
0x33: {  	[tilespmem:s20+$0x40] =	vst v0  }
0x34: {  	[tilespmem:s20+$0x30] =	vst v0  }
0x35: {  	[tilespmem:s20+$0x20] =	vst v0  }
0x36: {  	[tilespmem:s20+$0x10] =	vst v0  }
0x37: {  	[tilespmem:s20+$0x0] =	vst v0  }
0x38: {  	[tilespmem:s20+$0xFFFFFFF0] =	vst v0  }
0x39: {  	[tilespmem:s20+$0xFFFFFFE0] =	vst v0  }
0x3a: {  	[tilespmem:s20+$0xFFFFFFD0] =	vst v0  }
0x3b: {  	[tilespmem:s20+$0xFFFFFFC0] =	vst v0  }
0x3c: {  	[tilespmem:s20+$0xFFFFFFB0] =	vst v0  }
0x3d: {  	s21 =	simm.s32 $0x0;
	[tilespmem:s20+$0xFFFFFFA0] =	vst v0  }
.LBB2_27:
0x3e: {  	s21 =	sadd.s32 $0x2, s21;
	[tilespmem:s20+$0xFFFFFF90] =	vst v0;
	s20 =	sadd.s32 $0x100, s20  }
0x3f: {  	[tilespmem:s20+$0xFFFFFF80] =	vst v0;
	p1 =	slt.u32 s21, $0x18E  }
0x40: {  	[tilespmem:s20+$0x70] =	vst v0  }
0x41: {  	[tilespmem:s20+$0x60] =	vst v0  }
0x42: {  	[tilespmem:s20+$0x50] =	vst v0  }
0x43: {  	[tilespmem:s20+$0x40] =	vst v0  }
0x44: {  	[tilespmem:s20+$0x30] =	vst v0  }
0x45: {  	[tilespmem:s20+$0x20] =	vst v0  }
0x46: {  	[tilespmem:s20+$0x10] =	vst v0  }
0x47: {  	[tilespmem:s20+$0x0] =	vst v0  }
0x48: {  	[tilespmem:s20+$0xFFFFFFF0] =	vst v0  }
.Ltmp3:
0x49: {  	[tilespmem:s20+$0xFFFFFFE0] =	vst v0;
	(pc) =	sbr.rel @p1 .LBB2_27-.Ltmp3, $4  }
0x4a: {  	[tilespmem:s20+$0xFFFFFFD0] =	vst v0  }
0x4b: {  	[tilespmem:s20+$0xFFFFFFC0] =	vst v0  }
0x4c: {  	[tilespmem:s20+$0xFFFFFFB0] =	vst v0  }
0x4d: {  	[tilespmem:s20+$0xFFFFFFA0] =	vst v0  }
0x4e: {  	[tilespmem:s20+$0xFFFFFF90] =	vst v0  }
0x4f: {  	_ =	swait.ge [sflag:s29], $0x190  }
0x50: {  	s20 =	simm.s32 $0xFFFFFFFB;
	[sflag:s29] =	ssyncset.done $0x0  }
0x51: {  	s21 =	simm.s32 $0x0;
	s22 =	simm.s32 $0x19020;
	[sflag:s29] =	ssyncadd.s32 $0xFFFFFE70  }
.LBB2_29:
0x52: {  	v3 =	vld [tilespmem:s22+$0xFFFFFFE0];
	_ =	sdelay $0x2  }
0x53: {  	v4 =	vmov s21  }
0x54: {  	v4 =	vshll.u32 v4, $0x7  }
0x55: {  	v4 =	vor.u32 v1, v4;
	v5 =	vand.u32 $0xFFFFFF80, v3  }
0x56: {  	v3 =	vand.u32 $0x7F, v3;
	v4 =	vadd.s32 v4, v5  }
0x57: {  	v3 =	vor.u32 v3, v4;
	_ =	sdelay $0x4  }
0x58: {  	[tilespmem:v3+s2+$0x0] =	vst.idx.msk $0xffff, v2  }
0x59: {  	v3 =	vld [tilespmem:s22+$0xFFFFFFF0];
	_ =	sdelay $0x1  }
0x5a: {  	s23 =	sadd.s32 $0x10, s21  }
0x5b: {  	v56 =	vmov s23  }
0x5c: {  	v4 =	vshll.u32 v56, $0x7  }
0x5d: {  	v4 =	vor.u32 v1, v4;
	v57 =	vand.u32 $0xFFFFFF80, v3  }
0x5e: {  	v3 =	vand.u32 $0x7F, v3;
	v4 =	vadd.s32 v4, v57  }
0x5f: {  	v3 =	vor.u32 v3, v4;
	_ =	sdelay $0x4  }
0x60: {  	[tilespmem:v3+s2+$0x0] =	vst.idx.msk $0xffff, v2  }
0x61: {  	v3 =	vld [tilespmem:s22+$0x0];
	_ =	sdelay $0x1  }
0x62: {  	s24 =	sadd.s32 $0x20, s21  }
0x63: {  	v58 =	vmov s24  }
0x64: {  	v4 =	vshll.u32 v58, $0x7  }
0x65: {  	v4 =	vor.u32 v1, v4;
	v59 =	vand.u32 $0xFFFFFF80, v3  }
0x66: {  	v3 =	vand.u32 $0x7F, v3;
	v4 =	vadd.s32 v4, v59  }
0x67: {  	v3 =	vor.u32 v3, v4;
	_ =	sdelay $0x4  }
0x68: {  	[tilespmem:v3+s2+$0x0] =	vst.idx.msk $0xffff, v2  }
0x69: {  	v3 =	vld [tilespmem:s22+$0x10];
	_ =	sdelay $0x1  }
0x6a: {  	s25 =	sadd.s32 $0x30, s21  }
0x6b: {  	v60 =	vmov s25  }
0x6c: {  	v4 =	vshll.u32 v60, $0x7  }
0x6d: {  	v4 =	vor.u32 v1, v4;
	v61 =	vand.u32 $0xFFFFFF80, v3  }
0x6e: {  	v3 =	vand.u32 $0x7F, v3;
	v4 =	vadd.s32 v4, v61  }
0x6f: {  	v3 =	vor.u32 v3, v4;
	_ =	sdelay $0x4  }
0x70: {  	[tilespmem:v3+s2+$0x0] =	vst.idx.msk $0xffff, v2  }
0x71: {  	v3 =	vld [tilespmem:s22+$0x20];
	_ =	sdelay $0x1  }
0x72: {  	s28 =	sadd.s32 $0x40, s21  }
0x73: {  	v62 =	vmov s28  }
0x74: {  	v4 =	vshll.u32 v62, $0x7  }
0x75: {  	v4 =	vor.u32 v1, v4;
	v63 =	vand.u32 $0xFFFFFF80, v3  }
0x76: {  	s20 =	sadd.s32 $0x5, s20;
	v3 =	vand.u32 $0x7F, v3;
	v4 =	vadd.s32 v4, v63  }
0x77: {  	p1 =	slt.u32 s20, $0x14;
	v3 =	vor.u32 v3, v4  }
.Ltmp4:
0x78: {  	_ = 	snop;
	(pc) =	sbr.rel @p1 .LBB2_29-.Ltmp4, $2  }
0x79: {  	_ =	sdelay $0x2  }
0x7a: {  	s21 =	sadd.s32 $0x50, s21;
	s22 =	sadd.s32 $0x50, s22;
	[tilespmem:v3+s2+$0x0] =	vst.idx.msk $0xffff, v2  }
0x7b: {  	[hbm4b:s10+s2] =	stream.linear.scatter [tilespmem:s2], [sflag:$0x1], $0xC800, $0x38;
	[tilespmem:$0x19C80] =	vst v63  }
0x7c: {  	s20 =	simm.s32 $0xC880  }
0x7d: {  	[tilespmem:s20+$0xFFFFFF80] =	vst v0  }
0x7e: {  	[tilespmem:s20+$0x70] =	vst v0  }
0x7f: {  	[tilespmem:s20+$0x60] =	vst v0  }
0x80: {  	[tilespmem:s20+$0x50] =	vst v0  }
0x81: {  	[tilespmem:s20+$0x40] =	vst v0  }
0x82: {  	[tilespmem:s20+$0x30] =	vst v0  }
0x83: {  	[tilespmem:s20+$0x20] =	vst v0  }
0x84: {  	[tilespmem:s20+$0x10] =	vst v0  }
0x85: {  	[tilespmem:s20+$0x0] =	vst v0  }
0x86: {  	[tilespmem:s20+$0xFFFFFFF0] =	vst v0  }
0x87: {  	[tilespmem:s20+$0xFFFFFFE0] =	vst v0  }
0x88: {  	[tilespmem:s20+$0xFFFFFFD0] =	vst v0  }
0x89: {  	[tilespmem:s20+$0xFFFFFFC0] =	vst v0  }
0x8a: {  	[tilespmem:s20+$0xFFFFFFB0] =	vst v0  }
0x8b: {  	s21 =	simm.s32 $0x0;
	[tilespmem:s20+$0xFFFFFFA0] =	vst v0  }
.LBB2_31:
0x8c: {  	s21 =	sadd.s32 $0x2, s21;
	[tilespmem:s20+$0xFFFFFF90] =	vst v0;
	s20 =	sadd.s32 $0x100, s20  }
0x8d: {  	[tilespmem:s20+$0xFFFFFF80] =	vst v0;
	p1 =	slt.u32 s21, $0x18E  }
0x8e: {  	[tilespmem:s20+$0x70] =	vst v0  }
0x8f: {  	[tilespmem:s20+$0x60] =	vst v0  }
0x90: {  	[tilespmem:s20+$0x50] =	vst v0  }
0x91: {  	[tilespmem:s20+$0x40] =	vst v0  }
0x92: {  	[tilespmem:s20+$0x30] =	vst v0  }
0x93: {  	[tilespmem:s20+$0x20] =	vst v0  }
0x94: {  	[tilespmem:s20+$0x10] =	vst v0  }
0x95: {  	[tilespmem:s20+$0x0] =	vst v0  }
0x96: {  	[tilespmem:s20+$0xFFFFFFF0] =	vst v0  }
.Ltmp5:
0x97: {  	[tilespmem:s20+$0xFFFFFFE0] =	vst v0;
	(pc) =	sbr.rel @p1 .LBB2_31-.Ltmp5, $4  }
0x98: {  	[tilespmem:s20+$0xFFFFFFD0] =	vst v0  }
0x99: {  	[tilespmem:s20+$0xFFFFFFC0] =	vst v0  }
0x9a: {  	[tilespmem:s20+$0xFFFFFFB0] =	vst v0  }
0x9b: {  	[tilespmem:s20+$0xFFFFFFA0] =	vst v0  }
0x9c: {  	[tilespmem:s20+$0xFFFFFF90] =	vst v0  }
0x9d: {  	_ =	swait.ge [sflag:s29], $0x190  }
0x9e: {  	s20 =	simm.s32 $0xFFFFFFFB;
	[sflag:s29] =	ssyncset.done $0x0  }
0x9f: {  	s21 =	simm.s32 $0x40;
	s22 =	simm.s32 $0x191D0;
	[sflag:s29] =	ssyncadd.s32 $0xFFFFFE70  }
.LBB2_33:
0xa0: {  	v3 =	vld [tilespmem:s22+$0xFFFFFFC0];
	_ =	sdelay $0x1  }
0xa1: {  	s23 =	sadd.s32 $0xFFFFFFC0, s21  }
0xa2: {  	v4 =	vmov s23  }
0xa3: {  	v4 =	vshll.u32 v4, $0x7  }
0xa4: {  	v4 =	vor.u32 v1, v4;
	v5 =	vand.u32 $0xFFFFFF80, v3  }
0xa5: {  	v3 =	vand.u32 $0x7F, v3;
	v4 =	vadd.s32 v4, v5  }
0xa6: {  	v3 =	vor.u32 v3, v4;
	_ =	sdelay $0x4  }
0xa7: {  	[tilespmem:v3+s30+$0x0] =	vst.idx.msk $0xffff, v2  }
0xa8: {  	v3 =	vld [tilespmem:s22+$0xFFFFFFD0];
	_ =	sdelay $0x1  }
0xa9: {  	s24 =	sadd.s32 $0xFFFFFFD0, s21  }
0xaa: {  	v56 =	vmov s24  }
0xab: {  	v4 =	vshll.u32 v56, $0x7  }
0xac: {  	v4 =	vor.u32 v1, v4;
	v57 =	vand.u32 $0xFFFFFF80, v3  }
0xad: {  	v3 =	vand.u32 $0x7F, v3;
	v4 =	vadd.s32 v4, v57  }
0xae: {  	v3 =	vor.u32 v3, v4;
	_ =	sdelay $0x4  }
0xaf: {  	[tilespmem:v3+s30+$0x0] =	vst.idx.msk $0xffff, v2  }
0xb0: {  	v3 =	vld [tilespmem:s22+$0xFFFFFFE0];
	_ =	sdelay $0x1  }
0xb1: {  	s25 =	sadd.s32 $0xFFFFFFE0, s21  }
0xb2: {  	v58 =	vmov s25  }
0xb3: {  	v4 =	vshll.u32 v58, $0x7  }
0xb4: {  	v4 =	vor.u32 v1, v4;
	v59 =	vand.u32 $0xFFFFFF80, v3  }
0xb5: {  	v3 =	vand.u32 $0x7F, v3;
	v4 =	vadd.s32 v4, v59  }
0xb6: {  	v3 =	vor.u32 v3, v4;
	_ =	sdelay $0x4  }
0xb7: {  	[tilespmem:v3+s30+$0x0] =	vst.idx.msk $0xffff, v2  }
0xb8: {  	v3 =	vld [tilespmem:s22+$0xFFFFFFF0];
	_ =	sdelay $0x1  }
0xb9: {  	s28 =	sadd.s32 $0xFFFFFFF0, s21  }
0xba: {  	v60 =	vmov s28  }
0xbb: {  	v4 =	vshll.u32 v60, $0x7  }
0xbc: {  	v4 =	vor.u32 v1, v4;
	v61 =	vand.u32 $0xFFFFFF80, v3  }
0xbd: {  	v3 =	vand.u32 $0x7F, v3;
	v4 =	vadd.s32 v4, v61  }
0xbe: {  	v3 =	vor.u32 v3, v4;
	_ =	sdelay $0x4  }
0xbf: {  	[tilespmem:v3+s30+$0x0] =	vst.idx.msk $0xffff, v2  }
0xc0: {  	v3 =	vld [tilespmem:s22+$0x0];
	_ =	sdelay $0x2  }
0xc1: {  	v62 =	vmov s21  }
0xc2: {  	v4 =	vshll.u32 v62, $0x7  }
0xc3: {  	v4 =	vor.u32 v1, v4;
	v63 =	vand.u32 $0xFFFFFF80, v3  }
0xc4: {  	s20 =	sadd.s32 $0x5, s20;
	v3 =	vand.u32 $0x7F, v3;
	v4 =	vadd.s32 v4, v63  }
0xc5: {  	p1 =	slt.u32 s20, $0x14;
	v3 =	vor.u32 v3, v4  }
.Ltmp6:
0xc6: {  	_ = 	snop;
	(pc) =	sbr.rel @p1 .LBB2_33-.Ltmp6, $2  }
0xc7: {  	_ =	sdelay $0x2  }
0xc8: {  	s21 =	sadd.s32 $0x50, s21;
	s22 =	sadd.s32 $0x50, s22;
	[tilespmem:v3+s30+$0x0] =	vst.idx.msk $0xffff, v2  }
0xc9: {  	s28 =	simm.s32 $0x0  }
0xca: {  	[hbm4b:s11+s28] =	stream.linear.scatter [tilespmem:s30], [sflag:$0x2], $0xC800, $0x38;
	[tilespmem:$0x19C80] =	vst v63  }
0xcb: {  	_ =	swait.ge [sflag:s29], $0x190  }
0xcc: {  	[sflag:s29] =	ssyncset.done $0x0  }
0xcd: {  	[sflag:s29] =	ssyncadd.s32 $0xFFFFFE70  }
0xce: {  	_ =	swait.ge [sflag:s31], $0xC800  }
0xcf: {  	s20 =	simm.s32 $0xFFFFFFFB;
	[sflag:s31] =	ssyncset.done $0x0  }
0xd0: {  	s22 =	simm.s32 $0x19020;
	s24 =	simm.s32 $0xFFFFFFFB;
	[sflag:s31] =	ssyncadd.s32 $0xFFFF3800  }
.LBB2_35:
0xd1: {  	v3 =	vld [tilespmem:s22+$0xFFFFFFE0];
	_ =	sdelay $0x2  }
0xd2: {  	v4 =	vmov s28  }
0xd3: {  	v4 =	vshll.u32 v4, $0x7  }
0xd4: {  	v4 =	vor.u32 v1, v4;
	v5 =	vand.u32 $0xFFFFFF80, v3  }
0xd5: {  	v3 =	vand.u32 $0x7F, v3;
	v4 =	vadd.s32 v4, v5  }
0xd6: {  	v3 =	vor.u32 v3, v4;
	_ =	sdelay $0x4  }
0xd7: {  	[tilespmem:v3+s2+$0x0] =	vst.idx.msk $0xffff, v0  }
0xd8: {  	v3 =	vld [tilespmem:s22+$0xFFFFFFF0];
	_ =	sdelay $0x1  }
0xd9: {  	s21 =	sadd.s32 $0x10, s28  }
0xda: {  	v56 =	vmov s21  }
0xdb: {  	v4 =	vshll.u32 v56, $0x7  }
0xdc: {  	v4 =	vor.u32 v1, v4;
	v57 =	vand.u32 $0xFFFFFF80, v3  }
0xdd: {  	v3 =	vand.u32 $0x7F, v3;
	v4 =	vadd.s32 v4, v57  }
0xde: {  	v3 =	vor.u32 v3, v4;
	_ =	sdelay $0x4  }
0xdf: {  	[tilespmem:v3+s2+$0x0] =	vst.idx.msk $0xffff, v0  }
0xe0: {  	v3 =	vld [tilespmem:s22+$0x0];
	_ =	sdelay $0x1  }
0xe1: {  	s25 =	sadd.s32 $0x20, s28  }
0xe2: {  	v58 =	vmov s25  }
0xe3: {  	v4 =	vshll.u32 v58, $0x7  }
0xe4: {  	v4 =	vor.u32 v1, v4;
	v59 =	vand.u32 $0xFFFFFF80, v3  }
0xe5: {  	v3 =	vand.u32 $0x7F, v3;
	v4 =	vadd.s32 v4, v59  }
0xe6: {  	v3 =	vor.u32 v3, v4;
	_ =	sdelay $0x4  }
0xe7: {  	[tilespmem:v3+s2+$0x0] =	vst.idx.msk $0xffff, v0  }
0xe8: {  	v3 =	vld [tilespmem:s22+$0x10];
	_ =	sdelay $0x1  }
0xe9: {  	s23 =	sadd.s32 $0x30, s28  }
0xea: {  	v60 =	vmov s23  }
0xeb: {  	v4 =	vshll.u32 v60, $0x7  }
0xec: {  	v4 =	vor.u32 v1, v4;
	v61 =	vand.u32 $0xFFFFFF80, v3  }
0xed: {  	v3 =	vand.u32 $0x7F, v3;
	v4 =	vadd.s32 v4, v61  }
0xee: {  	v3 =	vor.u32 v3, v4;
	_ =	sdelay $0x4  }
0xef: {  	[tilespmem:v3+s2+$0x0] =	vst.idx.msk $0xffff, v0  }
0xf0: {  	v3 =	vld [tilespmem:s22+$0x20];
	_ =	sdelay $0x1  }
0xf1: {  	s25 =	sadd.s32 $0x40, s28  }
0xf2: {  	v62 =	vmov s25  }
0xf3: {  	v4 =	vshll.u32 v62, $0x7  }
0xf4: {  	v4 =	vor.u32 v1, v4;
	v63 =	vand.u32 $0xFFFFFF80, v3  }
0xf5: {  	s24 =	sadd.s32 $0x5, s24;
	v3 =	vand.u32 $0x7F, v3;
	v4 =	vadd.s32 v4, v63  }
0xf6: {  	p1 =	slt.u32 s24, $0x14;
	v3 =	vor.u32 v3, v4  }
.Ltmp7:
0xf7: {  	_ = 	snop;
	(pc) =	sbr.rel @p1 .LBB2_35-.Ltmp7, $3  }
0xf8: {  	_ =	sdelay $0x1  }
0xf9: {  	s28 =	sadd.s32 $0x50, s28  }
0xfa: {  	s21 =	simm.s32 $0x40;
	s23 =	simm.s32 $0x19360;
	s22 =	sadd.s32 $0x50, s22;
	[tilespmem:v3+s2+$0x0] =	vst.idx.msk $0xffff, v0  }
.LBB2_36:
0xfb: {  	v3 =	vld [tilespmem:s23+$0xFFFFFFC0];
	_ =	sdelay $0x1  }
0xfc: {  	s22 =	sadd.s32 $0xFFFFFFC0, s21  }
0xfd: {  	v4 =	vmov s22  }
0xfe: {  	v4 =	vshll.u32 v4, $0x7  }
0xff: {  	v4 =	vor.u32 v1, v4;
	v5 =	vand.u32 $0xFFFFFF80, v3  }
0x100: {  	v3 =	vand.u32 $0x7F, v3;
	v4 =	vadd.s32 v4, v5  }
0x101: {  	v3 =	vor.u32 v3, v4;
	_ =	sdelay $0x4  }
0x102: {  	[tilespmem:v3+s2+$0x0] =	vst.idx.msk $0xffff, v2  }
0x103: {  	v3 =	vld [tilespmem:s23+$0xFFFFFFD0];
	_ =	sdelay $0x1  }
0x104: {  	s24 =	sadd.s32 $0xFFFFFFD0, s21  }
0x105: {  	v56 =	vmov s24  }
0x106: {  	v4 =	vshll.u32 v56, $0x7  }
0x107: {  	v4 =	vor.u32 v1, v4;
	v57 =	vand.u32 $0xFFFFFF80, v3  }
0x108: {  	v3 =	vand.u32 $0x7F, v3;
	v4 =	vadd.s32 v4, v57  }
0x109: {  	v3 =	vor.u32 v3, v4;
	_ =	sdelay $0x4  }
0x10a: {  	[tilespmem:v3+s2+$0x0] =	vst.idx.msk $0xffff, v2  }
0x10b: {  	v3 =	vld [tilespmem:s23+$0xFFFFFFE0];
	_ =	sdelay $0x1  }
0x10c: {  	s25 =	sadd.s32 $0xFFFFFFE0, s21  }
0x10d: {  	v58 =	vmov s25  }
0x10e: {  	v4 =	vshll.u32 v58, $0x7  }
0x10f: {  	v4 =	vor.u32 v1, v4;
	v59 =	vand.u32 $0xFFFFFF80, v3  }
0x110: {  	v3 =	vand.u32 $0x7F, v3;
	v4 =	vadd.s32 v4, v59  }
0x111: {  	v3 =	vor.u32 v3, v4;
	_ =	sdelay $0x4  }
0x112: {  	[tilespmem:v3+s2+$0x0] =	vst.idx.msk $0xffff, v2  }
0x113: {  	v3 =	vld [tilespmem:s23+$0xFFFFFFF0];
	_ =	sdelay $0x1  }
0x114: {  	s28 =	sadd.s32 $0xFFFFFFF0, s21  }
0x115: {  	v60 =	vmov s28  }
0x116: {  	v4 =	vshll.u32 v60, $0x7  }
0x117: {  	v4 =	vor.u32 v1, v4;
	v61 =	vand.u32 $0xFFFFFF80, v3  }
0x118: {  	v3 =	vand.u32 $0x7F, v3;
	v4 =	vadd.s32 v4, v61  }
0x119: {  	v3 =	vor.u32 v3, v4;
	_ =	sdelay $0x4  }
0x11a: {  	[tilespmem:v3+s2+$0x0] =	vst.idx.msk $0xffff, v2  }
0x11b: {  	v3 =	vld [tilespmem:s23+$0x0];
	_ =	sdelay $0x2  }
0x11c: {  	v62 =	vmov s21  }
0x11d: {  	v4 =	vshll.u32 v62, $0x7  }
0x11e: {  	v4 =	vor.u32 v1, v4;
	v63 =	vand.u32 $0xFFFFFF80, v3  }
0x11f: {  	s20 =	sadd.s32 $0x5, s20;
	v3 =	vand.u32 $0x7F, v3;
	v4 =	vadd.s32 v4, v63  }
0x120: {  	p1 =	slt.u32 s20, $0x14;
	v3 =	vor.u32 v3, v4  }
.Ltmp8:
0x121: {  	_ = 	snop;
	(pc) =	sbr.rel @p1 .LBB2_36-.Ltmp8, $2  }
0x122: {  	_ =	sdelay $0x2  }
0x123: {  	s21 =	sadd.s32 $0x50, s21;
	s23 =	sadd.s32 $0x50, s23;
	[tilespmem:v3+s2+$0x0] =	vst.idx.msk $0xffff, v2  }
0x124: {  	[hbm4b:s12+s2] =	stream.linear.scatter [tilespmem:s2], [sflag:$0x1], $0xC800, $0x38;
	[tilespmem:$0x19C80] =	vst v63  }
0x125: {  	_ =	swait.ge [sflag:s29], $0x190  }
0x126: {  	[sflag:s29] =	ssyncset.done $0x0  }
0x127: {  	[sflag:s29] =	ssyncadd.s32 $0xFFFFFE70  }
0x128: {  	s20 =	simm.s32 $0xFFFFFFFB;
	_ =	swait.ge [sflag:s1], $0xC800  }
0x129: {  	s28 =	simm.s32 $0x40;
	s21 =	simm.s32 $0x191D0;
	[sflag:s1] =	ssyncset.done $0x0  }
0x12a: {  	s23 =	simm.s32 $0x40;
	s24 =	simm.s32 $0xFFFFFFFB;
	[sflag:s1] =	ssyncadd.s32 $0xFFFF3800  }
.LBB2_38:
0x12b: {  	v3 =	vld [tilespmem:s21+$0xFFFFFFC0];
	_ =	sdelay $0x1  }
0x12c: {  	s22 =	sadd.s32 $0xFFFFFFC0, s23  }
0x12d: {  	v4 =	vmov s22  }
0x12e: {  	v4 =	vshll.u32 v4, $0x7  }
0x12f: {  	v4 =	vor.u32 v1, v4;
	v5 =	vand.u32 $0xFFFFFF80, v3  }
0x130: {  	v3 =	vand.u32 $0x7F, v3;
	v4 =	vadd.s32 v4, v5  }
0x131: {  	v3 =	vor.u32 v3, v4;
	_ =	sdelay $0x4  }
0x132: {  	[tilespmem:v3+s30+$0x0] =	vst.idx.msk $0xffff, v0  }
0x133: {  	v3 =	vld [tilespmem:s21+$0xFFFFFFD0];
	_ =	sdelay $0x1  }
0x134: {  	s25 =	sadd.s32 $0xFFFFFFD0, s23  }
0x135: {  	v56 =	vmov s25  }
0x136: {  	v4 =	vshll.u32 v56, $0x7  }
0x137: {  	v4 =	vor.u32 v1, v4;
	v57 =	vand.u32 $0xFFFFFF80, v3  }
0x138: {  	v3 =	vand.u32 $0x7F, v3;
	v4 =	vadd.s32 v4, v57  }
0x139: {  	v3 =	vor.u32 v3, v4;
	_ =	sdelay $0x4  }
0x13a: {  	[tilespmem:v3+s30+$0x0] =	vst.idx.msk $0xffff, v0  }
0x13b: {  	v3 =	vld [tilespmem:s21+$0xFFFFFFE0];
	_ =	sdelay $0x1  }
0x13c: {  	s25 =	sadd.s32 $0xFFFFFFE0, s23  }
0x13d: {  	v58 =	vmov s25  }
0x13e: {  	v4 =	vshll.u32 v58, $0x7  }
0x13f: {  	v4 =	vor.u32 v1, v4;
	v59 =	vand.u32 $0xFFFFFF80, v3  }
0x140: {  	v3 =	vand.u32 $0x7F, v3;
	v4 =	vadd.s32 v4, v59  }
0x141: {  	v3 =	vor.u32 v3, v4;
	_ =	sdelay $0x4  }
0x142: {  	[tilespmem:v3+s30+$0x0] =	vst.idx.msk $0xffff, v0  }
0x143: {  	v3 =	vld [tilespmem:s21+$0xFFFFFFF0];
	_ =	sdelay $0x1  }
0x144: {  	s25 =	sadd.s32 $0xFFFFFFF0, s23  }
0x145: {  	v60 =	vmov s25  }
0x146: {  	v4 =	vshll.u32 v60, $0x7  }
0x147: {  	v4 =	vor.u32 v1, v4;
	v61 =	vand.u32 $0xFFFFFF80, v3  }
0x148: {  	v3 =	vand.u32 $0x7F, v3;
	v4 =	vadd.s32 v4, v61  }
0x149: {  	v3 =	vor.u32 v3, v4;
	_ =	sdelay $0x4  }
0x14a: {  	[tilespmem:v3+s30+$0x0] =	vst.idx.msk $0xffff, v0  }
0x14b: {  	v3 =	vld [tilespmem:s21+$0x0];
	_ =	sdelay $0x2  }
0x14c: {  	v62 =	vmov s23  }
0x14d: {  	v4 =	vshll.u32 v62, $0x7  }
0x14e: {  	v4 =	vor.u32 v1, v4;
	v63 =	vand.u32 $0xFFFFFF80, v3  }
0x14f: {  	s24 =	sadd.s32 $0x5, s24;
	v3 =	vand.u32 $0x7F, v3;
	v4 =	vadd.s32 v4, v63  }
0x150: {  	p1 =	slt.u32 s24, $0x14;
	v3 =	vor.u32 v3, v4  }
.Ltmp9:
0x151: {  	_ = 	snop;
	(pc) =	sbr.rel @p1 .LBB2_38-.Ltmp9, $2  }
0x152: {  	_ =	sdelay $0x2  }
0x153: {  	s22 =	simm.s32 $0x194F0;
	s23 =	sadd.s32 $0x50, s23;
	s21 =	sadd.s32 $0x50, s21;
	[tilespmem:v3+s30+$0x0] =	vst.idx.msk $0xffff, v0  }
.LBB2_39:
0x154: {  	v3 =	vld [tilespmem:s22+$0xFFFFFFC0];
	_ =	sdelay $0x1  }
0x155: {  	s21 =	sadd.s32 $0xFFFFFFC0, s28  }
0x156: {  	v4 =	vmov s21  }
0x157: {  	v4 =	vshll.u32 v4, $0x7  }
0x158: {  	v4 =	vor.u32 v1, v4;
	v5 =	vand.u32 $0xFFFFFF80, v3  }
0x159: {  	v3 =	vand.u32 $0x7F, v3;
	v4 =	vadd.s32 v4, v5  }
0x15a: {  	v3 =	vor.u32 v3, v4;
	_ =	sdelay $0x4  }
0x15b: {  	[tilespmem:v3+s30+$0x0] =	vst.idx.msk $0xffff, v2  }
0x15c: {  	v3 =	vld [tilespmem:s22+$0xFFFFFFD0];
	_ =	sdelay $0x1  }
0x15d: {  	s23 =	sadd.s32 $0xFFFFFFD0, s28  }
0x15e: {  	v56 =	vmov s23  }
0x15f: {  	v4 =	vshll.u32 v56, $0x7  }
0x160: {  	v4 =	vor.u32 v1, v4;
	v57 =	vand.u32 $0xFFFFFF80, v3  }
0x161: {  	v3 =	vand.u32 $0x7F, v3;
	v4 =	vadd.s32 v4, v57  }
0x162: {  	v3 =	vor.u32 v3, v4;
	_ =	sdelay $0x4  }
0x163: {  	[tilespmem:v3+s30+$0x0] =	vst.idx.msk $0xffff, v2  }
0x164: {  	v3 =	vld [tilespmem:s22+$0xFFFFFFE0];
	_ =	sdelay $0x1  }
0x165: {  	s24 =	sadd.s32 $0xFFFFFFE0, s28  }
0x166: {  	v58 =	vmov s24  }
0x167: {  	v4 =	vshll.u32 v58, $0x7  }
0x168: {  	v4 =	vor.u32 v1, v4;
	v59 =	vand.u32 $0xFFFFFF80, v3  }
0x169: {  	v3 =	vand.u32 $0x7F, v3;
	v4 =	vadd.s32 v4, v59  }
0x16a: {  	v3 =	vor.u32 v3, v4;
	_ =	sdelay $0x4  }
0x16b: {  	[tilespmem:v3+s30+$0x0] =	vst.idx.msk $0xffff, v2  }
0x16c: {  	v3 =	vld [tilespmem:s22+$0xFFFFFFF0];
	_ =	sdelay $0x1  }
0x16d: {  	s25 =	sadd.s32 $0xFFFFFFF0, s28  }
0x16e: {  	v60 =	vmov s25  }
0x16f: {  	v4 =	vshll.u32 v60, $0x7  }
0x170: {  	v4 =	vor.u32 v1, v4;
	v61 =	vand.u32 $0xFFFFFF80, v3  }
0x171: {  	v3 =	vand.u32 $0x7F, v3;
	v4 =	vadd.s32 v4, v61  }
0x172: {  	v3 =	vor.u32 v3, v4;
	_ =	sdelay $0x4  }
0x173: {  	[tilespmem:v3+s30+$0x0] =	vst.idx.msk $0xffff, v2  }
0x174: {  	v3 =	vld [tilespmem:s22+$0x0];
	_ =	sdelay $0x2  }
0x175: {  	v62 =	vmov s28  }
0x176: {  	v4 =	vshll.u32 v62, $0x7  }
0x177: {  	v4 =	vor.u32 v1, v4;
	v63 =	vand.u32 $0xFFFFFF80, v3  }
0x178: {  	s20 =	sadd.s32 $0x5, s20;
	v3 =	vand.u32 $0x7F, v3;
	v4 =	vadd.s32 v4, v63  }
0x179: {  	p1 =	slt.u32 s20, $0x14;
	v3 =	vor.u32 v3, v4  }
.Ltmp10:
0x17a: {  	_ = 	snop;
	(pc) =	sbr.rel @p1 .LBB2_39-.Ltmp10, $2  }
0x17b: {  	_ =	sdelay $0x2  }
0x17c: {  	s28 =	sadd.s32 $0x50, s28;
	s22 =	sadd.s32 $0x50, s22;
	[tilespmem:v3+s30+$0x0] =	vst.idx.msk $0xffff, v2  }
0x17d: {  	[hbm4b:s13+s2] =	stream.linear.scatter [tilespmem:s30], [sflag:$0x2], $0xC800, $0x38;
	[tilespmem:$0x19C80] =	vst v63  }
0x17e: {  	_ =	swait.ge [sflag:s29], $0x190  }
0x17f: {  	[sflag:s29] =	ssyncset.done $0x0  }
0x180: {  	[sflag:s29] =	ssyncadd.s32 $0xFFFFFE70  }
0x181: {  	s28 =	simm.s32 $0xFFFFFFFB;
	_ =	swait.ge [sflag:s31], $0xC800  }
0x182: {  	s20 =	simm.s32 $0x40;
	s22 =	simm.s32 $0x19360;
	[sflag:s31] =	ssyncset.done $0x0  }
0x183: {  	s23 =	simm.s32 $0x40;
	s24 =	simm.s32 $0xFFFFFFFB;
	[sflag:s31] =	ssyncadd.s32 $0xFFFF3800  }
.LBB2_41:
0x184: {  	v3 =	vld [tilespmem:s22+$0xFFFFFFC0];
	_ =	sdelay $0x1  }
0x185: {  	s21 =	sadd.s32 $0xFFFFFFC0, s23  }
0x186: {  	v4 =	vmov s21  }
0x187: {  	v4 =	vshll.u32 v4, $0x7  }
0x188: {  	v4 =	vor.u32 v1, v4;
	v5 =	vand.u32 $0xFFFFFF80, v3  }
0x189: {  	v3 =	vand.u32 $0x7F, v3;
	v4 =	vadd.s32 v4, v5  }
0x18a: {  	v3 =	vor.u32 v3, v4;
	_ =	sdelay $0x4  }
0x18b: {  	[tilespmem:v3+s2+$0x0] =	vst.idx.msk $0xffff, v0  }
0x18c: {  	v3 =	vld [tilespmem:s22+$0xFFFFFFD0];
	_ =	sdelay $0x1  }
0x18d: {  	s25 =	sadd.s32 $0xFFFFFFD0, s23  }
0x18e: {  	v56 =	vmov s25  }
0x18f: {  	v4 =	vshll.u32 v56, $0x7  }
0x190: {  	v4 =	vor.u32 v1, v4;
	v57 =	vand.u32 $0xFFFFFF80, v3  }
0x191: {  	v3 =	vand.u32 $0x7F, v3;
	v4 =	vadd.s32 v4, v57  }
0x192: {  	v3 =	vor.u32 v3, v4;
	_ =	sdelay $0x4  }
0x193: {  	[tilespmem:v3+s2+$0x0] =	vst.idx.msk $0xffff, v0  }
0x194: {  	v3 =	vld [tilespmem:s22+$0xFFFFFFE0];
	_ =	sdelay $0x1  }
0x195: {  	s25 =	sadd.s32 $0xFFFFFFE0, s23  }
0x196: {  	v58 =	vmov s25  }
0x197: {  	v4 =	vshll.u32 v58, $0x7  }
0x198: {  	v4 =	vor.u32 v1, v4;
	v59 =	vand.u32 $0xFFFFFF80, v3  }
0x199: {  	v3 =	vand.u32 $0x7F, v3;
	v4 =	vadd.s32 v4, v59  }
0x19a: {  	v3 =	vor.u32 v3, v4;
	_ =	sdelay $0x4  }
0x19b: {  	[tilespmem:v3+s2+$0x0] =	vst.idx.msk $0xffff, v0  }
0x19c: {  	v3 =	vld [tilespmem:s22+$0xFFFFFFF0];
	_ =	sdelay $0x1  }
0x19d: {  	s25 =	sadd.s32 $0xFFFFFFF0, s23  }
0x19e: {  	v60 =	vmov s25  }
0x19f: {  	v4 =	vshll.u32 v60, $0x7  }
0x1a0: {  	v4 =	vor.u32 v1, v4;
	v61 =	vand.u32 $0xFFFFFF80, v3  }
0x1a1: {  	v3 =	vand.u32 $0x7F, v3;
	v4 =	vadd.s32 v4, v61  }
0x1a2: {  	v3 =	vor.u32 v3, v4;
	_ =	sdelay $0x4  }
0x1a3: {  	[tilespmem:v3+s2+$0x0] =	vst.idx.msk $0xffff, v0  }
0x1a4: {  	v3 =	vld [tilespmem:s22+$0x0];
	_ =	sdelay $0x2  }
0x1a5: {  	v62 =	vmov s23  }
0x1a6: {  	v4 =	vshll.u32 v62, $0x7  }
0x1a7: {  	v4 =	vor.u32 v1, v4;
	v63 =	vand.u32 $0xFFFFFF80, v3  }
0x1a8: {  	s24 =	sadd.s32 $0x5, s24;
	v3 =	vand.u32 $0x7F, v3;
	v4 =	vadd.s32 v4, v63  }
0x1a9: {  	p1 =	slt.u32 s24, $0x14;
	v3 =	vor.u32 v3, v4  }
.Ltmp11:
0x1aa: {  	_ = 	snop;
	(pc) =	sbr.rel @p1 .LBB2_41-.Ltmp11, $2  }
0x1ab: {  	_ =	sdelay $0x2  }
0x1ac: {  	s21 =	simm.s32 $0x19670;
	s23 =	sadd.s32 $0x50, s23;
	s22 =	sadd.s32 $0x50, s22;
	[tilespmem:v3+s2+$0x0] =	vst.idx.msk $0xffff, v0  }
.LBB2_42:
0x1ad: {  	v3 =	vld [tilespmem:s21+$0xFFFFFFD0];
	_ =	sdelay $0x1  }
0x1ae: {  	s22 =	sadd.s32 $0xFFFFFFC0, s20  }
0x1af: {  	v4 =	vmov s22  }
0x1b0: {  	v4 =	vshll.u32 v4, $0x7  }
0x1b1: {  	v4 =	vor.u32 v1, v4;
	v5 =	vand.u32 $0xFFFFFF80, v3  }
0x1b2: {  	v3 =	vand.u32 $0x7F, v3;
	v4 =	vadd.s32 v4, v5  }
0x1b3: {  	v3 =	vor.u32 v3, v4;
	_ =	sdelay $0x4  }
0x1b4: {  	[tilespmem:v3+s2+$0x0] =	vst.idx.msk $0xffff, v2  }
0x1b5: {  	v3 =	vld [tilespmem:s21+$0xFFFFFFE0];
	_ =	sdelay $0x1  }
0x1b6: {  	s23 =	sadd.s32 $0xFFFFFFD0, s20  }
0x1b7: {  	v56 =	vmov s23  }
0x1b8: {  	v4 =	vshll.u32 v56, $0x7  }
0x1b9: {  	v4 =	vor.u32 v1, v4;
	v57 =	vand.u32 $0xFFFFFF80, v3  }
0x1ba: {  	v3 =	vand.u32 $0x7F, v3;
	v4 =	vadd.s32 v4, v57  }
0x1bb: {  	v3 =	vor.u32 v3, v4;
	_ =	sdelay $0x4  }
0x1bc: {  	[tilespmem:v3+s2+$0x0] =	vst.idx.msk $0xffff, v2  }
0x1bd: {  	v3 =	vld [tilespmem:s21+$0xFFFFFFF0];
	_ =	sdelay $0x1  }
0x1be: {  	s24 =	sadd.s32 $0xFFFFFFE0, s20  }
0x1bf: {  	v58 =	vmov s24  }
0x1c0: {  	v4 =	vshll.u32 v58, $0x7  }
0x1c1: {  	v4 =	vor.u32 v1, v4;
	v59 =	vand.u32 $0xFFFFFF80, v3  }
0x1c2: {  	v3 =	vand.u32 $0x7F, v3;
	v4 =	vadd.s32 v4, v59  }
0x1c3: {  	v3 =	vor.u32 v3, v4;
	_ =	sdelay $0x4  }
0x1c4: {  	[tilespmem:v3+s2+$0x0] =	vst.idx.msk $0xffff, v2  }
0x1c5: {  	v3 =	vld [tilespmem:s21+$0x0];
	_ =	sdelay $0x1  }
0x1c6: {  	s25 =	sadd.s32 $0xFFFFFFF0, s20  }
0x1c7: {  	v60 =	vmov s25  }
0x1c8: {  	v4 =	vshll.u32 v60, $0x7  }
0x1c9: {  	v4 =	vor.u32 v1, v4;
	v61 =	vand.u32 $0xFFFFFF80, v3  }
0x1ca: {  	v3 =	vand.u32 $0x7F, v3;
	v4 =	vadd.s32 v4, v61  }
0x1cb: {  	v3 =	vor.u32 v3, v4;
	_ =	sdelay $0x4  }
0x1cc: {  	s22 =	sand.u32 $0x1F0, s22;
	[tilespmem:v3+s2+$0x0] =	vst.idx.msk $0xffff, v2  }
0x1cd: {  	v3 =	vld [tilespmem:s22+$0x19680];
	_ =	sdelay $0x2  }
0x1ce: {  	v62 =	vmov s20  }
0x1cf: {  	v4 =	vshll.u32 v62, $0x7  }
0x1d0: {  	v4 =	vor.u32 v1, v4;
	v63 =	vand.u32 $0xFFFFFF80, v3  }
0x1d1: {  	s28 =	sadd.s32 $0x5, s28;
	v3 =	vand.u32 $0x7F, v3;
	v4 =	vadd.s32 v4, v63  }
0x1d2: {  	p1 =	slt.u32 s28, $0x14;
	v3 =	vor.u32 v3, v4  }
.Ltmp12:
0x1d3: {  	_ = 	snop;
	(pc) =	sbr.rel @p1 .LBB2_42-.Ltmp12, $2  }
0x1d4: {  	_ =	sdelay $0x2  }
0x1d5: {  	s20 =	sadd.s32 $0x50, s20;
	s21 =	sadd.s32 $0x50, s21;
	[tilespmem:v3+s2+$0x0] =	vst.idx.msk $0xffff, v2  }
0x1d6: {  	[hbm4b:s14+s2] =	stream.linear.scatter [tilespmem:s2], [sflag:$0x1], $0xC800, $0x38;
	[tilespmem:$0x19C80] =	vst v63  }
0x1d7: {  	_ =	swait.ge [sflag:s29], $0x190  }
0x1d8: {  	[sflag:s29] =	ssyncset.done $0x0  }
0x1d9: {  	[sflag:s29] =	ssyncadd.s32 $0xFFFFFE70  }
0x1da: {  	s28 =	simm.s32 $0xFFFFFFFB;
	_ =	swait.ge [sflag:s1], $0xC800  }
0x1db: {  	s20 =	simm.s32 $0x40;
	s22 =	simm.s32 $0x194F0;
	[sflag:s1] =	ssyncset.done $0x0  }
0x1dc: {  	s23 =	simm.s32 $0x40;
	s24 =	simm.s32 $0xFFFFFFFB;
	[sflag:s1] =	ssyncadd.s32 $0xFFFF3800  }
.LBB2_44:
0x1dd: {  	v3 =	vld [tilespmem:s22+$0xFFFFFFC0];
	_ =	sdelay $0x1  }
0x1de: {  	s21 =	sadd.s32 $0xFFFFFFC0, s23  }
0x1df: {  	v4 =	vmov s21  }
0x1e0: {  	v4 =	vshll.u32 v4, $0x7  }
0x1e1: {  	v4 =	vor.u32 v1, v4;
	v5 =	vand.u32 $0xFFFFFF80, v3  }
0x1e2: {  	v3 =	vand.u32 $0x7F, v3;
	v4 =	vadd.s32 v4, v5  }
0x1e3: {  	v3 =	vor.u32 v3, v4;
	_ =	sdelay $0x4  }
0x1e4: {  	[tilespmem:v3+s30+$0x0] =	vst.idx.msk $0xffff, v0  }
0x1e5: {  	v3 =	vld [tilespmem:s22+$0xFFFFFFD0];
	_ =	sdelay $0x1  }
0x1e6: {  	s25 =	sadd.s32 $0xFFFFFFD0, s23  }
0x1e7: {  	v56 =	vmov s25  }
0x1e8: {  	v4 =	vshll.u32 v56, $0x7  }
0x1e9: {  	v4 =	vor.u32 v1, v4;
	v57 =	vand.u32 $0xFFFFFF80, v3  }
0x1ea: {  	v3 =	vand.u32 $0x7F, v3;
	v4 =	vadd.s32 v4, v57  }
0x1eb: {  	v3 =	vor.u32 v3, v4;
	_ =	sdelay $0x4  }
0x1ec: {  	[tilespmem:v3+s30+$0x0] =	vst.idx.msk $0xffff, v0  }
0x1ed: {  	v3 =	vld [tilespmem:s22+$0xFFFFFFE0];
	_ =	sdelay $0x1  }
0x1ee: {  	s25 =	sadd.s32 $0xFFFFFFE0, s23  }
0x1ef: {  	v58 =	vmov s25  }
0x1f0: {  	v4 =	vshll.u32 v58, $0x7  }
0x1f1: {  	v4 =	vor.u32 v1, v4;
	v59 =	vand.u32 $0xFFFFFF80, v3  }
0x1f2: {  	v3 =	vand.u32 $0x7F, v3;
	v4 =	vadd.s32 v4, v59  }
0x1f3: {  	v3 =	vor.u32 v3, v4;
	_ =	sdelay $0x4  }
0x1f4: {  	[tilespmem:v3+s30+$0x0] =	vst.idx.msk $0xffff, v0  }
0x1f5: {  	v3 =	vld [tilespmem:s22+$0xFFFFFFF0];
	_ =	sdelay $0x1  }
0x1f6: {  	s25 =	sadd.s32 $0xFFFFFFF0, s23  }
0x1f7: {  	v60 =	vmov s25  }
0x1f8: {  	v4 =	vshll.u32 v60, $0x7  }
0x1f9: {  	v4 =	vor.u32 v1, v4;
	v61 =	vand.u32 $0xFFFFFF80, v3  }
0x1fa: {  	v3 =	vand.u32 $0x7F, v3;
	v4 =	vadd.s32 v4, v61  }
0x1fb: {  	v3 =	vor.u32 v3, v4;
	_ =	sdelay $0x4  }
0x1fc: {  	[tilespmem:v3+s30+$0x0] =	vst.idx.msk $0xffff, v0  }
0x1fd: {  	v3 =	vld [tilespmem:s22+$0x0];
	_ =	sdelay $0x2  }
0x1fe: {  	v62 =	vmov s23  }
0x1ff: {  	v4 =	vshll.u32 v62, $0x7  }
0x200: {  	v4 =	vor.u32 v1, v4;
	v63 =	vand.u32 $0xFFFFFF80, v3  }
0x201: {  	s24 =	sadd.s32 $0x5, s24;
	v3 =	vand.u32 $0x7F, v3;
	v4 =	vadd.s32 v4, v63  }
0x202: {  	p1 =	slt.u32 s24, $0x14;
	v3 =	vor.u32 v3, v4  }
.Ltmp13:
0x203: {  	_ = 	snop;
	(pc) =	sbr.rel @p1 .LBB2_44-.Ltmp13, $2  }
0x204: {  	_ =	sdelay $0x2  }
0x205: {  	s21 =	simm.s32 $0x19810;
	s23 =	sadd.s32 $0x50, s23;
	s22 =	sadd.s32 $0x50, s22;
	[tilespmem:v3+s30+$0x0] =	vst.idx.msk $0xffff, v0  }
.LBB2_45:
0x206: {  	v3 =	vld [tilespmem:s21+$0xFFFFFFC0];
	_ =	sdelay $0x1  }
0x207: {  	s22 =	sadd.s32 $0xFFFFFFC0, s20  }
0x208: {  	v4 =	vmov s22  }
0x209: {  	v4 =	vshll.u32 v4, $0x7  }
0x20a: {  	v4 =	vor.u32 v1, v4;
	v5 =	vand.u32 $0xFFFFFF80, v3  }
0x20b: {  	v3 =	vand.u32 $0x7F, v3;
	v4 =	vadd.s32 v4, v5  }
0x20c: {  	v3 =	vor.u32 v3, v4;
	_ =	sdelay $0x4  }
0x20d: {  	[tilespmem:v3+s30+$0x0] =	vst.idx.msk $0xffff, v2  }
0x20e: {  	v3 =	vld [tilespmem:s21+$0xFFFFFFD0];
	_ =	sdelay $0x1  }
0x20f: {  	s23 =	sadd.s32 $0xFFFFFFD0, s20  }
0x210: {  	v56 =	vmov s23  }
0x211: {  	v4 =	vshll.u32 v56, $0x7  }
0x212: {  	v4 =	vor.u32 v1, v4;
	v57 =	vand.u32 $0xFFFFFF80, v3  }
0x213: {  	v3 =	vand.u32 $0x7F, v3;
	v4 =	vadd.s32 v4, v57  }
0x214: {  	v3 =	vor.u32 v3, v4;
	_ =	sdelay $0x4  }
0x215: {  	[tilespmem:v3+s30+$0x0] =	vst.idx.msk $0xffff, v2  }
0x216: {  	v3 =	vld [tilespmem:s21+$0xFFFFFFE0];
	_ =	sdelay $0x1  }
0x217: {  	s24 =	sadd.s32 $0xFFFFFFE0, s20  }
0x218: {  	v58 =	vmov s24  }
0x219: {  	v4 =	vshll.u32 v58, $0x7  }
0x21a: {  	v4 =	vor.u32 v1, v4;
	v59 =	vand.u32 $0xFFFFFF80, v3  }
0x21b: {  	v3 =	vand.u32 $0x7F, v3;
	v4 =	vadd.s32 v4, v59  }
0x21c: {  	v3 =	vor.u32 v3, v4;
	_ =	sdelay $0x4  }
0x21d: {  	s22 =	sand.u32 $0x1F0, s22;
	[tilespmem:v3+s30+$0x0] =	vst.idx.msk $0xffff, v2  }
0x21e: {  	v3 =	vld [tilespmem:s22+$0x19800];
	_ =	sdelay $0x1  }
0x21f: {  	s25 =	sadd.s32 $0xFFFFFFF0, s20  }
0x220: {  	v60 =	vmov s25  }
0x221: {  	v4 =	vshll.u32 v60, $0x7  }
0x222: {  	v4 =	vor.u32 v1, v4;
	v61 =	vand.u32 $0xFFFFFF80, v3  }
0x223: {  	v3 =	vand.u32 $0x7F, v3;
	v4 =	vadd.s32 v4, v61  }
0x224: {  	v3 =	vor.u32 v3, v4;
	_ =	sdelay $0x4  }
0x225: {  	[tilespmem:v3+s30+$0x0] =	vst.idx.msk $0xffff, v2  }
0x226: {  	v3 =	vld [tilespmem:s21+$0x0];
	_ =	sdelay $0x2  }
0x227: {  	v62 =	vmov s20  }
0x228: {  	v4 =	vshll.u32 v62, $0x7  }
0x229: {  	v4 =	vor.u32 v1, v4;
	v63 =	vand.u32 $0xFFFFFF80, v3  }
0x22a: {  	s28 =	sadd.s32 $0x5, s28;
	v3 =	vand.u32 $0x7F, v3;
	v4 =	vadd.s32 v4, v63  }
0x22b: {  	p1 =	slt.u32 s28, $0x14;
	v3 =	vor.u32 v3, v4  }
.Ltmp14:
0x22c: {  	_ = 	snop;
	(pc) =	sbr.rel @p1 .LBB2_45-.Ltmp14, $2  }
0x22d: {  	_ =	sdelay $0x2  }
0x22e: {  	s20 =	sadd.s32 $0x50, s20;
	s21 =	sadd.s32 $0x50, s21;
	[tilespmem:v3+s30+$0x0] =	vst.idx.msk $0xffff, v2  }
0x22f: {  	[hbm4b:s15+s2] =	stream.linear.scatter [tilespmem:s30], [sflag:$0x2], $0xC800, $0x38;
	[tilespmem:$0x19C80] =	vst v63  }
0x230: {  	_ =	swait.ge [sflag:s29], $0x190  }
0x231: {  	[sflag:s29] =	ssyncset.done $0x0  }
0x232: {  	[sflag:s29] =	ssyncadd.s32 $0xFFFFFE70  }
0x233: {  	s28 =	simm.s32 $0xFFFFFFFB;
	_ =	swait.ge [sflag:s31], $0xC800  }
0x234: {  	s20 =	simm.s32 $0x40;
	s21 =	simm.s32 $0x19670;
	[sflag:s31] =	ssyncset.done $0x0  }
0x235: {  	s23 =	simm.s32 $0x40;
	s24 =	simm.s32 $0xFFFFFFFB;
	[sflag:s31] =	ssyncadd.s32 $0xFFFF3800  }
.LBB2_47:
0x236: {  	v3 =	vld [tilespmem:s21+$0xFFFFFFD0];
	_ =	sdelay $0x1  }
0x237: {  	s22 =	sadd.s32 $0xFFFFFFC0, s23  }
0x238: {  	v4 =	vmov s22  }
0x239: {  	v4 =	vshll.u32 v4, $0x7  }
0x23a: {  	v4 =	vor.u32 v1, v4;
	v5 =	vand.u32 $0xFFFFFF80, v3  }
0x23b: {  	v3 =	vand.u32 $0x7F, v3;
	v4 =	vadd.s32 v4, v5  }
0x23c: {  	v3 =	vor.u32 v3, v4;
	_ =	sdelay $0x4  }
0x23d: {  	[tilespmem:v3+s2+$0x0] =	vst.idx.msk $0xffff, v0  }
0x23e: {  	v3 =	vld [tilespmem:s21+$0xFFFFFFE0];
	_ =	sdelay $0x1  }
0x23f: {  	s25 =	sadd.s32 $0xFFFFFFD0, s23  }
0x240: {  	v56 =	vmov s25  }
0x241: {  	v4 =	vshll.u32 v56, $0x7  }
0x242: {  	v4 =	vor.u32 v1, v4;
	v57 =	vand.u32 $0xFFFFFF80, v3  }
0x243: {  	v3 =	vand.u32 $0x7F, v3;
	v4 =	vadd.s32 v4, v57  }
0x244: {  	v3 =	vor.u32 v3, v4;
	_ =	sdelay $0x4  }
0x245: {  	[tilespmem:v3+s2+$0x0] =	vst.idx.msk $0xffff, v0  }
0x246: {  	v3 =	vld [tilespmem:s21+$0xFFFFFFF0];
	_ =	sdelay $0x1  }
0x247: {  	s25 =	sadd.s32 $0xFFFFFFE0, s23  }
0x248: {  	v58 =	vmov s25  }
0x249: {  	v4 =	vshll.u32 v58, $0x7  }
0x24a: {  	v4 =	vor.u32 v1, v4;
	v59 =	vand.u32 $0xFFFFFF80, v3  }
0x24b: {  	v3 =	vand.u32 $0x7F, v3;
	v4 =	vadd.s32 v4, v59  }
0x24c: {  	v3 =	vor.u32 v3, v4;
	_ =	sdelay $0x4  }
0x24d: {  	[tilespmem:v3+s2+$0x0] =	vst.idx.msk $0xffff, v0  }
0x24e: {  	v3 =	vld [tilespmem:s21+$0x0];
	_ =	sdelay $0x1  }
0x24f: {  	s25 =	sadd.s32 $0xFFFFFFF0, s23  }
0x250: {  	v60 =	vmov s25  }
0x251: {  	v4 =	vshll.u32 v60, $0x7  }
0x252: {  	v4 =	vor.u32 v1, v4;
	v61 =	vand.u32 $0xFFFFFF80, v3  }
0x253: {  	v3 =	vand.u32 $0x7F, v3;
	v4 =	vadd.s32 v4, v61  }
0x254: {  	v3 =	vor.u32 v3, v4;
	_ =	sdelay $0x4  }
0x255: {  	s22 =	sand.u32 $0x1F0, s22;
	[tilespmem:v3+s2+$0x0] =	vst.idx.msk $0xffff, v0  }
0x256: {  	v3 =	vld [tilespmem:s22+$0x19680];
	_ =	sdelay $0x2  }
0x257: {  	v62 =	vmov s23  }
0x258: {  	v4 =	vshll.u32 v62, $0x7  }
0x259: {  	v4 =	vor.u32 v1, v4;
	v63 =	vand.u32 $0xFFFFFF80, v3  }
0x25a: {  	s24 =	sadd.s32 $0x5, s24;
	v3 =	vand.u32 $0x7F, v3;
	v4 =	vadd.s32 v4, v63  }
0x25b: {  	p1 =	slt.u32 s24, $0x14;
	v3 =	vor.u32 v3, v4  }
.Ltmp15:
0x25c: {  	_ = 	snop;
	(pc) =	sbr.rel @p1 .LBB2_47-.Ltmp15, $2  }
0x25d: {  	_ =	sdelay $0x2  }
0x25e: {  	s23 =	sadd.s32 $0x50, s23;
	s21 =	sadd.s32 $0x50, s21;
	s22 =	simm.s32 $0x199A0;
	[tilespmem:v3+s2+$0x0] =	vst.idx.msk $0xffff, v0  }
.LBB2_48:
0x25f: {  	v3 =	vld [tilespmem:s22+$0xFFFFFFC0];
	_ =	sdelay $0x1  }
0x260: {  	s21 =	sadd.s32 $0xFFFFFFC0, s20  }
0x261: {  	v4 =	vmov s21  }
0x262: {  	v4 =	vshll.u32 v4, $0x7  }
0x263: {  	v4 =	vor.u32 v1, v4;
	v5 =	vand.u32 $0xFFFFFF80, v3  }
0x264: {  	v3 =	vand.u32 $0x7F, v3;
	v4 =	vadd.s32 v4, v5  }
0x265: {  	v3 =	vor.u32 v3, v4;
	_ =	sdelay $0x4  }
0x266: {  	[tilespmem:v3+s2+$0x0] =	vst.idx.msk $0xffff, v2  }
0x267: {  	v3 =	vld [tilespmem:s22+$0xFFFFFFD0];
	_ =	sdelay $0x1  }
0x268: {  	s23 =	sadd.s32 $0xFFFFFFD0, s20  }
0x269: {  	v56 =	vmov s23  }
0x26a: {  	v4 =	vshll.u32 v56, $0x7  }
0x26b: {  	v4 =	vor.u32 v1, v4;
	v57 =	vand.u32 $0xFFFFFF80, v3  }
0x26c: {  	v3 =	vand.u32 $0x7F, v3;
	v4 =	vadd.s32 v4, v57  }
0x26d: {  	v3 =	vor.u32 v3, v4;
	_ =	sdelay $0x4  }
0x26e: {  	s21 =	sand.u32 $0x1F0, s21;
	[tilespmem:v3+s2+$0x0] =	vst.idx.msk $0xffff, v2  }
0x26f: {  	v3 =	vld [tilespmem:s21+$0x19980];
	_ =	sdelay $0x1  }
0x270: {  	s24 =	sadd.s32 $0xFFFFFFE0, s20  }
0x271: {  	v58 =	vmov s24  }
0x272: {  	v4 =	vshll.u32 v58, $0x7  }
0x273: {  	v4 =	vor.u32 v1, v4;
	v59 =	vand.u32 $0xFFFFFF80, v3  }
0x274: {  	v3 =	vand.u32 $0x7F, v3;
	v4 =	vadd.s32 v4, v59  }
0x275: {  	v3 =	vor.u32 v3, v4;
	_ =	sdelay $0x4  }
0x276: {  	[tilespmem:v3+s2+$0x0] =	vst.idx.msk $0xffff, v2  }
0x277: {  	v3 =	vld [tilespmem:s22+$0xFFFFFFF0];
	_ =	sdelay $0x1  }
0x278: {  	s25 =	sadd.s32 $0xFFFFFFF0, s20  }
0x279: {  	v60 =	vmov s25  }
0x27a: {  	v4 =	vshll.u32 v60, $0x7  }
0x27b: {  	v4 =	vor.u32 v1, v4;
	v61 =	vand.u32 $0xFFFFFF80, v3  }
0x27c: {  	v3 =	vand.u32 $0x7F, v3;
	v4 =	vadd.s32 v4, v61  }
0x27d: {  	v3 =	vor.u32 v3, v4;
	_ =	sdelay $0x4  }
0x27e: {  	[tilespmem:v3+s2+$0x0] =	vst.idx.msk $0xffff, v2  }
0x27f: {  	v3 =	vld [tilespmem:s22+$0x0];
	_ =	sdelay $0x2  }
0x280: {  	v62 =	vmov s20  }
0x281: {  	v4 =	vshll.u32 v62, $0x7  }
0x282: {  	v4 =	vor.u32 v1, v4;
	v63 =	vand.u32 $0xFFFFFF80, v3  }
0x283: {  	s28 =	sadd.s32 $0x5, s28;
	v3 =	vand.u32 $0x7F, v3;
	v4 =	vadd.s32 v4, v63  }
0x284: {  	p1 =	slt.u32 s28, $0x14;
	v3 =	vor.u32 v3, v4  }
.Ltmp16:
0x285: {  	_ = 	snop;
	(pc) =	sbr.rel @p1 .LBB2_48-.Ltmp16, $2  }
0x286: {  	_ =	sdelay $0x2  }
0x287: {  	s20 =	sadd.s32 $0x50, s20;
	s22 =	sadd.s32 $0x50, s22;
	[tilespmem:v3+s2+$0x0] =	vst.idx.msk $0xffff, v2  }
0x288: {  	[hbm4b:s16+s2] =	stream.linear.scatter [tilespmem:s2], [sflag:$0x1], $0xC800, $0x38;
	[tilespmem:$0x19C80] =	vst v63  }
0x289: {  	_ =	swait.ge [sflag:s29], $0x190  }
0x28a: {  	[sflag:s29] =	ssyncset.done $0x0  }
0x28b: {  	[sflag:s29] =	ssyncadd.s32 $0xFFFFFE70  }
0x28c: {  	s28 =	simm.s32 $0xFFFFFFFB;
	_ =	swait.ge [sflag:s1], $0xC800  }
0x28d: {  	s20 =	simm.s32 $0x40;
	s21 =	simm.s32 $0x19810;
	[sflag:s1] =	ssyncset.done $0x0  }
0x28e: {  	s23 =	simm.s32 $0x40;
	s24 =	simm.s32 $0xFFFFFFFB;
	[sflag:s1] =	ssyncadd.s32 $0xFFFF3800  }
.LBB2_50:
0x28f: {  	v3 =	vld [tilespmem:s21+$0xFFFFFFC0];
	_ =	sdelay $0x1  }
0x290: {  	s22 =	sadd.s32 $0xFFFFFFC0, s23  }
0x291: {  	v4 =	vmov s22  }
0x292: {  	v4 =	vshll.u32 v4, $0x7  }
0x293: {  	v4 =	vor.u32 v1, v4;
	v5 =	vand.u32 $0xFFFFFF80, v3  }
0x294: {  	v3 =	vand.u32 $0x7F, v3;
	v4 =	vadd.s32 v4, v5  }
0x295: {  	v3 =	vor.u32 v3, v4;
	_ =	sdelay $0x4  }
0x296: {  	[tilespmem:v3+s30+$0x0] =	vst.idx.msk $0xffff, v0  }
0x297: {  	v3 =	vld [tilespmem:s21+$0xFFFFFFD0];
	_ =	sdelay $0x1  }
0x298: {  	s25 =	sadd.s32 $0xFFFFFFD0, s23  }
0x299: {  	v56 =	vmov s25  }
0x29a: {  	v4 =	vshll.u32 v56, $0x7  }
0x29b: {  	v4 =	vor.u32 v1, v4;
	v57 =	vand.u32 $0xFFFFFF80, v3  }
0x29c: {  	v3 =	vand.u32 $0x7F, v3;
	v4 =	vadd.s32 v4, v57  }
0x29d: {  	v3 =	vor.u32 v3, v4;
	_ =	sdelay $0x4  }
0x29e: {  	[tilespmem:v3+s30+$0x0] =	vst.idx.msk $0xffff, v0  }
0x29f: {  	v3 =	vld [tilespmem:s21+$0xFFFFFFE0];
	_ =	sdelay $0x1  }
0x2a0: {  	s25 =	sadd.s32 $0xFFFFFFE0, s23  }
0x2a1: {  	v58 =	vmov s25  }
0x2a2: {  	v4 =	vshll.u32 v58, $0x7  }
0x2a3: {  	v4 =	vor.u32 v1, v4;
	v59 =	vand.u32 $0xFFFFFF80, v3  }
0x2a4: {  	v3 =	vand.u32 $0x7F, v3;
	v4 =	vadd.s32 v4, v59  }
0x2a5: {  	v3 =	vor.u32 v3, v4;
	_ =	sdelay $0x4  }
0x2a6: {  	s22 =	sand.u32 $0x1F0, s22;
	[tilespmem:v3+s30+$0x0] =	vst.idx.msk $0xffff, v0  }
0x2a7: {  	v3 =	vld [tilespmem:s22+$0x19800];
	_ =	sdelay $0x1  }
0x2a8: {  	s25 =	sadd.s32 $0xFFFFFFF0, s23  }
0x2a9: {  	v60 =	vmov s25  }
0x2aa: {  	v4 =	vshll.u32 v60, $0x7  }
0x2ab: {  	v4 =	vor.u32 v1, v4;
	v61 =	vand.u32 $0xFFFFFF80, v3  }
0x2ac: {  	v3 =	vand.u32 $0x7F, v3;
	v4 =	vadd.s32 v4, v61  }
0x2ad: {  	v3 =	vor.u32 v3, v4;
	_ =	sdelay $0x4  }
0x2ae: {  	[tilespmem:v3+s30+$0x0] =	vst.idx.msk $0xffff, v0  }
0x2af: {  	v3 =	vld [tilespmem:s21+$0x0];
	_ =	sdelay $0x2  }
0x2b0: {  	v62 =	vmov s23  }
0x2b1: {  	v4 =	vshll.u32 v62, $0x7  }
0x2b2: {  	v4 =	vor.u32 v1, v4;
	v63 =	vand.u32 $0xFFFFFF80, v3  }
0x2b3: {  	s24 =	sadd.s32 $0x5, s24;
	v3 =	vand.u32 $0x7F, v3;
	v4 =	vadd.s32 v4, v63  }
0x2b4: {  	p1 =	slt.u32 s24, $0x14;
	v3 =	vor.u32 v3, v4  }
.Ltmp17:
0x2b5: {  	_ = 	snop;
	(pc) =	sbr.rel @p1 .LBB2_50-.Ltmp17, $2  }
0x2b6: {  	_ =	sdelay $0x2  }
0x2b7: {  	s23 =	sadd.s32 $0x50, s23;
	s22 =	simm.s32 $0x19B30;
	s21 =	sadd.s32 $0x50, s21;
	[tilespmem:v3+s30+$0x0] =	vst.idx.msk $0xffff, v0  }
.LBB2_51:
0x2b8: {  	v3 =	vld [tilespmem:s22+$0xFFFFFFC0];
	_ =	sdelay $0x1  }
0x2b9: {  	s21 =	sadd.s32 $0xFFFFFFC0, s20  }
0x2ba: {  	v4 =	vmov s21  }
0x2bb: {  	v4 =	vshll.u32 v4, $0x7  }
0x2bc: {  	v4 =	vor.u32 v1, v4;
	v5 =	vand.u32 $0xFFFFFF80, v3  }
0x2bd: {  	v3 =	vand.u32 $0x7F, v3;
	v4 =	vadd.s32 v4, v5  }
0x2be: {  	v3 =	vor.u32 v3, v4;
	_ =	sdelay $0x4  }
0x2bf: {  	s21 =	sand.u32 $0x1F0, s21;
	[tilespmem:v3+s30+$0x0] =	vst.idx.msk $0xffff, v2  }
0x2c0: {  	v3 =	vld [tilespmem:s21+$0x19B00];
	_ =	sdelay $0x1  }
0x2c1: {  	s23 =	sadd.s32 $0xFFFFFFD0, s20  }
0x2c2: {  	v56 =	vmov s23  }
0x2c3: {  	v4 =	vshll.u32 v56, $0x7  }
0x2c4: {  	v4 =	vor.u32 v1, v4;
	v57 =	vand.u32 $0xFFFFFF80, v3  }
0x2c5: {  	v3 =	vand.u32 $0x7F, v3;
	v4 =	vadd.s32 v4, v57  }
0x2c6: {  	v3 =	vor.u32 v3, v4;
	_ =	sdelay $0x4  }
0x2c7: {  	[tilespmem:v3+s30+$0x0] =	vst.idx.msk $0xffff, v2  }
0x2c8: {  	v3 =	vld [tilespmem:s22+$0xFFFFFFE0];
	_ =	sdelay $0x1  }
0x2c9: {  	s24 =	sadd.s32 $0xFFFFFFE0, s20  }
0x2ca: {  	v58 =	vmov s24  }
0x2cb: {  	v4 =	vshll.u32 v58, $0x7  }
0x2cc: {  	v4 =	vor.u32 v1, v4;
	v59 =	vand.u32 $0xFFFFFF80, v3  }
0x2cd: {  	v3 =	vand.u32 $0x7F, v3;
	v4 =	vadd.s32 v4, v59  }
0x2ce: {  	v3 =	vor.u32 v3, v4;
	_ =	sdelay $0x4  }
0x2cf: {  	[tilespmem:v3+s30+$0x0] =	vst.idx.msk $0xffff, v2  }
0x2d0: {  	v3 =	vld [tilespmem:s22+$0xFFFFFFF0];
	_ =	sdelay $0x1  }
0x2d1: {  	s25 =	sadd.s32 $0xFFFFFFF0, s20  }
0x2d2: {  	v60 =	vmov s25  }
0x2d3: {  	v4 =	vshll.u32 v60, $0x7  }
0x2d4: {  	v4 =	vor.u32 v1, v4;
	v61 =	vand.u32 $0xFFFFFF80, v3  }
0x2d5: {  	v3 =	vand.u32 $0x7F, v3;
	v4 =	vadd.s32 v4, v61  }
0x2d6: {  	v3 =	vor.u32 v3, v4;
	_ =	sdelay $0x4  }
0x2d7: {  	[tilespmem:v3+s30+$0x0] =	vst.idx.msk $0xffff, v2  }
0x2d8: {  	v3 =	vld [tilespmem:s22+$0x0];
	_ =	sdelay $0x2  }
0x2d9: {  	v62 =	vmov s20  }
0x2da: {  	v4 =	vshll.u32 v62, $0x7  }
0x2db: {  	v4 =	vor.u32 v1, v4;
	v63 =	vand.u32 $0xFFFFFF80, v3  }
0x2dc: {  	s28 =	sadd.s32 $0x5, s28;
	v3 =	vand.u32 $0x7F, v3;
	v4 =	vadd.s32 v4, v63  }
0x2dd: {  	p1 =	slt.u32 s28, $0x14;
	v3 =	vor.u32 v3, v4  }
.Ltmp18:
0x2de: {  	_ = 	snop;
	(pc) =	sbr.rel @p1 .LBB2_51-.Ltmp18, $2  }
0x2df: {  	_ =	sdelay $0x2  }
0x2e0: {  	s20 =	sadd.s32 $0x50, s20;
	s22 =	sadd.s32 $0x50, s22;
	[tilespmem:v3+s30+$0x0] =	vst.idx.msk $0xffff, v2  }
.Ltmp19:
0x2e1: {  	(pc) =	sbr.rel .LBB2_53-.Ltmp19, $2  }
0x2e2: {  	_ =	sdelay $0x2  }
0x2e3: {  	[hbm4b:s18+s2] =	stream.linear.scatter [tilespmem:s30], [sflag:$0x2], $0xC800, $0x38;
	[tilespmem:$0x19C80] =	vst v63  }
.LBB2_2:
0x2e4: {  	s20 =	simm.s32 $0x80  }
0x2e5: {  	[tilespmem:s20+$0xFFFFFF80] =	vst v0  }
0x2e6: {  	[tilespmem:s20+$0x70] =	vst v0  }
0x2e7: {  	[tilespmem:s20+$0x60] =	vst v0  }
0x2e8: {  	[tilespmem:s20+$0x50] =	vst v0  }
0x2e9: {  	[tilespmem:s20+$0x40] =	vst v0  }
0x2ea: {  	[tilespmem:s20+$0x30] =	vst v0  }
0x2eb: {  	[tilespmem:s20+$0x20] =	vst v0  }
0x2ec: {  	[tilespmem:s20+$0x10] =	vst v0  }
0x2ed: {  	[tilespmem:s20+$0x0] =	vst v0  }
0x2ee: {  	[tilespmem:s20+$0xFFFFFFF0] =	vst v0  }
0x2ef: {  	[tilespmem:s20+$0xFFFFFFE0] =	vst v0  }
0x2f0: {  	[tilespmem:s20+$0xFFFFFFD0] =	vst v0  }
0x2f1: {  	[tilespmem:s20+$0xFFFFFFC0] =	vst v0  }
0x2f2: {  	[tilespmem:s20+$0xFFFFFFB0] =	vst v0  }
0x2f3: {  	s21 =	simm.s32 $0x0;
	[tilespmem:s20+$0xFFFFFFA0] =	vst v0  }
.LBB2_3:
0x2f4: {  	s21 =	sadd.s32 $0x2, s21;
	[tilespmem:s20+$0xFFFFFF90] =	vst v0;
	s20 =	sadd.s32 $0x100, s20  }
0x2f5: {  	[tilespmem:s20+$0xFFFFFF80] =	vst v0;
	p1 =	slt.u32 s21, $0x18E  }
0x2f6: {  	[tilespmem:s20+$0x70] =	vst v0  }
0x2f7: {  	[tilespmem:s20+$0x60] =	vst v0  }
0x2f8: {  	[tilespmem:s20+$0x50] =	vst v0  }
0x2f9: {  	[tilespmem:s20+$0x40] =	vst v0  }
0x2fa: {  	[tilespmem:s20+$0x30] =	vst v0  }
0x2fb: {  	[tilespmem:s20+$0x20] =	vst v0  }
0x2fc: {  	[tilespmem:s20+$0x10] =	vst v0  }
0x2fd: {  	[tilespmem:s20+$0x0] =	vst v0  }
0x2fe: {  	[tilespmem:s20+$0xFFFFFFF0] =	vst v0  }
.Ltmp20:
0x2ff: {  	[tilespmem:s20+$0xFFFFFFE0] =	vst v0;
	(pc) =	sbr.rel @p1 .LBB2_3-.Ltmp20, $4  }
0x300: {  	[tilespmem:s20+$0xFFFFFFD0] =	vst v0  }
0x301: {  	[tilespmem:s20+$0xFFFFFFC0] =	vst v0  }
0x302: {  	[tilespmem:s20+$0xFFFFFFB0] =	vst v0  }
0x303: {  	[tilespmem:s20+$0xFFFFFFA0] =	vst v0  }
0x304: {  	[tilespmem:s20+$0xFFFFFF90] =	vst v0  }
0x305: {  	_ =	swait.ge [sflag:s29], $0x190  }
0x306: {  	s20 =	simm.s32 $0xFFFFFFFB;
	[sflag:s29] =	ssyncset.done $0x0  }
0x307: {  	s21 =	simm.s32 $0x0;
	s22 =	simm.s32 $0x19020;
	[sflag:s29] =	ssyncadd.s32 $0xFFFFFE70  }
.LBB2_5:
0x308: {  	v3 =	vld [tilespmem:s22+$0xFFFFFFE0];
	_ =	sdelay $0x2  }
0x309: {  	v4 =	vmov s21  }
0x30a: {  	v4 =	vshll.u32 v4, $0x7  }
0x30b: {  	v4 =	vor.u32 v1, v4;
	v5 =	vand.u32 $0xFFFFFF80, v3  }
0x30c: {  	v3 =	vand.u32 $0x7F, v3;
	v4 =	vadd.s32 v4, v5  }
0x30d: {  	v3 =	vor.u32 v3, v4;
	_ =	sdelay $0x4  }
0x30e: {  	[tilespmem:v3+s2+$0x0] =	vst.idx.msk $0xffff, v2  }
0x30f: {  	v3 =	vld [tilespmem:s22+$0xFFFFFFF0];
	_ =	sdelay $0x1  }
0x310: {  	s23 =	sadd.s32 $0x10, s21  }
0x311: {  	v56 =	vmov s23  }
0x312: {  	v4 =	vshll.u32 v56, $0x7  }
0x313: {  	v4 =	vor.u32 v1, v4;
	v57 =	vand.u32 $0xFFFFFF80, v3  }
0x314: {  	v3 =	vand.u32 $0x7F, v3;
	v4 =	vadd.s32 v4, v57  }
0x315: {  	v3 =	vor.u32 v3, v4;
	_ =	sdelay $0x4  }
0x316: {  	[tilespmem:v3+s2+$0x0] =	vst.idx.msk $0xffff, v2  }
0x317: {  	v3 =	vld [tilespmem:s22+$0x0];
	_ =	sdelay $0x1  }
0x318: {  	s24 =	sadd.s32 $0x20, s21  }
0x319: {  	v58 =	vmov s24  }
0x31a: {  	v4 =	vshll.u32 v58, $0x7  }
0x31b: {  	v4 =	vor.u32 v1, v4;
	v59 =	vand.u32 $0xFFFFFF80, v3  }
0x31c: {  	v3 =	vand.u32 $0x7F, v3;
	v4 =	vadd.s32 v4, v59  }
0x31d: {  	v3 =	vor.u32 v3, v4;
	_ =	sdelay $0x4  }
0x31e: {  	[tilespmem:v3+s2+$0x0] =	vst.idx.msk $0xffff, v2  }
0x31f: {  	v3 =	vld [tilespmem:s22+$0x10];
	_ =	sdelay $0x1  }
0x320: {  	s25 =	sadd.s32 $0x30, s21  }
0x321: {  	v60 =	vmov s25  }
0x322: {  	v4 =	vshll.u32 v60, $0x7  }
0x323: {  	v4 =	vor.u32 v1, v4;
	v61 =	vand.u32 $0xFFFFFF80, v3  }
0x324: {  	v3 =	vand.u32 $0x7F, v3;
	v4 =	vadd.s32 v4, v61  }
0x325: {  	v3 =	vor.u32 v3, v4;
	_ =	sdelay $0x4  }
0x326: {  	[tilespmem:v3+s2+$0x0] =	vst.idx.msk $0xffff, v2  }
0x327: {  	v3 =	vld [tilespmem:s22+$0x20];
	_ =	sdelay $0x1  }
0x328: {  	s28 =	sadd.s32 $0x40, s21  }
0x329: {  	v62 =	vmov s28  }
0x32a: {  	v4 =	vshll.u32 v62, $0x7  }
0x32b: {  	v4 =	vor.u32 v1, v4;
	v63 =	vand.u32 $0xFFFFFF80, v3  }
0x32c: {  	s20 =	sadd.s32 $0x5, s20;
	v3 =	vand.u32 $0x7F, v3;
	v4 =	vadd.s32 v4, v63  }
0x32d: {  	p1 =	slt.u32 s20, $0x14;
	v3 =	vor.u32 v3, v4  }
.Ltmp21:
0x32e: {  	_ = 	snop;
	(pc) =	sbr.rel @p1 .LBB2_5-.Ltmp21, $2  }
0x32f: {  	_ =	sdelay $0x2  }
0x330: {  	s21 =	sadd.s32 $0x50, s21;
	s22 =	sadd.s32 $0x50, s22;
	[tilespmem:v3+s2+$0x0] =	vst.idx.msk $0xffff, v2  }
0x331: {  	[hbm4b:s10+s2] =	stream.linear.scatter [tilespmem:s2], [sflag:$0x1], $0xC800, $0x38;
	[tilespmem:$0x19C80] =	vst v63  }
0x332: {  	s20 =	simm.s32 $0xC880  }
0x333: {  	[tilespmem:s20+$0xFFFFFF80] =	vst v0  }
0x334: {  	[tilespmem:s20+$0x70] =	vst v0  }
0x335: {  	[tilespmem:s20+$0x60] =	vst v0  }
0x336: {  	[tilespmem:s20+$0x50] =	vst v0  }
0x337: {  	[tilespmem:s20+$0x40] =	vst v0  }
0x338: {  	[tilespmem:s20+$0x30] =	vst v0  }
0x339: {  	[tilespmem:s20+$0x20] =	vst v0  }
0x33a: {  	[tilespmem:s20+$0x10] =	vst v0  }
0x33b: {  	[tilespmem:s20+$0x0] =	vst v0  }
0x33c: {  	[tilespmem:s20+$0xFFFFFFF0] =	vst v0  }
0x33d: {  	[tilespmem:s20+$0xFFFFFFE0] =	vst v0  }
0x33e: {  	[tilespmem:s20+$0xFFFFFFD0] =	vst v0  }
0x33f: {  	[tilespmem:s20+$0xFFFFFFC0] =	vst v0  }
0x340: {  	[tilespmem:s20+$0xFFFFFFB0] =	vst v0  }
0x341: {  	s21 =	simm.s32 $0x0;
	[tilespmem:s20+$0xFFFFFFA0] =	vst v0  }
.LBB2_7:
0x342: {  	s21 =	sadd.s32 $0x2, s21;
	[tilespmem:s20+$0xFFFFFF90] =	vst v0;
	s20 =	sadd.s32 $0x100, s20  }
0x343: {  	[tilespmem:s20+$0xFFFFFF80] =	vst v0;
	p1 =	slt.u32 s21, $0x18E  }
0x344: {  	[tilespmem:s20+$0x70] =	vst v0  }
0x345: {  	[tilespmem:s20+$0x60] =	vst v0  }
0x346: {  	[tilespmem:s20+$0x50] =	vst v0  }
0x347: {  	[tilespmem:s20+$0x40] =	vst v0  }
0x348: {  	[tilespmem:s20+$0x30] =	vst v0  }
0x349: {  	[tilespmem:s20+$0x20] =	vst v0  }
0x34a: {  	[tilespmem:s20+$0x10] =	vst v0  }
0x34b: {  	[tilespmem:s20+$0x0] =	vst v0  }
0x34c: {  	[tilespmem:s20+$0xFFFFFFF0] =	vst v0  }
.Ltmp22:
0x34d: {  	[tilespmem:s20+$0xFFFFFFE0] =	vst v0;
	(pc) =	sbr.rel @p1 .LBB2_7-.Ltmp22, $4  }
0x34e: {  	[tilespmem:s20+$0xFFFFFFD0] =	vst v0  }
0x34f: {  	[tilespmem:s20+$0xFFFFFFC0] =	vst v0  }
0x350: {  	[tilespmem:s20+$0xFFFFFFB0] =	vst v0  }
0x351: {  	[tilespmem:s20+$0xFFFFFFA0] =	vst v0  }
0x352: {  	[tilespmem:s20+$0xFFFFFF90] =	vst v0  }
0x353: {  	_ =	swait.ge [sflag:s29], $0x190  }
0x354: {  	s20 =	simm.s32 $0xFFFFFFFB;
	[sflag:s29] =	ssyncset.done $0x0  }
0x355: {  	s21 =	simm.s32 $0x40;
	s22 =	simm.s32 $0x191D0;
	[sflag:s29] =	ssyncadd.s32 $0xFFFFFE70  }
.LBB2_9:
0x356: {  	v3 =	vld [tilespmem:s22+$0xFFFFFFC0];
	_ =	sdelay $0x1  }
0x357: {  	s23 =	sadd.s32 $0xFFFFFFC0, s21  }
0x358: {  	v4 =	vmov s23  }
0x359: {  	v4 =	vshll.u32 v4, $0x7  }
0x35a: {  	v4 =	vor.u32 v1, v4;
	v5 =	vand.u32 $0xFFFFFF80, v3  }
0x35b: {  	v3 =	vand.u32 $0x7F, v3;
	v4 =	vadd.s32 v4, v5  }
0x35c: {  	v3 =	vor.u32 v3, v4;
	_ =	sdelay $0x4  }
0x35d: {  	[tilespmem:v3+s30+$0x0] =	vst.idx.msk $0xffff, v2  }
0x35e: {  	v3 =	vld [tilespmem:s22+$0xFFFFFFD0];
	_ =	sdelay $0x1  }
0x35f: {  	s24 =	sadd.s32 $0xFFFFFFD0, s21  }
0x360: {  	v56 =	vmov s24  }
0x361: {  	v4 =	vshll.u32 v56, $0x7  }
0x362: {  	v4 =	vor.u32 v1, v4;
	v57 =	vand.u32 $0xFFFFFF80, v3  }
0x363: {  	v3 =	vand.u32 $0x7F, v3;
	v4 =	vadd.s32 v4, v57  }
0x364: {  	v3 =	vor.u32 v3, v4;
	_ =	sdelay $0x4  }
0x365: {  	[tilespmem:v3+s30+$0x0] =	vst.idx.msk $0xffff, v2  }
0x366: {  	v3 =	vld [tilespmem:s22+$0xFFFFFFE0];
	_ =	sdelay $0x1  }
0x367: {  	s25 =	sadd.s32 $0xFFFFFFE0, s21  }
0x368: {  	v58 =	vmov s25  }
0x369: {  	v4 =	vshll.u32 v58, $0x7  }
0x36a: {  	v4 =	vor.u32 v1, v4;
	v59 =	vand.u32 $0xFFFFFF80, v3  }
0x36b: {  	v3 =	vand.u32 $0x7F, v3;
	v4 =	vadd.s32 v4, v59  }
0x36c: {  	v3 =	vor.u32 v3, v4;
	_ =	sdelay $0x4  }
0x36d: {  	[tilespmem:v3+s30+$0x0] =	vst.idx.msk $0xffff, v2  }
0x36e: {  	v3 =	vld [tilespmem:s22+$0xFFFFFFF0];
	_ =	sdelay $0x1  }
0x36f: {  	s28 =	sadd.s32 $0xFFFFFFF0, s21  }
0x370: {  	v60 =	vmov s28  }
0x371: {  	v4 =	vshll.u32 v60, $0x7  }
0x372: {  	v4 =	vor.u32 v1, v4;
	v61 =	vand.u32 $0xFFFFFF80, v3  }
0x373: {  	v3 =	vand.u32 $0x7F, v3;
	v4 =	vadd.s32 v4, v61  }
0x374: {  	v3 =	vor.u32 v3, v4;
	_ =	sdelay $0x4  }
0x375: {  	[tilespmem:v3+s30+$0x0] =	vst.idx.msk $0xffff, v2  }
0x376: {  	v3 =	vld [tilespmem:s22+$0x0];
	_ =	sdelay $0x2  }
0x377: {  	v62 =	vmov s21  }
0x378: {  	v4 =	vshll.u32 v62, $0x7  }
0x379: {  	v4 =	vor.u32 v1, v4;
	v63 =	vand.u32 $0xFFFFFF80, v3  }
0x37a: {  	s20 =	sadd.s32 $0x5, s20;
	v3 =	vand.u32 $0x7F, v3;
	v4 =	vadd.s32 v4, v63  }
0x37b: {  	p1 =	slt.u32 s20, $0x14;
	v3 =	vor.u32 v3, v4  }
.Ltmp23:
0x37c: {  	_ = 	snop;
	(pc) =	sbr.rel @p1 .LBB2_9-.Ltmp23, $2  }
0x37d: {  	_ =	sdelay $0x2  }
0x37e: {  	s21 =	sadd.s32 $0x50, s21;
	s22 =	sadd.s32 $0x50, s22;
	[tilespmem:v3+s30+$0x0] =	vst.idx.msk $0xffff, v2  }
0x37f: {  	s28 =	simm.s32 $0x0  }
0x380: {  	[hbm4b:s11+s28] =	stream.linear.scatter [tilespmem:s30], [sflag:$0x2], $0xC800, $0x38;
	[tilespmem:$0x19C80] =	vst v63  }
0x381: {  	_ =	swait.ge [sflag:s29], $0x190  }
0x382: {  	[sflag:s29] =	ssyncset.done $0x0  }
0x383: {  	[sflag:s29] =	ssyncadd.s32 $0xFFFFFE70  }
0x384: {  	_ =	swait.ge [sflag:s31], $0xC800  }
0x385: {  	s20 =	simm.s32 $0xFFFFFFFB;
	[sflag:s31] =	ssyncset.done $0x0  }
0x386: {  	s22 =	simm.s32 $0x19020;
	s24 =	simm.s32 $0xFFFFFFFB;
	[sflag:s31] =	ssyncadd.s32 $0xFFFF3800  }
.LBB2_11:
0x387: {  	v3 =	vld [tilespmem:s22+$0xFFFFFFE0];
	_ =	sdelay $0x2  }
0x388: {  	v4 =	vmov s28  }
0x389: {  	v4 =	vshll.u32 v4, $0x7  }
0x38a: {  	v4 =	vor.u32 v1, v4;
	v5 =	vand.u32 $0xFFFFFF80, v3  }
0x38b: {  	v3 =	vand.u32 $0x7F, v3;
	v4 =	vadd.s32 v4, v5  }
0x38c: {  	v3 =	vor.u32 v3, v4;
	_ =	sdelay $0x4  }
0x38d: {  	[tilespmem:v3+s2+$0x0] =	vst.idx.msk $0xffff, v0  }
0x38e: {  	v3 =	vld [tilespmem:s22+$0xFFFFFFF0];
	_ =	sdelay $0x1  }
0x38f: {  	s21 =	sadd.s32 $0x10, s28  }
0x390: {  	v56 =	vmov s21  }
0x391: {  	v4 =	vshll.u32 v56, $0x7  }
0x392: {  	v4 =	vor.u32 v1, v4;
	v57 =	vand.u32 $0xFFFFFF80, v3  }
0x393: {  	v3 =	vand.u32 $0x7F, v3;
	v4 =	vadd.s32 v4, v57  }
0x394: {  	v3 =	vor.u32 v3, v4;
	_ =	sdelay $0x4  }
0x395: {  	[tilespmem:v3+s2+$0x0] =	vst.idx.msk $0xffff, v0  }
0x396: {  	v3 =	vld [tilespmem:s22+$0x0];
	_ =	sdelay $0x1  }
0x397: {  	s25 =	sadd.s32 $0x20, s28  }
0x398: {  	v58 =	vmov s25  }
0x399: {  	v4 =	vshll.u32 v58, $0x7  }
0x39a: {  	v4 =	vor.u32 v1, v4;
	v59 =	vand.u32 $0xFFFFFF80, v3  }
0x39b: {  	v3 =	vand.u32 $0x7F, v3;
	v4 =	vadd.s32 v4, v59  }
0x39c: {  	v3 =	vor.u32 v3, v4;
	_ =	sdelay $0x4  }
0x39d: {  	[tilespmem:v3+s2+$0x0] =	vst.idx.msk $0xffff, v0  }
0x39e: {  	v3 =	vld [tilespmem:s22+$0x10];
	_ =	sdelay $0x1  }
0x39f: {  	s23 =	sadd.s32 $0x30, s28  }
0x3a0: {  	v60 =	vmov s23  }
0x3a1: {  	v4 =	vshll.u32 v60, $0x7  }
0x3a2: {  	v4 =	vor.u32 v1, v4;
	v61 =	vand.u32 $0xFFFFFF80, v3  }
0x3a3: {  	v3 =	vand.u32 $0x7F, v3;
	v4 =	vadd.s32 v4, v61  }
0x3a4: {  	v3 =	vor.u32 v3, v4;
	_ =	sdelay $0x4  }
0x3a5: {  	[tilespmem:v3+s2+$0x0] =	vst.idx.msk $0xffff, v0  }
0x3a6: {  	v3 =	vld [tilespmem:s22+$0x20];
	_ =	sdelay $0x1  }
0x3a7: {  	s25 =	sadd.s32 $0x40, s28  }
0x3a8: {  	v62 =	vmov s25  }
0x3a9: {  	v4 =	vshll.u32 v62, $0x7  }
0x3aa: {  	v4 =	vor.u32 v1, v4;
	v63 =	vand.u32 $0xFFFFFF80, v3  }
0x3ab: {  	s24 =	sadd.s32 $0x5, s24;
	v3 =	vand.u32 $0x7F, v3;
	v4 =	vadd.s32 v4, v63  }
0x3ac: {  	p1 =	slt.u32 s24, $0x14;
	v3 =	vor.u32 v3, v4  }
.Ltmp24:
0x3ad: {  	_ = 	snop;
	(pc) =	sbr.rel @p1 .LBB2_11-.Ltmp24, $3  }
0x3ae: {  	_ =	sdelay $0x1  }
0x3af: {  	s28 =	sadd.s32 $0x50, s28  }
0x3b0: {  	s21 =	simm.s32 $0x40;
	s23 =	simm.s32 $0x19360;
	s22 =	sadd.s32 $0x50, s22;
	[tilespmem:v3+s2+$0x0] =	vst.idx.msk $0xffff, v0  }
.LBB2_12:
0x3b1: {  	v3 =	vld [tilespmem:s23+$0xFFFFFFC0];
	_ =	sdelay $0x1  }
0x3b2: {  	s22 =	sadd.s32 $0xFFFFFFC0, s21  }
0x3b3: {  	v4 =	vmov s22  }
0x3b4: {  	v4 =	vshll.u32 v4, $0x7  }
0x3b5: {  	v4 =	vor.u32 v1, v4;
	v5 =	vand.u32 $0xFFFFFF80, v3  }
0x3b6: {  	v3 =	vand.u32 $0x7F, v3;
	v4 =	vadd.s32 v4, v5  }
0x3b7: {  	v3 =	vor.u32 v3, v4;
	_ =	sdelay $0x4  }
0x3b8: {  	[tilespmem:v3+s2+$0x0] =	vst.idx.msk $0xffff, v2  }
0x3b9: {  	v3 =	vld [tilespmem:s23+$0xFFFFFFD0];
	_ =	sdelay $0x1  }
0x3ba: {  	s24 =	sadd.s32 $0xFFFFFFD0, s21  }
0x3bb: {  	v56 =	vmov s24  }
0x3bc: {  	v4 =	vshll.u32 v56, $0x7  }
0x3bd: {  	v4 =	vor.u32 v1, v4;
	v57 =	vand.u32 $0xFFFFFF80, v3  }
0x3be: {  	v3 =	vand.u32 $0x7F, v3;
	v4 =	vadd.s32 v4, v57  }
0x3bf: {  	v3 =	vor.u32 v3, v4;
	_ =	sdelay $0x4  }
0x3c0: {  	[tilespmem:v3+s2+$0x0] =	vst.idx.msk $0xffff, v2  }
0x3c1: {  	v3 =	vld [tilespmem:s23+$0xFFFFFFE0];
	_ =	sdelay $0x1  }
0x3c2: {  	s25 =	sadd.s32 $0xFFFFFFE0, s21  }
0x3c3: {  	v58 =	vmov s25  }
0x3c4: {  	v4 =	vshll.u32 v58, $0x7  }
0x3c5: {  	v4 =	vor.u32 v1, v4;
	v59 =	vand.u32 $0xFFFFFF80, v3  }
0x3c6: {  	v3 =	vand.u32 $0x7F, v3;
	v4 =	vadd.s32 v4, v59  }
0x3c7: {  	v3 =	vor.u32 v3, v4;
	_ =	sdelay $0x4  }
0x3c8: {  	[tilespmem:v3+s2+$0x0] =	vst.idx.msk $0xffff, v2  }
0x3c9: {  	v3 =	vld [tilespmem:s23+$0xFFFFFFF0];
	_ =	sdelay $0x1  }
0x3ca: {  	s28 =	sadd.s32 $0xFFFFFFF0, s21  }
0x3cb: {  	v60 =	vmov s28  }
0x3cc: {  	v4 =	vshll.u32 v60, $0x7  }
0x3cd: {  	v4 =	vor.u32 v1, v4;
	v61 =	vand.u32 $0xFFFFFF80, v3  }
0x3ce: {  	v3 =	vand.u32 $0x7F, v3;
	v4 =	vadd.s32 v4, v61  }
0x3cf: {  	v3 =	vor.u32 v3, v4;
	_ =	sdelay $0x4  }
0x3d0: {  	[tilespmem:v3+s2+$0x0] =	vst.idx.msk $0xffff, v2  }
0x3d1: {  	v3 =	vld [tilespmem:s23+$0x0];
	_ =	sdelay $0x2  }
0x3d2: {  	v62 =	vmov s21  }
0x3d3: {  	v4 =	vshll.u32 v62, $0x7  }
0x3d4: {  	v4 =	vor.u32 v1, v4;
	v63 =	vand.u32 $0xFFFFFF80, v3  }
0x3d5: {  	s20 =	sadd.s32 $0x5, s20;
	v3 =	vand.u32 $0x7F, v3;
	v4 =	vadd.s32 v4, v63  }
0x3d6: {  	p1 =	slt.u32 s20, $0x14;
	v3 =	vor.u32 v3, v4  }
.Ltmp25:
0x3d7: {  	_ = 	snop;
	(pc) =	sbr.rel @p1 .LBB2_12-.Ltmp25, $2  }
0x3d8: {  	_ =	sdelay $0x2  }
0x3d9: {  	s21 =	sadd.s32 $0x50, s21;
	s23 =	sadd.s32 $0x50, s23;
	[tilespmem:v3+s2+$0x0] =	vst.idx.msk $0xffff, v2  }
0x3da: {  	[hbm4b:s12+s2] =	stream.linear.scatter [tilespmem:s2], [sflag:$0x1], $0xC800, $0x38;
	[tilespmem:$0x19C80] =	vst v63  }
0x3db: {  	_ =	swait.ge [sflag:s29], $0x190  }
0x3dc: {  	[sflag:s29] =	ssyncset.done $0x0  }
0x3dd: {  	[sflag:s29] =	ssyncadd.s32 $0xFFFFFE70  }
0x3de: {  	s20 =	simm.s32 $0xFFFFFFFB;
	_ =	swait.ge [sflag:s1], $0xC800  }
0x3df: {  	s28 =	simm.s32 $0x40;
	s21 =	simm.s32 $0x191D0;
	[sflag:s1] =	ssyncset.done $0x0  }
0x3e0: {  	s23 =	simm.s32 $0x40;
	s24 =	simm.s32 $0xFFFFFFFB;
	[sflag:s1] =	ssyncadd.s32 $0xFFFF3800  }
.LBB2_14:
0x3e1: {  	v3 =	vld [tilespmem:s21+$0xFFFFFFC0];
	_ =	sdelay $0x1  }
0x3e2: {  	s22 =	sadd.s32 $0xFFFFFFC0, s23  }
0x3e3: {  	v4 =	vmov s22  }
0x3e4: {  	v4 =	vshll.u32 v4, $0x7  }
0x3e5: {  	v4 =	vor.u32 v1, v4;
	v5 =	vand.u32 $0xFFFFFF80, v3  }
0x3e6: {  	v3 =	vand.u32 $0x7F, v3;
	v4 =	vadd.s32 v4, v5  }
0x3e7: {  	v3 =	vor.u32 v3, v4;
	_ =	sdelay $0x4  }
0x3e8: {  	[tilespmem:v3+s30+$0x0] =	vst.idx.msk $0xffff, v0  }
0x3e9: {  	v3 =	vld [tilespmem:s21+$0xFFFFFFD0];
	_ =	sdelay $0x1  }
0x3ea: {  	s25 =	sadd.s32 $0xFFFFFFD0, s23  }
0x3eb: {  	v56 =	vmov s25  }
0x3ec: {  	v4 =	vshll.u32 v56, $0x7  }
0x3ed: {  	v4 =	vor.u32 v1, v4;
	v57 =	vand.u32 $0xFFFFFF80, v3  }
0x3ee: {  	v3 =	vand.u32 $0x7F, v3;
	v4 =	vadd.s32 v4, v57  }
0x3ef: {  	v3 =	vor.u32 v3, v4;
	_ =	sdelay $0x4  }
0x3f0: {  	[tilespmem:v3+s30+$0x0] =	vst.idx.msk $0xffff, v0  }
0x3f1: {  	v3 =	vld [tilespmem:s21+$0xFFFFFFE0];
	_ =	sdelay $0x1  }
0x3f2: {  	s25 =	sadd.s32 $0xFFFFFFE0, s23  }
0x3f3: {  	v58 =	vmov s25  }
0x3f4: {  	v4 =	vshll.u32 v58, $0x7  }
0x3f5: {  	v4 =	vor.u32 v1, v4;
	v59 =	vand.u32 $0xFFFFFF80, v3  }
0x3f6: {  	v3 =	vand.u32 $0x7F, v3;
	v4 =	vadd.s32 v4, v59  }
0x3f7: {  	v3 =	vor.u32 v3, v4;
	_ =	sdelay $0x4  }
0x3f8: {  	[tilespmem:v3+s30+$0x0] =	vst.idx.msk $0xffff, v0  }
0x3f9: {  	v3 =	vld [tilespmem:s21+$0xFFFFFFF0];
	_ =	sdelay $0x1  }
0x3fa: {  	s25 =	sadd.s32 $0xFFFFFFF0, s23  }
0x3fb: {  	v60 =	vmov s25  }
0x3fc: {  	v4 =	vshll.u32 v60, $0x7  }
0x3fd: {  	v4 =	vor.u32 v1, v4;
	v61 =	vand.u32 $0xFFFFFF80, v3  }
0x3fe: {  	v3 =	vand.u32 $0x7F, v3;
	v4 =	vadd.s32 v4, v61  }
0x3ff: {  	v3 =	vor.u32 v3, v4;
	_ =	sdelay $0x4  }
0x400: {  	[tilespmem:v3+s30+$0x0] =	vst.idx.msk $0xffff, v0  }
0x401: {  	v3 =	vld [tilespmem:s21+$0x0];
	_ =	sdelay $0x2  }
0x402: {  	v62 =	vmov s23  }
0x403: {  	v4 =	vshll.u32 v62, $0x7  }
0x404: {  	v4 =	vor.u32 v1, v4;
	v63 =	vand.u32 $0xFFFFFF80, v3  }
0x405: {  	s24 =	sadd.s32 $0x5, s24;
	v3 =	vand.u32 $0x7F, v3;
	v4 =	vadd.s32 v4, v63  }
0x406: {  	p1 =	slt.u32 s24, $0x14;
	v3 =	vor.u32 v3, v4  }
.Ltmp26:
0x407: {  	_ = 	snop;
	(pc) =	sbr.rel @p1 .LBB2_14-.Ltmp26, $2  }
0x408: {  	_ =	sdelay $0x2  }
0x409: {  	s22 =	simm.s32 $0x194F0;
	s23 =	sadd.s32 $0x50, s23;
	s21 =	sadd.s32 $0x50, s21;
	[tilespmem:v3+s30+$0x0] =	vst.idx.msk $0xffff, v0  }
.LBB2_15:
0x40a: {  	v3 =	vld [tilespmem:s22+$0xFFFFFFC0];
	_ =	sdelay $0x1  }
0x40b: {  	s21 =	sadd.s32 $0xFFFFFFC0, s28  }
0x40c: {  	v4 =	vmov s21  }
0x40d: {  	v4 =	vshll.u32 v4, $0x7  }
0x40e: {  	v4 =	vor.u32 v1, v4;
	v5 =	vand.u32 $0xFFFFFF80, v3  }
0x40f: {  	v3 =	vand.u32 $0x7F, v3;
	v4 =	vadd.s32 v4, v5  }
0x410: {  	v3 =	vor.u32 v3, v4;
	_ =	sdelay $0x4  }
0x411: {  	[tilespmem:v3+s30+$0x0] =	vst.idx.msk $0xffff, v2  }
0x412: {  	v3 =	vld [tilespmem:s22+$0xFFFFFFD0];
	_ =	sdelay $0x1  }
0x413: {  	s23 =	sadd.s32 $0xFFFFFFD0, s28  }
0x414: {  	v56 =	vmov s23  }
0x415: {  	v4 =	vshll.u32 v56, $0x7  }
0x416: {  	v4 =	vor.u32 v1, v4;
	v57 =	vand.u32 $0xFFFFFF80, v3  }
0x417: {  	v3 =	vand.u32 $0x7F, v3;
	v4 =	vadd.s32 v4, v57  }
0x418: {  	v3 =	vor.u32 v3, v4;
	_ =	sdelay $0x4  }
0x419: {  	[tilespmem:v3+s30+$0x0] =	vst.idx.msk $0xffff, v2  }
0x41a: {  	v3 =	vld [tilespmem:s22+$0xFFFFFFE0];
	_ =	sdelay $0x1  }
0x41b: {  	s24 =	sadd.s32 $0xFFFFFFE0, s28  }
0x41c: {  	v58 =	vmov s24  }
0x41d: {  	v4 =	vshll.u32 v58, $0x7  }
0x41e: {  	v4 =	vor.u32 v1, v4;
	v59 =	vand.u32 $0xFFFFFF80, v3  }
0x41f: {  	v3 =	vand.u32 $0x7F, v3;
	v4 =	vadd.s32 v4, v59  }
0x420: {  	v3 =	vor.u32 v3, v4;
	_ =	sdelay $0x4  }
0x421: {  	[tilespmem:v3+s30+$0x0] =	vst.idx.msk $0xffff, v2  }
0x422: {  	v3 =	vld [tilespmem:s22+$0xFFFFFFF0];
	_ =	sdelay $0x1  }
0x423: {  	s25 =	sadd.s32 $0xFFFFFFF0, s28  }
0x424: {  	v60 =	vmov s25  }
0x425: {  	v4 =	vshll.u32 v60, $0x7  }
0x426: {  	v4 =	vor.u32 v1, v4;
	v61 =	vand.u32 $0xFFFFFF80, v3  }
0x427: {  	v3 =	vand.u32 $0x7F, v3;
	v4 =	vadd.s32 v4, v61  }
0x428: {  	v3 =	vor.u32 v3, v4;
	_ =	sdelay $0x4  }
0x429: {  	[tilespmem:v3+s30+$0x0] =	vst.idx.msk $0xffff, v2  }
0x42a: {  	v3 =	vld [tilespmem:s22+$0x0];
	_ =	sdelay $0x2  }
0x42b: {  	v62 =	vmov s28  }
0x42c: {  	v4 =	vshll.u32 v62, $0x7  }
0x42d: {  	v4 =	vor.u32 v1, v4;
	v63 =	vand.u32 $0xFFFFFF80, v3  }
0x42e: {  	s20 =	sadd.s32 $0x5, s20;
	v3 =	vand.u32 $0x7F, v3;
	v4 =	vadd.s32 v4, v63  }
0x42f: {  	p1 =	slt.u32 s20, $0x14;
	v3 =	vor.u32 v3, v4  }
.Ltmp27:
0x430: {  	_ = 	snop;
	(pc) =	sbr.rel @p1 .LBB2_15-.Ltmp27, $2  }
0x431: {  	_ =	sdelay $0x2  }
0x432: {  	s28 =	sadd.s32 $0x50, s28;
	s22 =	sadd.s32 $0x50, s22;
	[tilespmem:v3+s30+$0x0] =	vst.idx.msk $0xffff, v2  }
0x433: {  	[hbm4b:s13+s2] =	stream.linear.scatter [tilespmem:s30], [sflag:$0x2], $0xC800, $0x38;
	[tilespmem:$0x19C80] =	vst v63  }
0x434: {  	_ =	swait.ge [sflag:s29], $0x190  }
0x435: {  	[sflag:s29] =	ssyncset.done $0x0  }
0x436: {  	[sflag:s29] =	ssyncadd.s32 $0xFFFFFE70  }
0x437: {  	s20 =	simm.s32 $0xFFFFFFFB;
	_ =	swait.ge [sflag:s31], $0xC800  }
0x438: {  	s28 =	simm.s32 $0x40;
	s22 =	simm.s32 $0x19360;
	[sflag:s31] =	ssyncset.done $0x0  }
0x439: {  	s23 =	simm.s32 $0x40;
	s24 =	simm.s32 $0xFFFFFFFB;
	[sflag:s31] =	ssyncadd.s32 $0xFFFF3800  }
.LBB2_17:
0x43a: {  	v3 =	vld [tilespmem:s22+$0xFFFFFFC0];
	_ =	sdelay $0x1  }
0x43b: {  	s21 =	sadd.s32 $0xFFFFFFC0, s23  }
0x43c: {  	v4 =	vmov s21  }
0x43d: {  	v4 =	vshll.u32 v4, $0x7  }
0x43e: {  	v4 =	vor.u32 v1, v4;
	v5 =	vand.u32 $0xFFFFFF80, v3  }
0x43f: {  	v3 =	vand.u32 $0x7F, v3;
	v4 =	vadd.s32 v4, v5  }
0x440: {  	v3 =	vor.u32 v3, v4;
	_ =	sdelay $0x4  }
0x441: {  	[tilespmem:v3+s2+$0x0] =	vst.idx.msk $0xffff, v0  }
0x442: {  	v3 =	vld [tilespmem:s22+$0xFFFFFFD0];
	_ =	sdelay $0x1  }
0x443: {  	s25 =	sadd.s32 $0xFFFFFFD0, s23  }
0x444: {  	v56 =	vmov s25  }
0x445: {  	v4 =	vshll.u32 v56, $0x7  }
0x446: {  	v4 =	vor.u32 v1, v4;
	v57 =	vand.u32 $0xFFFFFF80, v3  }
0x447: {  	v3 =	vand.u32 $0x7F, v3;
	v4 =	vadd.s32 v4, v57  }
0x448: {  	v3 =	vor.u32 v3, v4;
	_ =	sdelay $0x4  }
0x449: {  	[tilespmem:v3+s2+$0x0] =	vst.idx.msk $0xffff, v0  }
0x44a: {  	v3 =	vld [tilespmem:s22+$0xFFFFFFE0];
	_ =	sdelay $0x1  }
0x44b: {  	s25 =	sadd.s32 $0xFFFFFFE0, s23  }
0x44c: {  	v58 =	vmov s25  }
0x44d: {  	v4 =	vshll.u32 v58, $0x7  }
0x44e: {  	v4 =	vor.u32 v1, v4;
	v59 =	vand.u32 $0xFFFFFF80, v3  }
0x44f: {  	v3 =	vand.u32 $0x7F, v3;
	v4 =	vadd.s32 v4, v59  }
0x450: {  	v3 =	vor.u32 v3, v4;
	_ =	sdelay $0x4  }
0x451: {  	[tilespmem:v3+s2+$0x0] =	vst.idx.msk $0xffff, v0  }
0x452: {  	v3 =	vld [tilespmem:s22+$0xFFFFFFF0];
	_ =	sdelay $0x1  }
0x453: {  	s25 =	sadd.s32 $0xFFFFFFF0, s23  }
0x454: {  	v60 =	vmov s25  }
0x455: {  	v4 =	vshll.u32 v60, $0x7  }
0x456: {  	v4 =	vor.u32 v1, v4;
	v61 =	vand.u32 $0xFFFFFF80, v3  }
0x457: {  	v3 =	vand.u32 $0x7F, v3;
	v4 =	vadd.s32 v4, v61  }
0x458: {  	v3 =	vor.u32 v3, v4;
	_ =	sdelay $0x4  }
0x459: {  	[tilespmem:v3+s2+$0x0] =	vst.idx.msk $0xffff, v0  }
0x45a: {  	v3 =	vld [tilespmem:s22+$0x0];
	_ =	sdelay $0x2  }
0x45b: {  	v62 =	vmov s23  }
0x45c: {  	v4 =	vshll.u32 v62, $0x7  }
0x45d: {  	v4 =	vor.u32 v1, v4;
	v63 =	vand.u32 $0xFFFFFF80, v3  }
0x45e: {  	s24 =	sadd.s32 $0x5, s24;
	v3 =	vand.u32 $0x7F, v3;
	v4 =	vadd.s32 v4, v63  }
0x45f: {  	p1 =	slt.u32 s24, $0x14;
	v3 =	vor.u32 v3, v4  }
.Ltmp28:
0x460: {  	_ = 	snop;
	(pc) =	sbr.rel @p1 .LBB2_17-.Ltmp28, $2  }
0x461: {  	_ =	sdelay $0x2  }
0x462: {  	s21 =	simm.s32 $0x19670;
	s23 =	sadd.s32 $0x50, s23;
	s22 =	sadd.s32 $0x50, s22;
	[tilespmem:v3+s2+$0x0] =	vst.idx.msk $0xffff, v0  }
.LBB2_18:
0x463: {  	v3 =	vld [tilespmem:s21+$0xFFFFFFD0];
	_ =	sdelay $0x1  }
0x464: {  	s22 =	sadd.s32 $0xFFFFFFC0, s28  }
0x465: {  	v4 =	vmov s22  }
0x466: {  	v4 =	vshll.u32 v4, $0x7  }
0x467: {  	v4 =	vor.u32 v1, v4;
	v5 =	vand.u32 $0xFFFFFF80, v3  }
0x468: {  	v3 =	vand.u32 $0x7F, v3;
	v4 =	vadd.s32 v4, v5  }
0x469: {  	v3 =	vor.u32 v3, v4;
	_ =	sdelay $0x4  }
0x46a: {  	[tilespmem:v3+s2+$0x0] =	vst.idx.msk $0xffff, v2  }
0x46b: {  	v3 =	vld [tilespmem:s21+$0xFFFFFFE0];
	_ =	sdelay $0x1  }
0x46c: {  	s23 =	sadd.s32 $0xFFFFFFD0, s28  }
0x46d: {  	v56 =	vmov s23  }
0x46e: {  	v4 =	vshll.u32 v56, $0x7  }
0x46f: {  	v4 =	vor.u32 v1, v4;
	v57 =	vand.u32 $0xFFFFFF80, v3  }
0x470: {  	v3 =	vand.u32 $0x7F, v3;
	v4 =	vadd.s32 v4, v57  }
0x471: {  	v3 =	vor.u32 v3, v4;
	_ =	sdelay $0x4  }
0x472: {  	[tilespmem:v3+s2+$0x0] =	vst.idx.msk $0xffff, v2  }
0x473: {  	v3 =	vld [tilespmem:s21+$0xFFFFFFF0];
	_ =	sdelay $0x1  }
0x474: {  	s24 =	sadd.s32 $0xFFFFFFE0, s28  }
0x475: {  	v58 =	vmov s24  }
0x476: {  	v4 =	vshll.u32 v58, $0x7  }
0x477: {  	v4 =	vor.u32 v1, v4;
	v59 =	vand.u32 $0xFFFFFF80, v3  }
0x478: {  	v3 =	vand.u32 $0x7F, v3;
	v4 =	vadd.s32 v4, v59  }
0x479: {  	v3 =	vor.u32 v3, v4;
	_ =	sdelay $0x4  }
0x47a: {  	[tilespmem:v3+s2+$0x0] =	vst.idx.msk $0xffff, v2  }
0x47b: {  	v3 =	vld [tilespmem:s21+$0x0];
	_ =	sdelay $0x1  }
0x47c: {  	s25 =	sadd.s32 $0xFFFFFFF0, s28  }
0x47d: {  	v60 =	vmov s25  }
0x47e: {  	v4 =	vshll.u32 v60, $0x7  }
0x47f: {  	v4 =	vor.u32 v1, v4;
	v61 =	vand.u32 $0xFFFFFF80, v3  }
0x480: {  	v3 =	vand.u32 $0x7F, v3;
	v4 =	vadd.s32 v4, v61  }
0x481: {  	v3 =	vor.u32 v3, v4;
	_ =	sdelay $0x4  }
0x482: {  	s22 =	sand.u32 $0x1F0, s22;
	[tilespmem:v3+s2+$0x0] =	vst.idx.msk $0xffff, v2  }
0x483: {  	v3 =	vld [tilespmem:s22+$0x19680];
	_ =	sdelay $0x2  }
0x484: {  	v62 =	vmov s28  }
0x485: {  	v4 =	vshll.u32 v62, $0x7  }
0x486: {  	v4 =	vor.u32 v1, v4;
	v63 =	vand.u32 $0xFFFFFF80, v3  }
0x487: {  	s20 =	sadd.s32 $0x5, s20;
	v3 =	vand.u32 $0x7F, v3;
	v4 =	vadd.s32 v4, v63  }
0x488: {  	p1 =	slt.u32 s20, $0x14;
	v3 =	vor.u32 v3, v4  }
.Ltmp29:
0x489: {  	_ = 	snop;
	(pc) =	sbr.rel @p1 .LBB2_18-.Ltmp29, $2  }
0x48a: {  	_ =	sdelay $0x2  }
0x48b: {  	s28 =	sadd.s32 $0x50, s28;
	s21 =	sadd.s32 $0x50, s21;
	[tilespmem:v3+s2+$0x0] =	vst.idx.msk $0xffff, v2  }
0x48c: {  	[hbm4b:s14+s2] =	stream.linear.scatter [tilespmem:s2], [sflag:$0x1], $0xC800, $0x38;
	[tilespmem:$0x19C80] =	vst v63  }
0x48d: {  	_ =	swait.ge [sflag:s29], $0x190  }
0x48e: {  	[sflag:s29] =	ssyncset.done $0x0  }
0x48f: {  	[sflag:s29] =	ssyncadd.s32 $0xFFFFFE70  }
0x490: {  	s20 =	simm.s32 $0xFFFFFFFB;
	_ =	swait.ge [sflag:s1], $0xC800  }
0x491: {  	s28 =	simm.s32 $0x40;
	s22 =	simm.s32 $0x194F0;
	[sflag:s1] =	ssyncset.done $0x0  }
0x492: {  	s23 =	simm.s32 $0x40;
	s24 =	simm.s32 $0xFFFFFFFB;
	[sflag:s1] =	ssyncadd.s32 $0xFFFF3800  }
.LBB2_20:
0x493: {  	v3 =	vld [tilespmem:s22+$0xFFFFFFC0];
	_ =	sdelay $0x1  }
0x494: {  	s21 =	sadd.s32 $0xFFFFFFC0, s23  }
0x495: {  	v4 =	vmov s21  }
0x496: {  	v4 =	vshll.u32 v4, $0x7  }
0x497: {  	v4 =	vor.u32 v1, v4;
	v5 =	vand.u32 $0xFFFFFF80, v3  }
0x498: {  	v3 =	vand.u32 $0x7F, v3;
	v4 =	vadd.s32 v4, v5  }
0x499: {  	v3 =	vor.u32 v3, v4;
	_ =	sdelay $0x4  }
0x49a: {  	[tilespmem:v3+s30+$0x0] =	vst.idx.msk $0xffff, v0  }
0x49b: {  	v3 =	vld [tilespmem:s22+$0xFFFFFFD0];
	_ =	sdelay $0x1  }
0x49c: {  	s25 =	sadd.s32 $0xFFFFFFD0, s23  }
0x49d: {  	v56 =	vmov s25  }
0x49e: {  	v4 =	vshll.u32 v56, $0x7  }
0x49f: {  	v4 =	vor.u32 v1, v4;
	v57 =	vand.u32 $0xFFFFFF80, v3  }
0x4a0: {  	v3 =	vand.u32 $0x7F, v3;
	v4 =	vadd.s32 v4, v57  }
0x4a1: {  	v3 =	vor.u32 v3, v4;
	_ =	sdelay $0x4  }
0x4a2: {  	[tilespmem:v3+s30+$0x0] =	vst.idx.msk $0xffff, v0  }
0x4a3: {  	v3 =	vld [tilespmem:s22+$0xFFFFFFE0];
	_ =	sdelay $0x1  }
0x4a4: {  	s25 =	sadd.s32 $0xFFFFFFE0, s23  }
0x4a5: {  	v58 =	vmov s25  }
0x4a6: {  	v4 =	vshll.u32 v58, $0x7  }
0x4a7: {  	v4 =	vor.u32 v1, v4;
	v59 =	vand.u32 $0xFFFFFF80, v3  }
0x4a8: {  	v3 =	vand.u32 $0x7F, v3;
	v4 =	vadd.s32 v4, v59  }
0x4a9: {  	v3 =	vor.u32 v3, v4;
	_ =	sdelay $0x4  }
0x4aa: {  	[tilespmem:v3+s30+$0x0] =	vst.idx.msk $0xffff, v0  }
0x4ab: {  	v3 =	vld [tilespmem:s22+$0xFFFFFFF0];
	_ =	sdelay $0x1  }
0x4ac: {  	s25 =	sadd.s32 $0xFFFFFFF0, s23  }
0x4ad: {  	v60 =	vmov s25  }
0x4ae: {  	v4 =	vshll.u32 v60, $0x7  }
0x4af: {  	v4 =	vor.u32 v1, v4;
	v61 =	vand.u32 $0xFFFFFF80, v3  }
0x4b0: {  	v3 =	vand.u32 $0x7F, v3;
	v4 =	vadd.s32 v4, v61  }
0x4b1: {  	v3 =	vor.u32 v3, v4;
	_ =	sdelay $0x4  }
0x4b2: {  	[tilespmem:v3+s30+$0x0] =	vst.idx.msk $0xffff, v0  }
0x4b3: {  	v3 =	vld [tilespmem:s22+$0x0];
	_ =	sdelay $0x2  }
0x4b4: {  	v62 =	vmov s23  }
0x4b5: {  	v4 =	vshll.u32 v62, $0x7  }
0x4b6: {  	v4 =	vor.u32 v1, v4;
	v63 =	vand.u32 $0xFFFFFF80, v3  }
0x4b7: {  	s24 =	sadd.s32 $0x5, s24;
	v3 =	vand.u32 $0x7F, v3;
	v4 =	vadd.s32 v4, v63  }
0x4b8: {  	p1 =	slt.u32 s24, $0x14;
	v3 =	vor.u32 v3, v4  }
.Ltmp30:
0x4b9: {  	_ = 	snop;
	(pc) =	sbr.rel @p1 .LBB2_20-.Ltmp30, $2  }
0x4ba: {  	_ =	sdelay $0x2  }
0x4bb: {  	s21 =	simm.s32 $0x19810;
	s23 =	sadd.s32 $0x50, s23;
	s22 =	sadd.s32 $0x50, s22;
	[tilespmem:v3+s30+$0x0] =	vst.idx.msk $0xffff, v0  }
.LBB2_21:
0x4bc: {  	v3 =	vld [tilespmem:s21+$0xFFFFFFC0];
	_ =	sdelay $0x1  }
0x4bd: {  	s22 =	sadd.s32 $0xFFFFFFC0, s28  }
0x4be: {  	v4 =	vmov s22  }
0x4bf: {  	v4 =	vshll.u32 v4, $0x7  }
0x4c0: {  	v4 =	vor.u32 v1, v4;
	v5 =	vand.u32 $0xFFFFFF80, v3  }
0x4c1: {  	v3 =	vand.u32 $0x7F, v3;
	v4 =	vadd.s32 v4, v5  }
0x4c2: {  	v3 =	vor.u32 v3, v4;
	_ =	sdelay $0x4  }
0x4c3: {  	[tilespmem:v3+s30+$0x0] =	vst.idx.msk $0xffff, v2  }
0x4c4: {  	v3 =	vld [tilespmem:s21+$0xFFFFFFD0];
	_ =	sdelay $0x1  }
0x4c5: {  	s23 =	sadd.s32 $0xFFFFFFD0, s28  }
0x4c6: {  	v56 =	vmov s23  }
0x4c7: {  	v4 =	vshll.u32 v56, $0x7  }
0x4c8: {  	v4 =	vor.u32 v1, v4;
	v57 =	vand.u32 $0xFFFFFF80, v3  }
0x4c9: {  	v3 =	vand.u32 $0x7F, v3;
	v4 =	vadd.s32 v4, v57  }
0x4ca: {  	v3 =	vor.u32 v3, v4;
	_ =	sdelay $0x4  }
0x4cb: {  	[tilespmem:v3+s30+$0x0] =	vst.idx.msk $0xffff, v2  }
0x4cc: {  	v3 =	vld [tilespmem:s21+$0xFFFFFFE0];
	_ =	sdelay $0x1  }
0x4cd: {  	s24 =	sadd.s32 $0xFFFFFFE0, s28  }
0x4ce: {  	v58 =	vmov s24  }
0x4cf: {  	v4 =	vshll.u32 v58, $0x7  }
0x4d0: {  	v4 =	vor.u32 v1, v4;
	v59 =	vand.u32 $0xFFFFFF80, v3  }
0x4d1: {  	v3 =	vand.u32 $0x7F, v3;
	v4 =	vadd.s32 v4, v59  }
0x4d2: {  	v3 =	vor.u32 v3, v4;
	_ =	sdelay $0x4  }
0x4d3: {  	s22 =	sand.u32 $0x1F0, s22;
	[tilespmem:v3+s30+$0x0] =	vst.idx.msk $0xffff, v2  }
0x4d4: {  	v3 =	vld [tilespmem:s22+$0x19800];
	_ =	sdelay $0x1  }
0x4d5: {  	s25 =	sadd.s32 $0xFFFFFFF0, s28  }
0x4d6: {  	v60 =	vmov s25  }
0x4d7: {  	v4 =	vshll.u32 v60, $0x7  }
0x4d8: {  	v4 =	vor.u32 v1, v4;
	v61 =	vand.u32 $0xFFFFFF80, v3  }
0x4d9: {  	v3 =	vand.u32 $0x7F, v3;
	v4 =	vadd.s32 v4, v61  }
0x4da: {  	v3 =	vor.u32 v3, v4;
	_ =	sdelay $0x4  }
0x4db: {  	[tilespmem:v3+s30+$0x0] =	vst.idx.msk $0xffff, v2  }
0x4dc: {  	v3 =	vld [tilespmem:s21+$0x0];
	_ =	sdelay $0x2  }
0x4dd: {  	v62 =	vmov s28  }
0x4de: {  	v4 =	vshll.u32 v62, $0x7  }
0x4df: {  	v4 =	vor.u32 v1, v4;
	v63 =	vand.u32 $0xFFFFFF80, v3  }
0x4e0: {  	s20 =	sadd.s32 $0x5, s20;
	v3 =	vand.u32 $0x7F, v3;
	v4 =	vadd.s32 v4, v63  }
0x4e1: {  	p1 =	slt.u32 s20, $0x14;
	v3 =	vor.u32 v3, v4  }
.Ltmp31:
0x4e2: {  	_ = 	snop;
	(pc) =	sbr.rel @p1 .LBB2_21-.Ltmp31, $2  }
0x4e3: {  	_ =	sdelay $0x2  }
0x4e4: {  	s28 =	sadd.s32 $0x50, s28;
	s21 =	sadd.s32 $0x50, s21;
	[tilespmem:v3+s30+$0x0] =	vst.idx.msk $0xffff, v2  }
0x4e5: {  	[hbm4b:s15+s2] =	stream.linear.scatter [tilespmem:s30], [sflag:$0x2], $0xC800, $0x38;
	[tilespmem:$0x19C80] =	vst v63  }
0x4e6: {  	_ =	swait.ge [sflag:s29], $0x190  }
0x4e7: {  	[sflag:s29] =	ssyncset.done $0x0  }
0x4e8: {  	[sflag:s29] =	ssyncadd.s32 $0xFFFFFE70  }
0x4e9: {  	s28 =	simm.s32 $0xFFFFFFFB;
	_ =	swait.ge [sflag:s31], $0xC800  }
0x4ea: {  	s20 =	simm.s32 $0x40;
	s21 =	simm.s32 $0x19670;
	[sflag:s31] =	ssyncset.done $0x0  }
0x4eb: {  	s23 =	simm.s32 $0x40;
	s24 =	simm.s32 $0xFFFFFFFB;
	[sflag:s31] =	ssyncadd.s32 $0xFFFF3800  }
.LBB2_23:
0x4ec: {  	v3 =	vld [tilespmem:s21+$0xFFFFFFD0];
	_ =	sdelay $0x1  }
0x4ed: {  	s22 =	sadd.s32 $0xFFFFFFC0, s23  }
0x4ee: {  	v4 =	vmov s22  }
0x4ef: {  	v4 =	vshll.u32 v4, $0x7  }
0x4f0: {  	v4 =	vor.u32 v1, v4;
	v5 =	vand.u32 $0xFFFFFF80, v3  }
0x4f1: {  	v3 =	vand.u32 $0x7F, v3;
	v4 =	vadd.s32 v4, v5  }
0x4f2: {  	v3 =	vor.u32 v3, v4;
	_ =	sdelay $0x4  }
0x4f3: {  	[tilespmem:v3+s2+$0x0] =	vst.idx.msk $0xffff, v0  }
0x4f4: {  	v3 =	vld [tilespmem:s21+$0xFFFFFFE0];
	_ =	sdelay $0x1  }
0x4f5: {  	s25 =	sadd.s32 $0xFFFFFFD0, s23  }
0x4f6: {  	v56 =	vmov s25  }
0x4f7: {  	v4 =	vshll.u32 v56, $0x7  }
0x4f8: {  	v4 =	vor.u32 v1, v4;
	v57 =	vand.u32 $0xFFFFFF80, v3  }
0x4f9: {  	v3 =	vand.u32 $0x7F, v3;
	v4 =	vadd.s32 v4, v57  }
0x4fa: {  	v3 =	vor.u32 v3, v4;
	_ =	sdelay $0x4  }
0x4fb: {  	[tilespmem:v3+s2+$0x0] =	vst.idx.msk $0xffff, v0  }
0x4fc: {  	v3 =	vld [tilespmem:s21+$0xFFFFFFF0];
	_ =	sdelay $0x1  }
0x4fd: {  	s25 =	sadd.s32 $0xFFFFFFE0, s23  }
0x4fe: {  	v58 =	vmov s25  }
0x4ff: {  	v4 =	vshll.u32 v58, $0x7  }
0x500: {  	v4 =	vor.u32 v1, v4;
	v59 =	vand.u32 $0xFFFFFF80, v3  }
0x501: {  	v3 =	vand.u32 $0x7F, v3;
	v4 =	vadd.s32 v4, v59  }
0x502: {  	v3 =	vor.u32 v3, v4;
	_ =	sdelay $0x4  }
0x503: {  	[tilespmem:v3+s2+$0x0] =	vst.idx.msk $0xffff, v0  }
0x504: {  	v3 =	vld [tilespmem:s21+$0x0];
	_ =	sdelay $0x1  }
0x505: {  	s25 =	sadd.s32 $0xFFFFFFF0, s23  }
0x506: {  	v60 =	vmov s25  }
0x507: {  	v4 =	vshll.u32 v60, $0x7  }
0x508: {  	v4 =	vor.u32 v1, v4;
	v61 =	vand.u32 $0xFFFFFF80, v3  }
0x509: {  	v3 =	vand.u32 $0x7F, v3;
	v4 =	vadd.s32 v4, v61  }
0x50a: {  	v3 =	vor.u32 v3, v4;
	_ =	sdelay $0x4  }
0x50b: {  	s22 =	sand.u32 $0x1F0, s22;
	[tilespmem:v3+s2+$0x0] =	vst.idx.msk $0xffff, v0  }
0x50c: {  	v3 =	vld [tilespmem:s22+$0x19680];
	_ =	sdelay $0x2  }
0x50d: {  	v62 =	vmov s23  }
0x50e: {  	v4 =	vshll.u32 v62, $0x7  }
0x50f: {  	v4 =	vor.u32 v1, v4;
	v63 =	vand.u32 $0xFFFFFF80, v3  }
0x510: {  	s24 =	sadd.s32 $0x5, s24;
	v3 =	vand.u32 $0x7F, v3;
	v4 =	vadd.s32 v4, v63  }
0x511: {  	p1 =	slt.u32 s24, $0x14;
	v3 =	vor.u32 v3, v4  }
.Ltmp32:
0x512: {  	_ = 	snop;
	(pc) =	sbr.rel @p1 .LBB2_23-.Ltmp32, $2  }
0x513: {  	_ =	sdelay $0x2  }
0x514: {  	s23 =	sadd.s32 $0x50, s23;
	s21 =	sadd.s32 $0x50, s21;
	s22 =	simm.s32 $0x199A0;
	[tilespmem:v3+s2+$0x0] =	vst.idx.msk $0xffff, v0  }
.LBB2_24:
0x515: {  	v3 =	vld [tilespmem:s22+$0xFFFFFFC0];
	_ =	sdelay $0x1  }
0x516: {  	s21 =	sadd.s32 $0xFFFFFFC0, s20  }
0x517: {  	v4 =	vmov s21  }
0x518: {  	v4 =	vshll.u32 v4, $0x7  }
0x519: {  	v4 =	vor.u32 v1, v4;
	v5 =	vand.u32 $0xFFFFFF80, v3  }
0x51a: {  	v3 =	vand.u32 $0x7F, v3;
	v4 =	vadd.s32 v4, v5  }
0x51b: {  	v3 =	vor.u32 v3, v4;
	_ =	sdelay $0x4  }
0x51c: {  	[tilespmem:v3+s2+$0x0] =	vst.idx.msk $0xffff, v2  }
0x51d: {  	v3 =	vld [tilespmem:s22+$0xFFFFFFD0];
	_ =	sdelay $0x1  }
0x51e: {  	s23 =	sadd.s32 $0xFFFFFFD0, s20  }
0x51f: {  	v56 =	vmov s23  }
0x520: {  	v4 =	vshll.u32 v56, $0x7  }
0x521: {  	v4 =	vor.u32 v1, v4;
	v57 =	vand.u32 $0xFFFFFF80, v3  }
0x522: {  	v3 =	vand.u32 $0x7F, v3;
	v4 =	vadd.s32 v4, v57  }
0x523: {  	v3 =	vor.u32 v3, v4;
	_ =	sdelay $0x4  }
0x524: {  	s21 =	sand.u32 $0x1F0, s21;
	[tilespmem:v3+s2+$0x0] =	vst.idx.msk $0xffff, v2  }
0x525: {  	v3 =	vld [tilespmem:s21+$0x19980];
	_ =	sdelay $0x1  }
0x526: {  	s24 =	sadd.s32 $0xFFFFFFE0, s20  }
0x527: {  	v58 =	vmov s24  }
0x528: {  	v4 =	vshll.u32 v58, $0x7  }
0x529: {  	v4 =	vor.u32 v1, v4;
	v59 =	vand.u32 $0xFFFFFF80, v3  }
0x52a: {  	v3 =	vand.u32 $0x7F, v3;
	v4 =	vadd.s32 v4, v59  }
0x52b: {  	v3 =	vor.u32 v3, v4;
	_ =	sdelay $0x4  }
0x52c: {  	[tilespmem:v3+s2+$0x0] =	vst.idx.msk $0xffff, v2  }
0x52d: {  	v3 =	vld [tilespmem:s22+$0xFFFFFFF0];
	_ =	sdelay $0x1  }
0x52e: {  	s25 =	sadd.s32 $0xFFFFFFF0, s20  }
0x52f: {  	v60 =	vmov s25  }
0x530: {  	v4 =	vshll.u32 v60, $0x7  }
0x531: {  	v4 =	vor.u32 v1, v4;
	v61 =	vand.u32 $0xFFFFFF80, v3  }
0x532: {  	v3 =	vand.u32 $0x7F, v3;
	v4 =	vadd.s32 v4, v61  }
0x533: {  	v3 =	vor.u32 v3, v4;
	_ =	sdelay $0x4  }
0x534: {  	[tilespmem:v3+s2+$0x0] =	vst.idx.msk $0xffff, v2  }
0x535: {  	v3 =	vld [tilespmem:s22+$0x0];
	_ =	sdelay $0x2  }
0x536: {  	v62 =	vmov s20  }
0x537: {  	v4 =	vshll.u32 v62, $0x7  }
0x538: {  	v4 =	vor.u32 v1, v4;
	v63 =	vand.u32 $0xFFFFFF80, v3  }
0x539: {  	s28 =	sadd.s32 $0x5, s28;
	v3 =	vand.u32 $0x7F, v3;
	v4 =	vadd.s32 v4, v63  }
0x53a: {  	p1 =	slt.u32 s28, $0x14;
	v3 =	vor.u32 v3, v4  }
.Ltmp33:
0x53b: {  	_ = 	snop;
	(pc) =	sbr.rel @p1 .LBB2_24-.Ltmp33, $2  }
0x53c: {  	_ =	sdelay $0x2  }
0x53d: {  	s20 =	sadd.s32 $0x50, s20;
	s22 =	sadd.s32 $0x50, s22;
	[tilespmem:v3+s2+$0x0] =	vst.idx.msk $0xffff, v2  }
.Ltmp34:
0x53e: {  	(pc) =	sbr.rel .LBB2_53-.Ltmp34, $2  }
0x53f: {  	_ =	sdelay $0x2  }
0x540: {  	[hbm4b:s16+s2] =	stream.linear.scatter [tilespmem:s2], [sflag:$0x1], $0xC800, $0x38;
	[tilespmem:$0x19C80] =	vst v63  }
.LBB2_54:
0x541: {  	_ =	sfence.sel $0x180000  }
0x542: {  	[bflag:$0x0] =	sbarrier.arrive $0xFFFF  }
0x543: {  	_ =	strace $0x90000047  }
0x544: {  	s0 =	stileid.u32;
	[bflag:$0x2] =	sbarrier.arrive $0xFFFF  }
0x545: {  	p0 =	sne.s32 s0, $0x0;
	s0 =	rddreg [dreg:$0x2]  }
0x546: {  	s0 =	sadd.s32 @!p0 $0x100000, s0  }
0x547: {  	[sflag:s0] =	ssyncadd.tile.s32 @!p0 $0x1;
	_ =	shalt  }
.Lfunc_end2:
_tile_overlayer_lowered:
.L_overlay_start_2:
0x548: {  	(tag) =	ssettag $0x2  }
0x549: {  	s0 =	rddreg [dreg:$0x0];
	s2 =	stileid.u32  }
0x54a: {  	s1 =	rddreg [dreg:$0x1];
	p0 =	sne.s32 s2, $0x0  }
0x54b: {  	s3 =	rddreg [dreg:$0x2];
	[bflag:$0x3] =	sbarrier.arrive $0xFFFF;
	s2 =	simm.s32 @!p0 $0x1C04  }
0x54c: {  	[timem:s3], [sflag:s2] =	dma.local @!p0 [hbm:s0], s1  }
0x54d: {  	s0 =	simm.s32 @!p0 $0x4  }
0x54e: {  	_ =	swait.ge @!p0 [sflag:s0], s1  }
0x54f: {  	s1 =	ssub.s32 @!p0 $0x0, s1;
	[sflag:s0] =	ssyncset.done @!p0 $0x0  }
0x550: {  	[sflag:s0] =	ssyncadd.s32 @!p0 s1  }
0x551: {  	[bflag:$0x3] =	sbarrier.arrive $0xFFFF  }
0x552: {  	_ =	shalt  }

</sc_bundles>
